<compile_context>
chip_gen: v7x
topology: tpu7x:2x2x1
jax: 0.10.2.dev20260603
libtpu: 0.0.44.dev20260713+nightly
codegen_flags: <defaults>
</compile_context>

<pallas_src>
import functools

import jax
import jax.numpy as jnp
from jax import lax
from jax.experimental import pallas as pl
from jax.experimental.pallas import tpu as pltpu
from jax.experimental.pallas import tpu_sc as plsc

N = 10000
D = 256
H = 128
E = 160000
NPAD = 10240
EPAD = 163840
CH = 128
TCH = EPAD // 16 // CH
HCH = TCH // 2
DCH = EPAD // 32 // CH
BR = 1024
GRID = NPAD // BR
F32 = jnp.float32

_mesh = plsc.VectorSubcoreMesh(core_axis_name="c", subcore_axis_name="s")


@functools.partial(
    pl.kernel,
    mesh=_mesh,
    out_type=jax.ShapeDtypeStruct((2, NPAD), F32),
    scratch_types=[
        pltpu.VMEM((DCH, CH), jnp.int32),
        pltpu.VMEM((CH,), F32),
        pltpu.VMEM((NPAD // 16,), F32),
        pltpu.VMEM_SHARED((NPAD,), F32),
    ],
)
def _deg_kernel(dst_hbm, out_hbm, didx_v, ones_v, stage_v, hist_sh):
    c = lax.axis_index("c")
    s = lax.axis_index("s")
    wid = s * 2 + c
    seg = NPAD // 16

    for i in range(CH // 16):
        ones_v[pl.ds(i * 16, 16)] = jnp.ones((16,), F32)

    def _zero(i, carry):
        stage_v[pl.ds(i * 16, 16)] = jnp.zeros((16,), F32)
        return carry

    lax.fori_loop(0, seg // 16, _zero, 0)
    pltpu.sync_copy(stage_v, hist_sh.at[pl.ds(s * seg, seg)])
    plsc.subcore_barrier()

    pltpu.sync_copy(dst_hbm.at[wid], didx_v)

    def _accum(j, carry):
        pltpu.sync_copy(ones_v, hist_sh.at[didx_v.at[j]], add=True)
        return carry

    lax.fori_loop(0, DCH, _accum, 0)
    plsc.subcore_barrier()

    pltpu.sync_copy(hist_sh.at[pl.ds(s * seg, seg)], stage_v)
    pltpu.sync_copy(stage_v, out_hbm.at[c, pl.ds(s * seg, seg)])


@functools.partial(
    pl.kernel,
    mesh=_mesh,
    out_type=jax.ShapeDtypeStruct((2, NPAD, H), F32),
    scratch_types=[
        pltpu.VMEM((HCH, CH), jnp.int32),
        pltpu.VMEM((HCH, CH), jnp.int32),
        pltpu.VMEM((CH, H), F32),
        pltpu.VMEM((CH, H), F32),
        pltpu.VMEM_SHARED((NPAD, H), F32),
        pltpu.SemaphoreType.DMA,
        pltpu.SemaphoreType.DMA,
    ],
)
def _agg_kernel(y0, y1, src_hbm, dst_hbm, out_hbm, sidx, didx, ra, rb,
                acc_sh, sem_a, sem_b):
    c = lax.axis_index("c")
    s = lax.axis_index("s")
    seg = NPAD // 16

    def _zrow(r, carry):
        for i in range(H // 16):
            ra[r, pl.ds(i * 16, 16)] = jnp.zeros((16,), F32)
        return carry

    lax.fori_loop(0, CH, _zrow, 0)
    for k in range(seg // CH):
        pltpu.sync_copy(ra, acc_sh.at[pl.ds(s * seg + k * CH, CH)])

    plsc.subcore_barrier()

    def _run(y):
        def start(j, rows, sem):
            pltpu.async_copy(y.at[sidx.at[j]], rows, sem)

        def finish(j, rows, sem):
            pltpu.make_async_copy(y.at[sidx.at[j]], rows, sem).wait()
            pltpu.sync_copy(rows, acc_sh.at[didx.at[j]], add=True)

        for hp in range(2):
            pltpu.sync_copy(src_hbm.at[s, pl.ds(hp * HCH, HCH)], sidx)
            pltpu.sync_copy(dst_hbm.at[s, pl.ds(hp * HCH, HCH)], didx)
            start(0, ra, sem_a)

            def body(t, carry):
                j = 2 * t
                start(j + 1, rb, sem_b)
                finish(j, ra, sem_a)

                @pl.when(j + 2 < HCH)
                def _():
                    start(j + 2, ra, sem_a)

                finish(j + 1, rb, sem_b)
                return carry

            lax.fori_loop(0, HCH // 2, body, 0)

    @pl.when(c == 0)
    def _():
        _run(y0)

    @pl.when(c == 1)
    def _():
        _run(y1)

    plsc.subcore_barrier()
    for k in range(seg // CH):
        pltpu.sync_copy(acc_sh.at[pl.ds(s * seg + k * CH, CH)], ra)
        pltpu.sync_copy(ra, out_hbm.at[c, pl.ds(s * seg + k * CH, CH)])


def _dis_from_hist(hist_ref):
    deg = hist_ref[0, :] + hist_ref[1, :] + 1.0
    return lax.rsqrt(deg)[:, None]


def _tc1_body(hist_ref, x_ref, w1_ref, y0_ref, y1_ref):
    dis = _dis_from_hist(hist_ref)
    xw = jnp.dot(x_ref[...], w1_ref[...], preferred_element_type=F32)
    y = xw * dis
    y0_ref[...] = y[:, :H]
    y1_ref[...] = y[:, H:]


def _tc2_body(hist_ref, acc_ref, y0_ref, y1_ref, b1_ref, w2_ref, z0_ref, z1_ref):
    dis = _dis_from_hist(hist_ref)
    h0 = jnp.maximum((acc_ref[0] + y0_ref[...]) * dis + b1_ref[0, :H][None, :], 0.0)
    h1 = jnp.maximum((acc_ref[1] + y1_ref[...]) * dis + b1_ref[0, H:][None, :], 0.0)
    z = (jnp.dot(h0, w2_ref[:H, :], preferred_element_type=F32)
         + jnp.dot(h1, w2_ref[H:, :], preferred_element_type=F32)) * dis
    z0_ref[...] = z[:, :H]
    z1_ref[...] = z[:, H:]


def _tc3_body(hist_ref, acc_ref, z0_ref, z1_ref, b2_ref, o_ref):
    dis = _dis_from_hist(hist_ref)
    o_ref[:, :H] = (acc_ref[0] + z0_ref[...]) * dis + b2_ref[0, :H][None, :]
    o_ref[:, H:] = (acc_ref[1] + z1_ref[...]) * dis + b2_ref[0, H:][None, :]


_hist_spec = pl.BlockSpec((2, BR), lambda i: (0, i))
_row_spec = pl.BlockSpec((BR, D), lambda i: (i, 0))
_half_spec = pl.BlockSpec((BR, H), lambda i: (i, 0))
_acc_spec = pl.BlockSpec((2, BR, H), lambda i: (0, i, 0))
_w_spec = pl.BlockSpec((D, D), lambda i: (0, 0))
_b_spec = pl.BlockSpec((1, D), lambda i: (0, 0))

_tc1 = pl.pallas_call(
    _tc1_body,
    grid=(GRID,),
    in_specs=[_hist_spec, _row_spec, _w_spec],
    out_specs=[_half_spec, _half_spec],
    out_shape=[jax.ShapeDtypeStruct((NPAD, H), F32)] * 2,
)

_tc2 = pl.pallas_call(
    _tc2_body,
    grid=(GRID,),
    in_specs=[_hist_spec, _acc_spec, _half_spec, _half_spec, _b_spec, _w_spec],
    out_specs=[_half_spec, _half_spec],
    out_shape=[jax.ShapeDtypeStruct((NPAD, H), F32)] * 2,
)

_tc3 = pl.pallas_call(
    _tc3_body,
    grid=(GRID,),
    in_specs=[_hist_spec, _acc_spec, _half_spec, _half_spec, _b_spec],
    out_specs=_row_spec,
    out_shape=jax.ShapeDtypeStruct((NPAD, D), F32),
)


def kernel(x, edge_index, W1, b1, W2, b2):
    src = edge_index[0].astype(jnp.int32)
    dst = edge_index[1].astype(jnp.int32)
    padn = EPAD - E
    src_p = jnp.concatenate([src, jnp.zeros((padn,), jnp.int32)])
    dst_p = jnp.concatenate([dst, jnp.full((padn,), N, jnp.int32)])
    src16 = src_p.reshape(16, TCH, CH)
    dst16 = dst_p.reshape(16, TCH, CH)
    dst32 = dst_p.reshape(32, DCH, CH)
    xp = jnp.pad(x, ((0, NPAD - N), (0, 0)))
    b1r = b1.reshape(1, D)
    b2r = b2.reshape(1, D)

    hist = _deg_kernel(dst32)
    y0, y1 = _tc1(hist, xp, W1)
    acc1 = _agg_kernel(y0, y1, src16, dst16)
    z0, z1 = _tc2(hist, acc1, y0, y1, b1r, W2)
    acc2 = _agg_kernel(z0, z1, src16, dst16)
    out = _tc3(hist, acc2, z0, z1, b2r)
    return out[:N]

# --- scband reference (transcript-rebuilt; emitter-appended) ---
"""Pipeline reference for scband-gcn-40999757807925 (READ-ONLY COPY).

The authoritative reference and input builder live on the scoring server;
editing this copy changes nothing except your own understanding.
"""

import jax, jax.numpy as jnp
import numpy as np

N_NODES = 10000
N_EDGES = 160000
D = 256


def setup_inputs(seed: int = 0) -> dict:
    key = jax.random.key(seed)
    k1, k2, k3, k4 = jax.random.split(key, 4)
    x = jax.random.normal(k1, (N_NODES, D), dtype=jnp.float32)
    edge_index = jax.random.randint(k2, (2, N_EDGES), 0, N_NODES, dtype=jnp.int64)
    # Glorot-style init for GCNConv linear weights
    scale = 1.0 / np.sqrt(D)
    W1 = jax.random.normal(k3, (D, D), dtype=jnp.float32) * scale
    b1 = jnp.zeros((D,), dtype=jnp.float32)
    W2 = jax.random.normal(k4, (D, D), dtype=jnp.float32) * scale
    b2 = jnp.zeros((D,), dtype=jnp.float32)
    return {"x": x, "edge_index": edge_index, "W1": W1, "b1": b1, "W2": W2, "b2": b2}


def _gcn_conv(x, edge_index, W, b, num_nodes):
    # GCNConv: add self-loops, symmetric normalization D^-1/2 (A+I) D^-1/2 X W + b
    src = edge_index[0]
    dst = edge_index[1]
    loop = jnp.arange(num_nodes, dtype=src.dtype)
    src = jnp.concatenate([src, loop])
    dst = jnp.concatenate([dst, loop])
    deg = jax.ops.segment_sum(jnp.ones_like(dst, dtype=x.dtype), dst, num_segments=num_nodes)
    deg_inv_sqrt = jnp.where(deg > 0, jax.lax.rsqrt(jnp.maximum(deg, 1e-12)), 0.0)
    norm = deg_inv_sqrt[src] * deg_inv_sqrt[dst]
    xw = x @ W
    msg = norm[:, None] * jnp.take(xw, src, axis=0)
    out = jax.ops.segment_sum(msg, dst, num_segments=num_nodes)
    return out + b


def reference(x, edge_index, W1, b1, W2, b2):
    # eval mode: dropout is a no-op (training=False)
    h = _gcn_conv(x, edge_index, W1, b1, N_NODES)
    h = jax.nn.relu(h)
    out = _gcn_conv(h, edge_index, W2, b2, N_NODES)
    return out

if __name__ == "__main__":
    import jax
    _d = setup_inputs()
    print(jax.jit(kernel)(*tuple(_d.values())))

</pallas_src>

<mosaic_0001>
#map = affine_map<(d0, d1) -> (0, 0)>
#map1 = affine_map<(d0, d1) -> (0, 0, 0)>
module attributes {stable_mosaic.version = 14 : i64} {
  func.func @_agg_kernel(%arg0: i32, %arg1: i32, %arg2: memref<10240x128xf32, #tpu.memory_space<hbm>>, %arg3: memref<10240x128xf32, #tpu.memory_space<hbm>>, %arg4: memref<16x80x128xi32, #tpu.memory_space<hbm>>, %arg5: memref<16x80x128xi32, #tpu.memory_space<hbm>>, %arg6: memref<2x10240x128xf32, #tpu.memory_space<hbm>>, %arg7: memref<40x128xi32, #tpu.memory_space<vmem>>, %arg8: memref<40x128xi32, #tpu.memory_space<vmem>>, %arg9: memref<128x128xf32, #tpu.memory_space<vmem>>, %arg10: memref<128x128xf32, #tpu.memory_space<vmem>>, %arg11: memref<10240x128xf32, #tpu.memory_space<vmem_shared>>, %arg12: memref<!tpu.dma_semaphore, #tpu.memory_space<semaphore_mem>>, %arg13: memref<!tpu.dma_semaphore, #tpu.memory_space<semaphore_mem>>) attributes {dimension_semantics = [#tpu.dimension_semantics<core_parallel>, #tpu.dimension_semantics<subcore_parallel>], iteration_bounds = array<i64: 2, 16>, scalar_prefetch = 0 : i64, scratch_operands = 7 : i64, tpu.core_type = #tpu.core_type<sc_vector_subcore>, window_params = [{transform_indices = #map}, {transform_indices = #map}, {transform_indices = #map1}, {transform_indices = #map1}, {transform_indices = #map1}]} {
    %scan3A = arith.constant 0 : i32
    %scan3A_0 = arith.constant 0 : i32
    %scan3A_1 = arith.constant 128 : i32
    %scan3A_2 = arith.addi %scan3A_0, %scan3A_1 : i32
    %scan3A_3 = arith.constant 1 : i32
    scf.for %scan3A_71 = %scan3A_0 to %scan3A_2 step %scan3A_3  : i32 {
      %broadcast_in_dim3A = arith.constant 0.000000e+00 : f32
      %broadcast_in_dim3A_72 = vector.broadcast %broadcast_in_dim3A : f32 to vector<16xf32>
      %swap3A = arith.index_cast %scan3A_71 : i32 to index
      %swap3A_73 = arith.constant 0 : index
      %swap3A_74 = tpu.vector_load %arg9[%swap3A, %swap3A_73] {strides = array<i32>} : memref<128x128xf32, #tpu.memory_space<vmem>>, vector<1x16xf32>,
      %swap3A_75 = vector.shape_cast %swap3A_74 : vector<1x16xf32> to vector<16xf32>
      %swap3A_76 = vector.shape_cast %broadcast_in_dim3A_72 : vector<16xf32> to vector<1x16xf32>
      tpu.vector_store %arg9[%swap3A, %swap3A_73], %swap3A_76 {strides = array<i32>} : memref<128x128xf32, #tpu.memory_space<vmem>>, vector<1x16xf32>,
      %broadcast_in_dim3A_77 = arith.constant 0.000000e+00 : f32
      %broadcast_in_dim3A_78 = vector.broadcast %broadcast_in_dim3A_77 : f32 to vector<16xf32>
      %swap3A_79 = arith.index_cast %scan3A_71 : i32 to index
      %swap3A_80 = arith.constant 16 : index
      %swap3A_81 = tpu.vector_load %arg9[%swap3A_79, %swap3A_80] {strides = array<i32>} : memref<128x128xf32, #tpu.memory_space<vmem>>, vector<1x16xf32>,
      %swap3A_82 = vector.shape_cast %swap3A_81 : vector<1x16xf32> to vector<16xf32>
      %swap3A_83 = vector.shape_cast %broadcast_in_dim3A_78 : vector<16xf32> to vector<1x16xf32>
      tpu.vector_store %arg9[%swap3A_79, %swap3A_80], %swap3A_83 {strides = array<i32>} : memref<128x128xf32, #tpu.memory_space<vmem>>, vector<1x16xf32>,
      %broadcast_in_dim3A_84 = arith.constant 0.000000e+00 : f32
      %broadcast_in_dim3A_85 = vector.broadcast %broadcast_in_dim3A_84 : f32 to vector<16xf32>
      %swap3A_86 = arith.index_cast %scan3A_71 : i32 to index
      %swap3A_87 = arith.constant 32 : index
      %swap3A_88 = tpu.vector_load %arg9[%swap3A_86, %swap3A_87] {strides = array<i32>} : memref<128x128xf32, #tpu.memory_space<vmem>>, vector<1x16xf32>,
      %swap3A_89 = vector.shape_cast %swap3A_88 : vector<1x16xf32> to vector<16xf32>
      %swap3A_90 = vector.shape_cast %broadcast_in_dim3A_85 : vector<16xf32> to vector<1x16xf32>
      tpu.vector_store %arg9[%swap3A_86, %swap3A_87], %swap3A_90 {strides = array<i32>} : memref<128x128xf32, #tpu.memory_space<vmem>>, vector<1x16xf32>,
      %broadcast_in_dim3A_91 = arith.constant 0.000000e+00 : f32
      %broadcast_in_dim3A_92 = vector.broadcast %broadcast_in_dim3A_91 : f32 to vector<16xf32>
      %swap3A_93 = arith.index_cast %scan3A_71 : i32 to index
      %swap3A_94 = arith.constant 48 : index
      %swap3A_95 = tpu.vector_load %arg9[%swap3A_93, %swap3A_94] {strides = array<i32>} : memref<128x128xf32, #tpu.memory_space<vmem>>, vector<1x16xf32>,
      %swap3A_96 = vector.shape_cast %swap3A_95 : vector<1x16xf32> to vector<16xf32>
      %swap3A_97 = vector.shape_cast %broadcast_in_dim3A_92 : vector<16xf32> to vector<1x16xf32>
      tpu.vector_store %arg9[%swap3A_93, %swap3A_94], %swap3A_97 {strides = array<i32>} : memref<128x128xf32, #tpu.memory_space<vmem>>, vector<1x16xf32>,
      %broadcast_in_dim3A_98 = arith.constant 0.000000e+00 : f32
      %broadcast_in_dim3A_99 = vector.broadcast %broadcast_in_dim3A_98 : f32 to vector<16xf32>
      %swap3A_100 = arith.index_cast %scan3A_71 : i32 to index
      %swap3A_101 = arith.constant 64 : index
      %swap3A_102 = tpu.vector_load %arg9[%swap3A_100, %swap3A_101] {strides = array<i32>} : memref<128x128xf32, #tpu.memory_space<vmem>>, vector<1x16xf32>,
      %swap3A_103 = vector.shape_cast %swap3A_102 : vector<1x16xf32> to vector<16xf32>
      %swap3A_104 = vector.shape_cast %broadcast_in_dim3A_99 : vector<16xf32> to vector<1x16xf32>
      tpu.vector_store %arg9[%swap3A_100, %swap3A_101], %swap3A_104 {strides = array<i32>} : memref<128x128xf32, #tpu.memory_space<vmem>>, vector<1x16xf32>,
      %broadcast_in_dim3A_105 = arith.constant 0.000000e+00 : f32
      %broadcast_in_dim3A_106 = vector.broadcast %broadcast_in_dim3A_105 : f32 to vector<16xf32>
      %swap3A_107 = arith.index_cast %scan3A_71 : i32 to index
      %swap3A_108 = arith.constant 80 : index
      %swap3A_109 = tpu.vector_load %arg9[%swap3A_107, %swap3A_108] {strides = array<i32>} : memref<128x128xf32, #tpu.memory_space<vmem>>, vector<1x16xf32>,
      %swap3A_110 = vector.shape_cast %swap3A_109 : vector<1x16xf32> to vector<16xf32>
      %swap3A_111 = vector.shape_cast %broadcast_in_dim3A_106 : vector<16xf32> to vector<1x16xf32>
      tpu.vector_store %arg9[%swap3A_107, %swap3A_108], %swap3A_111 {strides = array<i32>} : memref<128x128xf32, #tpu.memory_space<vmem>>, vector<1x16xf32>,
      %broadcast_in_dim3A_112 = arith.constant 0.000000e+00 : f32
      %broadcast_in_dim3A_113 = vector.broadcast %broadcast_in_dim3A_112 : f32 to vector<16xf32>
      %swap3A_114 = arith.index_cast %scan3A_71 : i32 to index
      %swap3A_115 = arith.constant 96 : index
      %swap3A_116 = tpu.vector_load %arg9[%swap3A_114, %swap3A_115] {strides = array<i32>} : memref<128x128xf32, #tpu.memory_space<vmem>>, vector<1x16xf32>,
      %swap3A_117 = vector.shape_cast %swap3A_116 : vector<1x16xf32> to vector<16xf32>
      %swap3A_118 = vector.shape_cast %broadcast_in_dim3A_113 : vector<16xf32> to vector<1x16xf32>
      tpu.vector_store %arg9[%swap3A_114, %swap3A_115], %swap3A_118 {strides = array<i32>} : memref<128x128xf32, #tpu.memory_space<vmem>>, vector<1x16xf32>,
      %broadcast_in_dim3A_119 = arith.constant 0.000000e+00 : f32
      %broadcast_in_dim3A_120 = vector.broadcast %broadcast_in_dim3A_119 : f32 to vector<16xf32>
      %swap3A_121 = arith.index_cast %scan3A_71 : i32 to index
      %swap3A_122 = arith.constant 112 : index
      %swap3A_123 = tpu.vector_load %arg9[%swap3A_121, %swap3A_122] {strides = array<i32>} : memref<128x128xf32, #tpu.memory_space<vmem>>, vector<1x16xf32>,
      %swap3A_124 = vector.shape_cast %swap3A_123 : vector<1x16xf32> to vector<16xf32>
      %swap3A_125 = vector.shape_cast %broadcast_in_dim3A_120 : vector<16xf32> to vector<1x16xf32>
      tpu.vector_store %arg9[%swap3A_121, %swap3A_122], %swap3A_125 {strides = array<i32>} : memref<128x128xf32, #tpu.memory_space<vmem>>, vector<1x16xf32>,
    }
    %scan3A_4 = arith.constant 128 : i32
    %mul3A = arith.constant 640 : i32
    %mul3A_5 = arith.muli %arg1, %mul3A : i32
    %add3A = arith.constant 0 : i32
    %add3A_6 = arith.addi %mul3A_5, %add3A : i32
    "tpu.region"() ({
      %run_scoped3A = tpu.sem_alloc : memref<!tpu.dma_semaphore, #tpu.memory_space<semaphore_mem>>
      %dma_start3A = arith.constant 0 : i32
      %dma_start3A_71 = tpu.memref_slice %arg11[%add3A_6, %dma_start3A] : memref<10240x128xf32, #tpu.memory_space<vmem_shared>> -> memref<128x128xf32, #tpu.memory_space<vmem_shared>>
      %dma_start3A_72 = arith.constant 0 : i32
      %dma_start3A_73 = tpu.memref_slice %arg11[%add3A_6, %dma_start3A_72] : memref<10240x128xf32, #tpu.memory_space<vmem_shared>> -> memref<128x128xf32, #tpu.memory_space<vmem_shared>>
      tpu.enqueue_dma source(%arg9 : memref<128x128xf32, #tpu.memory_space<vmem>>) target(%dma_start3A_73 : memref<128x128xf32, #tpu.memory_space<vmem_shared>>) target_semaphore(%run_scoped3A : memref<!tpu.dma_semaphore, #tpu.memory_space<semaphore_mem>>)
      %dma_wait3A = arith.constant 0 : i32
      %dma_wait3A_74 = tpu.memref_slice %arg11[%add3A_6, %dma_wait3A] : memref<10240x128xf32, #tpu.memory_space<vmem_shared>> -> memref<128x128xf32, #tpu.memory_space<vmem_shared>>
      %dma_wait3A_75 = arith.constant 0 : i32
      %dma_wait3A_76 = tpu.memref_slice %arg11[%add3A_6, %dma_wait3A_75] : memref<10240x128xf32, #tpu.memory_space<vmem_shared>> -> memref<128x128xf32, #tpu.memory_space<vmem_shared>>
      tpu.wait_dma2 semaphore(%run_scoped3A : memref<!tpu.dma_semaphore, #tpu.memory_space<semaphore_mem>>) src(%arg9 : memref<128x128xf32, #tpu.memory_space<vmem>>) dst(%dma_wait3A_76 : memref<128x128xf32, #tpu.memory_space<vmem_shared>>)
      tpu.yield
    }) : () -> ()
    %mul3A_7 = arith.constant 640 : i32
    %mul3A_8 = arith.muli %arg1, %mul3A_7 : i32
    %add3A_9 = arith.constant 128 : i32
    %add3A_10 = arith.addi %mul3A_8, %add3A_9 : i32
    "tpu.region"() ({
      %run_scoped3A = tpu.sem_alloc : memref<!tpu.dma_semaphore, #tpu.memory_space<semaphore_mem>>
      %dma_start3A = arith.constant 0 : i32
      %dma_start3A_71 = tpu.memref_slice %arg11[%add3A_10, %dma_start3A] : memref<10240x128xf32, #tpu.memory_space<vmem_shared>> -> memref<128x128xf32, #tpu.memory_space<vmem_shared>>
      %dma_start3A_72 = arith.constant 0 : i32
      %dma_start3A_73 = tpu.memref_slice %arg11[%add3A_10, %dma_start3A_72] : memref<10240x128xf32, #tpu.memory_space<vmem_shared>> -> memref<128x128xf32, #tpu.memory_space<vmem_shared>>
      tpu.enqueue_dma source(%arg9 : memref<128x128xf32, #tpu.memory_space<vmem>>) target(%dma_start3A_73 : memref<128x128xf32, #tpu.memory_space<vmem_shared>>) target_semaphore(%run_scoped3A : memref<!tpu.dma_semaphore, #tpu.memory_space<semaphore_mem>>)
      %dma_wait3A = arith.constant 0 : i32
      %dma_wait3A_74 = tpu.memref_slice %arg11[%add3A_10, %dma_wait3A] : memref<10240x128xf32, #tpu.memory_space<vmem_shared>> -> memref<128x128xf32, #tpu.memory_space<vmem_shared>>
      %dma_wait3A_75 = arith.constant 0 : i32
      %dma_wait3A_76 = tpu.memref_slice %arg11[%add3A_10, %dma_wait3A_75] : memref<10240x128xf32, #tpu.memory_space<vmem_shared>> -> memref<128x128xf32, #tpu.memory_space<vmem_shared>>
      tpu.wait_dma2 semaphore(%run_scoped3A : memref<!tpu.dma_semaphore, #tpu.memory_space<semaphore_mem>>) src(%arg9 : memref<128x128xf32, #tpu.memory_space<vmem>>) dst(%dma_wait3A_76 : memref<128x128xf32, #tpu.memory_space<vmem_shared>>)
      tpu.yield
    }) : () -> ()
    %mul3A_11 = arith.constant 640 : i32
    %mul3A_12 = arith.muli %arg1, %mul3A_11 : i32
    %add3A_13 = arith.constant 256 : i32
    %add3A_14 = arith.addi %mul3A_12, %add3A_13 : i32
    "tpu.region"() ({
      %run_scoped3A = tpu.sem_alloc : memref<!tpu.dma_semaphore, #tpu.memory_space<semaphore_mem>>
      %dma_start3A = arith.constant 0 : i32
      %dma_start3A_71 = tpu.memref_slice %arg11[%add3A_14, %dma_start3A] : memref<10240x128xf32, #tpu.memory_space<vmem_shared>> -> memref<128x128xf32, #tpu.memory_space<vmem_shared>>
      %dma_start3A_72 = arith.constant 0 : i32
      %dma_start3A_73 = tpu.memref_slice %arg11[%add3A_14, %dma_start3A_72] : memref<10240x128xf32, #tpu.memory_space<vmem_shared>> -> memref<128x128xf32, #tpu.memory_space<vmem_shared>>
      tpu.enqueue_dma source(%arg9 : memref<128x128xf32, #tpu.memory_space<vmem>>) target(%dma_start3A_73 : memref<128x128xf32, #tpu.memory_space<vmem_shared>>) target_semaphore(%run_scoped3A : memref<!tpu.dma_semaphore, #tpu.memory_space<semaphore_mem>>)
      %dma_wait3A = arith.constant 0 : i32
      %dma_wait3A_74 = tpu.memref_slice %arg11[%add3A_14, %dma_wait3A] : memref<10240x128xf32, #tpu.memory_space<vmem_shared>> -> memref<128x128xf32, #tpu.memory_space<vmem_shared>>
      %dma_wait3A_75 = arith.constant 0 : i32
      %dma_wait3A_76 = tpu.memref_slice %arg11[%add3A_14, %dma_wait3A_75] : memref<10240x128xf32, #tpu.memory_space<vmem_shared>> -> memref<128x128xf32, #tpu.memory_space<vmem_shared>>
      tpu.wait_dma2 semaphore(%run_scoped3A : memref<!tpu.dma_semaphore, #tpu.memory_space<semaphore_mem>>) src(%arg9 : memref<128x128xf32, #tpu.memory_space<vmem>>) dst(%dma_wait3A_76 : memref<128x128xf32, #tpu.memory_space<vmem_shared>>)
      tpu.yield
    }) : () -> ()
    %mul3A_15 = arith.constant 640 : i32
    %mul3A_16 = arith.muli %arg1, %mul3A_15 : i32
    %add3A_17 = arith.constant 384 : i32
    %add3A_18 = arith.addi %mul3A_16, %add3A_17 : i32
    "tpu.region"() ({
      %run_scoped3A = tpu.sem_alloc : memref<!tpu.dma_semaphore, #tpu.memory_space<semaphore_mem>>
      %dma_start3A = arith.constant 0 : i32
      %dma_start3A_71 = tpu.memref_slice %arg11[%add3A_18, %dma_start3A] : memref<10240x128xf32, #tpu.memory_space<vmem_shared>> -> memref<128x128xf32, #tpu.memory_space<vmem_shared>>
      %dma_start3A_72 = arith.constant 0 : i32
      %dma_start3A_73 = tpu.memref_slice %arg11[%add3A_18, %dma_start3A_72] : memref<10240x128xf32, #tpu.memory_space<vmem_shared>> -> memref<128x128xf32, #tpu.memory_space<vmem_shared>>
      tpu.enqueue_dma source(%arg9 : memref<128x128xf32, #tpu.memory_space<vmem>>) target(%dma_start3A_73 : memref<128x128xf32, #tpu.memory_space<vmem_shared>>) target_semaphore(%run_scoped3A : memref<!tpu.dma_semaphore, #tpu.memory_space<semaphore_mem>>)
      %dma_wait3A = arith.constant 0 : i32
      %dma_wait3A_74 = tpu.memref_slice %arg11[%add3A_18, %dma_wait3A] : memref<10240x128xf32, #tpu.memory_space<vmem_shared>> -> memref<128x128xf32, #tpu.memory_space<vmem_shared>>
      %dma_wait3A_75 = arith.constant 0 : i32
      %dma_wait3A_76 = tpu.memref_slice %arg11[%add3A_18, %dma_wait3A_75] : memref<10240x128xf32, #tpu.memory_space<vmem_shared>> -> memref<128x128xf32, #tpu.memory_space<vmem_shared>>
      tpu.wait_dma2 semaphore(%run_scoped3A : memref<!tpu.dma_semaphore, #tpu.memory_space<semaphore_mem>>) src(%arg9 : memref<128x128xf32, #tpu.memory_space<vmem>>) dst(%dma_wait3A_76 : memref<128x128xf32, #tpu.memory_space<vmem_shared>>)
      tpu.yield
    }) : () -> ()
    %mul3A_19 = arith.constant 640 : i32
    %mul3A_20 = arith.muli %arg1, %mul3A_19 : i32
    %add3A_21 = arith.constant 512 : i32
    %add3A_22 = arith.addi %mul3A_20, %add3A_21 : i32
    "tpu.region"() ({
      %run_scoped3A = tpu.sem_alloc : memref<!tpu.dma_semaphore, #tpu.memory_space<semaphore_mem>>
      %dma_start3A = arith.constant 0 : i32
      %dma_start3A_71 = tpu.memref_slice %arg11[%add3A_22, %dma_start3A] : memref<10240x128xf32, #tpu.memory_space<vmem_shared>> -> memref<128x128xf32, #tpu.memory_space<vmem_shared>>
      %dma_start3A_72 = arith.constant 0 : i32
      %dma_start3A_73 = tpu.memref_slice %arg11[%add3A_22, %dma_start3A_72] : memref<10240x128xf32, #tpu.memory_space<vmem_shared>> -> memref<128x128xf32, #tpu.memory_space<vmem_shared>>
      tpu.enqueue_dma source(%arg9 : memref<128x128xf32, #tpu.memory_space<vmem>>) target(%dma_start3A_73 : memref<128x128xf32, #tpu.memory_space<vmem_shared>>) target_semaphore(%run_scoped3A : memref<!tpu.dma_semaphore, #tpu.memory_space<semaphore_mem>>)
      %dma_wait3A = arith.constant 0 : i32
      %dma_wait3A_74 = tpu.memref_slice %arg11[%add3A_22, %dma_wait3A] : memref<10240x128xf32, #tpu.memory_space<vmem_shared>> -> memref<128x128xf32, #tpu.memory_space<vmem_shared>>
      %dma_wait3A_75 = arith.constant 0 : i32
      %dma_wait3A_76 = tpu.memref_slice %arg11[%add3A_22, %dma_wait3A_75] : memref<10240x128xf32, #tpu.memory_space<vmem_shared>> -> memref<128x128xf32, #tpu.memory_space<vmem_shared>>
      tpu.wait_dma2 semaphore(%run_scoped3A : memref<!tpu.dma_semaphore, #tpu.memory_space<semaphore_mem>>) src(%arg9 : memref<128x128xf32, #tpu.memory_space<vmem>>) dst(%dma_wait3A_76 : memref<128x128xf32, #tpu.memory_space<vmem_shared>>)
      tpu.yield
    }) : () -> ()
    %barrier3A = arith.constant 0 : index
    tpu.barrier barrier_id(%barrier3A)
    %eq3A = arith.constant 0 : i32
    %eq3A_23 = arith.cmpi eq, %arg0, %eq3A : i32
    %convert_element_type3A = arith.extui %eq3A_23 : i1 to i32
    %cond3A = arith.constant 0 : i32
    %cond3A_24 = arith.cmpi ne, %convert_element_type3A, %cond3A : i32
    scf.if %cond3A_24 {
      "tpu.region"() ({
        %run_scoped3A = tpu.sem_alloc : memref<!tpu.dma_semaphore, #tpu.memory_space<semaphore_mem>>
        %dma_start3A_96 = arith.constant 0 : i32
        %dma_start3A_97 = arith.constant 0 : i32
        %dma_start3A_98 = tpu.memref_slice %arg4[%arg1, %dma_start3A_96, %dma_start3A_97] : memref<16x80x128xi32, #tpu.memory_space<hbm>> -> memref<1x40x128xi32, #tpu.memory_space<hbm>>
        %dma_start3A_99 = tpu.memref_squeeze %dma_start3A_98 : memref<1x40x128xi32, #tpu.memory_space<hbm>> -> memref<40x128xi32, #tpu.memory_space<hbm>>
        %dma_start3A_100 = arith.constant 0 : i32
        %dma_start3A_101 = arith.constant 0 : i32
        %dma_start3A_102 = tpu.memref_slice %arg4[%arg1, %dma_start3A_100, %dma_start3A_101] : memref<16x80x128xi32, #tpu.memory_space<hbm>> -> memref<1x40x128xi32, #tpu.memory_space<hbm>>
        %dma_start3A_103 = tpu.memref_squeeze %dma_start3A_102 : memref<1x40x128xi32, #tpu.memory_space<hbm>> -> memref<40x128xi32, #tpu.memory_space<hbm>>
        tpu.enqueue_dma source(%dma_start3A_103 : memref<40x128xi32, #tpu.memory_space<hbm>>) target(%arg7 : memref<40x128xi32, #tpu.memory_space<vmem>>) target_semaphore(%run_scoped3A : memref<!tpu.dma_semaphore, #tpu.memory_space<semaphore_mem>>)
        %dma_wait3A = arith.constant 0 : i32
        %dma_wait3A_104 = arith.constant 0 : i32
        %dma_wait3A_105 = tpu.memref_slice %arg4[%arg1, %dma_wait3A, %dma_wait3A_104] : memref<16x80x128xi32, #tpu.memory_space<hbm>> -> memref<1x40x128xi32, #tpu.memory_space<hbm>>
        %dma_wait3A_106 = tpu.memref_squeeze %dma_wait3A_105 : memref<1x40x128xi32, #tpu.memory_space<hbm>> -> memref<40x128xi32, #tpu.memory_space<hbm>>
        %dma_wait3A_107 = arith.constant 0 : i32
        %dma_wait3A_108 = arith.constant 0 : i32
        %dma_wait3A_109 = tpu.memref_slice %arg4[%arg1, %dma_wait3A_107, %dma_wait3A_108] : memref<16x80x128xi32, #tpu.memory_space<hbm>> -> memref<1x40x128xi32, #tpu.memory_space<hbm>>
        %dma_wait3A_110 = tpu.memref_squeeze %dma_wait3A_109 : memref<1x40x128xi32, #tpu.memory_space<hbm>> -> memref<40x128xi32, #tpu.memory_space<hbm>>
        tpu.wait_dma2 semaphore(%run_scoped3A : memref<!tpu.dma_semaphore, #tpu.memory_space<semaphore_mem>>) src(%dma_wait3A_110 : memref<40x128xi32, #tpu.memory_space<hbm>>) dst(%arg7 : memref<40x128xi32, #tpu.memory_space<vmem>>)
        tpu.yield
      }) : () -> ()
      "tpu.region"() ({
        %run_scoped3A = tpu.sem_alloc : memref<!tpu.dma_semaphore, #tpu.memory_space<semaphore_mem>>
        %dma_start3A_96 = arith.constant 0 : i32
        %dma_start3A_97 = arith.constant 0 : i32
        %dma_start3A_98 = tpu.memref_slice %arg5[%arg1, %dma_start3A_96, %dma_start3A_97] : memref<16x80x128xi32, #tpu.memory_space<hbm>> -> memref<1x40x128xi32, #tpu.memory_space<hbm>>
        %dma_start3A_99 = tpu.memref_squeeze %dma_start3A_98 : memref<1x40x128xi32, #tpu.memory_space<hbm>> -> memref<40x128xi32, #tpu.memory_space<hbm>>
        %dma_start3A_100 = arith.constant 0 : i32
        %dma_start3A_101 = arith.constant 0 : i32
        %dma_start3A_102 = tpu.memref_slice %arg5[%arg1, %dma_start3A_100, %dma_start3A_101] : memref<16x80x128xi32, #tpu.memory_space<hbm>> -> memref<1x40x128xi32, #tpu.memory_space<hbm>>
        %dma_start3A_103 = tpu.memref_squeeze %dma_start3A_102 : memref<1x40x128xi32, #tpu.memory_space<hbm>> -> memref<40x128xi32, #tpu.memory_space<hbm>>
        tpu.enqueue_dma source(%dma_start3A_103 : memref<40x128xi32, #tpu.memory_space<hbm>>) target(%arg8 : memref<40x128xi32, #tpu.memory_space<vmem>>) target_semaphore(%run_scoped3A : memref<!tpu.dma_semaphore, #tpu.memory_space<semaphore_mem>>)
        %dma_wait3A = arith.constant 0 : i32
        %dma_wait3A_104 = arith.constant 0 : i32
        %dma_wait3A_105 = tpu.memref_slice %arg5[%arg1, %dma_wait3A, %dma_wait3A_104] : memref<16x80x128xi32, #tpu.memory_space<hbm>> -> memref<1x40x128xi32, #tpu.memory_space<hbm>>
        %dma_wait3A_106 = tpu.memref_squeeze %dma_wait3A_105 : memref<1x40x128xi32, #tpu.memory_space<hbm>> -> memref<40x128xi32, #tpu.memory_space<hbm>>
        %dma_wait3A_107 = arith.constant 0 : i32
        %dma_wait3A_108 = arith.constant 0 : i32
        %dma_wait3A_109 = tpu.memref_slice %arg5[%arg1, %dma_wait3A_107, %dma_wait3A_108] : memref<16x80x128xi32, #tpu.memory_space<hbm>> -> memref<1x40x128xi32, #tpu.memory_space<hbm>>
        %dma_wait3A_110 = tpu.memref_squeeze %dma_wait3A_109 : memref<1x40x128xi32, #tpu.memory_space<hbm>> -> memref<40x128xi32, #tpu.memory_space<hbm>>
        tpu.wait_dma2 semaphore(%run_scoped3A : memref<!tpu.dma_semaphore, #tpu.memory_space<semaphore_mem>>) src(%dma_wait3A_110 : memref<40x128xi32, #tpu.memory_space<hbm>>) dst(%arg8 : memref<40x128xi32, #tpu.memory_space<vmem>>)
        tpu.yield
      }) : () -> ()
      %dma_start3A = arith.constant 0 : i32
      %dma_start3A_71 = arith.constant 0 : i32
      %dma_start3A_72 = tpu.memref_slice %arg7[%dma_start3A, %dma_start3A_71] : memref<40x128xi32, #tpu.memory_space<vmem>> -> memref<1x128xi32, #tpu.memory_space<vmem>>
      %dma_start3A_73 = tpu.memref_squeeze %dma_start3A_72 : memref<1x128xi32, #tpu.memory_space<vmem>> -> memref<128xi32, #tpu.memory_space<vmem>>
      %dma_start3A_74 = arith.constant 0 : i32
      %dma_start3A_75 = arith.constant 0 : i32
      %dma_start3A_76 = tpu.memref_slice %arg2[%dma_start3A_74, %dma_start3A_75] : memref<10240x128xf32, #tpu.memory_space<hbm>> -> memref<10240x128xf32, #tpu.memory_space<hbm>>
      tpu.enqueue_indirect_dma source(%dma_start3A_76 : memref<10240x128xf32, #tpu.memory_space<hbm>>) target(%arg9 : memref<128x128xf32, #tpu.memory_space<vmem>>) offsets(%dma_start3A_73 : memref<128xi32, #tpu.memory_space<vmem>>) semaphore(%arg12 : memref<!tpu.dma_semaphore, #tpu.memory_space<semaphore_mem>>)
      %scan3A_77 = arith.constant 0 : i32
      %scan3A_78 = arith.constant 0 : i32
      %scan3A_79 = arith.constant 20 : i32
      %scan3A_80 = arith.addi %scan3A_78, %scan3A_79 : i32
      %scan3A_81 = arith.constant 1 : i32
      scf.for %scan3A_96 = %scan3A_78 to %scan3A_80 step %scan3A_81  : i32 {
        %mul3A_97 = arith.constant 2 : i32
        %mul3A_98 = arith.muli %mul3A_97, %scan3A_96 : i32
        %add3A_99 = arith.constant 1 : i32
        %add3A_100 = arith.addi %mul3A_98, %add3A_99 : i32
        %dma_start3A_101 = arith.constant 0 : i32
        %dma_start3A_102 = tpu.memref_slice %arg7[%add3A_100, %dma_start3A_101] : memref<40x128xi32, #tpu.memory_space<vmem>> -> memref<1x128xi32, #tpu.memory_space<vmem>>
        %dma_start3A_103 = tpu.memref_squeeze %dma_start3A_102 : memref<1x128xi32, #tpu.memory_space<vmem>> -> memref<128xi32, #tpu.memory_space<vmem>>
        %dma_start3A_104 = arith.constant 0 : i32
        %dma_start3A_105 = arith.constant 0 : i32
        %dma_start3A_106 = tpu.memref_slice %arg2[%dma_start3A_104, %dma_start3A_105] : memref<10240x128xf32, #tpu.memory_space<hbm>> -> memref<10240x128xf32, #tpu.memory_space<hbm>>
        tpu.enqueue_indirect_dma source(%dma_start3A_106 : memref<10240x128xf32, #tpu.memory_space<hbm>>) target(%arg10 : memref<128x128xf32, #tpu.memory_space<vmem>>) offsets(%dma_start3A_103 : memref<128xi32, #tpu.memory_space<vmem>>) semaphore(%arg13 : memref<!tpu.dma_semaphore, #tpu.memory_space<semaphore_mem>>)
        %dma_wait3A = arith.constant 0 : i32
        %dma_wait3A_107 = tpu.memref_slice %arg7[%mul3A_98, %dma_wait3A] : memref<40x128xi32, #tpu.memory_space<vmem>> -> memref<1x128xi32, #tpu.memory_space<vmem>>
        %dma_wait3A_108 = tpu.memref_squeeze %dma_wait3A_107 : memref<1x128xi32, #tpu.memory_space<vmem>> -> memref<128xi32, #tpu.memory_space<vmem>>
        %dma_wait3A_109 = arith.constant 0 : i32
        %dma_wait3A_110 = arith.constant 0 : i32
        %dma_wait3A_111 = tpu.memref_slice %arg2[%dma_wait3A_109, %dma_wait3A_110] : memref<10240x128xf32, #tpu.memory_space<hbm>> -> memref<10240x128xf32, #tpu.memory_space<hbm>>
        tpu.wait_indirect_dma semaphore(%arg12 : memref<!tpu.dma_semaphore, #tpu.memory_space<semaphore_mem>>) src(%dma_wait3A_111 : memref<10240x128xf32, #tpu.memory_space<hbm>>) dst(%arg9 : memref<128x128xf32, #tpu.memory_space<vmem>>)
        "tpu.region"() ({
          %run_scoped3A = tpu.sem_alloc : memref<!tpu.dma_semaphore, #tpu.memory_space<semaphore_mem>>
          %dma_start3A_126 = arith.constant 0 : i32
          %dma_start3A_127 = tpu.memref_slice %arg8[%mul3A_98, %dma_start3A_126] : memref<40x128xi32, #tpu.memory_space<vmem>> -> memref<1x128xi32, #tpu.memory_space<vmem>>
          %dma_start3A_128 = tpu.memref_squeeze %dma_start3A_127 : memref<1x128xi32, #tpu.memory_space<vmem>> -> memref<128xi32, #tpu.memory_space<vmem>>
          %dma_start3A_129 = arith.constant 0 : i32
          %dma_start3A_130 = arith.constant 0 : i32
          %dma_start3A_131 = tpu.memref_slice %arg11[%dma_start3A_129, %dma_start3A_130] : memref<10240x128xf32, #tpu.memory_space<vmem_shared>> -> memref<10240x128xf32, #tpu.memory_space<vmem_shared>>
          tpu.enqueue_indirect_dma source(%arg9 : memref<128x128xf32, #tpu.memory_space<vmem>>) target(%dma_start3A_131 : memref<10240x128xf32, #tpu.memory_space<vmem_shared>>) offsets(%dma_start3A_128 : memref<128xi32, #tpu.memory_space<vmem>>) semaphore(%run_scoped3A : memref<!tpu.dma_semaphore, #tpu.memory_space<semaphore_mem>>) {add = true}
          %dma_wait3A_132 = arith.constant 0 : i32
          %dma_wait3A_133 = tpu.memref_slice %arg8[%mul3A_98, %dma_wait3A_132] : memref<40x128xi32, #tpu.memory_space<vmem>> -> memref<1x128xi32, #tpu.memory_space<vmem>>
          %dma_wait3A_134 = tpu.memref_squeeze %dma_wait3A_133 : memref<1x128xi32, #tpu.memory_space<vmem>> -> memref<128xi32, #tpu.memory_space<vmem>>
          %dma_wait3A_135 = arith.constant 0 : i32
          %dma_wait3A_136 = arith.constant 0 : i32
          %dma_wait3A_137 = tpu.memref_slice %arg11[%dma_wait3A_135, %dma_wait3A_136] : memref<10240x128xf32, #tpu.memory_space<vmem_shared>> -> memref<10240x128xf32, #tpu.memory_space<vmem_shared>>
          tpu.wait_indirect_dma semaphore(%run_scoped3A : memref<!tpu.dma_semaphore, #tpu.memory_space<semaphore_mem>>) src(%arg9 : memref<128x128xf32, #tpu.memory_space<vmem>>) dst(%dma_wait3A_137 : memref<10240x128xf32, #tpu.memory_space<vmem_shared>>)
          tpu.yield
        }) : () -> ()
        %add3A_112 = arith.constant 2 : i32
        %add3A_113 = arith.addi %mul3A_98, %add3A_112 : i32
        %lt3A = arith.constant 40 : i32
        %lt3A_114 = arith.cmpi slt, %add3A_113, %lt3A : i32
        %convert_element_type3A_115 = arith.extui %lt3A_114 : i1 to i32
        %cond3A_116 = arith.constant 0 : i32
        %cond3A_117 = arith.cmpi ne, %convert_element_type3A_115, %cond3A_116 : i32
        scf.if %cond3A_117 {
          %add3A_126 = arith.constant 2 : i32
          %add3A_127 = arith.addi %mul3A_98, %add3A_126 : i32
          %dma_start3A_128 = arith.constant 0 : i32
          %dma_start3A_129 = tpu.memref_slice %arg7[%add3A_127, %dma_start3A_128] : memref<40x128xi32, #tpu.memory_space<vmem>> -> memref<1x128xi32, #tpu.memory_space<vmem>>
          %dma_start3A_130 = tpu.memref_squeeze %dma_start3A_129 : memref<1x128xi32, #tpu.memory_space<vmem>> -> memref<128xi32, #tpu.memory_space<vmem>>
          %dma_start3A_131 = arith.constant 0 : i32
          %dma_start3A_132 = arith.constant 0 : i32
          %dma_start3A_133 = tpu.memref_slice %arg2[%dma_start3A_131, %dma_start3A_132] : memref<10240x128xf32, #tpu.memory_space<hbm>> -> memref<10240x128xf32, #tpu.memory_space<hbm>>
          tpu.enqueue_indirect_dma source(%dma_start3A_133 : memref<10240x128xf32, #tpu.memory_space<hbm>>) target(%arg9 : memref<128x128xf32, #tpu.memory_space<vmem>>) offsets(%dma_start3A_130 : memref<128xi32, #tpu.memory_space<vmem>>) semaphore(%arg12 : memref<!tpu.dma_semaphore, #tpu.memory_space<semaphore_mem>>)
        } else {
        }
        %add3A_118 = arith.constant 1 : i32
        %add3A_119 = arith.addi %mul3A_98, %add3A_118 : i32
        %dma_wait3A_120 = arith.constant 0 : i32
        %dma_wait3A_121 = tpu.memref_slice %arg7[%add3A_119, %dma_wait3A_120] : memref<40x128xi32, #tpu.memory_space<vmem>> -> memref<1x128xi32, #tpu.memory_space<vmem>>
        %dma_wait3A_122 = tpu.memref_squeeze %dma_wait3A_121 : memref<1x128xi32, #tpu.memory_space<vmem>> -> memref<128xi32, #tpu.memory_space<vmem>>
        %dma_wait3A_123 = arith.constant 0 : i32
        %dma_wait3A_124 = arith.constant 0 : i32
        %dma_wait3A_125 = tpu.memref_slice %arg2[%dma_wait3A_123, %dma_wait3A_124] : memref<10240x128xf32, #tpu.memory_space<hbm>> -> memref<10240x128xf32, #tpu.memory_space<hbm>>
        tpu.wait_indirect_dma semaphore(%arg13 : memref<!tpu.dma_semaphore, #tpu.memory_space<semaphore_mem>>) src(%dma_wait3A_125 : memref<10240x128xf32, #tpu.memory_space<hbm>>) dst(%arg10 : memref<128x128xf32, #tpu.memory_space<vmem>>)
        "tpu.region"() ({
          %run_scoped3A = tpu.sem_alloc : memref<!tpu.dma_semaphore, #tpu.memory_space<semaphore_mem>>
          %dma_start3A_126 = arith.constant 0 : i32
          %dma_start3A_127 = tpu.memref_slice %arg8[%add3A_119, %dma_start3A_126] : memref<40x128xi32, #tpu.memory_space<vmem>> -> memref<1x128xi32, #tpu.memory_space<vmem>>
          %dma_start3A_128 = tpu.memref_squeeze %dma_start3A_127 : memref<1x128xi32, #tpu.memory_space<vmem>> -> memref<128xi32, #tpu.memory_space<vmem>>
          %dma_start3A_129 = arith.constant 0 : i32
          %dma_start3A_130 = arith.constant 0 : i32
          %dma_start3A_131 = tpu.memref_slice %arg11[%dma_start3A_129, %dma_start3A_130] : memref<10240x128xf32, #tpu.memory_space<vmem_shared>> -> memref<10240x128xf32, #tpu.memory_space<vmem_shared>>
          tpu.enqueue_indirect_dma source(%arg10 : memref<128x128xf32, #tpu.memory_space<vmem>>) target(%dma_start3A_131 : memref<10240x128xf32, #tpu.memory_space<vmem_shared>>) offsets(%dma_start3A_128 : memref<128xi32, #tpu.memory_space<vmem>>) semaphore(%run_scoped3A : memref<!tpu.dma_semaphore, #tpu.memory_space<semaphore_mem>>) {add = true}
          %dma_wait3A_132 = arith.constant 0 : i32
          %dma_wait3A_133 = tpu.memref_slice %arg8[%add3A_119, %dma_wait3A_132] : memref<40x128xi32, #tpu.memory_space<vmem>> -> memref<1x128xi32, #tpu.memory_space<vmem>>
          %dma_wait3A_134 = tpu.memref_squeeze %dma_wait3A_133 : memref<1x128xi32, #tpu.memory_space<vmem>> -> memref<128xi32, #tpu.memory_space<vmem>>
          %dma_wait3A_135 = arith.constant 0 : i32
          %dma_wait3A_136 = arith.constant 0 : i32
          %dma_wait3A_137 = tpu.memref_slice %arg11[%dma_wait3A_135, %dma_wait3A_136] : memref<10240x128xf32, #tpu.memory_space<vmem_shared>> -> memref<10240x128xf32, #tpu.memory_space<vmem_shared>>
          tpu.wait_indirect_dma semaphore(%run_scoped3A : memref<!tpu.dma_semaphore, #tpu.memory_space<semaphore_mem>>) src(%arg10 : memref<128x128xf32, #tpu.memory_space<vmem>>) dst(%dma_wait3A_137 : memref<10240x128xf32, #tpu.memory_space<vmem_shared>>)
          tpu.yield
        }) : () -> ()
      }
      %scan3A_82 = arith.constant 20 : i32
      "tpu.region"() ({
        %run_scoped3A = tpu.sem_alloc : memref<!tpu.dma_semaphore, #tpu.memory_space<semaphore_mem>>
        %dma_start3A_96 = arith.constant 40 : i32
        %dma_start3A_97 = arith.constant 0 : i32
        %dma_start3A_98 = tpu.memref_slice %arg4[%arg1, %dma_start3A_96, %dma_start3A_97] : memref<16x80x128xi32, #tpu.memory_space<hbm>> -> memref<1x40x128xi32, #tpu.memory_space<hbm>>
        %dma_start3A_99 = tpu.memref_squeeze %dma_start3A_98 : memref<1x40x128xi32, #tpu.memory_space<hbm>> -> memref<40x128xi32, #tpu.memory_space<hbm>>
        %dma_start3A_100 = arith.constant 40 : i32
        %dma_start3A_101 = arith.constant 0 : i32
        %dma_start3A_102 = tpu.memref_slice %arg4[%arg1, %dma_start3A_100, %dma_start3A_101] : memref<16x80x128xi32, #tpu.memory_space<hbm>> -> memref<1x40x128xi32, #tpu.memory_space<hbm>>
        %dma_start3A_103 = tpu.memref_squeeze %dma_start3A_102 : memref<1x40x128xi32, #tpu.memory_space<hbm>> -> memref<40x128xi32, #tpu.memory_space<hbm>>
        tpu.enqueue_dma source(%dma_start3A_103 : memref<40x128xi32, #tpu.memory_space<hbm>>) target(%arg7 : memref<40x128xi32, #tpu.memory_space<vmem>>) target_semaphore(%run_scoped3A : memref<!tpu.dma_semaphore, #tpu.memory_space<semaphore_mem>>)
        %dma_wait3A = arith.constant 40 : i32
        %dma_wait3A_104 = arith.constant 0 : i32
        %dma_wait3A_105 = tpu.memref_slice %arg4[%arg1, %dma_wait3A, %dma_wait3A_104] : memref<16x80x128xi32, #tpu.memory_space<hbm>> -> memref<1x40x128xi32, #tpu.memory_space<hbm>>
        %dma_wait3A_106 = tpu.memref_squeeze %dma_wait3A_105 : memref<1x40x128xi32, #tpu.memory_space<hbm>> -> memref<40x128xi32, #tpu.memory_space<hbm>>
        %dma_wait3A_107 = arith.constant 40 : i32
        %dma_wait3A_108 = arith.constant 0 : i32
        %dma_wait3A_109 = tpu.memref_slice %arg4[%arg1, %dma_wait3A_107, %dma_wait3A_108] : memref<16x80x128xi32, #tpu.memory_space<hbm>> -> memref<1x40x128xi32, #tpu.memory_space<hbm>>
        %dma_wait3A_110 = tpu.memref_squeeze %dma_wait3A_109 : memref<1x40x128xi32, #tpu.memory_space<hbm>> -> memref<40x128xi32, #tpu.memory_space<hbm>>
        tpu.wait_dma2 semaphore(%run_scoped3A : memref<!tpu.dma_semaphore, #tpu.memory_space<semaphore_mem>>) src(%dma_wait3A_110 : memref<40x128xi32, #tpu.memory_space<hbm>>) dst(%arg7 : memref<40x128xi32, #tpu.memory_space<vmem>>)
        tpu.yield
      }) : () -> ()
      "tpu.region"() ({
        %run_scoped3A = tpu.sem_alloc : memref<!tpu.dma_semaphore, #tpu.memory_space<semaphore_mem>>
        %dma_start3A_96 = arith.constant 40 : i32
        %dma_start3A_97 = arith.constant 0 : i32
        %dma_start3A_98 = tpu.memref_slice %arg5[%arg1, %dma_start3A_96, %dma_start3A_97] : memref<16x80x128xi32, #tpu.memory_space<hbm>> -> memref<1x40x128xi32, #tpu.memory_space<hbm>>
        %dma_start3A_99 = tpu.memref_squeeze %dma_start3A_98 : memref<1x40x128xi32, #tpu.memory_space<hbm>> -> memref<40x128xi32, #tpu.memory_space<hbm>>
        %dma_start3A_100 = arith.constant 40 : i32
        %dma_start3A_101 = arith.constant 0 : i32
        %dma_start3A_102 = tpu.memref_slice %arg5[%arg1, %dma_start3A_100, %dma_start3A_101] : memref<16x80x128xi32, #tpu.memory_space<hbm>> -> memref<1x40x128xi32, #tpu.memory_space<hbm>>
        %dma_start3A_103 = tpu.memref_squeeze %dma_start3A_102 : memref<1x40x128xi32, #tpu.memory_space<hbm>> -> memref<40x128xi32, #tpu.memory_space<hbm>>
        tpu.enqueue_dma source(%dma_start3A_103 : memref<40x128xi32, #tpu.memory_space<hbm>>) target(%arg8 : memref<40x128xi32, #tpu.memory_space<vmem>>) target_semaphore(%run_scoped3A : memref<!tpu.dma_semaphore, #tpu.memory_space<semaphore_mem>>)
        %dma_wait3A = arith.constant 40 : i32
        %dma_wait3A_104 = arith.constant 0 : i32
        %dma_wait3A_105 = tpu.memref_slice %arg5[%arg1, %dma_wait3A, %dma_wait3A_104] : memref<16x80x128xi32, #tpu.memory_space<hbm>> -> memref<1x40x128xi32, #tpu.memory_space<hbm>>
        %dma_wait3A_106 = tpu.memref_squeeze %dma_wait3A_105 : memref<1x40x128xi32, #tpu.memory_space<hbm>> -> memref<40x128xi32, #tpu.memory_space<hbm>>
        %dma_wait3A_107 = arith.constant 40 : i32
        %dma_wait3A_108 = arith.constant 0 : i32
        %dma_wait3A_109 = tpu.memref_slice %arg5[%arg1, %dma_wait3A_107, %dma_wait3A_108] : memref<16x80x128xi32, #tpu.memory_space<hbm>> -> memref<1x40x128xi32, #tpu.memory_space<hbm>>
        %dma_wait3A_110 = tpu.memref_squeeze %dma_wait3A_109 : memref<1x40x128xi32, #tpu.memory_space<hbm>> -> memref<40x128xi32, #tpu.memory_space<hbm>>
        tpu.wait_dma2 semaphore(%run_scoped3A : memref<!tpu.dma_semaphore, #tpu.memory_space<semaphore_mem>>) src(%dma_wait3A_110 : memref<40x128xi32, #tpu.memory_space<hbm>>) dst(%arg8 : memref<40x128xi32, #tpu.memory_space<vmem>>)
        tpu.yield
      }) : () -> ()
      %dma_start3A_83 = arith.constant 0 : i32
      %dma_start3A_84 = arith.constant 0 : i32
      %dma_start3A_85 = tpu.memref_slice %arg7[%dma_start3A_83, %dma_start3A_84] : memref<40x128xi32, #tpu.memory_space<vmem>> -> memref<1x128xi32, #tpu.memory_space<vmem>>
      %dma_start3A_86 = tpu.memref_squeeze %dma_start3A_85 : memref<1x128xi32, #tpu.memory_space<vmem>> -> memref<128xi32, #tpu.memory_space<vmem>>
      %dma_start3A_87 = arith.constant 0 : i32
      %dma_start3A_88 = arith.constant 0 : i32
      %dma_start3A_89 = tpu.memref_slice %arg2[%dma_start3A_87, %dma_start3A_88] : memref<10240x128xf32, #tpu.memory_space<hbm>> -> memref<10240x128xf32, #tpu.memory_space<hbm>>
      tpu.enqueue_indirect_dma source(%dma_start3A_89 : memref<10240x128xf32, #tpu.memory_space<hbm>>) target(%arg9 : memref<128x128xf32, #tpu.memory_space<vmem>>) offsets(%dma_start3A_86 : memref<128xi32, #tpu.memory_space<vmem>>) semaphore(%arg12 : memref<!tpu.dma_semaphore, #tpu.memory_space<semaphore_mem>>)
      %scan3A_90 = arith.constant 0 : i32
      %scan3A_91 = arith.constant 0 : i32
      %scan3A_92 = arith.constant 20 : i32
      %scan3A_93 = arith.addi %scan3A_91, %scan3A_92 : i32
      %scan3A_94 = arith.constant 1 : i32
      scf.for %scan3A_96 = %scan3A_91 to %scan3A_93 step %scan3A_94  : i32 {
        %mul3A_97 = arith.constant 2 : i32
        %mul3A_98 = arith.muli %mul3A_97, %scan3A_96 : i32
        %add3A_99 = arith.constant 1 : i32
        %add3A_100 = arith.addi %mul3A_98, %add3A_99 : i32
        %dma_start3A_101 = arith.constant 0 : i32
        %dma_start3A_102 = tpu.memref_slice %arg7[%add3A_100, %dma_start3A_101] : memref<40x128xi32, #tpu.memory_space<vmem>> -> memref<1x128xi32, #tpu.memory_space<vmem>>
        %dma_start3A_103 = tpu.memref_squeeze %dma_start3A_102 : memref<1x128xi32, #tpu.memory_space<vmem>> -> memref<128xi32, #tpu.memory_space<vmem>>
        %dma_start3A_104 = arith.constant 0 : i32
        %dma_start3A_105 = arith.constant 0 : i32
        %dma_start3A_106 = tpu.memref_slice %arg2[%dma_start3A_104, %dma_start3A_105] : memref<10240x128xf32, #tpu.memory_space<hbm>> -> memref<10240x128xf32, #tpu.memory_space<hbm>>
        tpu.enqueue_indirect_dma source(%dma_start3A_106 : memref<10240x128xf32, #tpu.memory_space<hbm>>) target(%arg10 : memref<128x128xf32, #tpu.memory_space<vmem>>) offsets(%dma_start3A_103 : memref<128xi32, #tpu.memory_space<vmem>>) semaphore(%arg13 : memref<!tpu.dma_semaphore, #tpu.memory_space<semaphore_mem>>)
        %dma_wait3A = arith.constant 0 : i32
        %dma_wait3A_107 = tpu.memref_slice %arg7[%mul3A_98, %dma_wait3A] : memref<40x128xi32, #tpu.memory_space<vmem>> -> memref<1x128xi32, #tpu.memory_space<vmem>>
        %dma_wait3A_108 = tpu.memref_squeeze %dma_wait3A_107 : memref<1x128xi32, #tpu.memory_space<vmem>> -> memref<128xi32, #tpu.memory_space<vmem>>
        %dma_wait3A_109 = arith.constant 0 : i32
        %dma_wait3A_110 = arith.constant 0 : i32
        %dma_wait3A_111 = tpu.memref_slice %arg2[%dma_wait3A_109, %dma_wait3A_110] : memref<10240x128xf32, #tpu.memory_space<hbm>> -> memref<10240x128xf32, #tpu.memory_space<hbm>>
        tpu.wait_indirect_dma semaphore(%arg12 : memref<!tpu.dma_semaphore, #tpu.memory_space<semaphore_mem>>) src(%dma_wait3A_111 : memref<10240x128xf32, #tpu.memory_space<hbm>>) dst(%arg9 : memref<128x128xf32, #tpu.memory_space<vmem>>)
        "tpu.region"() ({
          %run_scoped3A = tpu.sem_alloc : memref<!tpu.dma_semaphore, #tpu.memory_space<semaphore_mem>>
          %dma_start3A_126 = arith.constant 0 : i32
          %dma_start3A_127 = tpu.memref_slice %arg8[%mul3A_98, %dma_start3A_126] : memref<40x128xi32, #tpu.memory_space<vmem>> -> memref<1x128xi32, #tpu.memory_space<vmem>>
          %dma_start3A_128 = tpu.memref_squeeze %dma_start3A_127 : memref<1x128xi32, #tpu.memory_space<vmem>> -> memref<128xi32, #tpu.memory_space<vmem>>
          %dma_start3A_129 = arith.constant 0 : i32
          %dma_start3A_130 = arith.constant 0 : i32
          %dma_start3A_131 = tpu.memref_slice %arg11[%dma_start3A_129, %dma_start3A_130] : memref<10240x128xf32, #tpu.memory_space<vmem_shared>> -> memref<10240x128xf32, #tpu.memory_space<vmem_shared>>
          tpu.enqueue_indirect_dma source(%arg9 : memref<128x128xf32, #tpu.memory_space<vmem>>) target(%dma_start3A_131 : memref<10240x128xf32, #tpu.memory_space<vmem_shared>>) offsets(%dma_start3A_128 : memref<128xi32, #tpu.memory_space<vmem>>) semaphore(%run_scoped3A : memref<!tpu.dma_semaphore, #tpu.memory_space<semaphore_mem>>) {add = true}
          %dma_wait3A_132 = arith.constant 0 : i32
          %dma_wait3A_133 = tpu.memref_slice %arg8[%mul3A_98, %dma_wait3A_132] : memref<40x128xi32, #tpu.memory_space<vmem>> -> memref<1x128xi32, #tpu.memory_space<vmem>>
          %dma_wait3A_134 = tpu.memref_squeeze %dma_wait3A_133 : memref<1x128xi32, #tpu.memory_space<vmem>> -> memref<128xi32, #tpu.memory_space<vmem>>
          %dma_wait3A_135 = arith.constant 0 : i32
          %dma_wait3A_136 = arith.constant 0 : i32
          %dma_wait3A_137 = tpu.memref_slice %arg11[%dma_wait3A_135, %dma_wait3A_136] : memref<10240x128xf32, #tpu.memory_space<vmem_shared>> -> memref<10240x128xf32, #tpu.memory_space<vmem_shared>>
          tpu.wait_indirect_dma semaphore(%run_scoped3A : memref<!tpu.dma_semaphore, #tpu.memory_space<semaphore_mem>>) src(%arg9 : memref<128x128xf32, #tpu.memory_space<vmem>>) dst(%dma_wait3A_137 : memref<10240x128xf32, #tpu.memory_space<vmem_shared>>)
          tpu.yield
        }) : () -> ()
        %add3A_112 = arith.constant 2 : i32
        %add3A_113 = arith.addi %mul3A_98, %add3A_112 : i32
        %lt3A = arith.constant 40 : i32
        %lt3A_114 = arith.cmpi slt, %add3A_113, %lt3A : i32
        %convert_element_type3A_115 = arith.extui %lt3A_114 : i1 to i32
        %cond3A_116 = arith.constant 0 : i32
        %cond3A_117 = arith.cmpi ne, %convert_element_type3A_115, %cond3A_116 : i32
        scf.if %cond3A_117 {
          %add3A_126 = arith.constant 2 : i32
          %add3A_127 = arith.addi %mul3A_98, %add3A_126 : i32
          %dma_start3A_128 = arith.constant 0 : i32
          %dma_start3A_129 = tpu.memref_slice %arg7[%add3A_127, %dma_start3A_128] : memref<40x128xi32, #tpu.memory_space<vmem>> -> memref<1x128xi32, #tpu.memory_space<vmem>>
          %dma_start3A_130 = tpu.memref_squeeze %dma_start3A_129 : memref<1x128xi32, #tpu.memory_space<vmem>> -> memref<128xi32, #tpu.memory_space<vmem>>
          %dma_start3A_131 = arith.constant 0 : i32
          %dma_start3A_132 = arith.constant 0 : i32
          %dma_start3A_133 = tpu.memref_slice %arg2[%dma_start3A_131, %dma_start3A_132] : memref<10240x128xf32, #tpu.memory_space<hbm>> -> memref<10240x128xf32, #tpu.memory_space<hbm>>
          tpu.enqueue_indirect_dma source(%dma_start3A_133 : memref<10240x128xf32, #tpu.memory_space<hbm>>) target(%arg9 : memref<128x128xf32, #tpu.memory_space<vmem>>) offsets(%dma_start3A_130 : memref<128xi32, #tpu.memory_space<vmem>>) semaphore(%arg12 : memref<!tpu.dma_semaphore, #tpu.memory_space<semaphore_mem>>)
        } else {
        }
        %add3A_118 = arith.constant 1 : i32
        %add3A_119 = arith.addi %mul3A_98, %add3A_118 : i32
        %dma_wait3A_120 = arith.constant 0 : i32
        %dma_wait3A_121 = tpu.memref_slice %arg7[%add3A_119, %dma_wait3A_120] : memref<40x128xi32, #tpu.memory_space<vmem>> -> memref<1x128xi32, #tpu.memory_space<vmem>>
        %dma_wait3A_122 = tpu.memref_squeeze %dma_wait3A_121 : memref<1x128xi32, #tpu.memory_space<vmem>> -> memref<128xi32, #tpu.memory_space<vmem>>
        %dma_wait3A_123 = arith.constant 0 : i32
        %dma_wait3A_124 = arith.constant 0 : i32
        %dma_wait3A_125 = tpu.memref_slice %arg2[%dma_wait3A_123, %dma_wait3A_124] : memref<10240x128xf32, #tpu.memory_space<hbm>> -> memref<10240x128xf32, #tpu.memory_space<hbm>>
        tpu.wait_indirect_dma semaphore(%arg13 : memref<!tpu.dma_semaphore, #tpu.memory_space<semaphore_mem>>) src(%dma_wait3A_125 : memref<10240x128xf32, #tpu.memory_space<hbm>>) dst(%arg10 : memref<128x128xf32, #tpu.memory_space<vmem>>)
        "tpu.region"() ({
          %run_scoped3A = tpu.sem_alloc : memref<!tpu.dma_semaphore, #tpu.memory_space<semaphore_mem>>
          %dma_start3A_126 = arith.constant 0 : i32
          %dma_start3A_127 = tpu.memref_slice %arg8[%add3A_119, %dma_start3A_126] : memref<40x128xi32, #tpu.memory_space<vmem>> -> memref<1x128xi32, #tpu.memory_space<vmem>>
          %dma_start3A_128 = tpu.memref_squeeze %dma_start3A_127 : memref<1x128xi32, #tpu.memory_space<vmem>> -> memref<128xi32, #tpu.memory_space<vmem>>
          %dma_start3A_129 = arith.constant 0 : i32
          %dma_start3A_130 = arith.constant 0 : i32
          %dma_start3A_131 = tpu.memref_slice %arg11[%dma_start3A_129, %dma_start3A_130] : memref<10240x128xf32, #tpu.memory_space<vmem_shared>> -> memref<10240x128xf32, #tpu.memory_space<vmem_shared>>
          tpu.enqueue_indirect_dma source(%arg10 : memref<128x128xf32, #tpu.memory_space<vmem>>) target(%dma_start3A_131 : memref<10240x128xf32, #tpu.memory_space<vmem_shared>>) offsets(%dma_start3A_128 : memref<128xi32, #tpu.memory_space<vmem>>) semaphore(%run_scoped3A : memref<!tpu.dma_semaphore, #tpu.memory_space<semaphore_mem>>) {add = true}
          %dma_wait3A_132 = arith.constant 0 : i32
          %dma_wait3A_133 = tpu.memref_slice %arg8[%add3A_119, %dma_wait3A_132] : memref<40x128xi32, #tpu.memory_space<vmem>> -> memref<1x128xi32, #tpu.memory_space<vmem>>
          %dma_wait3A_134 = tpu.memref_squeeze %dma_wait3A_133 : memref<1x128xi32, #tpu.memory_space<vmem>> -> memref<128xi32, #tpu.memory_space<vmem>>
          %dma_wait3A_135 = arith.constant 0 : i32
          %dma_wait3A_136 = arith.constant 0 : i32
          %dma_wait3A_137 = tpu.memref_slice %arg11[%dma_wait3A_135, %dma_wait3A_136] : memref<10240x128xf32, #tpu.memory_space<vmem_shared>> -> memref<10240x128xf32, #tpu.memory_space<vmem_shared>>
          tpu.wait_indirect_dma semaphore(%run_scoped3A : memref<!tpu.dma_semaphore, #tpu.memory_space<semaphore_mem>>) src(%arg10 : memref<128x128xf32, #tpu.memory_space<vmem>>) dst(%dma_wait3A_137 : memref<10240x128xf32, #tpu.memory_space<vmem_shared>>)
          tpu.yield
        }) : () -> ()
      }
      %scan3A_95 = arith.constant 20 : i32
    } else {
    }
    %eq3A_25 = arith.constant 1 : i32
    %eq3A_26 = arith.cmpi eq, %arg0, %eq3A_25 : i32
    %convert_element_type3A_27 = arith.extui %eq3A_26 : i1 to i32
    %cond3A_28 = arith.constant 0 : i32
    %cond3A_29 = arith.cmpi ne, %convert_element_type3A_27, %cond3A_28 : i32
    scf.if %cond3A_29 {
      "tpu.region"() ({
        %run_scoped3A = tpu.sem_alloc : memref<!tpu.dma_semaphore, #tpu.memory_space<semaphore_mem>>
        %dma_start3A_96 = arith.constant 0 : i32
        %dma_start3A_97 = arith.constant 0 : i32
        %dma_start3A_98 = tpu.memref_slice %arg4[%arg1, %dma_start3A_96, %dma_start3A_97] : memref<16x80x128xi32, #tpu.memory_space<hbm>> -> memref<1x40x128xi32, #tpu.memory_space<hbm>>
        %dma_start3A_99 = tpu.memref_squeeze %dma_start3A_98 : memref<1x40x128xi32, #tpu.memory_space<hbm>> -> memref<40x128xi32, #tpu.memory_space<hbm>>
        %dma_start3A_100 = arith.constant 0 : i32
        %dma_start3A_101 = arith.constant 0 : i32
        %dma_start3A_102 = tpu.memref_slice %arg4[%arg1, %dma_start3A_100, %dma_start3A_101] : memref<16x80x128xi32, #tpu.memory_space<hbm>> -> memref<1x40x128xi32, #tpu.memory_space<hbm>>
        %dma_start3A_103 = tpu.memref_squeeze %dma_start3A_102 : memref<1x40x128xi32, #tpu.memory_space<hbm>> -> memref<40x128xi32, #tpu.memory_space<hbm>>
        tpu.enqueue_dma source(%dma_start3A_103 : memref<40x128xi32, #tpu.memory_space<hbm>>) target(%arg7 : memref<40x128xi32, #tpu.memory_space<vmem>>) target_semaphore(%run_scoped3A : memref<!tpu.dma_semaphore, #tpu.memory_space<semaphore_mem>>)
        %dma_wait3A = arith.constant 0 : i32
        %dma_wait3A_104 = arith.constant 0 : i32
        %dma_wait3A_105 = tpu.memref_slice %arg4[%arg1, %dma_wait3A, %dma_wait3A_104] : memref<16x80x128xi32, #tpu.memory_space<hbm>> -> memref<1x40x128xi32, #tpu.memory_space<hbm>>
        %dma_wait3A_106 = tpu.memref_squeeze %dma_wait3A_105 : memref<1x40x128xi32, #tpu.memory_space<hbm>> -> memref<40x128xi32, #tpu.memory_space<hbm>>
        %dma_wait3A_107 = arith.constant 0 : i32
        %dma_wait3A_108 = arith.constant 0 : i32
        %dma_wait3A_109 = tpu.memref_slice %arg4[%arg1, %dma_wait3A_107, %dma_wait3A_108] : memref<16x80x128xi32, #tpu.memory_space<hbm>> -> memref<1x40x128xi32, #tpu.memory_space<hbm>>
        %dma_wait3A_110 = tpu.memref_squeeze %dma_wait3A_109 : memref<1x40x128xi32, #tpu.memory_space<hbm>> -> memref<40x128xi32, #tpu.memory_space<hbm>>
        tpu.wait_dma2 semaphore(%run_scoped3A : memref<!tpu.dma_semaphore, #tpu.memory_space<semaphore_mem>>) src(%dma_wait3A_110 : memref<40x128xi32, #tpu.memory_space<hbm>>) dst(%arg7 : memref<40x128xi32, #tpu.memory_space<vmem>>)
        tpu.yield
      }) : () -> ()
      "tpu.region"() ({
        %run_scoped3A = tpu.sem_alloc : memref<!tpu.dma_semaphore, #tpu.memory_space<semaphore_mem>>
        %dma_start3A_96 = arith.constant 0 : i32
        %dma_start3A_97 = arith.constant 0 : i32
        %dma_start3A_98 = tpu.memref_slice %arg5[%arg1, %dma_start3A_96, %dma_start3A_97] : memref<16x80x128xi32, #tpu.memory_space<hbm>> -> memref<1x40x128xi32, #tpu.memory_space<hbm>>
        %dma_start3A_99 = tpu.memref_squeeze %dma_start3A_98 : memref<1x40x128xi32, #tpu.memory_space<hbm>> -> memref<40x128xi32, #tpu.memory_space<hbm>>
        %dma_start3A_100 = arith.constant 0 : i32
        %dma_start3A_101 = arith.constant 0 : i32
        %dma_start3A_102 = tpu.memref_slice %arg5[%arg1, %dma_start3A_100, %dma_start3A_101] : memref<16x80x128xi32, #tpu.memory_space<hbm>> -> memref<1x40x128xi32, #tpu.memory_space<hbm>>
        %dma_start3A_103 = tpu.memref_squeeze %dma_start3A_102 : memref<1x40x128xi32, #tpu.memory_space<hbm>> -> memref<40x128xi32, #tpu.memory_space<hbm>>
        tpu.enqueue_dma source(%dma_start3A_103 : memref<40x128xi32, #tpu.memory_space<hbm>>) target(%arg8 : memref<40x128xi32, #tpu.memory_space<vmem>>) target_semaphore(%run_scoped3A : memref<!tpu.dma_semaphore, #tpu.memory_space<semaphore_mem>>)
        %dma_wait3A = arith.constant 0 : i32
        %dma_wait3A_104 = arith.constant 0 : i32
        %dma_wait3A_105 = tpu.memref_slice %arg5[%arg1, %dma_wait3A, %dma_wait3A_104] : memref<16x80x128xi32, #tpu.memory_space<hbm>> -> memref<1x40x128xi32, #tpu.memory_space<hbm>>
        %dma_wait3A_106 = tpu.memref_squeeze %dma_wait3A_105 : memref<1x40x128xi32, #tpu.memory_space<hbm>> -> memref<40x128xi32, #tpu.memory_space<hbm>>
        %dma_wait3A_107 = arith.constant 0 : i32
        %dma_wait3A_108 = arith.constant 0 : i32
        %dma_wait3A_109 = tpu.memref_slice %arg5[%arg1, %dma_wait3A_107, %dma_wait3A_108] : memref<16x80x128xi32, #tpu.memory_space<hbm>> -> memref<1x40x128xi32, #tpu.memory_space<hbm>>
        %dma_wait3A_110 = tpu.memref_squeeze %dma_wait3A_109 : memref<1x40x128xi32, #tpu.memory_space<hbm>> -> memref<40x128xi32, #tpu.memory_space<hbm>>
        tpu.wait_dma2 semaphore(%run_scoped3A : memref<!tpu.dma_semaphore, #tpu.memory_space<semaphore_mem>>) src(%dma_wait3A_110 : memref<40x128xi32, #tpu.memory_space<hbm>>) dst(%arg8 : memref<40x128xi32, #tpu.memory_space<vmem>>)
        tpu.yield
      }) : () -> ()
      %dma_start3A = arith.constant 0 : i32
      %dma_start3A_71 = arith.constant 0 : i32
      %dma_start3A_72 = tpu.memref_slice %arg7[%dma_start3A, %dma_start3A_71] : memref<40x128xi32, #tpu.memory_space<vmem>> -> memref<1x128xi32, #tpu.memory_space<vmem>>
      %dma_start3A_73 = tpu.memref_squeeze %dma_start3A_72 : memref<1x128xi32, #tpu.memory_space<vmem>> -> memref<128xi32, #tpu.memory_space<vmem>>
      %dma_start3A_74 = arith.constant 0 : i32
      %dma_start3A_75 = arith.constant 0 : i32
      %dma_start3A_76 = tpu.memref_slice %arg3[%dma_start3A_74, %dma_start3A_75] : memref<10240x128xf32, #tpu.memory_space<hbm>> -> memref<10240x128xf32, #tpu.memory_space<hbm>>
      tpu.enqueue_indirect_dma source(%dma_start3A_76 : memref<10240x128xf32, #tpu.memory_space<hbm>>) target(%arg9 : memref<128x128xf32, #tpu.memory_space<vmem>>) offsets(%dma_start3A_73 : memref<128xi32, #tpu.memory_space<vmem>>) semaphore(%arg12 : memref<!tpu.dma_semaphore, #tpu.memory_space<semaphore_mem>>)
      %scan3A_77 = arith.constant 0 : i32
      %scan3A_78 = arith.constant 0 : i32
      %scan3A_79 = arith.constant 20 : i32
      %scan3A_80 = arith.addi %scan3A_78, %scan3A_79 : i32
      %scan3A_81 = arith.constant 1 : i32
      scf.for %scan3A_96 = %scan3A_78 to %scan3A_80 step %scan3A_81  : i32 {
        %mul3A_97 = arith.constant 2 : i32
        %mul3A_98 = arith.muli %mul3A_97, %scan3A_96 : i32
        %add3A_99 = arith.constant 1 : i32
        %add3A_100 = arith.addi %mul3A_98, %add3A_99 : i32
        %dma_start3A_101 = arith.constant 0 : i32
        %dma_start3A_102 = tpu.memref_slice %arg7[%add3A_100, %dma_start3A_101] : memref<40x128xi32, #tpu.memory_space<vmem>> -> memref<1x128xi32, #tpu.memory_space<vmem>>
        %dma_start3A_103 = tpu.memref_squeeze %dma_start3A_102 : memref<1x128xi32, #tpu.memory_space<vmem>> -> memref<128xi32, #tpu.memory_space<vmem>>
        %dma_start3A_104 = arith.constant 0 : i32
        %dma_start3A_105 = arith.constant 0 : i32
        %dma_start3A_106 = tpu.memref_slice %arg3[%dma_start3A_104, %dma_start3A_105] : memref<10240x128xf32, #tpu.memory_space<hbm>> -> memref<10240x128xf32, #tpu.memory_space<hbm>>
        tpu.enqueue_indirect_dma source(%dma_start3A_106 : memref<10240x128xf32, #tpu.memory_space<hbm>>) target(%arg10 : memref<128x128xf32, #tpu.memory_space<vmem>>) offsets(%dma_start3A_103 : memref<128xi32, #tpu.memory_space<vmem>>) semaphore(%arg13 : memref<!tpu.dma_semaphore, #tpu.memory_space<semaphore_mem>>)
        %dma_wait3A = arith.constant 0 : i32
        %dma_wait3A_107 = tpu.memref_slice %arg7[%mul3A_98, %dma_wait3A] : memref<40x128xi32, #tpu.memory_space<vmem>> -> memref<1x128xi32, #tpu.memory_space<vmem>>
        %dma_wait3A_108 = tpu.memref_squeeze %dma_wait3A_107 : memref<1x128xi32, #tpu.memory_space<vmem>> -> memref<128xi32, #tpu.memory_space<vmem>>
        %dma_wait3A_109 = arith.constant 0 : i32
        %dma_wait3A_110 = arith.constant 0 : i32
        %dma_wait3A_111 = tpu.memref_slice %arg3[%dma_wait3A_109, %dma_wait3A_110] : memref<10240x128xf32, #tpu.memory_space<hbm>> -> memref<10240x128xf32, #tpu.memory_space<hbm>>
        tpu.wait_indirect_dma semaphore(%arg12 : memref<!tpu.dma_semaphore, #tpu.memory_space<semaphore_mem>>) src(%dma_wait3A_111 : memref<10240x128xf32, #tpu.memory_space<hbm>>) dst(%arg9 : memref<128x128xf32, #tpu.memory_space<vmem>>)
        "tpu.region"() ({
          %run_scoped3A = tpu.sem_alloc : memref<!tpu.dma_semaphore, #tpu.memory_space<semaphore_mem>>
          %dma_start3A_126 = arith.constant 0 : i32
          %dma_start3A_127 = tpu.memref_slice %arg8[%mul3A_98, %dma_start3A_126] : memref<40x128xi32, #tpu.memory_space<vmem>> -> memref<1x128xi32, #tpu.memory_space<vmem>>
          %dma_start3A_128 = tpu.memref_squeeze %dma_start3A_127 : memref<1x128xi32, #tpu.memory_space<vmem>> -> memref<128xi32, #tpu.memory_space<vmem>>
          %dma_start3A_129 = arith.constant 0 : i32
          %dma_start3A_130 = arith.constant 0 : i32
          %dma_start3A_131 = tpu.memref_slice %arg11[%dma_start3A_129, %dma_start3A_130] : memref<10240x128xf32, #tpu.memory_space<vmem_shared>> -> memref<10240x128xf32, #tpu.memory_space<vmem_shared>>
          tpu.enqueue_indirect_dma source(%arg9 : memref<128x128xf32, #tpu.memory_space<vmem>>) target(%dma_start3A_131 : memref<10240x128xf32, #tpu.memory_space<vmem_shared>>) offsets(%dma_start3A_128 : memref<128xi32, #tpu.memory_space<vmem>>) semaphore(%run_scoped3A : memref<!tpu.dma_semaphore, #tpu.memory_space<semaphore_mem>>) {add = true}
          %dma_wait3A_132 = arith.constant 0 : i32
          %dma_wait3A_133 = tpu.memref_slice %arg8[%mul3A_98, %dma_wait3A_132] : memref<40x128xi32, #tpu.memory_space<vmem>> -> memref<1x128xi32, #tpu.memory_space<vmem>>
          %dma_wait3A_134 = tpu.memref_squeeze %dma_wait3A_133 : memref<1x128xi32, #tpu.memory_space<vmem>> -> memref<128xi32, #tpu.memory_space<vmem>>
          %dma_wait3A_135 = arith.constant 0 : i32
          %dma_wait3A_136 = arith.constant 0 : i32
          %dma_wait3A_137 = tpu.memref_slice %arg11[%dma_wait3A_135, %dma_wait3A_136] : memref<10240x128xf32, #tpu.memory_space<vmem_shared>> -> memref<10240x128xf32, #tpu.memory_space<vmem_shared>>
          tpu.wait_indirect_dma semaphore(%run_scoped3A : memref<!tpu.dma_semaphore, #tpu.memory_space<semaphore_mem>>) src(%arg9 : memref<128x128xf32, #tpu.memory_space<vmem>>) dst(%dma_wait3A_137 : memref<10240x128xf32, #tpu.memory_space<vmem_shared>>)
          tpu.yield
        }) : () -> ()
        %add3A_112 = arith.constant 2 : i32
        %add3A_113 = arith.addi %mul3A_98, %add3A_112 : i32
        %lt3A = arith.constant 40 : i32
        %lt3A_114 = arith.cmpi slt, %add3A_113, %lt3A : i32
        %convert_element_type3A_115 = arith.extui %lt3A_114 : i1 to i32
        %cond3A_116 = arith.constant 0 : i32
        %cond3A_117 = arith.cmpi ne, %convert_element_type3A_115, %cond3A_116 : i32
        scf.if %cond3A_117 {
          %add3A_126 = arith.constant 2 : i32
          %add3A_127 = arith.addi %mul3A_98, %add3A_126 : i32
          %dma_start3A_128 = arith.constant 0 : i32
          %dma_start3A_129 = tpu.memref_slice %arg7[%add3A_127, %dma_start3A_128] : memref<40x128xi32, #tpu.memory_space<vmem>> -> memref<1x128xi32, #tpu.memory_space<vmem>>
          %dma_start3A_130 = tpu.memref_squeeze %dma_start3A_129 : memref<1x128xi32, #tpu.memory_space<vmem>> -> memref<128xi32, #tpu.memory_space<vmem>>
          %dma_start3A_131 = arith.constant 0 : i32
          %dma_start3A_132 = arith.constant 0 : i32
          %dma_start3A_133 = tpu.memref_slice %arg3[%dma_start3A_131, %dma_start3A_132] : memref<10240x128xf32, #tpu.memory_space<hbm>> -> memref<10240x128xf32, #tpu.memory_space<hbm>>
          tpu.enqueue_indirect_dma source(%dma_start3A_133 : memref<10240x128xf32, #tpu.memory_space<hbm>>) target(%arg9 : memref<128x128xf32, #tpu.memory_space<vmem>>) offsets(%dma_start3A_130 : memref<128xi32, #tpu.memory_space<vmem>>) semaphore(%arg12 : memref<!tpu.dma_semaphore, #tpu.memory_space<semaphore_mem>>)
        } else {
        }
        %add3A_118 = arith.constant 1 : i32
        %add3A_119 = arith.addi %mul3A_98, %add3A_118 : i32
        %dma_wait3A_120 = arith.constant 0 : i32
        %dma_wait3A_121 = tpu.memref_slice %arg7[%add3A_119, %dma_wait3A_120] : memref<40x128xi32, #tpu.memory_space<vmem>> -> memref<1x128xi32, #tpu.memory_space<vmem>>
        %dma_wait3A_122 = tpu.memref_squeeze %dma_wait3A_121 : memref<1x128xi32, #tpu.memory_space<vmem>> -> memref<128xi32, #tpu.memory_space<vmem>>
        %dma_wait3A_123 = arith.constant 0 : i32
        %dma_wait3A_124 = arith.constant 0 : i32
        %dma_wait3A_125 = tpu.memref_slice %arg3[%dma_wait3A_123, %dma_wait3A_124] : memref<10240x128xf32, #tpu.memory_space<hbm>> -> memref<10240x128xf32, #tpu.memory_space<hbm>>
        tpu.wait_indirect_dma semaphore(%arg13 : memref<!tpu.dma_semaphore, #tpu.memory_space<semaphore_mem>>) src(%dma_wait3A_125 : memref<10240x128xf32, #tpu.memory_space<hbm>>) dst(%arg10 : memref<128x128xf32, #tpu.memory_space<vmem>>)
        "tpu.region"() ({
          %run_scoped3A = tpu.sem_alloc : memref<!tpu.dma_semaphore, #tpu.memory_space<semaphore_mem>>
          %dma_start3A_126 = arith.constant 0 : i32
          %dma_start3A_127 = tpu.memref_slice %arg8[%add3A_119, %dma_start3A_126] : memref<40x128xi32, #tpu.memory_space<vmem>> -> memref<1x128xi32, #tpu.memory_space<vmem>>
          %dma_start3A_128 = tpu.memref_squeeze %dma_start3A_127 : memref<1x128xi32, #tpu.memory_space<vmem>> -> memref<128xi32, #tpu.memory_space<vmem>>
          %dma_start3A_129 = arith.constant 0 : i32
          %dma_start3A_130 = arith.constant 0 : i32
          %dma_start3A_131 = tpu.memref_slice %arg11[%dma_start3A_129, %dma_start3A_130] : memref<10240x128xf32, #tpu.memory_space<vmem_shared>> -> memref<10240x128xf32, #tpu.memory_space<vmem_shared>>
          tpu.enqueue_indirect_dma source(%arg10 : memref<128x128xf32, #tpu.memory_space<vmem>>) target(%dma_start3A_131 : memref<10240x128xf32, #tpu.memory_space<vmem_shared>>) offsets(%dma_start3A_128 : memref<128xi32, #tpu.memory_space<vmem>>) semaphore(%run_scoped3A : memref<!tpu.dma_semaphore, #tpu.memory_space<semaphore_mem>>) {add = true}
          %dma_wait3A_132 = arith.constant 0 : i32
          %dma_wait3A_133 = tpu.memref_slice %arg8[%add3A_119, %dma_wait3A_132] : memref<40x128xi32, #tpu.memory_space<vmem>> -> memref<1x128xi32, #tpu.memory_space<vmem>>
          %dma_wait3A_134 = tpu.memref_squeeze %dma_wait3A_133 : memref<1x128xi32, #tpu.memory_space<vmem>> -> memref<128xi32, #tpu.memory_space<vmem>>
          %dma_wait3A_135 = arith.constant 0 : i32
          %dma_wait3A_136 = arith.constant 0 : i32
          %dma_wait3A_137 = tpu.memref_slice %arg11[%dma_wait3A_135, %dma_wait3A_136] : memref<10240x128xf32, #tpu.memory_space<vmem_shared>> -> memref<10240x128xf32, #tpu.memory_space<vmem_shared>>
          tpu.wait_indirect_dma semaphore(%run_scoped3A : memref<!tpu.dma_semaphore, #tpu.memory_space<semaphore_mem>>) src(%arg10 : memref<128x128xf32, #tpu.memory_space<vmem>>) dst(%dma_wait3A_137 : memref<10240x128xf32, #tpu.memory_space<vmem_shared>>)
          tpu.yield
        }) : () -> ()
      }
      %scan3A_82 = arith.constant 20 : i32
      "tpu.region"() ({
        %run_scoped3A = tpu.sem_alloc : memref<!tpu.dma_semaphore, #tpu.memory_space<semaphore_mem>>
        %dma_start3A_96 = arith.constant 40 : i32
        %dma_start3A_97 = arith.constant 0 : i32
        %dma_start3A_98 = tpu.memref_slice %arg4[%arg1, %dma_start3A_96, %dma_start3A_97] : memref<16x80x128xi32, #tpu.memory_space<hbm>> -> memref<1x40x128xi32, #tpu.memory_space<hbm>>
        %dma_start3A_99 = tpu.memref_squeeze %dma_start3A_98 : memref<1x40x128xi32, #tpu.memory_space<hbm>> -> memref<40x128xi32, #tpu.memory_space<hbm>>
        %dma_start3A_100 = arith.constant 40 : i32
        %dma_start3A_101 = arith.constant 0 : i32
        %dma_start3A_102 = tpu.memref_slice %arg4[%arg1, %dma_start3A_100, %dma_start3A_101] : memref<16x80x128xi32, #tpu.memory_space<hbm>> -> memref<1x40x128xi32, #tpu.memory_space<hbm>>
        %dma_start3A_103 = tpu.memref_squeeze %dma_start3A_102 : memref<1x40x128xi32, #tpu.memory_space<hbm>> -> memref<40x128xi32, #tpu.memory_space<hbm>>
        tpu.enqueue_dma source(%dma_start3A_103 : memref<40x128xi32, #tpu.memory_space<hbm>>) target(%arg7 : memref<40x128xi32, #tpu.memory_space<vmem>>) target_semaphore(%run_scoped3A : memref<!tpu.dma_semaphore, #tpu.memory_space<semaphore_mem>>)
        %dma_wait3A = arith.constant 40 : i32
        %dma_wait3A_104 = arith.constant 0 : i32
        %dma_wait3A_105 = tpu.memref_slice %arg4[%arg1, %dma_wait3A, %dma_wait3A_104] : memref<16x80x128xi32, #tpu.memory_space<hbm>> -> memref<1x40x128xi32, #tpu.memory_space<hbm>>
        %dma_wait3A_106 = tpu.memref_squeeze %dma_wait3A_105 : memref<1x40x128xi32, #tpu.memory_space<hbm>> -> memref<40x128xi32, #tpu.memory_space<hbm>>
        %dma_wait3A_107 = arith.constant 40 : i32
        %dma_wait3A_108 = arith.constant 0 : i32
        %dma_wait3A_109 = tpu.memref_slice %arg4[%arg1, %dma_wait3A_107, %dma_wait3A_108] : memref<16x80x128xi32, #tpu.memory_space<hbm>> -> memref<1x40x128xi32, #tpu.memory_space<hbm>>
        %dma_wait3A_110 = tpu.memref_squeeze %dma_wait3A_109 : memref<1x40x128xi32, #tpu.memory_space<hbm>> -> memref<40x128xi32, #tpu.memory_space<hbm>>
        tpu.wait_dma2 semaphore(%run_scoped3A : memref<!tpu.dma_semaphore, #tpu.memory_space<semaphore_mem>>) src(%dma_wait3A_110 : memref<40x128xi32, #tpu.memory_space<hbm>>) dst(%arg7 : memref<40x128xi32, #tpu.memory_space<vmem>>)
        tpu.yield
      }) : () -> ()
      "tpu.region"() ({
        %run_scoped3A = tpu.sem_alloc : memref<!tpu.dma_semaphore, #tpu.memory_space<semaphore_mem>>
        %dma_start3A_96 = arith.constant 40 : i32
        %dma_start3A_97 = arith.constant 0 : i32
        %dma_start3A_98 = tpu.memref_slice %arg5[%arg1, %dma_start3A_96, %dma_start3A_97] : memref<16x80x128xi32, #tpu.memory_space<hbm>> -> memref<1x40x128xi32, #tpu.memory_space<hbm>>
        %dma_start3A_99 = tpu.memref_squeeze %dma_start3A_98 : memref<1x40x128xi32, #tpu.memory_space<hbm>> -> memref<40x128xi32, #tpu.memory_space<hbm>>
        %dma_start3A_100 = arith.constant 40 : i32
        %dma_start3A_101 = arith.constant 0 : i32
        %dma_start3A_102 = tpu.memref_slice %arg5[%arg1, %dma_start3A_100, %dma_start3A_101] : memref<16x80x128xi32, #tpu.memory_space<hbm>> -> memref<1x40x128xi32, #tpu.memory_space<hbm>>
        %dma_start3A_103 = tpu.memref_squeeze %dma_start3A_102 : memref<1x40x128xi32, #tpu.memory_space<hbm>> -> memref<40x128xi32, #tpu.memory_space<hbm>>
        tpu.enqueue_dma source(%dma_start3A_103 : memref<40x128xi32, #tpu.memory_space<hbm>>) target(%arg8 : memref<40x128xi32, #tpu.memory_space<vmem>>) target_semaphore(%run_scoped3A : memref<!tpu.dma_semaphore, #tpu.memory_space<semaphore_mem>>)
        %dma_wait3A = arith.constant 40 : i32
        %dma_wait3A_104 = arith.constant 0 : i32
        %dma_wait3A_105 = tpu.memref_slice %arg5[%arg1, %dma_wait3A, %dma_wait3A_104] : memref<16x80x128xi32, #tpu.memory_space<hbm>> -> memref<1x40x128xi32, #tpu.memory_space<hbm>>
        %dma_wait3A_106 = tpu.memref_squeeze %dma_wait3A_105 : memref<1x40x128xi32, #tpu.memory_space<hbm>> -> memref<40x128xi32, #tpu.memory_space<hbm>>
        %dma_wait3A_107 = arith.constant 40 : i32
        %dma_wait3A_108 = arith.constant 0 : i32
        %dma_wait3A_109 = tpu.memref_slice %arg5[%arg1, %dma_wait3A_107, %dma_wait3A_108] : memref<16x80x128xi32, #tpu.memory_space<hbm>> -> memref<1x40x128xi32, #tpu.memory_space<hbm>>
        %dma_wait3A_110 = tpu.memref_squeeze %dma_wait3A_109 : memref<1x40x128xi32, #tpu.memory_space<hbm>> -> memref<40x128xi32, #tpu.memory_space<hbm>>
        tpu.wait_dma2 semaphore(%run_scoped3A : memref<!tpu.dma_semaphore, #tpu.memory_space<semaphore_mem>>) src(%dma_wait3A_110 : memref<40x128xi32, #tpu.memory_space<hbm>>) dst(%arg8 : memref<40x128xi32, #tpu.memory_space<vmem>>)
        tpu.yield
      }) : () -> ()
      %dma_start3A_83 = arith.constant 0 : i32
      %dma_start3A_84 = arith.constant 0 : i32
      %dma_start3A_85 = tpu.memref_slice %arg7[%dma_start3A_83, %dma_start3A_84] : memref<40x128xi32, #tpu.memory_space<vmem>> -> memref<1x128xi32, #tpu.memory_space<vmem>>
      %dma_start3A_86 = tpu.memref_squeeze %dma_start3A_85 : memref<1x128xi32, #tpu.memory_space<vmem>> -> memref<128xi32, #tpu.memory_space<vmem>>
      %dma_start3A_87 = arith.constant 0 : i32
      %dma_start3A_88 = arith.constant 0 : i32
      %dma_start3A_89 = tpu.memref_slice %arg3[%dma_start3A_87, %dma_start3A_88] : memref<10240x128xf32, #tpu.memory_space<hbm>> -> memref<10240x128xf32, #tpu.memory_space<hbm>>
      tpu.enqueue_indirect_dma source(%dma_start3A_89 : memref<10240x128xf32, #tpu.memory_space<hbm>>) target(%arg9 : memref<128x128xf32, #tpu.memory_space<vmem>>) offsets(%dma_start3A_86 : memref<128xi32, #tpu.memory_space<vmem>>) semaphore(%arg12 : memref<!tpu.dma_semaphore, #tpu.memory_space<semaphore_mem>>)
      %scan3A_90 = arith.constant 0 : i32
      %scan3A_91 = arith.constant 0 : i32
      %scan3A_92 = arith.constant 20 : i32
      %scan3A_93 = arith.addi %scan3A_91, %scan3A_92 : i32
      %scan3A_94 = arith.constant 1 : i32
      scf.for %scan3A_96 = %scan3A_91 to %scan3A_93 step %scan3A_94  : i32 {
        %mul3A_97 = arith.constant 2 : i32
        %mul3A_98 = arith.muli %mul3A_97, %scan3A_96 : i32
        %add3A_99 = arith.constant 1 : i32
        %add3A_100 = arith.addi %mul3A_98, %add3A_99 : i32
        %dma_start3A_101 = arith.constant 0 : i32
        %dma_start3A_102 = tpu.memref_slice %arg7[%add3A_100, %dma_start3A_101] : memref<40x128xi32, #tpu.memory_space<vmem>> -> memref<1x128xi32, #tpu.memory_space<vmem>>
        %dma_start3A_103 = tpu.memref_squeeze %dma_start3A_102 : memref<1x128xi32, #tpu.memory_space<vmem>> -> memref<128xi32, #tpu.memory_space<vmem>>
        %dma_start3A_104 = arith.constant 0 : i32
        %dma_start3A_105 = arith.constant 0 : i32
        %dma_start3A_106 = tpu.memref_slice %arg3[%dma_start3A_104, %dma_start3A_105] : memref<10240x128xf32, #tpu.memory_space<hbm>> -> memref<10240x128xf32, #tpu.memory_space<hbm>>
        tpu.enqueue_indirect_dma source(%dma_start3A_106 : memref<10240x128xf32, #tpu.memory_space<hbm>>) target(%arg10 : memref<128x128xf32, #tpu.memory_space<vmem>>) offsets(%dma_start3A_103 : memref<128xi32, #tpu.memory_space<vmem>>) semaphore(%arg13 : memref<!tpu.dma_semaphore, #tpu.memory_space<semaphore_mem>>)
        %dma_wait3A = arith.constant 0 : i32
        %dma_wait3A_107 = tpu.memref_slice %arg7[%mul3A_98, %dma_wait3A] : memref<40x128xi32, #tpu.memory_space<vmem>> -> memref<1x128xi32, #tpu.memory_space<vmem>>
        %dma_wait3A_108 = tpu.memref_squeeze %dma_wait3A_107 : memref<1x128xi32, #tpu.memory_space<vmem>> -> memref<128xi32, #tpu.memory_space<vmem>>
        %dma_wait3A_109 = arith.constant 0 : i32
        %dma_wait3A_110 = arith.constant 0 : i32
        %dma_wait3A_111 = tpu.memref_slice %arg3[%dma_wait3A_109, %dma_wait3A_110] : memref<10240x128xf32, #tpu.memory_space<hbm>> -> memref<10240x128xf32, #tpu.memory_space<hbm>>
        tpu.wait_indirect_dma semaphore(%arg12 : memref<!tpu.dma_semaphore, #tpu.memory_space<semaphore_mem>>) src(%dma_wait3A_111 : memref<10240x128xf32, #tpu.memory_space<hbm>>) dst(%arg9 : memref<128x128xf32, #tpu.memory_space<vmem>>)
        "tpu.region"() ({
          %run_scoped3A = tpu.sem_alloc : memref<!tpu.dma_semaphore, #tpu.memory_space<semaphore_mem>>
          %dma_start3A_126 = arith.constant 0 : i32
          %dma_start3A_127 = tpu.memref_slice %arg8[%mul3A_98, %dma_start3A_126] : memref<40x128xi32, #tpu.memory_space<vmem>> -> memref<1x128xi32, #tpu.memory_space<vmem>>
          %dma_start3A_128 = tpu.memref_squeeze %dma_start3A_127 : memref<1x128xi32, #tpu.memory_space<vmem>> -> memref<128xi32, #tpu.memory_space<vmem>>
          %dma_start3A_129 = arith.constant 0 : i32
          %dma_start3A_130 = arith.constant 0 : i32
          %dma_start3A_131 = tpu.memref_slice %arg11[%dma_start3A_129, %dma_start3A_130] : memref<10240x128xf32, #tpu.memory_space<vmem_shared>> -> memref<10240x128xf32, #tpu.memory_space<vmem_shared>>
          tpu.enqueue_indirect_dma source(%arg9 : memref<128x128xf32, #tpu.memory_space<vmem>>) target(%dma_start3A_131 : memref<10240x128xf32, #tpu.memory_space<vmem_shared>>) offsets(%dma_start3A_128 : memref<128xi32, #tpu.memory_space<vmem>>) semaphore(%run_scoped3A : memref<!tpu.dma_semaphore, #tpu.memory_space<semaphore_mem>>) {add = true}
          %dma_wait3A_132 = arith.constant 0 : i32
          %dma_wait3A_133 = tpu.memref_slice %arg8[%mul3A_98, %dma_wait3A_132] : memref<40x128xi32, #tpu.memory_space<vmem>> -> memref<1x128xi32, #tpu.memory_space<vmem>>
          %dma_wait3A_134 = tpu.memref_squeeze %dma_wait3A_133 : memref<1x128xi32, #tpu.memory_space<vmem>> -> memref<128xi32, #tpu.memory_space<vmem>>
          %dma_wait3A_135 = arith.constant 0 : i32
          %dma_wait3A_136 = arith.constant 0 : i32
          %dma_wait3A_137 = tpu.memref_slice %arg11[%dma_wait3A_135, %dma_wait3A_136] : memref<10240x128xf32, #tpu.memory_space<vmem_shared>> -> memref<10240x128xf32, #tpu.memory_space<vmem_shared>>
          tpu.wait_indirect_dma semaphore(%run_scoped3A : memref<!tpu.dma_semaphore, #tpu.memory_space<semaphore_mem>>) src(%arg9 : memref<128x128xf32, #tpu.memory_space<vmem>>) dst(%dma_wait3A_137 : memref<10240x128xf32, #tpu.memory_space<vmem_shared>>)
          tpu.yield
        }) : () -> ()
        %add3A_112 = arith.constant 2 : i32
        %add3A_113 = arith.addi %mul3A_98, %add3A_112 : i32
        %lt3A = arith.constant 40 : i32
        %lt3A_114 = arith.cmpi slt, %add3A_113, %lt3A : i32
        %convert_element_type3A_115 = arith.extui %lt3A_114 : i1 to i32
        %cond3A_116 = arith.constant 0 : i32
        %cond3A_117 = arith.cmpi ne, %convert_element_type3A_115, %cond3A_116 : i32
        scf.if %cond3A_117 {
          %add3A_126 = arith.constant 2 : i32
          %add3A_127 = arith.addi %mul3A_98, %add3A_126 : i32
          %dma_start3A_128 = arith.constant 0 : i32
          %dma_start3A_129 = tpu.memref_slice %arg7[%add3A_127, %dma_start3A_128] : memref<40x128xi32, #tpu.memory_space<vmem>> -> memref<1x128xi32, #tpu.memory_space<vmem>>
          %dma_start3A_130 = tpu.memref_squeeze %dma_start3A_129 : memref<1x128xi32, #tpu.memory_space<vmem>> -> memref<128xi32, #tpu.memory_space<vmem>>
          %dma_start3A_131 = arith.constant 0 : i32
          %dma_start3A_132 = arith.constant 0 : i32
          %dma_start3A_133 = tpu.memref_slice %arg3[%dma_start3A_131, %dma_start3A_132] : memref<10240x128xf32, #tpu.memory_space<hbm>> -> memref<10240x128xf32, #tpu.memory_space<hbm>>
          tpu.enqueue_indirect_dma source(%dma_start3A_133 : memref<10240x128xf32, #tpu.memory_space<hbm>>) target(%arg9 : memref<128x128xf32, #tpu.memory_space<vmem>>) offsets(%dma_start3A_130 : memref<128xi32, #tpu.memory_space<vmem>>) semaphore(%arg12 : memref<!tpu.dma_semaphore, #tpu.memory_space<semaphore_mem>>)
        } else {
        }
        %add3A_118 = arith.constant 1 : i32
        %add3A_119 = arith.addi %mul3A_98, %add3A_118 : i32
        %dma_wait3A_120 = arith.constant 0 : i32
        %dma_wait3A_121 = tpu.memref_slice %arg7[%add3A_119, %dma_wait3A_120] : memref<40x128xi32, #tpu.memory_space<vmem>> -> memref<1x128xi32, #tpu.memory_space<vmem>>
        %dma_wait3A_122 = tpu.memref_squeeze %dma_wait3A_121 : memref<1x128xi32, #tpu.memory_space<vmem>> -> memref<128xi32, #tpu.memory_space<vmem>>
        %dma_wait3A_123 = arith.constant 0 : i32
        %dma_wait3A_124 = arith.constant 0 : i32
        %dma_wait3A_125 = tpu.memref_slice %arg3[%dma_wait3A_123, %dma_wait3A_124] : memref<10240x128xf32, #tpu.memory_space<hbm>> -> memref<10240x128xf32, #tpu.memory_space<hbm>>
        tpu.wait_indirect_dma semaphore(%arg13 : memref<!tpu.dma_semaphore, #tpu.memory_space<semaphore_mem>>) src(%dma_wait3A_125 : memref<10240x128xf32, #tpu.memory_space<hbm>>) dst(%arg10 : memref<128x128xf32, #tpu.memory_space<vmem>>)
        "tpu.region"() ({
          %run_scoped3A = tpu.sem_alloc : memref<!tpu.dma_semaphore, #tpu.memory_space<semaphore_mem>>
          %dma_start3A_126 = arith.constant 0 : i32
          %dma_start3A_127 = tpu.memref_slice %arg8[%add3A_119, %dma_start3A_126] : memref<40x128xi32, #tpu.memory_space<vmem>> -> memref<1x128xi32, #tpu.memory_space<vmem>>
          %dma_start3A_128 = tpu.memref_squeeze %dma_start3A_127 : memref<1x128xi32, #tpu.memory_space<vmem>> -> memref<128xi32, #tpu.memory_space<vmem>>
          %dma_start3A_129 = arith.constant 0 : i32
          %dma_start3A_130 = arith.constant 0 : i32
          %dma_start3A_131 = tpu.memref_slice %arg11[%dma_start3A_129, %dma_start3A_130] : memref<10240x128xf32, #tpu.memory_space<vmem_shared>> -> memref<10240x128xf32, #tpu.memory_space<vmem_shared>>
          tpu.enqueue_indirect_dma source(%arg10 : memref<128x128xf32, #tpu.memory_space<vmem>>) target(%dma_start3A_131 : memref<10240x128xf32, #tpu.memory_space<vmem_shared>>) offsets(%dma_start3A_128 : memref<128xi32, #tpu.memory_space<vmem>>) semaphore(%run_scoped3A : memref<!tpu.dma_semaphore, #tpu.memory_space<semaphore_mem>>) {add = true}
          %dma_wait3A_132 = arith.constant 0 : i32
          %dma_wait3A_133 = tpu.memref_slice %arg8[%add3A_119, %dma_wait3A_132] : memref<40x128xi32, #tpu.memory_space<vmem>> -> memref<1x128xi32, #tpu.memory_space<vmem>>
          %dma_wait3A_134 = tpu.memref_squeeze %dma_wait3A_133 : memref<1x128xi32, #tpu.memory_space<vmem>> -> memref<128xi32, #tpu.memory_space<vmem>>
          %dma_wait3A_135 = arith.constant 0 : i32
          %dma_wait3A_136 = arith.constant 0 : i32
          %dma_wait3A_137 = tpu.memref_slice %arg11[%dma_wait3A_135, %dma_wait3A_136] : memref<10240x128xf32, #tpu.memory_space<vmem_shared>> -> memref<10240x128xf32, #tpu.memory_space<vmem_shared>>
          tpu.wait_indirect_dma semaphore(%run_scoped3A : memref<!tpu.dma_semaphore, #tpu.memory_space<semaphore_mem>>) src(%arg10 : memref<128x128xf32, #tpu.memory_space<vmem>>) dst(%dma_wait3A_137 : memref<10240x128xf32, #tpu.memory_space<vmem_shared>>)
          tpu.yield
        }) : () -> ()
      }
      %scan3A_95 = arith.constant 20 : i32
    } else {
    }
    %barrier3A_30 = arith.constant 0 : index
    tpu.barrier barrier_id(%barrier3A_30)
    %mul3A_31 = arith.constant 640 : i32
    %mul3A_32 = arith.muli %arg1, %mul3A_31 : i32
    %add3A_33 = arith.constant 0 : i32
    %add3A_34 = arith.addi %mul3A_32, %add3A_33 : i32
    "tpu.region"() ({
      %run_scoped3A = tpu.sem_alloc : memref<!tpu.dma_semaphore, #tpu.memory_space<semaphore_mem>>
      %dma_start3A = arith.constant 0 : i32
      %dma_start3A_71 = tpu.memref_slice %arg11[%add3A_34, %dma_start3A] : memref<10240x128xf32, #tpu.memory_space<vmem_shared>> -> memref<128x128xf32, #tpu.memory_space<vmem_shared>>
      %dma_start3A_72 = arith.constant 0 : i32
      %dma_start3A_73 = tpu.memref_slice %arg11[%add3A_34, %dma_start3A_72] : memref<10240x128xf32, #tpu.memory_space<vmem_shared>> -> memref<128x128xf32, #tpu.memory_space<vmem_shared>>
      tpu.enqueue_dma source(%dma_start3A_73 : memref<128x128xf32, #tpu.memory_space<vmem_shared>>) target(%arg9 : memref<128x128xf32, #tpu.memory_space<vmem>>) target_semaphore(%run_scoped3A : memref<!tpu.dma_semaphore, #tpu.memory_space<semaphore_mem>>)
      %dma_wait3A = arith.constant 0 : i32
      %dma_wait3A_74 = tpu.memref_slice %arg11[%add3A_34, %dma_wait3A] : memref<10240x128xf32, #tpu.memory_space<vmem_shared>> -> memref<128x128xf32, #tpu.memory_space<vmem_shared>>
      %dma_wait3A_75 = arith.constant 0 : i32
      %dma_wait3A_76 = tpu.memref_slice %arg11[%add3A_34, %dma_wait3A_75] : memref<10240x128xf32, #tpu.memory_space<vmem_shared>> -> memref<128x128xf32, #tpu.memory_space<vmem_shared>>
      tpu.wait_dma2 semaphore(%run_scoped3A : memref<!tpu.dma_semaphore, #tpu.memory_space<semaphore_mem>>) src(%dma_wait3A_76 : memref<128x128xf32, #tpu.memory_space<vmem_shared>>) dst(%arg9 : memref<128x128xf32, #tpu.memory_space<vmem>>)
      tpu.yield
    }) : () -> ()
    %mul3A_35 = arith.constant 640 : i32
    %mul3A_36 = arith.muli %arg1, %mul3A_35 : i32
    %add3A_37 = arith.constant 0 : i32
    %add3A_38 = arith.addi %mul3A_36, %add3A_37 : i32
    "tpu.region"() ({
      %run_scoped3A = tpu.sem_alloc : memref<!tpu.dma_semaphore, #tpu.memory_space<semaphore_mem>>
      %dma_start3A = arith.constant 0 : i32
      %dma_start3A_71 = tpu.memref_slice %arg6[%arg0, %add3A_38, %dma_start3A] : memref<2x10240x128xf32, #tpu.memory_space<hbm>> -> memref<1x128x128xf32, #tpu.memory_space<hbm>>
      %dma_start3A_72 = tpu.memref_squeeze %dma_start3A_71 : memref<1x128x128xf32, #tpu.memory_space<hbm>> -> memref<128x128xf32, #tpu.memory_space<hbm>>
      %dma_start3A_73 = arith.constant 0 : i32
      %dma_start3A_74 = tpu.memref_slice %arg6[%arg0, %add3A_38, %dma_start3A_73] : memref<2x10240x128xf32, #tpu.memory_space<hbm>> -> memref<1x128x128xf32, #tpu.memory_space<hbm>>
      %dma_start3A_75 = tpu.memref_squeeze %dma_start3A_74 : memref<1x128x128xf32, #tpu.memory_space<hbm>> -> memref<128x128xf32, #tpu.memory_space<hbm>>
      tpu.enqueue_dma source(%arg9 : memref<128x128xf32, #tpu.memory_space<vmem>>) target(%dma_start3A_75 : memref<128x128xf32, #tpu.memory_space<hbm>>) target_semaphore(%run_scoped3A : memref<!tpu.dma_semaphore, #tpu.memory_space<semaphore_mem>>)
      %dma_wait3A = arith.constant 0 : i32
      %dma_wait3A_76 = tpu.memref_slice %arg6[%arg0, %add3A_38, %dma_wait3A] : memref<2x10240x128xf32, #tpu.memory_space<hbm>> -> memref<1x128x128xf32, #tpu.memory_space<hbm>>
      %dma_wait3A_77 = tpu.memref_squeeze %dma_wait3A_76 : memref<1x128x128xf32, #tpu.memory_space<hbm>> -> memref<128x128xf32, #tpu.memory_space<hbm>>
      %dma_wait3A_78 = arith.constant 0 : i32
      %dma_wait3A_79 = tpu.memref_slice %arg6[%arg0, %add3A_38, %dma_wait3A_78] : memref<2x10240x128xf32, #tpu.memory_space<hbm>> -> memref<1x128x128xf32, #tpu.memory_space<hbm>>
      %dma_wait3A_80 = tpu.memref_squeeze %dma_wait3A_79 : memref<1x128x128xf32, #tpu.memory_space<hbm>> -> memref<128x128xf32, #tpu.memory_space<hbm>>
      tpu.wait_dma2 semaphore(%run_scoped3A : memref<!tpu.dma_semaphore, #tpu.memory_space<semaphore_mem>>) src(%arg9 : memref<128x128xf32, #tpu.memory_space<vmem>>) dst(%dma_wait3A_80 : memref<128x128xf32, #tpu.memory_space<hbm>>)
      tpu.yield
    }) : () -> ()
    %mul3A_39 = arith.constant 640 : i32
    %mul3A_40 = arith.muli %arg1, %mul3A_39 : i32
    %add3A_41 = arith.constant 128 : i32
    %add3A_42 = arith.addi %mul3A_40, %add3A_41 : i32
    "tpu.region"() ({
      %run_scoped3A = tpu.sem_alloc : memref<!tpu.dma_semaphore, #tpu.memory_space<semaphore_mem>>
      %dma_start3A = arith.constant 0 : i32
      %dma_start3A_71 = tpu.memref_slice %arg11[%add3A_42, %dma_start3A] : memref<10240x128xf32, #tpu.memory_space<vmem_shared>> -> memref<128x128xf32, #tpu.memory_space<vmem_shared>>
      %dma_start3A_72 = arith.constant 0 : i32
      %dma_start3A_73 = tpu.memref_slice %arg11[%add3A_42, %dma_start3A_72] : memref<10240x128xf32, #tpu.memory_space<vmem_shared>> -> memref<128x128xf32, #tpu.memory_space<vmem_shared>>
      tpu.enqueue_dma source(%dma_start3A_73 : memref<128x128xf32, #tpu.memory_space<vmem_shared>>) target(%arg9 : memref<128x128xf32, #tpu.memory_space<vmem>>) target_semaphore(%run_scoped3A : memref<!tpu.dma_semaphore, #tpu.memory_space<semaphore_mem>>)
      %dma_wait3A = arith.constant 0 : i32
      %dma_wait3A_74 = tpu.memref_slice %arg11[%add3A_42, %dma_wait3A] : memref<10240x128xf32, #tpu.memory_space<vmem_shared>> -> memref<128x128xf32, #tpu.memory_space<vmem_shared>>
      %dma_wait3A_75 = arith.constant 0 : i32
      %dma_wait3A_76 = tpu.memref_slice %arg11[%add3A_42, %dma_wait3A_75] : memref<10240x128xf32, #tpu.memory_space<vmem_shared>> -> memref<128x128xf32, #tpu.memory_space<vmem_shared>>
      tpu.wait_dma2 semaphore(%run_scoped3A : memref<!tpu.dma_semaphore, #tpu.memory_space<semaphore_mem>>) src(%dma_wait3A_76 : memref<128x128xf32, #tpu.memory_space<vmem_shared>>) dst(%arg9 : memref<128x128xf32, #tpu.memory_space<vmem>>)
      tpu.yield
    }) : () -> ()
    %mul3A_43 = arith.constant 640 : i32
    %mul3A_44 = arith.muli %arg1, %mul3A_43 : i32
    %add3A_45 = arith.constant 128 : i32
    %add3A_46 = arith.addi %mul3A_44, %add3A_45 : i32
    "tpu.region"() ({
      %run_scoped3A = tpu.sem_alloc : memref<!tpu.dma_semaphore, #tpu.memory_space<semaphore_mem>>
      %dma_start3A = arith.constant 0 : i32
      %dma_start3A_71 = tpu.memref_slice %arg6[%arg0, %add3A_46, %dma_start3A] : memref<2x10240x128xf32, #tpu.memory_space<hbm>> -> memref<1x128x128xf32, #tpu.memory_space<hbm>>
      %dma_start3A_72 = tpu.memref_squeeze %dma_start3A_71 : memref<1x128x128xf32, #tpu.memory_space<hbm>> -> memref<128x128xf32, #tpu.memory_space<hbm>>
      %dma_start3A_73 = arith.constant 0 : i32
      %dma_start3A_74 = tpu.memref_slice %arg6[%arg0, %add3A_46, %dma_start3A_73] : memref<2x10240x128xf32, #tpu.memory_space<hbm>> -> memref<1x128x128xf32, #tpu.memory_space<hbm>>
      %dma_start3A_75 = tpu.memref_squeeze %dma_start3A_74 : memref<1x128x128xf32, #tpu.memory_space<hbm>> -> memref<128x128xf32, #tpu.memory_space<hbm>>
      tpu.enqueue_dma source(%arg9 : memref<128x128xf32, #tpu.memory_space<vmem>>) target(%dma_start3A_75 : memref<128x128xf32, #tpu.memory_space<hbm>>) target_semaphore(%run_scoped3A : memref<!tpu.dma_semaphore, #tpu.memory_space<semaphore_mem>>)
      %dma_wait3A = arith.constant 0 : i32
      %dma_wait3A_76 = tpu.memref_slice %arg6[%arg0, %add3A_46, %dma_wait3A] : memref<2x10240x128xf32, #tpu.memory_space<hbm>> -> memref<1x128x128xf32, #tpu.memory_space<hbm>>
      %dma_wait3A_77 = tpu.memref_squeeze %dma_wait3A_76 : memref<1x128x128xf32, #tpu.memory_space<hbm>> -> memref<128x128xf32, #tpu.memory_space<hbm>>
      %dma_wait3A_78 = arith.constant 0 : i32
      %dma_wait3A_79 = tpu.memref_slice %arg6[%arg0, %add3A_46, %dma_wait3A_78] : memref<2x10240x128xf32, #tpu.memory_space<hbm>> -> memref<1x128x128xf32, #tpu.memory_space<hbm>>
      %dma_wait3A_80 = tpu.memref_squeeze %dma_wait3A_79 : memref<1x128x128xf32, #tpu.memory_space<hbm>> -> memref<128x128xf32, #tpu.memory_space<hbm>>
      tpu.wait_dma2 semaphore(%run_scoped3A : memref<!tpu.dma_semaphore, #tpu.memory_space<semaphore_mem>>) src(%arg9 : memref<128x128xf32, #tpu.memory_space<vmem>>) dst(%dma_wait3A_80 : memref<128x128xf32, #tpu.memory_space<hbm>>)
      tpu.yield
    }) : () -> ()
    %mul3A_47 = arith.constant 640 : i32
    %mul3A_48 = arith.muli %arg1, %mul3A_47 : i32
    %add3A_49 = arith.constant 256 : i32
    %add3A_50 = arith.addi %mul3A_48, %add3A_49 : i32
    "tpu.region"() ({
      %run_scoped3A = tpu.sem_alloc : memref<!tpu.dma_semaphore, #tpu.memory_space<semaphore_mem>>
      %dma_start3A = arith.constant 0 : i32
      %dma_start3A_71 = tpu.memref_slice %arg11[%add3A_50, %dma_start3A] : memref<10240x128xf32, #tpu.memory_space<vmem_shared>> -> memref<128x128xf32, #tpu.memory_space<vmem_shared>>
      %dma_start3A_72 = arith.constant 0 : i32
      %dma_start3A_73 = tpu.memref_slice %arg11[%add3A_50, %dma_start3A_72] : memref<10240x128xf32, #tpu.memory_space<vmem_shared>> -> memref<128x128xf32, #tpu.memory_space<vmem_shared>>
      tpu.enqueue_dma source(%dma_start3A_73 : memref<128x128xf32, #tpu.memory_space<vmem_shared>>) target(%arg9 : memref<128x128xf32, #tpu.memory_space<vmem>>) target_semaphore(%run_scoped3A : memref<!tpu.dma_semaphore, #tpu.memory_space<semaphore_mem>>)
      %dma_wait3A = arith.constant 0 : i32
      %dma_wait3A_74 = tpu.memref_slice %arg11[%add3A_50, %dma_wait3A] : memref<10240x128xf32, #tpu.memory_space<vmem_shared>> -> memref<128x128xf32, #tpu.memory_space<vmem_shared>>
      %dma_wait3A_75 = arith.constant 0 : i32
      %dma_wait3A_76 = tpu.memref_slice %arg11[%add3A_50, %dma_wait3A_75] : memref<10240x128xf32, #tpu.memory_space<vmem_shared>> -> memref<128x128xf32, #tpu.memory_space<vmem_shared>>
      tpu.wait_dma2 semaphore(%run_scoped3A : memref<!tpu.dma_semaphore, #tpu.memory_space<semaphore_mem>>) src(%dma_wait3A_76 : memref<128x128xf32, #tpu.memory_space<vmem_shared>>) dst(%arg9 : memref<128x128xf32, #tpu.memory_space<vmem>>)
      tpu.yield
    }) : () -> ()
    %mul3A_51 = arith.constant 640 : i32
    %mul3A_52 = arith.muli %arg1, %mul3A_51 : i32
    %add3A_53 = arith.constant 256 : i32
    %add3A_54 = arith.addi %mul3A_52, %add3A_53 : i32
    "tpu.region"() ({
      %run_scoped3A = tpu.sem_alloc : memref<!tpu.dma_semaphore, #tpu.memory_space<semaphore_mem>>
      %dma_start3A = arith.constant 0 : i32
      %dma_start3A_71 = tpu.memref_slice %arg6[%arg0, %add3A_54, %dma_start3A] : memref<2x10240x128xf32, #tpu.memory_space<hbm>> -> memref<1x128x128xf32, #tpu.memory_space<hbm>>
      %dma_start3A_72 = tpu.memref_squeeze %dma_start3A_71 : memref<1x128x128xf32, #tpu.memory_space<hbm>> -> memref<128x128xf32, #tpu.memory_space<hbm>>
      %dma_start3A_73 = arith.constant 0 : i32
      %dma_start3A_74 = tpu.memref_slice %arg6[%arg0, %add3A_54, %dma_start3A_73] : memref<2x10240x128xf32, #tpu.memory_space<hbm>> -> memref<1x128x128xf32, #tpu.memory_space<hbm>>
      %dma_start3A_75 = tpu.memref_squeeze %dma_start3A_74 : memref<1x128x128xf32, #tpu.memory_space<hbm>> -> memref<128x128xf32, #tpu.memory_space<hbm>>
      tpu.enqueue_dma source(%arg9 : memref<128x128xf32, #tpu.memory_space<vmem>>) target(%dma_start3A_75 : memref<128x128xf32, #tpu.memory_space<hbm>>) target_semaphore(%run_scoped3A : memref<!tpu.dma_semaphore, #tpu.memory_space<semaphore_mem>>)
      %dma_wait3A = arith.constant 0 : i32
      %dma_wait3A_76 = tpu.memref_slice %arg6[%arg0, %add3A_54, %dma_wait3A] : memref<2x10240x128xf32, #tpu.memory_space<hbm>> -> memref<1x128x128xf32, #tpu.memory_space<hbm>>
      %dma_wait3A_77 = tpu.memref_squeeze %dma_wait3A_76 : memref<1x128x128xf32, #tpu.memory_space<hbm>> -> memref<128x128xf32, #tpu.memory_space<hbm>>
      %dma_wait3A_78 = arith.constant 0 : i32
      %dma_wait3A_79 = tpu.memref_slice %arg6[%arg0, %add3A_54, %dma_wait3A_78] : memref<2x10240x128xf32, #tpu.memory_space<hbm>> -> memref<1x128x128xf32, #tpu.memory_space<hbm>>
      %dma_wait3A_80 = tpu.memref_squeeze %dma_wait3A_79 : memref<1x128x128xf32, #tpu.memory_space<hbm>> -> memref<128x128xf32, #tpu.memory_space<hbm>>
      tpu.wait_dma2 semaphore(%run_scoped3A : memref<!tpu.dma_semaphore, #tpu.memory_space<semaphore_mem>>) src(%arg9 : memref<128x128xf32, #tpu.memory_space<vmem>>) dst(%dma_wait3A_80 : memref<128x128xf32, #tpu.memory_space<hbm>>)
      tpu.yield
    }) : () -> ()
    %mul3A_55 = arith.constant 640 : i32
    %mul3A_56 = arith.muli %arg1, %mul3A_55 : i32
    %add3A_57 = arith.constant 384 : i32
    %add3A_58 = arith.addi %mul3A_56, %add3A_57 : i32
    "tpu.region"() ({
      %run_scoped3A = tpu.sem_alloc : memref<!tpu.dma_semaphore, #tpu.memory_space<semaphore_mem>>
      %dma_start3A = arith.constant 0 : i32
      %dma_start3A_71 = tpu.memref_slice %arg11[%add3A_58, %dma_start3A] : memref<10240x128xf32, #tpu.memory_space<vmem_shared>> -> memref<128x128xf32, #tpu.memory_space<vmem_shared>>
      %dma_start3A_72 = arith.constant 0 : i32
      %dma_start3A_73 = tpu.memref_slice %arg11[%add3A_58, %dma_start3A_72] : memref<10240x128xf32, #tpu.memory_space<vmem_shared>> -> memref<128x128xf32, #tpu.memory_space<vmem_shared>>
      tpu.enqueue_dma source(%dma_start3A_73 : memref<128x128xf32, #tpu.memory_space<vmem_shared>>) target(%arg9 : memref<128x128xf32, #tpu.memory_space<vmem>>) target_semaphore(%run_scoped3A : memref<!tpu.dma_semaphore, #tpu.memory_space<semaphore_mem>>)
      %dma_wait3A = arith.constant 0 : i32
      %dma_wait3A_74 = tpu.memref_slice %arg11[%add3A_58, %dma_wait3A] : memref<10240x128xf32, #tpu.memory_space<vmem_shared>> -> memref<128x128xf32, #tpu.memory_space<vmem_shared>>
      %dma_wait3A_75 = arith.constant 0 : i32
      %dma_wait3A_76 = tpu.memref_slice %arg11[%add3A_58, %dma_wait3A_75] : memref<10240x128xf32, #tpu.memory_space<vmem_shared>> -> memref<128x128xf32, #tpu.memory_space<vmem_shared>>
      tpu.wait_dma2 semaphore(%run_scoped3A : memref<!tpu.dma_semaphore, #tpu.memory_space<semaphore_mem>>) src(%dma_wait3A_76 : memref<128x128xf32, #tpu.memory_space<vmem_shared>>) dst(%arg9 : memref<128x128xf32, #tpu.memory_space<vmem>>)
      tpu.yield
    }) : () -> ()
    %mul3A_59 = arith.constant 640 : i32
    %mul3A_60 = arith.muli %arg1, %mul3A_59 : i32
    %add3A_61 = arith.constant 384 : i32
    %add3A_62 = arith.addi %mul3A_60, %add3A_61 : i32
    "tpu.region"() ({
      %run_scoped3A = tpu.sem_alloc : memref<!tpu.dma_semaphore, #tpu.memory_space<semaphore_mem>>
      %dma_start3A = arith.constant 0 : i32
      %dma_start3A_71 = tpu.memref_slice %arg6[%arg0, %add3A_62, %dma_start3A] : memref<2x10240x128xf32, #tpu.memory_space<hbm>> -> memref<1x128x128xf32, #tpu.memory_space<hbm>>
      %dma_start3A_72 = tpu.memref_squeeze %dma_start3A_71 : memref<1x128x128xf32, #tpu.memory_space<hbm>> -> memref<128x128xf32, #tpu.memory_space<hbm>>
      %dma_start3A_73 = arith.constant 0 : i32
      %dma_start3A_74 = tpu.memref_slice %arg6[%arg0, %add3A_62, %dma_start3A_73] : memref<2x10240x128xf32, #tpu.memory_space<hbm>> -> memref<1x128x128xf32, #tpu.memory_space<hbm>>
      %dma_start3A_75 = tpu.memref_squeeze %dma_start3A_74 : memref<1x128x128xf32, #tpu.memory_space<hbm>> -> memref<128x128xf32, #tpu.memory_space<hbm>>
      tpu.enqueue_dma source(%arg9 : memref<128x128xf32, #tpu.memory_space<vmem>>) target(%dma_start3A_75 : memref<128x128xf32, #tpu.memory_space<hbm>>) target_semaphore(%run_scoped3A : memref<!tpu.dma_semaphore, #tpu.memory_space<semaphore_mem>>)
      %dma_wait3A = arith.constant 0 : i32
      %dma_wait3A_76 = tpu.memref_slice %arg6[%arg0, %add3A_62, %dma_wait3A] : memref<2x10240x128xf32, #tpu.memory_space<hbm>> -> memref<1x128x128xf32, #tpu.memory_space<hbm>>
      %dma_wait3A_77 = tpu.memref_squeeze %dma_wait3A_76 : memref<1x128x128xf32, #tpu.memory_space<hbm>> -> memref<128x128xf32, #tpu.memory_space<hbm>>
      %dma_wait3A_78 = arith.constant 0 : i32
      %dma_wait3A_79 = tpu.memref_slice %arg6[%arg0, %add3A_62, %dma_wait3A_78] : memref<2x10240x128xf32, #tpu.memory_space<hbm>> -> memref<1x128x128xf32, #tpu.memory_space<hbm>>
      %dma_wait3A_80 = tpu.memref_squeeze %dma_wait3A_79 : memref<1x128x128xf32, #tpu.memory_space<hbm>> -> memref<128x128xf32, #tpu.memory_space<hbm>>
      tpu.wait_dma2 semaphore(%run_scoped3A : memref<!tpu.dma_semaphore, #tpu.memory_space<semaphore_mem>>) src(%arg9 : memref<128x128xf32, #tpu.memory_space<vmem>>) dst(%dma_wait3A_80 : memref<128x128xf32, #tpu.memory_space<hbm>>)
      tpu.yield
    }) : () -> ()
    %mul3A_63 = arith.constant 640 : i32
    %mul3A_64 = arith.muli %arg1, %mul3A_63 : i32
    %add3A_65 = arith.constant 512 : i32
    %add3A_66 = arith.addi %mul3A_64, %add3A_65 : i32
    "tpu.region"() ({
      %run_scoped3A = tpu.sem_alloc : memref<!tpu.dma_semaphore, #tpu.memory_space<semaphore_mem>>
      %dma_start3A = arith.constant 0 : i32
      %dma_start3A_71 = tpu.memref_slice %arg11[%add3A_66, %dma_start3A] : memref<10240x128xf32, #tpu.memory_space<vmem_shared>> -> memref<128x128xf32, #tpu.memory_space<vmem_shared>>
      %dma_start3A_72 = arith.constant 0 : i32
      %dma_start3A_73 = tpu.memref_slice %arg11[%add3A_66, %dma_start3A_72] : memref<10240x128xf32, #tpu.memory_space<vmem_shared>> -> memref<128x128xf32, #tpu.memory_space<vmem_shared>>
      tpu.enqueue_dma source(%dma_start3A_73 : memref<128x128xf32, #tpu.memory_space<vmem_shared>>) target(%arg9 : memref<128x128xf32, #tpu.memory_space<vmem>>) target_semaphore(%run_scoped3A : memref<!tpu.dma_semaphore, #tpu.memory_space<semaphore_mem>>)
      %dma_wait3A = arith.constant 0 : i32
      %dma_wait3A_74 = tpu.memref_slice %arg11[%add3A_66, %dma_wait3A] : memref<10240x128xf32, #tpu.memory_space<vmem_shared>> -> memref<128x128xf32, #tpu.memory_space<vmem_shared>>
      %dma_wait3A_75 = arith.constant 0 : i32
      %dma_wait3A_76 = tpu.memref_slice %arg11[%add3A_66, %dma_wait3A_75] : memref<10240x128xf32, #tpu.memory_space<vmem_shared>> -> memref<128x128xf32, #tpu.memory_space<vmem_shared>>
      tpu.wait_dma2 semaphore(%run_scoped3A : memref<!tpu.dma_semaphore, #tpu.memory_space<semaphore_mem>>) src(%dma_wait3A_76 : memref<128x128xf32, #tpu.memory_space<vmem_shared>>) dst(%arg9 : memref<128x128xf32, #tpu.memory_space<vmem>>)
      tpu.yield
    }) : () -> ()
    %mul3A_67 = arith.constant 640 : i32
    %mul3A_68 = arith.muli %arg1, %mul3A_67 : i32
    %add3A_69 = arith.constant 512 : i32
    %add3A_70 = arith.addi %mul3A_68, %add3A_69 : i32
    "tpu.region"() ({
      %run_scoped3A = tpu.sem_alloc : memref<!tpu.dma_semaphore, #tpu.memory_space<semaphore_mem>>
      %dma_start3A = arith.constant 0 : i32
      %dma_start3A_71 = tpu.memref_slice %arg6[%arg0, %add3A_70, %dma_start3A] : memref<2x10240x128xf32, #tpu.memory_space<hbm>> -> memref<1x128x128xf32, #tpu.memory_space<hbm>>
      %dma_start3A_72 = tpu.memref_squeeze %dma_start3A_71 : memref<1x128x128xf32, #tpu.memory_space<hbm>> -> memref<128x128xf32, #tpu.memory_space<hbm>>
      %dma_start3A_73 = arith.constant 0 : i32
      %dma_start3A_74 = tpu.memref_slice %arg6[%arg0, %add3A_70, %dma_start3A_73] : memref<2x10240x128xf32, #tpu.memory_space<hbm>> -> memref<1x128x128xf32, #tpu.memory_space<hbm>>
      %dma_start3A_75 = tpu.memref_squeeze %dma_start3A_74 : memref<1x128x128xf32, #tpu.memory_space<hbm>> -> memref<128x128xf32, #tpu.memory_space<hbm>>
      tpu.enqueue_dma source(%arg9 : memref<128x128xf32, #tpu.memory_space<vmem>>) target(%dma_start3A_75 : memref<128x128xf32, #tpu.memory_space<hbm>>) target_semaphore(%run_scoped3A : memref<!tpu.dma_semaphore, #tpu.memory_space<semaphore_mem>>)
      %dma_wait3A = arith.constant 0 : i32
      %dma_wait3A_76 = tpu.memref_slice %arg6[%arg0, %add3A_70, %dma_wait3A] : memref<2x10240x128xf32, #tpu.memory_space<hbm>> -> memref<1x128x128xf32, #tpu.memory_space<hbm>>
      %dma_wait3A_77 = tpu.memref_squeeze %dma_wait3A_76 : memref<1x128x128xf32, #tpu.memory_space<hbm>> -> memref<128x128xf32, #tpu.memory_space<hbm>>
      %dma_wait3A_78 = arith.constant 0 : i32
      %dma_wait3A_79 = tpu.memref_slice %arg6[%arg0, %add3A_70, %dma_wait3A_78] : memref<2x10240x128xf32, #tpu.memory_space<hbm>> -> memref<1x128x128xf32, #tpu.memory_space<hbm>>
      %dma_wait3A_80 = tpu.memref_squeeze %dma_wait3A_79 : memref<1x128x128xf32, #tpu.memory_space<hbm>> -> memref<128x128xf32, #tpu.memory_space<hbm>>
      tpu.wait_dma2 semaphore(%run_scoped3A : memref<!tpu.dma_semaphore, #tpu.memory_space<semaphore_mem>>) src(%arg9 : memref<128x128xf32, #tpu.memory_space<vmem>>) dst(%dma_wait3A_80 : memref<128x128xf32, #tpu.memory_space<hbm>>)
      tpu.yield
    }) : () -> ()
    return
  }
}

#map = affine_map<(d0, d1) -> (0, 0, 0)>
#map1 = affine_map<(d0, d1) -> (0, 0)>
module attributes {stable_mosaic.version = 14 : i64} {
  func.func @_deg_kernel(%arg0: i32, %arg1: i32, %arg2: memref<32x40x128xi32, #tpu.memory_space<hbm>>, %arg3: memref<2x10240xf32, #tpu.memory_space<hbm>>, %arg4: memref<40x128xi32, #tpu.memory_space<vmem>>, %arg5: memref<128xf32, #tpu.memory_space<vmem>>, %arg6: memref<640xf32, #tpu.memory_space<vmem>>, %arg7: memref<10240xf32, #tpu.memory_space<vmem_shared>>) attributes {dimension_semantics = [#tpu.dimension_semantics<core_parallel>, #tpu.dimension_semantics<subcore_parallel>], iteration_bounds = array<i64: 2, 16>, scalar_prefetch = 0 : i64, scratch_operands = 4 : i64, tpu.core_type = #tpu.core_type<sc_vector_subcore>, window_params = [{transform_indices = #map}, {transform_indices = #map1}]} {
    %mul3A = arith.constant 2 : i32
    %mul3A_0 = arith.muli %arg1, %mul3A : i32
    %add3A = arith.addi %mul3A_0, %arg0 : i32
    %broadcast_in_dim3A = arith.constant 1.000000e+00 : f32
    %broadcast_in_dim3A_1 = vector.broadcast %broadcast_in_dim3A : f32 to vector<16xf32>
    %swap3A = arith.constant 0 : index
    %swap3A_2 = tpu.vector_load %arg5[%swap3A] {strides = array<i32>} : memref<128xf32, #tpu.memory_space<vmem>>, vector<16xf32>,
    %swap3A_3 = vector.shape_cast %swap3A_2 : vector<16xf32> to vector<16xf32>
    %swap3A_4 = vector.shape_cast %broadcast_in_dim3A_1 : vector<16xf32> to vector<16xf32>
    tpu.vector_store %arg5[%swap3A], %swap3A_4 {strides = array<i32>} : memref<128xf32, #tpu.memory_space<vmem>>, vector<16xf32>,
    %broadcast_in_dim3A_5 = arith.constant 1.000000e+00 : f32
    %broadcast_in_dim3A_6 = vector.broadcast %broadcast_in_dim3A_5 : f32 to vector<16xf32>
    %swap3A_7 = arith.constant 16 : index
    %swap3A_8 = tpu.vector_load %arg5[%swap3A_7] {strides = array<i32>} : memref<128xf32, #tpu.memory_space<vmem>>, vector<16xf32>,
    %swap3A_9 = vector.shape_cast %swap3A_8 : vector<16xf32> to vector<16xf32>
    %swap3A_10 = vector.shape_cast %broadcast_in_dim3A_6 : vector<16xf32> to vector<16xf32>
    tpu.vector_store %arg5[%swap3A_7], %swap3A_10 {strides = array<i32>} : memref<128xf32, #tpu.memory_space<vmem>>, vector<16xf32>,
    %broadcast_in_dim3A_11 = arith.constant 1.000000e+00 : f32
    %broadcast_in_dim3A_12 = vector.broadcast %broadcast_in_dim3A_11 : f32 to vector<16xf32>
    %swap3A_13 = arith.constant 32 : index
    %swap3A_14 = tpu.vector_load %arg5[%swap3A_13] {strides = array<i32>} : memref<128xf32, #tpu.memory_space<vmem>>, vector<16xf32>,
    %swap3A_15 = vector.shape_cast %swap3A_14 : vector<16xf32> to vector<16xf32>
    %swap3A_16 = vector.shape_cast %broadcast_in_dim3A_12 : vector<16xf32> to vector<16xf32>
    tpu.vector_store %arg5[%swap3A_13], %swap3A_16 {strides = array<i32>} : memref<128xf32, #tpu.memory_space<vmem>>, vector<16xf32>,
    %broadcast_in_dim3A_17 = arith.constant 1.000000e+00 : f32
    %broadcast_in_dim3A_18 = vector.broadcast %broadcast_in_dim3A_17 : f32 to vector<16xf32>
    %swap3A_19 = arith.constant 48 : index
    %swap3A_20 = tpu.vector_load %arg5[%swap3A_19] {strides = array<i32>} : memref<128xf32, #tpu.memory_space<vmem>>, vector<16xf32>,
    %swap3A_21 = vector.shape_cast %swap3A_20 : vector<16xf32> to vector<16xf32>
    %swap3A_22 = vector.shape_cast %broadcast_in_dim3A_18 : vector<16xf32> to vector<16xf32>
    tpu.vector_store %arg5[%swap3A_19], %swap3A_22 {strides = array<i32>} : memref<128xf32, #tpu.memory_space<vmem>>, vector<16xf32>,
    %broadcast_in_dim3A_23 = arith.constant 1.000000e+00 : f32
    %broadcast_in_dim3A_24 = vector.broadcast %broadcast_in_dim3A_23 : f32 to vector<16xf32>
    %swap3A_25 = arith.constant 64 : index
    %swap3A_26 = tpu.vector_load %arg5[%swap3A_25] {strides = array<i32>} : memref<128xf32, #tpu.memory_space<vmem>>, vector<16xf32>,
    %swap3A_27 = vector.shape_cast %swap3A_26 : vector<16xf32> to vector<16xf32>
    %swap3A_28 = vector.shape_cast %broadcast_in_dim3A_24 : vector<16xf32> to vector<16xf32>
    tpu.vector_store %arg5[%swap3A_25], %swap3A_28 {strides = array<i32>} : memref<128xf32, #tpu.memory_space<vmem>>, vector<16xf32>,
    %broadcast_in_dim3A_29 = arith.constant 1.000000e+00 : f32
    %broadcast_in_dim3A_30 = vector.broadcast %broadcast_in_dim3A_29 : f32 to vector<16xf32>
    %swap3A_31 = arith.constant 80 : index
    %swap3A_32 = tpu.vector_load %arg5[%swap3A_31] {strides = array<i32>} : memref<128xf32, #tpu.memory_space<vmem>>, vector<16xf32>,
    %swap3A_33 = vector.shape_cast %swap3A_32 : vector<16xf32> to vector<16xf32>
    %swap3A_34 = vector.shape_cast %broadcast_in_dim3A_30 : vector<16xf32> to vector<16xf32>
    tpu.vector_store %arg5[%swap3A_31], %swap3A_34 {strides = array<i32>} : memref<128xf32, #tpu.memory_space<vmem>>, vector<16xf32>,
    %broadcast_in_dim3A_35 = arith.constant 1.000000e+00 : f32
    %broadcast_in_dim3A_36 = vector.broadcast %broadcast_in_dim3A_35 : f32 to vector<16xf32>
    %swap3A_37 = arith.constant 96 : index
    %swap3A_38 = tpu.vector_load %arg5[%swap3A_37] {strides = array<i32>} : memref<128xf32, #tpu.memory_space<vmem>>, vector<16xf32>,
    %swap3A_39 = vector.shape_cast %swap3A_38 : vector<16xf32> to vector<16xf32>
    %swap3A_40 = vector.shape_cast %broadcast_in_dim3A_36 : vector<16xf32> to vector<16xf32>
    tpu.vector_store %arg5[%swap3A_37], %swap3A_40 {strides = array<i32>} : memref<128xf32, #tpu.memory_space<vmem>>, vector<16xf32>,
    %broadcast_in_dim3A_41 = arith.constant 1.000000e+00 : f32
    %broadcast_in_dim3A_42 = vector.broadcast %broadcast_in_dim3A_41 : f32 to vector<16xf32>
    %swap3A_43 = arith.constant 112 : index
    %swap3A_44 = tpu.vector_load %arg5[%swap3A_43] {strides = array<i32>} : memref<128xf32, #tpu.memory_space<vmem>>, vector<16xf32>,
    %swap3A_45 = vector.shape_cast %swap3A_44 : vector<16xf32> to vector<16xf32>
    %swap3A_46 = vector.shape_cast %broadcast_in_dim3A_42 : vector<16xf32> to vector<16xf32>
    tpu.vector_store %arg5[%swap3A_43], %swap3A_46 {strides = array<i32>} : memref<128xf32, #tpu.memory_space<vmem>>, vector<16xf32>,
    %scan3A = arith.constant 0 : i32
    %scan3A_47 = arith.constant 0 : i32
    %scan3A_48 = arith.constant 40 : i32
    %scan3A_49 = arith.addi %scan3A_47, %scan3A_48 : i32
    %scan3A_50 = arith.constant 1 : i32
    scf.for %scan3A_65 = %scan3A_47 to %scan3A_49 step %scan3A_50  : i32 {
      %broadcast_in_dim3A_66 = arith.constant 0.000000e+00 : f32
      %broadcast_in_dim3A_67 = vector.broadcast %broadcast_in_dim3A_66 : f32 to vector<16xf32>
      %mul3A_68 = arith.constant 16 : i32
      %mul3A_69 = arith.muli %scan3A_65, %mul3A_68 : i32
      %swap3A_70 = arith.index_cast %mul3A_69 : i32 to index
      %swap3A_71 = tpu.vector_load %arg6[%swap3A_70] {strides = array<i32>} : memref<640xf32, #tpu.memory_space<vmem>>, vector<16xf32>,
      %swap3A_72 = vector.shape_cast %swap3A_71 : vector<16xf32> to vector<16xf32>
      %swap3A_73 = vector.shape_cast %broadcast_in_dim3A_67 : vector<16xf32> to vector<16xf32>
      tpu.vector_store %arg6[%swap3A_70], %swap3A_73 {strides = array<i32>} : memref<640xf32, #tpu.memory_space<vmem>>, vector<16xf32>,
    }
    %scan3A_51 = arith.constant 40 : i32
    %mul3A_52 = arith.constant 640 : i32
    %mul3A_53 = arith.muli %arg1, %mul3A_52 : i32
    "tpu.region"() ({
      %run_scoped3A = tpu.sem_alloc : memref<!tpu.dma_semaphore, #tpu.memory_space<semaphore_mem>>
      %dma_start3A = tpu.memref_slice %arg7[%mul3A_53] : memref<10240xf32, #tpu.memory_space<vmem_shared>> -> memref<640xf32, #tpu.memory_space<vmem_shared>>
      %dma_start3A_65 = tpu.memref_slice %arg7[%mul3A_53] : memref<10240xf32, #tpu.memory_space<vmem_shared>> -> memref<640xf32, #tpu.memory_space<vmem_shared>>
      tpu.enqueue_dma source(%arg6 : memref<640xf32, #tpu.memory_space<vmem>>) target(%dma_start3A_65 : memref<640xf32, #tpu.memory_space<vmem_shared>>) target_semaphore(%run_scoped3A : memref<!tpu.dma_semaphore, #tpu.memory_space<semaphore_mem>>)
      %dma_wait3A = tpu.memref_slice %arg7[%mul3A_53] : memref<10240xf32, #tpu.memory_space<vmem_shared>> -> memref<640xf32, #tpu.memory_space<vmem_shared>>
      %dma_wait3A_66 = tpu.memref_slice %arg7[%mul3A_53] : memref<10240xf32, #tpu.memory_space<vmem_shared>> -> memref<640xf32, #tpu.memory_space<vmem_shared>>
      tpu.wait_dma2 semaphore(%run_scoped3A : memref<!tpu.dma_semaphore, #tpu.memory_space<semaphore_mem>>) src(%arg6 : memref<640xf32, #tpu.memory_space<vmem>>) dst(%dma_wait3A_66 : memref<640xf32, #tpu.memory_space<vmem_shared>>)
      tpu.yield
    }) : () -> ()
    %barrier3A = arith.constant 0 : index
    tpu.barrier barrier_id(%barrier3A)
    "tpu.region"() ({
      %run_scoped3A = tpu.sem_alloc : memref<!tpu.dma_semaphore, #tpu.memory_space<semaphore_mem>>
      %dma_start3A = arith.constant 0 : i32
      %dma_start3A_65 = arith.constant 0 : i32
      %dma_start3A_66 = tpu.memref_slice %arg2[%add3A, %dma_start3A, %dma_start3A_65] : memref<32x40x128xi32, #tpu.memory_space<hbm>> -> memref<1x40x128xi32, #tpu.memory_space<hbm>>
      %dma_start3A_67 = tpu.memref_squeeze %dma_start3A_66 : memref<1x40x128xi32, #tpu.memory_space<hbm>> -> memref<40x128xi32, #tpu.memory_space<hbm>>
      %dma_start3A_68 = arith.constant 0 : i32
      %dma_start3A_69 = arith.constant 0 : i32
      %dma_start3A_70 = tpu.memref_slice %arg2[%add3A, %dma_start3A_68, %dma_start3A_69] : memref<32x40x128xi32, #tpu.memory_space<hbm>> -> memref<1x40x128xi32, #tpu.memory_space<hbm>>
      %dma_start3A_71 = tpu.memref_squeeze %dma_start3A_70 : memref<1x40x128xi32, #tpu.memory_space<hbm>> -> memref<40x128xi32, #tpu.memory_space<hbm>>
      tpu.enqueue_dma source(%dma_start3A_71 : memref<40x128xi32, #tpu.memory_space<hbm>>) target(%arg4 : memref<40x128xi32, #tpu.memory_space<vmem>>) target_semaphore(%run_scoped3A : memref<!tpu.dma_semaphore, #tpu.memory_space<semaphore_mem>>)
      %dma_wait3A = arith.constant 0 : i32
      %dma_wait3A_72 = arith.constant 0 : i32
      %dma_wait3A_73 = tpu.memref_slice %arg2[%add3A, %dma_wait3A, %dma_wait3A_72] : memref<32x40x128xi32, #tpu.memory_space<hbm>> -> memref<1x40x128xi32, #tpu.memory_space<hbm>>
      %dma_wait3A_74 = tpu.memref_squeeze %dma_wait3A_73 : memref<1x40x128xi32, #tpu.memory_space<hbm>> -> memref<40x128xi32, #tpu.memory_space<hbm>>
      %dma_wait3A_75 = arith.constant 0 : i32
      %dma_wait3A_76 = arith.constant 0 : i32
      %dma_wait3A_77 = tpu.memref_slice %arg2[%add3A, %dma_wait3A_75, %dma_wait3A_76] : memref<32x40x128xi32, #tpu.memory_space<hbm>> -> memref<1x40x128xi32, #tpu.memory_space<hbm>>
      %dma_wait3A_78 = tpu.memref_squeeze %dma_wait3A_77 : memref<1x40x128xi32, #tpu.memory_space<hbm>> -> memref<40x128xi32, #tpu.memory_space<hbm>>
      tpu.wait_dma2 semaphore(%run_scoped3A : memref<!tpu.dma_semaphore, #tpu.memory_space<semaphore_mem>>) src(%dma_wait3A_78 : memref<40x128xi32, #tpu.memory_space<hbm>>) dst(%arg4 : memref<40x128xi32, #tpu.memory_space<vmem>>)
      tpu.yield
    }) : () -> ()
    %scan3A_54 = arith.constant 0 : i32
    %scan3A_55 = arith.constant 0 : i32
    %scan3A_56 = arith.constant 40 : i32
    %scan3A_57 = arith.addi %scan3A_55, %scan3A_56 : i32
    %scan3A_58 = arith.constant 1 : i32
    scf.for %scan3A_65 = %scan3A_55 to %scan3A_57 step %scan3A_58  : i32 {
      "tpu.region"() ({
        %run_scoped3A = tpu.sem_alloc : memref<!tpu.dma_semaphore, #tpu.memory_space<semaphore_mem>>
        %dma_start3A = arith.constant 0 : i32
        %dma_start3A_66 = tpu.memref_slice %arg4[%scan3A_65, %dma_start3A] : memref<40x128xi32, #tpu.memory_space<vmem>> -> memref<1x128xi32, #tpu.memory_space<vmem>>
        %dma_start3A_67 = tpu.memref_squeeze %dma_start3A_66 : memref<1x128xi32, #tpu.memory_space<vmem>> -> memref<128xi32, #tpu.memory_space<vmem>>
        %dma_start3A_68 = arith.constant 0 : i32
        %dma_start3A_69 = tpu.memref_slice %arg7[%dma_start3A_68] : memref<10240xf32, #tpu.memory_space<vmem_shared>> -> memref<10240xf32, #tpu.memory_space<vmem_shared>>
        tpu.enqueue_indirect_dma source(%arg5 : memref<128xf32, #tpu.memory_space<vmem>>) target(%dma_start3A_69 : memref<10240xf32, #tpu.memory_space<vmem_shared>>) offsets(%dma_start3A_67 : memref<128xi32, #tpu.memory_space<vmem>>) semaphore(%run_scoped3A : memref<!tpu.dma_semaphore, #tpu.memory_space<semaphore_mem>>) {add = true}
        %dma_wait3A = arith.constant 0 : i32
        %dma_wait3A_70 = tpu.memref_slice %arg4[%scan3A_65, %dma_wait3A] : memref<40x128xi32, #tpu.memory_space<vmem>> -> memref<1x128xi32, #tpu.memory_space<vmem>>
        %dma_wait3A_71 = tpu.memref_squeeze %dma_wait3A_70 : memref<1x128xi32, #tpu.memory_space<vmem>> -> memref<128xi32, #tpu.memory_space<vmem>>
        %dma_wait3A_72 = arith.constant 0 : i32
        %dma_wait3A_73 = tpu.memref_slice %arg7[%dma_wait3A_72] : memref<10240xf32, #tpu.memory_space<vmem_shared>> -> memref<10240xf32, #tpu.memory_space<vmem_shared>>
        tpu.wait_indirect_dma semaphore(%run_scoped3A : memref<!tpu.dma_semaphore, #tpu.memory_space<semaphore_mem>>) src(%arg5 : memref<128xf32, #tpu.memory_space<vmem>>) dst(%dma_wait3A_73 : memref<10240xf32, #tpu.memory_space<vmem_shared>>)
        tpu.yield
      }) : () -> ()
    }
    %scan3A_59 = arith.constant 40 : i32
    %barrier3A_60 = arith.constant 0 : index
    tpu.barrier barrier_id(%barrier3A_60)
    %mul3A_61 = arith.constant 640 : i32
    %mul3A_62 = arith.muli %arg1, %mul3A_61 : i32
    "tpu.region"() ({
      %run_scoped3A = tpu.sem_alloc : memref<!tpu.dma_semaphore, #tpu.memory_space<semaphore_mem>>
      %dma_start3A = tpu.memref_slice %arg7[%mul3A_62] : memref<10240xf32, #tpu.memory_space<vmem_shared>> -> memref<640xf32, #tpu.memory_space<vmem_shared>>
      %dma_start3A_65 = tpu.memref_slice %arg7[%mul3A_62] : memref<10240xf32, #tpu.memory_space<vmem_shared>> -> memref<640xf32, #tpu.memory_space<vmem_shared>>
      tpu.enqueue_dma source(%dma_start3A_65 : memref<640xf32, #tpu.memory_space<vmem_shared>>) target(%arg6 : memref<640xf32, #tpu.memory_space<vmem>>) target_semaphore(%run_scoped3A : memref<!tpu.dma_semaphore, #tpu.memory_space<semaphore_mem>>)
      %dma_wait3A = tpu.memref_slice %arg7[%mul3A_62] : memref<10240xf32, #tpu.memory_space<vmem_shared>> -> memref<640xf32, #tpu.memory_space<vmem_shared>>
      %dma_wait3A_66 = tpu.memref_slice %arg7[%mul3A_62] : memref<10240xf32, #tpu.memory_space<vmem_shared>> -> memref<640xf32, #tpu.memory_space<vmem_shared>>
      tpu.wait_dma2 semaphore(%run_scoped3A : memref<!tpu.dma_semaphore, #tpu.memory_space<semaphore_mem>>) src(%dma_wait3A_66 : memref<640xf32, #tpu.memory_space<vmem_shared>>) dst(%arg6 : memref<640xf32, #tpu.memory_space<vmem>>)
      tpu.yield
    }) : () -> ()
    %mul3A_63 = arith.constant 640 : i32
    %mul3A_64 = arith.muli %arg1, %mul3A_63 : i32
    "tpu.region"() ({
      %run_scoped3A = tpu.sem_alloc : memref<!tpu.dma_semaphore, #tpu.memory_space<semaphore_mem>>
      %dma_start3A = tpu.memref_slice %arg3[%arg0, %mul3A_64] : memref<2x10240xf32, #tpu.memory_space<hbm>> -> memref<1x640xf32, #tpu.memory_space<hbm>>
      %dma_start3A_65 = tpu.memref_squeeze %dma_start3A : memref<1x640xf32, #tpu.memory_space<hbm>> -> memref<640xf32, #tpu.memory_space<hbm>>
      %dma_start3A_66 = tpu.memref_slice %arg3[%arg0, %mul3A_64] : memref<2x10240xf32, #tpu.memory_space<hbm>> -> memref<1x640xf32, #tpu.memory_space<hbm>>
      %dma_start3A_67 = tpu.memref_squeeze %dma_start3A_66 : memref<1x640xf32, #tpu.memory_space<hbm>> -> memref<640xf32, #tpu.memory_space<hbm>>
      tpu.enqueue_dma source(%arg6 : memref<640xf32, #tpu.memory_space<vmem>>) target(%dma_start3A_67 : memref<640xf32, #tpu.memory_space<hbm>>) target_semaphore(%run_scoped3A : memref<!tpu.dma_semaphore, #tpu.memory_space<semaphore_mem>>)
      %dma_wait3A = tpu.memref_slice %arg3[%arg0, %mul3A_64] : memref<2x10240xf32, #tpu.memory_space<hbm>> -> memref<1x640xf32, #tpu.memory_space<hbm>>
      %dma_wait3A_68 = tpu.memref_squeeze %dma_wait3A : memref<1x640xf32, #tpu.memory_space<hbm>> -> memref<640xf32, #tpu.memory_space<hbm>>
      %dma_wait3A_69 = tpu.memref_slice %arg3[%arg0, %mul3A_64] : memref<2x10240xf32, #tpu.memory_space<hbm>> -> memref<1x640xf32, #tpu.memory_space<hbm>>
      %dma_wait3A_70 = tpu.memref_squeeze %dma_wait3A_69 : memref<1x640xf32, #tpu.memory_space<hbm>> -> memref<640xf32, #tpu.memory_space<hbm>>
      tpu.wait_dma2 semaphore(%run_scoped3A : memref<!tpu.dma_semaphore, #tpu.memory_space<semaphore_mem>>) src(%arg6 : memref<640xf32, #tpu.memory_space<vmem>>) dst(%dma_wait3A_70 : memref<640xf32, #tpu.memory_space<hbm>>)
      tpu.yield
    }) : () -> ()
    return
  }
}

#map = affine_map<(d0, d1) -> (0, 0)>
#map1 = affine_map<(d0, d1) -> (0, 0, 0)>
module attributes {stable_mosaic.version = 14 : i64} {
  func.func @_agg_kernel(%arg0: i32, %arg1: i32, %arg2: memref<10240x128xf32, #tpu.memory_space<hbm>>, %arg3: memref<10240x128xf32, #tpu.memory_space<hbm>>, %arg4: memref<16x80x128xi32, #tpu.memory_space<hbm>>, %arg5: memref<16x80x128xi32, #tpu.memory_space<hbm>>, %arg6: memref<2x10240x128xf32, #tpu.memory_space<hbm>>, %arg7: memref<40x128xi32, #tpu.memory_space<vmem>>, %arg8: memref<40x128xi32, #tpu.memory_space<vmem>>, %arg9: memref<128x128xf32, #tpu.memory_space<vmem>>, %arg10: memref<128x128xf32, #tpu.memory_space<vmem>>, %arg11: memref<10240x128xf32, #tpu.memory_space<vmem_shared>>, %arg12: memref<!tpu.dma_semaphore, #tpu.memory_space<semaphore_mem>>, %arg13: memref<!tpu.dma_semaphore, #tpu.memory_space<semaphore_mem>>) attributes {dimension_semantics = [#tpu.dimension_semantics<core_parallel>, #tpu.dimension_semantics<subcore_parallel>], iteration_bounds = array<i64: 2, 16>, scalar_prefetch = 0 : i64, scratch_operands = 7 : i64, tpu.core_type = #tpu.core_type<sc_vector_subcore>, window_params = [{transform_indices = #map}, {transform_indices = #map}, {transform_indices = #map1}, {transform_indices = #map1}, {transform_indices = #map1}]} {
    %scan3A = arith.constant 0 : i32
    %scan3A_0 = arith.constant 0 : i32
    %scan3A_1 = arith.constant 128 : i32
    %scan3A_2 = arith.addi %scan3A_0, %scan3A_1 : i32
    %scan3A_3 = arith.constant 1 : i32
    scf.for %scan3A_71 = %scan3A_0 to %scan3A_2 step %scan3A_3  : i32 {
      %broadcast_in_dim3A = arith.constant 0.000000e+00 : f32
      %broadcast_in_dim3A_72 = vector.broadcast %broadcast_in_dim3A : f32 to vector<16xf32>
      %swap3A = arith.index_cast %scan3A_71 : i32 to index
      %swap3A_73 = arith.constant 0 : index
      %swap3A_74 = tpu.vector_load %arg9[%swap3A, %swap3A_73] {strides = array<i32>} : memref<128x128xf32, #tpu.memory_space<vmem>>, vector<1x16xf32>,
      %swap3A_75 = vector.shape_cast %swap3A_74 : vector<1x16xf32> to vector<16xf32>
      %swap3A_76 = vector.shape_cast %broadcast_in_dim3A_72 : vector<16xf32> to vector<1x16xf32>
      tpu.vector_store %arg9[%swap3A, %swap3A_73], %swap3A_76 {strides = array<i32>} : memref<128x128xf32, #tpu.memory_space<vmem>>, vector<1x16xf32>,
      %broadcast_in_dim3A_77 = arith.constant 0.000000e+00 : f32
      %broadcast_in_dim3A_78 = vector.broadcast %broadcast_in_dim3A_77 : f32 to vector<16xf32>
      %swap3A_79 = arith.index_cast %scan3A_71 : i32 to index
      %swap3A_80 = arith.constant 16 : index
      %swap3A_81 = tpu.vector_load %arg9[%swap3A_79, %swap3A_80] {strides = array<i32>} : memref<128x128xf32, #tpu.memory_space<vmem>>, vector<1x16xf32>,
      %swap3A_82 = vector.shape_cast %swap3A_81 : vector<1x16xf32> to vector<16xf32>
      %swap3A_83 = vector.shape_cast %broadcast_in_dim3A_78 : vector<16xf32> to vector<1x16xf32>
      tpu.vector_store %arg9[%swap3A_79, %swap3A_80], %swap3A_83 {strides = array<i32>} : memref<128x128xf32, #tpu.memory_space<vmem>>, vector<1x16xf32>,
      %broadcast_in_dim3A_84 = arith.constant 0.000000e+00 : f32
      %broadcast_in_dim3A_85 = vector.broadcast %broadcast_in_dim3A_84 : f32 to vector<16xf32>
      %swap3A_86 = arith.index_cast %scan3A_71 : i32 to index
      %swap3A_87 = arith.constant 32 : index
      %swap3A_88 = tpu.vector_load %arg9[%swap3A_86, %swap3A_87] {strides = array<i32>} : memref<128x128xf32, #tpu.memory_space<vmem>>, vector<1x16xf32>,
      %swap3A_89 = vector.shape_cast %swap3A_88 : vector<1x16xf32> to vector<16xf32>
      %swap3A_90 = vector.shape_cast %broadcast_in_dim3A_85 : vector<16xf32> to vector<1x16xf32>
      tpu.vector_store %arg9[%swap3A_86, %swap3A_87], %swap3A_90 {strides = array<i32>} : memref<128x128xf32, #tpu.memory_space<vmem>>, vector<1x16xf32>,
      %broadcast_in_dim3A_91 = arith.constant 0.000000e+00 : f32
      %broadcast_in_dim3A_92 = vector.broadcast %broadcast_in_dim3A_91 : f32 to vector<16xf32>
      %swap3A_93 = arith.index_cast %scan3A_71 : i32 to index
      %swap3A_94 = arith.constant 48 : index
      %swap3A_95 = tpu.vector_load %arg9[%swap3A_93, %swap3A_94] {strides = array<i32>} : memref<128x128xf32, #tpu.memory_space<vmem>>, vector<1x16xf32>,
      %swap3A_96 = vector.shape_cast %swap3A_95 : vector<1x16xf32> to vector<16xf32>
      %swap3A_97 = vector.shape_cast %broadcast_in_dim3A_92 : vector<16xf32> to vector<1x16xf32>
      tpu.vector_store %arg9[%swap3A_93, %swap3A_94], %swap3A_97 {strides = array<i32>} : memref<128x128xf32, #tpu.memory_space<vmem>>, vector<1x16xf32>,
      %broadcast_in_dim3A_98 = arith.constant 0.000000e+00 : f32
      %broadcast_in_dim3A_99 = vector.broadcast %broadcast_in_dim3A_98 : f32 to vector<16xf32>
      %swap3A_100 = arith.index_cast %scan3A_71 : i32 to index
      %swap3A_101 = arith.constant 64 : index
      %swap3A_102 = tpu.vector_load %arg9[%swap3A_100, %swap3A_101] {strides = array<i32>} : memref<128x128xf32, #tpu.memory_space<vmem>>, vector<1x16xf32>,
      %swap3A_103 = vector.shape_cast %swap3A_102 : vector<1x16xf32> to vector<16xf32>
      %swap3A_104 = vector.shape_cast %broadcast_in_dim3A_99 : vector<16xf32> to vector<1x16xf32>
      tpu.vector_store %arg9[%swap3A_100, %swap3A_101], %swap3A_104 {strides = array<i32>} : memref<128x128xf32, #tpu.memory_space<vmem>>, vector<1x16xf32>,
      %broadcast_in_dim3A_105 = arith.constant 0.000000e+00 : f32
      %broadcast_in_dim3A_106 = vector.broadcast %broadcast_in_dim3A_105 : f32 to vector<16xf32>
      %swap3A_107 = arith.index_cast %scan3A_71 : i32 to index
      %swap3A_108 = arith.constant 80 : index
      %swap3A_109 = tpu.vector_load %arg9[%swap3A_107, %swap3A_108] {strides = array<i32>} : memref<128x128xf32, #tpu.memory_space<vmem>>, vector<1x16xf32>,
      %swap3A_110 = vector.shape_cast %swap3A_109 : vector<1x16xf32> to vector<16xf32>
      %swap3A_111 = vector.shape_cast %broadcast_in_dim3A_106 : vector<16xf32> to vector<1x16xf32>
      tpu.vector_store %arg9[%swap3A_107, %swap3A_108], %swap3A_111 {strides = array<i32>} : memref<128x128xf32, #tpu.memory_space<vmem>>, vector<1x16xf32>,
      %broadcast_in_dim3A_112 = arith.constant 0.000000e+00 : f32
      %broadcast_in_dim3A_113 = vector.broadcast %broadcast_in_dim3A_112 : f32 to vector<16xf32>
      %swap3A_114 = arith.index_cast %scan3A_71 : i32 to index
      %swap3A_115 = arith.constant 96 : index
      %swap3A_116 = tpu.vector_load %arg9[%swap3A_114, %swap3A_115] {strides = array<i32>} : memref<128x128xf32, #tpu.memory_space<vmem>>, vector<1x16xf32>,
      %swap3A_117 = vector.shape_cast %swap3A_116 : vector<1x16xf32> to vector<16xf32>
      %swap3A_118 = vector.shape_cast %broadcast_in_dim3A_113 : vector<16xf32> to vector<1x16xf32>
      tpu.vector_store %arg9[%swap3A_114, %swap3A_115], %swap3A_118 {strides = array<i32>} : memref<128x128xf32, #tpu.memory_space<vmem>>, vector<1x16xf32>,
      %broadcast_in_dim3A_119 = arith.constant 0.000000e+00 : f32
      %broadcast_in_dim3A_120 = vector.broadcast %broadcast_in_dim3A_119 : f32 to vector<16xf32>
      %swap3A_121 = arith.index_cast %scan3A_71 : i32 to index
      %swap3A_122 = arith.constant 112 : index
      %swap3A_123 = tpu.vector_load %arg9[%swap3A_121, %swap3A_122] {strides = array<i32>} : memref<128x128xf32, #tpu.memory_space<vmem>>, vector<1x16xf32>,
      %swap3A_124 = vector.shape_cast %swap3A_123 : vector<1x16xf32> to vector<16xf32>
      %swap3A_125 = vector.shape_cast %broadcast_in_dim3A_120 : vector<16xf32> to vector<1x16xf32>
      tpu.vector_store %arg9[%swap3A_121, %swap3A_122], %swap3A_125 {strides = array<i32>} : memref<128x128xf32, #tpu.memory_space<vmem>>, vector<1x16xf32>,
    }
    %scan3A_4 = arith.constant 128 : i32
    %mul3A = arith.constant 640 : i32
    %mul3A_5 = arith.muli %arg1, %mul3A : i32
    %add3A = arith.constant 0 : i32
    %add3A_6 = arith.addi %mul3A_5, %add3A : i32
    "tpu.region"() ({
      %run_scoped3A = tpu.sem_alloc : memref<!tpu.dma_semaphore, #tpu.memory_space<semaphore_mem>>
      %dma_start3A = arith.constant 0 : i32
      %dma_start3A_71 = tpu.memref_slice %arg11[%add3A_6, %dma_start3A] : memref<10240x128xf32, #tpu.memory_space<vmem_shared>> -> memref<128x128xf32, #tpu.memory_space<vmem_shared>>
      %dma_start3A_72 = arith.constant 0 : i32
      %dma_start3A_73 = tpu.memref_slice %arg11[%add3A_6, %dma_start3A_72] : memref<10240x128xf32, #tpu.memory_space<vmem_shared>> -> memref<128x128xf32, #tpu.memory_space<vmem_shared>>
      tpu.enqueue_dma source(%arg9 : memref<128x128xf32, #tpu.memory_space<vmem>>) target(%dma_start3A_73 : memref<128x128xf32, #tpu.memory_space<vmem_shared>>) target_semaphore(%run_scoped3A : memref<!tpu.dma_semaphore, #tpu.memory_space<semaphore_mem>>)
      %dma_wait3A = arith.constant 0 : i32
      %dma_wait3A_74 = tpu.memref_slice %arg11[%add3A_6, %dma_wait3A] : memref<10240x128xf32, #tpu.memory_space<vmem_shared>> -> memref<128x128xf32, #tpu.memory_space<vmem_shared>>
      %dma_wait3A_75 = arith.constant 0 : i32
      %dma_wait3A_76 = tpu.memref_slice %arg11[%add3A_6, %dma_wait3A_75] : memref<10240x128xf32, #tpu.memory_space<vmem_shared>> -> memref<128x128xf32, #tpu.memory_space<vmem_shared>>
      tpu.wait_dma2 semaphore(%run_scoped3A : memref<!tpu.dma_semaphore, #tpu.memory_space<semaphore_mem>>) src(%arg9 : memref<128x128xf32, #tpu.memory_space<vmem>>) dst(%dma_wait3A_76 : memref<128x128xf32, #tpu.memory_space<vmem_shared>>)
      tpu.yield
    }) : () -> ()
    %mul3A_7 = arith.constant 640 : i32
    %mul3A_8 = arith.muli %arg1, %mul3A_7 : i32
    %add3A_9 = arith.constant 128 : i32
    %add3A_10 = arith.addi %mul3A_8, %add3A_9 : i32
    "tpu.region"() ({
      %run_scoped3A = tpu.sem_alloc : memref<!tpu.dma_semaphore, #tpu.memory_space<semaphore_mem>>
      %dma_start3A = arith.constant 0 : i32
      %dma_start3A_71 = tpu.memref_slice %arg11[%add3A_10, %dma_start3A] : memref<10240x128xf32, #tpu.memory_space<vmem_shared>> -> memref<128x128xf32, #tpu.memory_space<vmem_shared>>
      %dma_start3A_72 = arith.constant 0 : i32
      %dma_start3A_73 = tpu.memref_slice %arg11[%add3A_10, %dma_start3A_72] : memref<10240x128xf32, #tpu.memory_space<vmem_shared>> -> memref<128x128xf32, #tpu.memory_space<vmem_shared>>
      tpu.enqueue_dma source(%arg9 : memref<128x128xf32, #tpu.memory_space<vmem>>) target(%dma_start3A_73 : memref<128x128xf32, #tpu.memory_space<vmem_shared>>) target_semaphore(%run_scoped3A : memref<!tpu.dma_semaphore, #tpu.memory_space<semaphore_mem>>)
      %dma_wait3A = arith.constant 0 : i32
      %dma_wait3A_74 = tpu.memref_slice %arg11[%add3A_10, %dma_wait3A] : memref<10240x128xf32, #tpu.memory_space<vmem_shared>> -> memref<128x128xf32, #tpu.memory_space<vmem_shared>>
      %dma_wait3A_75 = arith.constant 0 : i32
      %dma_wait3A_76 = tpu.memref_slice %arg11[%add3A_10, %dma_wait3A_75] : memref<10240x128xf32, #tpu.memory_space<vmem_shared>> -> memref<128x128xf32, #tpu.memory_space<vmem_shared>>
      tpu.wait_dma2 semaphore(%run_scoped3A : memref<!tpu.dma_semaphore, #tpu.memory_space<semaphore_mem>>) src(%arg9 : memref<128x128xf32, #tpu.memory_space<vmem>>) dst(%dma_wait3A_76 : memref<128x128xf32, #tpu.memory_space<vmem_shared>>)
      tpu.yield
    }) : () -> ()
    %mul3A_11 = arith.constant 640 : i32
    %mul3A_12 = arith.muli %arg1, %mul3A_11 : i32
    %add3A_13 = arith.constant 256 : i32
    %add3A_14 = arith.addi %mul3A_12, %add3A_13 : i32
    "tpu.region"() ({
      %run_scoped3A = tpu.sem_alloc : memref<!tpu.dma_semaphore, #tpu.memory_space<semaphore_mem>>
      %dma_start3A = arith.constant 0 : i32
      %dma_start3A_71 = tpu.memref_slice %arg11[%add3A_14, %dma_start3A] : memref<10240x128xf32, #tpu.memory_space<vmem_shared>> -> memref<128x128xf32, #tpu.memory_space<vmem_shared>>
      %dma_start3A_72 = arith.constant 0 : i32
      %dma_start3A_73 = tpu.memref_slice %arg11[%add3A_14, %dma_start3A_72] : memref<10240x128xf32, #tpu.memory_space<vmem_shared>> -> memref<128x128xf32, #tpu.memory_space<vmem_shared>>
      tpu.enqueue_dma source(%arg9 : memref<128x128xf32, #tpu.memory_space<vmem>>) target(%dma_start3A_73 : memref<128x128xf32, #tpu.memory_space<vmem_shared>>) target_semaphore(%run_scoped3A : memref<!tpu.dma_semaphore, #tpu.memory_space<semaphore_mem>>)
      %dma_wait3A = arith.constant 0 : i32
      %dma_wait3A_74 = tpu.memref_slice %arg11[%add3A_14, %dma_wait3A] : memref<10240x128xf32, #tpu.memory_space<vmem_shared>> -> memref<128x128xf32, #tpu.memory_space<vmem_shared>>
      %dma_wait3A_75 = arith.constant 0 : i32
      %dma_wait3A_76 = tpu.memref_slice %arg11[%add3A_14, %dma_wait3A_75] : memref<10240x128xf32, #tpu.memory_space<vmem_shared>> -> memref<128x128xf32, #tpu.memory_space<vmem_shared>>
      tpu.wait_dma2 semaphore(%run_scoped3A : memref<!tpu.dma_semaphore, #tpu.memory_space<semaphore_mem>>) src(%arg9 : memref<128x128xf32, #tpu.memory_space<vmem>>) dst(%dma_wait3A_76 : memref<128x128xf32, #tpu.memory_space<vmem_shared>>)
      tpu.yield
    }) : () -> ()
    %mul3A_15 = arith.constant 640 : i32
    %mul3A_16 = arith.muli %arg1, %mul3A_15 : i32
    %add3A_17 = arith.constant 384 : i32
    %add3A_18 = arith.addi %mul3A_16, %add3A_17 : i32
    "tpu.region"() ({
      %run_scoped3A = tpu.sem_alloc : memref<!tpu.dma_semaphore, #tpu.memory_space<semaphore_mem>>
      %dma_start3A = arith.constant 0 : i32
      %dma_start3A_71 = tpu.memref_slice %arg11[%add3A_18, %dma_start3A] : memref<10240x128xf32, #tpu.memory_space<vmem_shared>> -> memref<128x128xf32, #tpu.memory_space<vmem_shared>>
      %dma_start3A_72 = arith.constant 0 : i32
      %dma_start3A_73 = tpu.memref_slice %arg11[%add3A_18, %dma_start3A_72] : memref<10240x128xf32, #tpu.memory_space<vmem_shared>> -> memref<128x128xf32, #tpu.memory_space<vmem_shared>>
      tpu.enqueue_dma source(%arg9 : memref<128x128xf32, #tpu.memory_space<vmem>>) target(%dma_start3A_73 : memref<128x128xf32, #tpu.memory_space<vmem_shared>>) target_semaphore(%run_scoped3A : memref<!tpu.dma_semaphore, #tpu.memory_space<semaphore_mem>>)
      %dma_wait3A = arith.constant 0 : i32
      %dma_wait3A_74 = tpu.memref_slice %arg11[%add3A_18, %dma_wait3A] : memref<10240x128xf32, #tpu.memory_space<vmem_shared>> -> memref<128x128xf32, #tpu.memory_space<vmem_shared>>
      %dma_wait3A_75 = arith.constant 0 : i32
      %dma_wait3A_76 = tpu.memref_slice %arg11[%add3A_18, %dma_wait3A_75] : memref<10240x128xf32, #tpu.memory_space<vmem_shared>> -> memref<128x128xf32, #tpu.memory_space<vmem_shared>>
      tpu.wait_dma2 semaphore(%run_scoped3A : memref<!tpu.dma_semaphore, #tpu.memory_space<semaphore_mem>>) src(%arg9 : memref<128x128xf32, #tpu.memory_space<vmem>>) dst(%dma_wait3A_76 : memref<128x128xf32, #tpu.memory_space<vmem_shared>>)
      tpu.yield
    }) : () -> ()
    %mul3A_19 = arith.constant 640 : i32
    %mul3A_20 = arith.muli %arg1, %mul3A_19 : i32
    %add3A_21 = arith.constant 512 : i32
    %add3A_22 = arith.addi %mul3A_20, %add3A_21 : i32
    "tpu.region"() ({
      %run_scoped3A = tpu.sem_alloc : memref<!tpu.dma_semaphore, #tpu.memory_space<semaphore_mem>>
      %dma_start3A = arith.constant 0 : i32
      %dma_start3A_71 = tpu.memref_slice %arg11[%add3A_22, %dma_start3A] : memref<10240x128xf32, #tpu.memory_space<vmem_shared>> -> memref<128x128xf32, #tpu.memory_space<vmem_shared>>
      %dma_start3A_72 = arith.constant 0 : i32
      %dma_start3A_73 = tpu.memref_slice %arg11[%add3A_22, %dma_start3A_72] : memref<10240x128xf32, #tpu.memory_space<vmem_shared>> -> memref<128x128xf32, #tpu.memory_space<vmem_shared>>
      tpu.enqueue_dma source(%arg9 : memref<128x128xf32, #tpu.memory_space<vmem>>) target(%dma_start3A_73 : memref<128x128xf32, #tpu.memory_space<vmem_shared>>) target_semaphore(%run_scoped3A : memref<!tpu.dma_semaphore, #tpu.memory_space<semaphore_mem>>)
      %dma_wait3A = arith.constant 0 : i32
      %dma_wait3A_74 = tpu.memref_slice %arg11[%add3A_22, %dma_wait3A] : memref<10240x128xf32, #tpu.memory_space<vmem_shared>> -> memref<128x128xf32, #tpu.memory_space<vmem_shared>>
      %dma_wait3A_75 = arith.constant 0 : i32
      %dma_wait3A_76 = tpu.memref_slice %arg11[%add3A_22, %dma_wait3A_75] : memref<10240x128xf32, #tpu.memory_space<vmem_shared>> -> memref<128x128xf32, #tpu.memory_space<vmem_shared>>
      tpu.wait_dma2 semaphore(%run_scoped3A : memref<!tpu.dma_semaphore, #tpu.memory_space<semaphore_mem>>) src(%arg9 : memref<128x128xf32, #tpu.memory_space<vmem>>) dst(%dma_wait3A_76 : memref<128x128xf32, #tpu.memory_space<vmem_shared>>)
      tpu.yield
    }) : () -> ()
    %barrier3A = arith.constant 0 : index
    tpu.barrier barrier_id(%barrier3A)
    %eq3A = arith.constant 0 : i32
    %eq3A_23 = arith.cmpi eq, %arg0, %eq3A : i32
    %convert_element_type3A = arith.extui %eq3A_23 : i1 to i32
    %cond3A = arith.constant 0 : i32
    %cond3A_24 = arith.cmpi ne, %convert_element_type3A, %cond3A : i32
    scf.if %cond3A_24 {
      "tpu.region"() ({
        %run_scoped3A = tpu.sem_alloc : memref<!tpu.dma_semaphore, #tpu.memory_space<semaphore_mem>>
        %dma_start3A_96 = arith.constant 0 : i32
        %dma_start3A_97 = arith.constant 0 : i32
        %dma_start3A_98 = tpu.memref_slice %arg4[%arg1, %dma_start3A_96, %dma_start3A_97] : memref<16x80x128xi32, #tpu.memory_space<hbm>> -> memref<1x40x128xi32, #tpu.memory_space<hbm>>
        %dma_start3A_99 = tpu.memref_squeeze %dma_start3A_98 : memref<1x40x128xi32, #tpu.memory_space<hbm>> -> memref<40x128xi32, #tpu.memory_space<hbm>>
        %dma_start3A_100 = arith.constant 0 : i32
        %dma_start3A_101 = arith.constant 0 : i32
        %dma_start3A_102 = tpu.memref_slice %arg4[%arg1, %dma_start3A_100, %dma_start3A_101] : memref<16x80x128xi32, #tpu.memory_space<hbm>> -> memref<1x40x128xi32, #tpu.memory_space<hbm>>
        %dma_start3A_103 = tpu.memref_squeeze %dma_start3A_102 : memref<1x40x128xi32, #tpu.memory_space<hbm>> -> memref<40x128xi32, #tpu.memory_space<hbm>>
        tpu.enqueue_dma source(%dma_start3A_103 : memref<40x128xi32, #tpu.memory_space<hbm>>) target(%arg7 : memref<40x128xi32, #tpu.memory_space<vmem>>) target_semaphore(%run_scoped3A : memref<!tpu.dma_semaphore, #tpu.memory_space<semaphore_mem>>)
        %dma_wait3A = arith.constant 0 : i32
        %dma_wait3A_104 = arith.constant 0 : i32
        %dma_wait3A_105 = tpu.memref_slice %arg4[%arg1, %dma_wait3A, %dma_wait3A_104] : memref<16x80x128xi32, #tpu.memory_space<hbm>> -> memref<1x40x128xi32, #tpu.memory_space<hbm>>
        %dma_wait3A_106 = tpu.memref_squeeze %dma_wait3A_105 : memref<1x40x128xi32, #tpu.memory_space<hbm>> -> memref<40x128xi32, #tpu.memory_space<hbm>>
        %dma_wait3A_107 = arith.constant 0 : i32
        %dma_wait3A_108 = arith.constant 0 : i32
        %dma_wait3A_109 = tpu.memref_slice %arg4[%arg1, %dma_wait3A_107, %dma_wait3A_108] : memref<16x80x128xi32, #tpu.memory_space<hbm>> -> memref<1x40x128xi32, #tpu.memory_space<hbm>>
        %dma_wait3A_110 = tpu.memref_squeeze %dma_wait3A_109 : memref<1x40x128xi32, #tpu.memory_space<hbm>> -> memref<40x128xi32, #tpu.memory_space<hbm>>
        tpu.wait_dma2 semaphore(%run_scoped3A : memref<!tpu.dma_semaphore, #tpu.memory_space<semaphore_mem>>) src(%dma_wait3A_110 : memref<40x128xi32, #tpu.memory_space<hbm>>) dst(%arg7 : memref<40x128xi32, #tpu.memory_space<vmem>>)
        tpu.yield
      }) : () -> ()
      "tpu.region"() ({
        %run_scoped3A = tpu.sem_alloc : memref<!tpu.dma_semaphore, #tpu.memory_space<semaphore_mem>>
        %dma_start3A_96 = arith.constant 0 : i32
        %dma_start3A_97 = arith.constant 0 : i32
        %dma_start3A_98 = tpu.memref_slice %arg5[%arg1, %dma_start3A_96, %dma_start3A_97] : memref<16x80x128xi32, #tpu.memory_space<hbm>> -> memref<1x40x128xi32, #tpu.memory_space<hbm>>
        %dma_start3A_99 = tpu.memref_squeeze %dma_start3A_98 : memref<1x40x128xi32, #tpu.memory_space<hbm>> -> memref<40x128xi32, #tpu.memory_space<hbm>>
        %dma_start3A_100 = arith.constant 0 : i32
        %dma_start3A_101 = arith.constant 0 : i32
        %dma_start3A_102 = tpu.memref_slice %arg5[%arg1, %dma_start3A_100, %dma_start3A_101] : memref<16x80x128xi32, #tpu.memory_space<hbm>> -> memref<1x40x128xi32, #tpu.memory_space<hbm>>
        %dma_start3A_103 = tpu.memref_squeeze %dma_start3A_102 : memref<1x40x128xi32, #tpu.memory_space<hbm>> -> memref<40x128xi32, #tpu.memory_space<hbm>>
        tpu.enqueue_dma source(%dma_start3A_103 : memref<40x128xi32, #tpu.memory_space<hbm>>) target(%arg8 : memref<40x128xi32, #tpu.memory_space<vmem>>) target_semaphore(%run_scoped3A : memref<!tpu.dma_semaphore, #tpu.memory_space<semaphore_mem>>)
        %dma_wait3A = arith.constant 0 : i32
        %dma_wait3A_104 = arith.constant 0 : i32
        %dma_wait3A_105 = tpu.memref_slice %arg5[%arg1, %dma_wait3A, %dma_wait3A_104] : memref<16x80x128xi32, #tpu.memory_space<hbm>> -> memref<1x40x128xi32, #tpu.memory_space<hbm>>
        %dma_wait3A_106 = tpu.memref_squeeze %dma_wait3A_105 : memref<1x40x128xi32, #tpu.memory_space<hbm>> -> memref<40x128xi32, #tpu.memory_space<hbm>>
        %dma_wait3A_107 = arith.constant 0 : i32
        %dma_wait3A_108 = arith.constant 0 : i32
        %dma_wait3A_109 = tpu.memref_slice %arg5[%arg1, %dma_wait3A_107, %dma_wait3A_108] : memref<16x80x128xi32, #tpu.memory_space<hbm>> -> memref<1x40x128xi32, #tpu.memory_space<hbm>>
        %dma_wait3A_110 = tpu.memref_squeeze %dma_wait3A_109 : memref<1x40x128xi32, #tpu.memory_space<hbm>> -> memref<40x128xi32, #tpu.memory_space<hbm>>
        tpu.wait_dma2 semaphore(%run_scoped3A : memref<!tpu.dma_semaphore, #tpu.memory_space<semaphore_mem>>) src(%dma_wait3A_110 : memref<40x128xi32, #tpu.memory_space<hbm>>) dst(%arg8 : memref<40x128xi32, #tpu.memory_space<vmem>>)
        tpu.yield
      }) : () -> ()
      %dma_start3A = arith.constant 0 : i32
      %dma_start3A_71 = arith.constant 0 : i32
      %dma_start3A_72 = tpu.memref_slice %arg7[%dma_start3A, %dma_start3A_71] : memref<40x128xi32, #tpu.memory_space<vmem>> -> memref<1x128xi32, #tpu.memory_space<vmem>>
      %dma_start3A_73 = tpu.memref_squeeze %dma_start3A_72 : memref<1x128xi32, #tpu.memory_space<vmem>> -> memref<128xi32, #tpu.memory_space<vmem>>
      %dma_start3A_74 = arith.constant 0 : i32
      %dma_start3A_75 = arith.constant 0 : i32
      %dma_start3A_76 = tpu.memref_slice %arg2[%dma_start3A_74, %dma_start3A_75] : memref<10240x128xf32, #tpu.memory_space<hbm>> -> memref<10240x128xf32, #tpu.memory_space<hbm>>
      tpu.enqueue_indirect_dma source(%dma_start3A_76 : memref<10240x128xf32, #tpu.memory_space<hbm>>) target(%arg9 : memref<128x128xf32, #tpu.memory_space<vmem>>) offsets(%dma_start3A_73 : memref<128xi32, #tpu.memory_space<vmem>>) semaphore(%arg12 : memref<!tpu.dma_semaphore, #tpu.memory_space<semaphore_mem>>)
      %scan3A_77 = arith.constant 0 : i32
      %scan3A_78 = arith.constant 0 : i32
      %scan3A_79 = arith.constant 20 : i32
      %scan3A_80 = arith.addi %scan3A_78, %scan3A_79 : i32
      %scan3A_81 = arith.constant 1 : i32
      scf.for %scan3A_96 = %scan3A_78 to %scan3A_80 step %scan3A_81  : i32 {
        %mul3A_97 = arith.constant 2 : i32
        %mul3A_98 = arith.muli %mul3A_97, %scan3A_96 : i32
        %add3A_99 = arith.constant 1 : i32
        %add3A_100 = arith.addi %mul3A_98, %add3A_99 : i32
        %dma_start3A_101 = arith.constant 0 : i32
        %dma_start3A_102 = tpu.memref_slice %arg7[%add3A_100, %dma_start3A_101] : memref<40x128xi32, #tpu.memory_space<vmem>> -> memref<1x128xi32, #tpu.memory_space<vmem>>
        %dma_start3A_103 = tpu.memref_squeeze %dma_start3A_102 : memref<1x128xi32, #tpu.memory_space<vmem>> -> memref<128xi32, #tpu.memory_space<vmem>>
        %dma_start3A_104 = arith.constant 0 : i32
        %dma_start3A_105 = arith.constant 0 : i32
        %dma_start3A_106 = tpu.memref_slice %arg2[%dma_start3A_104, %dma_start3A_105] : memref<10240x128xf32, #tpu.memory_space<hbm>> -> memref<10240x128xf32, #tpu.memory_space<hbm>>
        tpu.enqueue_indirect_dma source(%dma_start3A_106 : memref<10240x128xf32, #tpu.memory_space<hbm>>) target(%arg10 : memref<128x128xf32, #tpu.memory_space<vmem>>) offsets(%dma_start3A_103 : memref<128xi32, #tpu.memory_space<vmem>>) semaphore(%arg13 : memref<!tpu.dma_semaphore, #tpu.memory_space<semaphore_mem>>)
        %dma_wait3A = arith.constant 0 : i32
        %dma_wait3A_107 = tpu.memref_slice %arg7[%mul3A_98, %dma_wait3A] : memref<40x128xi32, #tpu.memory_space<vmem>> -> memref<1x128xi32, #tpu.memory_space<vmem>>
        %dma_wait3A_108 = tpu.memref_squeeze %dma_wait3A_107 : memref<1x128xi32, #tpu.memory_space<vmem>> -> memref<128xi32, #tpu.memory_space<vmem>>
        %dma_wait3A_109 = arith.constant 0 : i32
        %dma_wait3A_110 = arith.constant 0 : i32
        %dma_wait3A_111 = tpu.memref_slice %arg2[%dma_wait3A_109, %dma_wait3A_110] : memref<10240x128xf32, #tpu.memory_space<hbm>> -> memref<10240x128xf32, #tpu.memory_space<hbm>>
        tpu.wait_indirect_dma semaphore(%arg12 : memref<!tpu.dma_semaphore, #tpu.memory_space<semaphore_mem>>) src(%dma_wait3A_111 : memref<10240x128xf32, #tpu.memory_space<hbm>>) dst(%arg9 : memref<128x128xf32, #tpu.memory_space<vmem>>)
        "tpu.region"() ({
          %run_scoped3A = tpu.sem_alloc : memref<!tpu.dma_semaphore, #tpu.memory_space<semaphore_mem>>
          %dma_start3A_126 = arith.constant 0 : i32
          %dma_start3A_127 = tpu.memref_slice %arg8[%mul3A_98, %dma_start3A_126] : memref<40x128xi32, #tpu.memory_space<vmem>> -> memref<1x128xi32, #tpu.memory_space<vmem>>
          %dma_start3A_128 = tpu.memref_squeeze %dma_start3A_127 : memref<1x128xi32, #tpu.memory_space<vmem>> -> memref<128xi32, #tpu.memory_space<vmem>>
          %dma_start3A_129 = arith.constant 0 : i32
          %dma_start3A_130 = arith.constant 0 : i32
          %dma_start3A_131 = tpu.memref_slice %arg11[%dma_start3A_129, %dma_start3A_130] : memref<10240x128xf32, #tpu.memory_space<vmem_shared>> -> memref<10240x128xf32, #tpu.memory_space<vmem_shared>>
          tpu.enqueue_indirect_dma source(%arg9 : memref<128x128xf32, #tpu.memory_space<vmem>>) target(%dma_start3A_131 : memref<10240x128xf32, #tpu.memory_space<vmem_shared>>) offsets(%dma_start3A_128 : memref<128xi32, #tpu.memory_space<vmem>>) semaphore(%run_scoped3A : memref<!tpu.dma_semaphore, #tpu.memory_space<semaphore_mem>>) {add = true}
          %dma_wait3A_132 = arith.constant 0 : i32
          %dma_wait3A_133 = tpu.memref_slice %arg8[%mul3A_98, %dma_wait3A_132] : memref<40x128xi32, #tpu.memory_space<vmem>> -> memref<1x128xi32, #tpu.memory_space<vmem>>
          %dma_wait3A_134 = tpu.memref_squeeze %dma_wait3A_133 : memref<1x128xi32, #tpu.memory_space<vmem>> -> memref<128xi32, #tpu.memory_space<vmem>>
          %dma_wait3A_135 = arith.constant 0 : i32
          %dma_wait3A_136 = arith.constant 0 : i32
          %dma_wait3A_137 = tpu.memref_slice %arg11[%dma_wait3A_135, %dma_wait3A_136] : memref<10240x128xf32, #tpu.memory_space<vmem_shared>> -> memref<10240x128xf32, #tpu.memory_space<vmem_shared>>
          tpu.wait_indirect_dma semaphore(%run_scoped3A : memref<!tpu.dma_semaphore, #tpu.memory_space<semaphore_mem>>) src(%arg9 : memref<128x128xf32, #tpu.memory_space<vmem>>) dst(%dma_wait3A_137 : memref<10240x128xf32, #tpu.memory_space<vmem_shared>>)
          tpu.yield
        }) : () -> ()
        %add3A_112 = arith.constant 2 : i32
        %add3A_113 = arith.addi %mul3A_98, %add3A_112 : i32
        %lt3A = arith.constant 40 : i32
        %lt3A_114 = arith.cmpi slt, %add3A_113, %lt3A : i32
        %convert_element_type3A_115 = arith.extui %lt3A_114 : i1 to i32
        %cond3A_116 = arith.constant 0 : i32
        %cond3A_117 = arith.cmpi ne, %convert_element_type3A_115, %cond3A_116 : i32
        scf.if %cond3A_117 {
          %add3A_126 = arith.constant 2 : i32
          %add3A_127 = arith.addi %mul3A_98, %add3A_126 : i32
          %dma_start3A_128 = arith.constant 0 : i32
          %dma_start3A_129 = tpu.memref_slice %arg7[%add3A_127, %dma_start3A_128] : memref<40x128xi32, #tpu.memory_space<vmem>> -> memref<1x128xi32, #tpu.memory_space<vmem>>
          %dma_start3A_130 = tpu.memref_squeeze %dma_start3A_129 : memref<1x128xi32, #tpu.memory_space<vmem>> -> memref<128xi32, #tpu.memory_space<vmem>>
          %dma_start3A_131 = arith.constant 0 : i32
          %dma_start3A_132 = arith.constant 0 : i32
          %dma_start3A_133 = tpu.memref_slice %arg2[%dma_start3A_131, %dma_start3A_132] : memref<10240x128xf32, #tpu.memory_space<hbm>> -> memref<10240x128xf32, #tpu.memory_space<hbm>>
          tpu.enqueue_indirect_dma source(%dma_start3A_133 : memref<10240x128xf32, #tpu.memory_space<hbm>>) target(%arg9 : memref<128x128xf32, #tpu.memory_space<vmem>>) offsets(%dma_start3A_130 : memref<128xi32, #tpu.memory_space<vmem>>) semaphore(%arg12 : memref<!tpu.dma_semaphore, #tpu.memory_space<semaphore_mem>>)
        } else {
        }
        %add3A_118 = arith.constant 1 : i32
        %add3A_119 = arith.addi %mul3A_98, %add3A_118 : i32
        %dma_wait3A_120 = arith.constant 0 : i32
        %dma_wait3A_121 = tpu.memref_slice %arg7[%add3A_119, %dma_wait3A_120] : memref<40x128xi32, #tpu.memory_space<vmem>> -> memref<1x128xi32, #tpu.memory_space<vmem>>
        %dma_wait3A_122 = tpu.memref_squeeze %dma_wait3A_121 : memref<1x128xi32, #tpu.memory_space<vmem>> -> memref<128xi32, #tpu.memory_space<vmem>>
        %dma_wait3A_123 = arith.constant 0 : i32
        %dma_wait3A_124 = arith.constant 0 : i32
        %dma_wait3A_125 = tpu.memref_slice %arg2[%dma_wait3A_123, %dma_wait3A_124] : memref<10240x128xf32, #tpu.memory_space<hbm>> -> memref<10240x128xf32, #tpu.memory_space<hbm>>
        tpu.wait_indirect_dma semaphore(%arg13 : memref<!tpu.dma_semaphore, #tpu.memory_space<semaphore_mem>>) src(%dma_wait3A_125 : memref<10240x128xf32, #tpu.memory_space<hbm>>) dst(%arg10 : memref<128x128xf32, #tpu.memory_space<vmem>>)
        "tpu.region"() ({
          %run_scoped3A = tpu.sem_alloc : memref<!tpu.dma_semaphore, #tpu.memory_space<semaphore_mem>>
          %dma_start3A_126 = arith.constant 0 : i32
          %dma_start3A_127 = tpu.memref_slice %arg8[%add3A_119, %dma_start3A_126] : memref<40x128xi32, #tpu.memory_space<vmem>> -> memref<1x128xi32, #tpu.memory_space<vmem>>
          %dma_start3A_128 = tpu.memref_squeeze %dma_start3A_127 : memref<1x128xi32, #tpu.memory_space<vmem>> -> memref<128xi32, #tpu.memory_space<vmem>>
          %dma_start3A_129 = arith.constant 0 : i32
          %dma_start3A_130 = arith.constant 0 : i32
          %dma_start3A_131 = tpu.memref_slice %arg11[%dma_start3A_129, %dma_start3A_130] : memref<10240x128xf32, #tpu.memory_space<vmem_shared>> -> memref<10240x128xf32, #tpu.memory_space<vmem_shared>>
          tpu.enqueue_indirect_dma source(%arg10 : memref<128x128xf32, #tpu.memory_space<vmem>>) target(%dma_start3A_131 : memref<10240x128xf32, #tpu.memory_space<vmem_shared>>) offsets(%dma_start3A_128 : memref<128xi32, #tpu.memory_space<vmem>>) semaphore(%run_scoped3A : memref<!tpu.dma_semaphore, #tpu.memory_space<semaphore_mem>>) {add = true}
          %dma_wait3A_132 = arith.constant 0 : i32
          %dma_wait3A_133 = tpu.memref_slice %arg8[%add3A_119, %dma_wait3A_132] : memref<40x128xi32, #tpu.memory_space<vmem>> -> memref<1x128xi32, #tpu.memory_space<vmem>>
          %dma_wait3A_134 = tpu.memref_squeeze %dma_wait3A_133 : memref<1x128xi32, #tpu.memory_space<vmem>> -> memref<128xi32, #tpu.memory_space<vmem>>
          %dma_wait3A_135 = arith.constant 0 : i32
          %dma_wait3A_136 = arith.constant 0 : i32
          %dma_wait3A_137 = tpu.memref_slice %arg11[%dma_wait3A_135, %dma_wait3A_136] : memref<10240x128xf32, #tpu.memory_space<vmem_shared>> -> memref<10240x128xf32, #tpu.memory_space<vmem_shared>>
          tpu.wait_indirect_dma semaphore(%run_scoped3A : memref<!tpu.dma_semaphore, #tpu.memory_space<semaphore_mem>>) src(%arg10 : memref<128x128xf32, #tpu.memory_space<vmem>>) dst(%dma_wait3A_137 : memref<10240x128xf32, #tpu.memory_space<vmem_shared>>)
          tpu.yield
        }) : () -> ()
      }
      %scan3A_82 = arith.constant 20 : i32
      "tpu.region"() ({
        %run_scoped3A = tpu.sem_alloc : memref<!tpu.dma_semaphore, #tpu.memory_space<semaphore_mem>>
        %dma_start3A_96 = arith.constant 40 : i32
        %dma_start3A_97 = arith.constant 0 : i32
        %dma_start3A_98 = tpu.memref_slice %arg4[%arg1, %dma_start3A_96, %dma_start3A_97] : memref<16x80x128xi32, #tpu.memory_space<hbm>> -> memref<1x40x128xi32, #tpu.memory_space<hbm>>
        %dma_start3A_99 = tpu.memref_squeeze %dma_start3A_98 : memref<1x40x128xi32, #tpu.memory_space<hbm>> -> memref<40x128xi32, #tpu.memory_space<hbm>>
        %dma_start3A_100 = arith.constant 40 : i32
        %dma_start3A_101 = arith.constant 0 : i32
        %dma_start3A_102 = tpu.memref_slice %arg4[%arg1, %dma_start3A_100, %dma_start3A_101] : memref<16x80x128xi32, #tpu.memory_space<hbm>> -> memref<1x40x128xi32, #tpu.memory_space<hbm>>
        %dma_start3A_103 = tpu.memref_squeeze %dma_start3A_102 : memref<1x40x128xi32, #tpu.memory_space<hbm>> -> memref<40x128xi32, #tpu.memory_space<hbm>>
        tpu.enqueue_dma source(%dma_start3A_103 : memref<40x128xi32, #tpu.memory_space<hbm>>) target(%arg7 : memref<40x128xi32, #tpu.memory_space<vmem>>) target_semaphore(%run_scoped3A : memref<!tpu.dma_semaphore, #tpu.memory_space<semaphore_mem>>)
        %dma_wait3A = arith.constant 40 : i32
        %dma_wait3A_104 = arith.constant 0 : i32
        %dma_wait3A_105 = tpu.memref_slice %arg4[%arg1, %dma_wait3A, %dma_wait3A_104] : memref<16x80x128xi32, #tpu.memory_space<hbm>> -> memref<1x40x128xi32, #tpu.memory_space<hbm>>
        %dma_wait3A_106 = tpu.memref_squeeze %dma_wait3A_105 : memref<1x40x128xi32, #tpu.memory_space<hbm>> -> memref<40x128xi32, #tpu.memory_space<hbm>>
        %dma_wait3A_107 = arith.constant 40 : i32
        %dma_wait3A_108 = arith.constant 0 : i32
        %dma_wait3A_109 = tpu.memref_slice %arg4[%arg1, %dma_wait3A_107, %dma_wait3A_108] : memref<16x80x128xi32, #tpu.memory_space<hbm>> -> memref<1x40x128xi32, #tpu.memory_space<hbm>>
        %dma_wait3A_110 = tpu.memref_squeeze %dma_wait3A_109 : memref<1x40x128xi32, #tpu.memory_space<hbm>> -> memref<40x128xi32, #tpu.memory_space<hbm>>
        tpu.wait_dma2 semaphore(%run_scoped3A : memref<!tpu.dma_semaphore, #tpu.memory_space<semaphore_mem>>) src(%dma_wait3A_110 : memref<40x128xi32, #tpu.memory_space<hbm>>) dst(%arg7 : memref<40x128xi32, #tpu.memory_space<vmem>>)
        tpu.yield
      }) : () -> ()
      "tpu.region"() ({
        %run_scoped3A = tpu.sem_alloc : memref<!tpu.dma_semaphore, #tpu.memory_space<semaphore_mem>>
        %dma_start3A_96 = arith.constant 40 : i32
        %dma_start3A_97 = arith.constant 0 : i32
        %dma_start3A_98 = tpu.memref_slice %arg5[%arg1, %dma_start3A_96, %dma_start3A_97] : memref<16x80x128xi32, #tpu.memory_space<hbm>> -> memref<1x40x128xi32, #tpu.memory_space<hbm>>
        %dma_start3A_99 = tpu.memref_squeeze %dma_start3A_98 : memref<1x40x128xi32, #tpu.memory_space<hbm>> -> memref<40x128xi32, #tpu.memory_space<hbm>>
        %dma_start3A_100 = arith.constant 40 : i32
        %dma_start3A_101 = arith.constant 0 : i32
        %dma_start3A_102 = tpu.memref_slice %arg5[%arg1, %dma_start3A_100, %dma_start3A_101] : memref<16x80x128xi32, #tpu.memory_space<hbm>> -> memref<1x40x128xi32, #tpu.memory_space<hbm>>
        %dma_start3A_103 = tpu.memref_squeeze %dma_start3A_102 : memref<1x40x128xi32, #tpu.memory_space<hbm>> -> memref<40x128xi32, #tpu.memory_space<hbm>>
        tpu.enqueue_dma source(%dma_start3A_103 : memref<40x128xi32, #tpu.memory_space<hbm>>) target(%arg8 : memref<40x128xi32, #tpu.memory_space<vmem>>) target_semaphore(%run_scoped3A : memref<!tpu.dma_semaphore, #tpu.memory_space<semaphore_mem>>)
        %dma_wait3A = arith.constant 40 : i32
        %dma_wait3A_104 = arith.constant 0 : i32
        %dma_wait3A_105 = tpu.memref_slice %arg5[%arg1, %dma_wait3A, %dma_wait3A_104] : memref<16x80x128xi32, #tpu.memory_space<hbm>> -> memref<1x40x128xi32, #tpu.memory_space<hbm>>
        %dma_wait3A_106 = tpu.memref_squeeze %dma_wait3A_105 : memref<1x40x128xi32, #tpu.memory_space<hbm>> -> memref<40x128xi32, #tpu.memory_space<hbm>>
        %dma_wait3A_107 = arith.constant 40 : i32
        %dma_wait3A_108 = arith.constant 0 : i32
        %dma_wait3A_109 = tpu.memref_slice %arg5[%arg1, %dma_wait3A_107, %dma_wait3A_108] : memref<16x80x128xi32, #tpu.memory_space<hbm>> -> memref<1x40x128xi32, #tpu.memory_space<hbm>>
        %dma_wait3A_110 = tpu.memref_squeeze %dma_wait3A_109 : memref<1x40x128xi32, #tpu.memory_space<hbm>> -> memref<40x128xi32, #tpu.memory_space<hbm>>
        tpu.wait_dma2 semaphore(%run_scoped3A : memref<!tpu.dma_semaphore, #tpu.memory_space<semaphore_mem>>) src(%dma_wait3A_110 : memref<40x128xi32, #tpu.memory_space<hbm>>) dst(%arg8 : memref<40x128xi32, #tpu.memory_space<vmem>>)
        tpu.yield
      }) : () -> ()
      %dma_start3A_83 = arith.constant 0 : i32
      %dma_start3A_84 = arith.constant 0 : i32
      %dma_start3A_85 = tpu.memref_slice %arg7[%dma_start3A_83, %dma_start3A_84] : memref<40x128xi32, #tpu.memory_space<vmem>> -> memref<1x128xi32, #tpu.memory_space<vmem>>
      %dma_start3A_86 = tpu.memref_squeeze %dma_start3A_85 : memref<1x128xi32, #tpu.memory_space<vmem>> -> memref<128xi32, #tpu.memory_space<vmem>>
      %dma_start3A_87 = arith.constant 0 : i32
      %dma_start3A_88 = arith.constant 0 : i32
      %dma_start3A_89 = tpu.memref_slice %arg2[%dma_start3A_87, %dma_start3A_88] : memref<10240x128xf32, #tpu.memory_space<hbm>> -> memref<10240x128xf32, #tpu.memory_space<hbm>>
      tpu.enqueue_indirect_dma source(%dma_start3A_89 : memref<10240x128xf32, #tpu.memory_space<hbm>>) target(%arg9 : memref<128x128xf32, #tpu.memory_space<vmem>>) offsets(%dma_start3A_86 : memref<128xi32, #tpu.memory_space<vmem>>) semaphore(%arg12 : memref<!tpu.dma_semaphore, #tpu.memory_space<semaphore_mem>>)
      %scan3A_90 = arith.constant 0 : i32
      %scan3A_91 = arith.constant 0 : i32
      %scan3A_92 = arith.constant 20 : i32
      %scan3A_93 = arith.addi %scan3A_91, %scan3A_92 : i32
      %scan3A_94 = arith.constant 1 : i32
      scf.for %scan3A_96 = %scan3A_91 to %scan3A_93 step %scan3A_94  : i32 {
        %mul3A_97 = arith.constant 2 : i32
        %mul3A_98 = arith.muli %mul3A_97, %scan3A_96 : i32
        %add3A_99 = arith.constant 1 : i32
        %add3A_100 = arith.addi %mul3A_98, %add3A_99 : i32
        %dma_start3A_101 = arith.constant 0 : i32
        %dma_start3A_102 = tpu.memref_slice %arg7[%add3A_100, %dma_start3A_101] : memref<40x128xi32, #tpu.memory_space<vmem>> -> memref<1x128xi32, #tpu.memory_space<vmem>>
        %dma_start3A_103 = tpu.memref_squeeze %dma_start3A_102 : memref<1x128xi32, #tpu.memory_space<vmem>> -> memref<128xi32, #tpu.memory_space<vmem>>
        %dma_start3A_104 = arith.constant 0 : i32
        %dma_start3A_105 = arith.constant 0 : i32
        %dma_start3A_106 = tpu.memref_slice %arg2[%dma_start3A_104, %dma_start3A_105] : memref<10240x128xf32, #tpu.memory_space<hbm>> -> memref<10240x128xf32, #tpu.memory_space<hbm>>
        tpu.enqueue_indirect_dma source(%dma_start3A_106 : memref<10240x128xf32, #tpu.memory_space<hbm>>) target(%arg10 : memref<128x128xf32, #tpu.memory_space<vmem>>) offsets(%dma_start3A_103 : memref<128xi32, #tpu.memory_space<vmem>>) semaphore(%arg13 : memref<!tpu.dma_semaphore, #tpu.memory_space<semaphore_mem>>)
        %dma_wait3A = arith.constant 0 : i32
        %dma_wait3A_107 = tpu.memref_slice %arg7[%mul3A_98, %dma_wait3A] : memref<40x128xi32, #tpu.memory_space<vmem>> -> memref<1x128xi32, #tpu.memory_space<vmem>>
        %dma_wait3A_108 = tpu.memref_squeeze %dma_wait3A_107 : memref<1x128xi32, #tpu.memory_space<vmem>> -> memref<128xi32, #tpu.memory_space<vmem>>
        %dma_wait3A_109 = arith.constant 0 : i32
        %dma_wait3A_110 = arith.constant 0 : i32
        %dma_wait3A_111 = tpu.memref_slice %arg2[%dma_wait3A_109, %dma_wait3A_110] : memref<10240x128xf32, #tpu.memory_space<hbm>> -> memref<10240x128xf32, #tpu.memory_space<hbm>>
        tpu.wait_indirect_dma semaphore(%arg12 : memref<!tpu.dma_semaphore, #tpu.memory_space<semaphore_mem>>) src(%dma_wait3A_111 : memref<10240x128xf32, #tpu.memory_space<hbm>>) dst(%arg9 : memref<128x128xf32, #tpu.memory_space<vmem>>)
        "tpu.region"() ({
          %run_scoped3A = tpu.sem_alloc : memref<!tpu.dma_semaphore, #tpu.memory_space<semaphore_mem>>
          %dma_start3A_126 = arith.constant 0 : i32
          %dma_start3A_127 = tpu.memref_slice %arg8[%mul3A_98, %dma_start3A_126] : memref<40x128xi32, #tpu.memory_space<vmem>> -> memref<1x128xi32, #tpu.memory_space<vmem>>
          %dma_start3A_128 = tpu.memref_squeeze %dma_start3A_127 : memref<1x128xi32, #tpu.memory_space<vmem>> -> memref<128xi32, #tpu.memory_space<vmem>>
          %dma_start3A_129 = arith.constant 0 : i32
          %dma_start3A_130 = arith.constant 0 : i32
          %dma_start3A_131 = tpu.memref_slice %arg11[%dma_start3A_129, %dma_start3A_130] : memref<10240x128xf32, #tpu.memory_space<vmem_shared>> -> memref<10240x128xf32, #tpu.memory_space<vmem_shared>>
          tpu.enqueue_indirect_dma source(%arg9 : memref<128x128xf32, #tpu.memory_space<vmem>>) target(%dma_start3A_131 : memref<10240x128xf32, #tpu.memory_space<vmem_shared>>) offsets(%dma_start3A_128 : memref<128xi32, #tpu.memory_space<vmem>>) semaphore(%run_scoped3A : memref<!tpu.dma_semaphore, #tpu.memory_space<semaphore_mem>>) {add = true}
          %dma_wait3A_132 = arith.constant 0 : i32
          %dma_wait3A_133 = tpu.memref_slice %arg8[%mul3A_98, %dma_wait3A_132] : memref<40x128xi32, #tpu.memory_space<vmem>> -> memref<1x128xi32, #tpu.memory_space<vmem>>
          %dma_wait3A_134 = tpu.memref_squeeze %dma_wait3A_133 : memref<1x128xi32, #tpu.memory_space<vmem>> -> memref<128xi32, #tpu.memory_space<vmem>>
          %dma_wait3A_135 = arith.constant 0 : i32
          %dma_wait3A_136 = arith.constant 0 : i32
          %dma_wait3A_137 = tpu.memref_slice %arg11[%dma_wait3A_135, %dma_wait3A_136] : memref<10240x128xf32, #tpu.memory_space<vmem_shared>> -> memref<10240x128xf32, #tpu.memory_space<vmem_shared>>
          tpu.wait_indirect_dma semaphore(%run_scoped3A : memref<!tpu.dma_semaphore, #tpu.memory_space<semaphore_mem>>) src(%arg9 : memref<128x128xf32, #tpu.memory_space<vmem>>) dst(%dma_wait3A_137 : memref<10240x128xf32, #tpu.memory_space<vmem_shared>>)
          tpu.yield
        }) : () -> ()
        %add3A_112 = arith.constant 2 : i32
        %add3A_113 = arith.addi %mul3A_98, %add3A_112 : i32
        %lt3A = arith.constant 40 : i32
        %lt3A_114 = arith.cmpi slt, %add3A_113, %lt3A : i32
        %convert_element_type3A_115 = arith.extui %lt3A_114 : i1 to i32
        %cond3A_116 = arith.constant 0 : i32
        %cond3A_117 = arith.cmpi ne, %convert_element_type3A_115, %cond3A_116 : i32
        scf.if %cond3A_117 {
          %add3A_126 = arith.constant 2 : i32
          %add3A_127 = arith.addi %mul3A_98, %add3A_126 : i32
          %dma_start3A_128 = arith.constant 0 : i32
          %dma_start3A_129 = tpu.memref_slice %arg7[%add3A_127, %dma_start3A_128] : memref<40x128xi32, #tpu.memory_space<vmem>> -> memref<1x128xi32, #tpu.memory_space<vmem>>
          %dma_start3A_130 = tpu.memref_squeeze %dma_start3A_129 : memref<1x128xi32, #tpu.memory_space<vmem>> -> memref<128xi32, #tpu.memory_space<vmem>>
          %dma_start3A_131 = arith.constant 0 : i32
          %dma_start3A_132 = arith.constant 0 : i32
          %dma_start3A_133 = tpu.memref_slice %arg2[%dma_start3A_131, %dma_start3A_132] : memref<10240x128xf32, #tpu.memory_space<hbm>> -> memref<10240x128xf32, #tpu.memory_space<hbm>>
          tpu.enqueue_indirect_dma source(%dma_start3A_133 : memref<10240x128xf32, #tpu.memory_space<hbm>>) target(%arg9 : memref<128x128xf32, #tpu.memory_space<vmem>>) offsets(%dma_start3A_130 : memref<128xi32, #tpu.memory_space<vmem>>) semaphore(%arg12 : memref<!tpu.dma_semaphore, #tpu.memory_space<semaphore_mem>>)
        } else {
        }
        %add3A_118 = arith.constant 1 : i32
        %add3A_119 = arith.addi %mul3A_98, %add3A_118 : i32
        %dma_wait3A_120 = arith.constant 0 : i32
        %dma_wait3A_121 = tpu.memref_slice %arg7[%add3A_119, %dma_wait3A_120] : memref<40x128xi32, #tpu.memory_space<vmem>> -> memref<1x128xi32, #tpu.memory_space<vmem>>
        %dma_wait3A_122 = tpu.memref_squeeze %dma_wait3A_121 : memref<1x128xi32, #tpu.memory_space<vmem>> -> memref<128xi32, #tpu.memory_space<vmem>>
        %dma_wait3A_123 = arith.constant 0 : i32
        %dma_wait3A_124 = arith.constant 0 : i32
        %dma_wait3A_125 = tpu.memref_slice %arg2[%dma_wait3A_123, %dma_wait3A_124] : memref<10240x128xf32, #tpu.memory_space<hbm>> -> memref<10240x128xf32, #tpu.memory_space<hbm>>
        tpu.wait_indirect_dma semaphore(%arg13 : memref<!tpu.dma_semaphore, #tpu.memory_space<semaphore_mem>>) src(%dma_wait3A_125 : memref<10240x128xf32, #tpu.memory_space<hbm>>) dst(%arg10 : memref<128x128xf32, #tpu.memory_space<vmem>>)
        "tpu.region"() ({
          %run_scoped3A = tpu.sem_alloc : memref<!tpu.dma_semaphore, #tpu.memory_space<semaphore_mem>>
          %dma_start3A_126 = arith.constant 0 : i32
          %dma_start3A_127 = tpu.memref_slice %arg8[%add3A_119, %dma_start3A_126] : memref<40x128xi32, #tpu.memory_space<vmem>> -> memref<1x128xi32, #tpu.memory_space<vmem>>
          %dma_start3A_128 = tpu.memref_squeeze %dma_start3A_127 : memref<1x128xi32, #tpu.memory_space<vmem>> -> memref<128xi32, #tpu.memory_space<vmem>>
          %dma_start3A_129 = arith.constant 0 : i32
          %dma_start3A_130 = arith.constant 0 : i32
          %dma_start3A_131 = tpu.memref_slice %arg11[%dma_start3A_129, %dma_start3A_130] : memref<10240x128xf32, #tpu.memory_space<vmem_shared>> -> memref<10240x128xf32, #tpu.memory_space<vmem_shared>>
          tpu.enqueue_indirect_dma source(%arg10 : memref<128x128xf32, #tpu.memory_space<vmem>>) target(%dma_start3A_131 : memref<10240x128xf32, #tpu.memory_space<vmem_shared>>) offsets(%dma_start3A_128 : memref<128xi32, #tpu.memory_space<vmem>>) semaphore(%run_scoped3A : memref<!tpu.dma_semaphore, #tpu.memory_space<semaphore_mem>>) {add = true}
          %dma_wait3A_132 = arith.constant 0 : i32
          %dma_wait3A_133 = tpu.memref_slice %arg8[%add3A_119, %dma_wait3A_132] : memref<40x128xi32, #tpu.memory_space<vmem>> -> memref<1x128xi32, #tpu.memory_space<vmem>>
          %dma_wait3A_134 = tpu.memref_squeeze %dma_wait3A_133 : memref<1x128xi32, #tpu.memory_space<vmem>> -> memref<128xi32, #tpu.memory_space<vmem>>
          %dma_wait3A_135 = arith.constant 0 : i32
          %dma_wait3A_136 = arith.constant 0 : i32
          %dma_wait3A_137 = tpu.memref_slice %arg11[%dma_wait3A_135, %dma_wait3A_136] : memref<10240x128xf32, #tpu.memory_space<vmem_shared>> -> memref<10240x128xf32, #tpu.memory_space<vmem_shared>>
          tpu.wait_indirect_dma semaphore(%run_scoped3A : memref<!tpu.dma_semaphore, #tpu.memory_space<semaphore_mem>>) src(%arg10 : memref<128x128xf32, #tpu.memory_space<vmem>>) dst(%dma_wait3A_137 : memref<10240x128xf32, #tpu.memory_space<vmem_shared>>)
          tpu.yield
        }) : () -> ()
      }
      %scan3A_95 = arith.constant 20 : i32
    } else {
    }
    %eq3A_25 = arith.constant 1 : i32
    %eq3A_26 = arith.cmpi eq, %arg0, %eq3A_25 : i32
    %convert_element_type3A_27 = arith.extui %eq3A_26 : i1 to i32
    %cond3A_28 = arith.constant 0 : i32
    %cond3A_29 = arith.cmpi ne, %convert_element_type3A_27, %cond3A_28 : i32
    scf.if %cond3A_29 {
      "tpu.region"() ({
        %run_scoped3A = tpu.sem_alloc : memref<!tpu.dma_semaphore, #tpu.memory_space<semaphore_mem>>
        %dma_start3A_96 = arith.constant 0 : i32
        %dma_start3A_97 = arith.constant 0 : i32
        %dma_start3A_98 = tpu.memref_slice %arg4[%arg1, %dma_start3A_96, %dma_start3A_97] : memref<16x80x128xi32, #tpu.memory_space<hbm>> -> memref<1x40x128xi32, #tpu.memory_space<hbm>>
        %dma_start3A_99 = tpu.memref_squeeze %dma_start3A_98 : memref<1x40x128xi32, #tpu.memory_space<hbm>> -> memref<40x128xi32, #tpu.memory_space<hbm>>
        %dma_start3A_100 = arith.constant 0 : i32
        %dma_start3A_101 = arith.constant 0 : i32
        %dma_start3A_102 = tpu.memref_slice %arg4[%arg1, %dma_start3A_100, %dma_start3A_101] : memref<16x80x128xi32, #tpu.memory_space<hbm>> -> memref<1x40x128xi32, #tpu.memory_space<hbm>>
        %dma_start3A_103 = tpu.memref_squeeze %dma_start3A_102 : memref<1x40x128xi32, #tpu.memory_space<hbm>> -> memref<40x128xi32, #tpu.memory_space<hbm>>
        tpu.enqueue_dma source(%dma_start3A_103 : memref<40x128xi32, #tpu.memory_space<hbm>>) target(%arg7 : memref<40x128xi32, #tpu.memory_space<vmem>>) target_semaphore(%run_scoped3A : memref<!tpu.dma_semaphore, #tpu.memory_space<semaphore_mem>>)
        %dma_wait3A = arith.constant 0 : i32
        %dma_wait3A_104 = arith.constant 0 : i32
        %dma_wait3A_105 = tpu.memref_slice %arg4[%arg1, %dma_wait3A, %dma_wait3A_104] : memref<16x80x128xi32, #tpu.memory_space<hbm>> -> memref<1x40x128xi32, #tpu.memory_space<hbm>>
        %dma_wait3A_106 = tpu.memref_squeeze %dma_wait3A_105 : memref<1x40x128xi32, #tpu.memory_space<hbm>> -> memref<40x128xi32, #tpu.memory_space<hbm>>
        %dma_wait3A_107 = arith.constant 0 : i32
        %dma_wait3A_108 = arith.constant 0 : i32
        %dma_wait3A_109 = tpu.memref_slice %arg4[%arg1, %dma_wait3A_107, %dma_wait3A_108] : memref<16x80x128xi32, #tpu.memory_space<hbm>> -> memref<1x40x128xi32, #tpu.memory_space<hbm>>
        %dma_wait3A_110 = tpu.memref_squeeze %dma_wait3A_109 : memref<1x40x128xi32, #tpu.memory_space<hbm>> -> memref<40x128xi32, #tpu.memory_space<hbm>>
        tpu.wait_dma2 semaphore(%run_scoped3A : memref<!tpu.dma_semaphore, #tpu.memory_space<semaphore_mem>>) src(%dma_wait3A_110 : memref<40x128xi32, #tpu.memory_space<hbm>>) dst(%arg7 : memref<40x128xi32, #tpu.memory_space<vmem>>)
        tpu.yield
      }) : () -> ()
      "tpu.region"() ({
        %run_scoped3A = tpu.sem_alloc : memref<!tpu.dma_semaphore, #tpu.memory_space<semaphore_mem>>
        %dma_start3A_96 = arith.constant 0 : i32
        %dma_start3A_97 = arith.constant 0 : i32
        %dma_start3A_98 = tpu.memref_slice %arg5[%arg1, %dma_start3A_96, %dma_start3A_97] : memref<16x80x128xi32, #tpu.memory_space<hbm>> -> memref<1x40x128xi32, #tpu.memory_space<hbm>>
        %dma_start3A_99 = tpu.memref_squeeze %dma_start3A_98 : memref<1x40x128xi32, #tpu.memory_space<hbm>> -> memref<40x128xi32, #tpu.memory_space<hbm>>
        %dma_start3A_100 = arith.constant 0 : i32
        %dma_start3A_101 = arith.constant 0 : i32
        %dma_start3A_102 = tpu.memref_slice %arg5[%arg1, %dma_start3A_100, %dma_start3A_101] : memref<16x80x128xi32, #tpu.memory_space<hbm>> -> memref<1x40x128xi32, #tpu.memory_space<hbm>>
        %dma_start3A_103 = tpu.memref_squeeze %dma_start3A_102 : memref<1x40x128xi32, #tpu.memory_space<hbm>> -> memref<40x128xi32, #tpu.memory_space<hbm>>
        tpu.enqueue_dma source(%dma_start3A_103 : memref<40x128xi32, #tpu.memory_space<hbm>>) target(%arg8 : memref<40x128xi32, #tpu.memory_space<vmem>>) target_semaphore(%run_scoped3A : memref<!tpu.dma_semaphore, #tpu.memory_space<semaphore_mem>>)
        %dma_wait3A = arith.constant 0 : i32
        %dma_wait3A_104 = arith.constant 0 : i32
        %dma_wait3A_105 = tpu.memref_slice %arg5[%arg1, %dma_wait3A, %dma_wait3A_104] : memref<16x80x128xi32, #tpu.memory_space<hbm>> -> memref<1x40x128xi32, #tpu.memory_space<hbm>>
        %dma_wait3A_106 = tpu.memref_squeeze %dma_wait3A_105 : memref<1x40x128xi32, #tpu.memory_space<hbm>> -> memref<40x128xi32, #tpu.memory_space<hbm>>
        %dma_wait3A_107 = arith.constant 0 : i32
        %dma_wait3A_108 = arith.constant 0 : i32
        %dma_wait3A_109 = tpu.memref_slice %arg5[%arg1, %dma_wait3A_107, %dma_wait3A_108] : memref<16x80x128xi32, #tpu.memory_space<hbm>> -> memref<1x40x128xi32, #tpu.memory_space<hbm>>
        %dma_wait3A_110 = tpu.memref_squeeze %dma_wait3A_109 : memref<1x40x128xi32, #tpu.memory_space<hbm>> -> memref<40x128xi32, #tpu.memory_space<hbm>>
        tpu.wait_dma2 semaphore(%run_scoped3A : memref<!tpu.dma_semaphore, #tpu.memory_space<semaphore_mem>>) src(%dma_wait3A_110 : memref<40x128xi32, #tpu.memory_space<hbm>>) dst(%arg8 : memref<40x128xi32, #tpu.memory_space<vmem>>)
        tpu.yield
      }) : () -> ()
      %dma_start3A = arith.constant 0 : i32
      %dma_start3A_71 = arith.constant 0 : i32
      %dma_start3A_72 = tpu.memref_slice %arg7[%dma_start3A, %dma_start3A_71] : memref<40x128xi32, #tpu.memory_space<vmem>> -> memref<1x128xi32, #tpu.memory_space<vmem>>
      %dma_start3A_73 = tpu.memref_squeeze %dma_start3A_72 : memref<1x128xi32, #tpu.memory_space<vmem>> -> memref<128xi32, #tpu.memory_space<vmem>>
      %dma_start3A_74 = arith.constant 0 : i32
      %dma_start3A_75 = arith.constant 0 : i32
      %dma_start3A_76 = tpu.memref_slice %arg3[%dma_start3A_74, %dma_start3A_75] : memref<10240x128xf32, #tpu.memory_space<hbm>> -> memref<10240x128xf32, #tpu.memory_space<hbm>>
      tpu.enqueue_indirect_dma source(%dma_start3A_76 : memref<10240x128xf32, #tpu.memory_space<hbm>>) target(%arg9 : memref<128x128xf32, #tpu.memory_space<vmem>>) offsets(%dma_start3A_73 : memref<128xi32, #tpu.memory_space<vmem>>) semaphore(%arg12 : memref<!tpu.dma_semaphore, #tpu.memory_space<semaphore_mem>>)
      %scan3A_77 = arith.constant 0 : i32
      %scan3A_78 = arith.constant 0 : i32
      %scan3A_79 = arith.constant 20 : i32
      %scan3A_80 = arith.addi %scan3A_78, %scan3A_79 : i32
      %scan3A_81 = arith.constant 1 : i32
      scf.for %scan3A_96 = %scan3A_78 to %scan3A_80 step %scan3A_81  : i32 {
        %mul3A_97 = arith.constant 2 : i32
        %mul3A_98 = arith.muli %mul3A_97, %scan3A_96 : i32
        %add3A_99 = arith.constant 1 : i32
        %add3A_100 = arith.addi %mul3A_98, %add3A_99 : i32
        %dma_start3A_101 = arith.constant 0 : i32
        %dma_start3A_102 = tpu.memref_slice %arg7[%add3A_100, %dma_start3A_101] : memref<40x128xi32, #tpu.memory_space<vmem>> -> memref<1x128xi32, #tpu.memory_space<vmem>>
        %dma_start3A_103 = tpu.memref_squeeze %dma_start3A_102 : memref<1x128xi32, #tpu.memory_space<vmem>> -> memref<128xi32, #tpu.memory_space<vmem>>
        %dma_start3A_104 = arith.constant 0 : i32
        %dma_start3A_105 = arith.constant 0 : i32
        %dma_start3A_106 = tpu.memref_slice %arg3[%dma_start3A_104, %dma_start3A_105] : memref<10240x128xf32, #tpu.memory_space<hbm>> -> memref<10240x128xf32, #tpu.memory_space<hbm>>
        tpu.enqueue_indirect_dma source(%dma_start3A_106 : memref<10240x128xf32, #tpu.memory_space<hbm>>) target(%arg10 : memref<128x128xf32, #tpu.memory_space<vmem>>) offsets(%dma_start3A_103 : memref<128xi32, #tpu.memory_space<vmem>>) semaphore(%arg13 : memref<!tpu.dma_semaphore, #tpu.memory_space<semaphore_mem>>)
        %dma_wait3A = arith.constant 0 : i32
        %dma_wait3A_107 = tpu.memref_slice %arg7[%mul3A_98, %dma_wait3A] : memref<40x128xi32, #tpu.memory_space<vmem>> -> memref<1x128xi32, #tpu.memory_space<vmem>>
        %dma_wait3A_108 = tpu.memref_squeeze %dma_wait3A_107 : memref<1x128xi32, #tpu.memory_space<vmem>> -> memref<128xi32, #tpu.memory_space<vmem>>
        %dma_wait3A_109 = arith.constant 0 : i32
        %dma_wait3A_110 = arith.constant 0 : i32
        %dma_wait3A_111 = tpu.memref_slice %arg3[%dma_wait3A_109, %dma_wait3A_110] : memref<10240x128xf32, #tpu.memory_space<hbm>> -> memref<10240x128xf32, #tpu.memory_space<hbm>>
        tpu.wait_indirect_dma semaphore(%arg12 : memref<!tpu.dma_semaphore, #tpu.memory_space<semaphore_mem>>) src(%dma_wait3A_111 : memref<10240x128xf32, #tpu.memory_space<hbm>>) dst(%arg9 : memref<128x128xf32, #tpu.memory_space<vmem>>)
        "tpu.region"() ({
          %run_scoped3A = tpu.sem_alloc : memref<!tpu.dma_semaphore, #tpu.memory_space<semaphore_mem>>
          %dma_start3A_126 = arith.constant 0 : i32
          %dma_start3A_127 = tpu.memref_slice %arg8[%mul3A_98, %dma_start3A_126] : memref<40x128xi32, #tpu.memory_space<vmem>> -> memref<1x128xi32, #tpu.memory_space<vmem>>
          %dma_start3A_128 = tpu.memref_squeeze %dma_start3A_127 : memref<1x128xi32, #tpu.memory_space<vmem>> -> memref<128xi32, #tpu.memory_space<vmem>>
          %dma_start3A_129 = arith.constant 0 : i32
          %dma_start3A_130 = arith.constant 0 : i32
          %dma_start3A_131 = tpu.memref_slice %arg11[%dma_start3A_129, %dma_start3A_130] : memref<10240x128xf32, #tpu.memory_space<vmem_shared>> -> memref<10240x128xf32, #tpu.memory_space<vmem_shared>>
          tpu.enqueue_indirect_dma source(%arg9 : memref<128x128xf32, #tpu.memory_space<vmem>>) target(%dma_start3A_131 : memref<10240x128xf32, #tpu.memory_space<vmem_shared>>) offsets(%dma_start3A_128 : memref<128xi32, #tpu.memory_space<vmem>>) semaphore(%run_scoped3A : memref<!tpu.dma_semaphore, #tpu.memory_space<semaphore_mem>>) {add = true}
          %dma_wait3A_132 = arith.constant 0 : i32
          %dma_wait3A_133 = tpu.memref_slice %arg8[%mul3A_98, %dma_wait3A_132] : memref<40x128xi32, #tpu.memory_space<vmem>> -> memref<1x128xi32, #tpu.memory_space<vmem>>
          %dma_wait3A_134 = tpu.memref_squeeze %dma_wait3A_133 : memref<1x128xi32, #tpu.memory_space<vmem>> -> memref<128xi32, #tpu.memory_space<vmem>>
          %dma_wait3A_135 = arith.constant 0 : i32
          %dma_wait3A_136 = arith.constant 0 : i32
          %dma_wait3A_137 = tpu.memref_slice %arg11[%dma_wait3A_135, %dma_wait3A_136] : memref<10240x128xf32, #tpu.memory_space<vmem_shared>> -> memref<10240x128xf32, #tpu.memory_space<vmem_shared>>
          tpu.wait_indirect_dma semaphore(%run_scoped3A : memref<!tpu.dma_semaphore, #tpu.memory_space<semaphore_mem>>) src(%arg9 : memref<128x128xf32, #tpu.memory_space<vmem>>) dst(%dma_wait3A_137 : memref<10240x128xf32, #tpu.memory_space<vmem_shared>>)
          tpu.yield
        }) : () -> ()
        %add3A_112 = arith.constant 2 : i32
        %add3A_113 = arith.addi %mul3A_98, %add3A_112 : i32
        %lt3A = arith.constant 40 : i32
        %lt3A_114 = arith.cmpi slt, %add3A_113, %lt3A : i32
        %convert_element_type3A_115 = arith.extui %lt3A_114 : i1 to i32
        %cond3A_116 = arith.constant 0 : i32
        %cond3A_117 = arith.cmpi ne, %convert_element_type3A_115, %cond3A_116 : i32
        scf.if %cond3A_117 {
          %add3A_126 = arith.constant 2 : i32
          %add3A_127 = arith.addi %mul3A_98, %add3A_126 : i32
          %dma_start3A_128 = arith.constant 0 : i32
          %dma_start3A_129 = tpu.memref_slice %arg7[%add3A_127, %dma_start3A_128] : memref<40x128xi32, #tpu.memory_space<vmem>> -> memref<1x128xi32, #tpu.memory_space<vmem>>
          %dma_start3A_130 = tpu.memref_squeeze %dma_start3A_129 : memref<1x128xi32, #tpu.memory_space<vmem>> -> memref<128xi32, #tpu.memory_space<vmem>>
          %dma_start3A_131 = arith.constant 0 : i32
          %dma_start3A_132 = arith.constant 0 : i32
          %dma_start3A_133 = tpu.memref_slice %arg3[%dma_start3A_131, %dma_start3A_132] : memref<10240x128xf32, #tpu.memory_space<hbm>> -> memref<10240x128xf32, #tpu.memory_space<hbm>>
          tpu.enqueue_indirect_dma source(%dma_start3A_133 : memref<10240x128xf32, #tpu.memory_space<hbm>>) target(%arg9 : memref<128x128xf32, #tpu.memory_space<vmem>>) offsets(%dma_start3A_130 : memref<128xi32, #tpu.memory_space<vmem>>) semaphore(%arg12 : memref<!tpu.dma_semaphore, #tpu.memory_space<semaphore_mem>>)
        } else {
        }
        %add3A_118 = arith.constant 1 : i32
        %add3A_119 = arith.addi %mul3A_98, %add3A_118 : i32
        %dma_wait3A_120 = arith.constant 0 : i32
        %dma_wait3A_121 = tpu.memref_slice %arg7[%add3A_119, %dma_wait3A_120] : memref<40x128xi32, #tpu.memory_space<vmem>> -> memref<1x128xi32, #tpu.memory_space<vmem>>
        %dma_wait3A_122 = tpu.memref_squeeze %dma_wait3A_121 : memref<1x128xi32, #tpu.memory_space<vmem>> -> memref<128xi32, #tpu.memory_space<vmem>>
        %dma_wait3A_123 = arith.constant 0 : i32
        %dma_wait3A_124 = arith.constant 0 : i32
        %dma_wait3A_125 = tpu.memref_slice %arg3[%dma_wait3A_123, %dma_wait3A_124] : memref<10240x128xf32, #tpu.memory_space<hbm>> -> memref<10240x128xf32, #tpu.memory_space<hbm>>
        tpu.wait_indirect_dma semaphore(%arg13 : memref<!tpu.dma_semaphore, #tpu.memory_space<semaphore_mem>>) src(%dma_wait3A_125 : memref<10240x128xf32, #tpu.memory_space<hbm>>) dst(%arg10 : memref<128x128xf32, #tpu.memory_space<vmem>>)
        "tpu.region"() ({
          %run_scoped3A = tpu.sem_alloc : memref<!tpu.dma_semaphore, #tpu.memory_space<semaphore_mem>>
          %dma_start3A_126 = arith.constant 0 : i32
          %dma_start3A_127 = tpu.memref_slice %arg8[%add3A_119, %dma_start3A_126] : memref<40x128xi32, #tpu.memory_space<vmem>> -> memref<1x128xi32, #tpu.memory_space<vmem>>
          %dma_start3A_128 = tpu.memref_squeeze %dma_start3A_127 : memref<1x128xi32, #tpu.memory_space<vmem>> -> memref<128xi32, #tpu.memory_space<vmem>>
          %dma_start3A_129 = arith.constant 0 : i32
          %dma_start3A_130 = arith.constant 0 : i32
          %dma_start3A_131 = tpu.memref_slice %arg11[%dma_start3A_129, %dma_start3A_130] : memref<10240x128xf32, #tpu.memory_space<vmem_shared>> -> memref<10240x128xf32, #tpu.memory_space<vmem_shared>>
          tpu.enqueue_indirect_dma source(%arg10 : memref<128x128xf32, #tpu.memory_space<vmem>>) target(%dma_start3A_131 : memref<10240x128xf32, #tpu.memory_space<vmem_shared>>) offsets(%dma_start3A_128 : memref<128xi32, #tpu.memory_space<vmem>>) semaphore(%run_scoped3A : memref<!tpu.dma_semaphore, #tpu.memory_space<semaphore_mem>>) {add = true}
          %dma_wait3A_132 = arith.constant 0 : i32
          %dma_wait3A_133 = tpu.memref_slice %arg8[%add3A_119, %dma_wait3A_132] : memref<40x128xi32, #tpu.memory_space<vmem>> -> memref<1x128xi32, #tpu.memory_space<vmem>>
          %dma_wait3A_134 = tpu.memref_squeeze %dma_wait3A_133 : memref<1x128xi32, #tpu.memory_space<vmem>> -> memref<128xi32, #tpu.memory_space<vmem>>
          %dma_wait3A_135 = arith.constant 0 : i32
          %dma_wait3A_136 = arith.constant 0 : i32
          %dma_wait3A_137 = tpu.memref_slice %arg11[%dma_wait3A_135, %dma_wait3A_136] : memref<10240x128xf32, #tpu.memory_space<vmem_shared>> -> memref<10240x128xf32, #tpu.memory_space<vmem_shared>>
          tpu.wait_indirect_dma semaphore(%run_scoped3A : memref<!tpu.dma_semaphore, #tpu.memory_space<semaphore_mem>>) src(%arg10 : memref<128x128xf32, #tpu.memory_space<vmem>>) dst(%dma_wait3A_137 : memref<10240x128xf32, #tpu.memory_space<vmem_shared>>)
          tpu.yield
        }) : () -> ()
      }
      %scan3A_82 = arith.constant 20 : i32
      "tpu.region"() ({
        %run_scoped3A = tpu.sem_alloc : memref<!tpu.dma_semaphore, #tpu.memory_space<semaphore_mem>>
        %dma_start3A_96 = arith.constant 40 : i32
        %dma_start3A_97 = arith.constant 0 : i32
        %dma_start3A_98 = tpu.memref_slice %arg4[%arg1, %dma_start3A_96, %dma_start3A_97] : memref<16x80x128xi32, #tpu.memory_space<hbm>> -> memref<1x40x128xi32, #tpu.memory_space<hbm>>
        %dma_start3A_99 = tpu.memref_squeeze %dma_start3A_98 : memref<1x40x128xi32, #tpu.memory_space<hbm>> -> memref<40x128xi32, #tpu.memory_space<hbm>>
        %dma_start3A_100 = arith.constant 40 : i32
        %dma_start3A_101 = arith.constant 0 : i32
        %dma_start3A_102 = tpu.memref_slice %arg4[%arg1, %dma_start3A_100, %dma_start3A_101] : memref<16x80x128xi32, #tpu.memory_space<hbm>> -> memref<1x40x128xi32, #tpu.memory_space<hbm>>
        %dma_start3A_103 = tpu.memref_squeeze %dma_start3A_102 : memref<1x40x128xi32, #tpu.memory_space<hbm>> -> memref<40x128xi32, #tpu.memory_space<hbm>>
        tpu.enqueue_dma source(%dma_start3A_103 : memref<40x128xi32, #tpu.memory_space<hbm>>) target(%arg7 : memref<40x128xi32, #tpu.memory_space<vmem>>) target_semaphore(%run_scoped3A : memref<!tpu.dma_semaphore, #tpu.memory_space<semaphore_mem>>)
        %dma_wait3A = arith.constant 40 : i32
        %dma_wait3A_104 = arith.constant 0 : i32
        %dma_wait3A_105 = tpu.memref_slice %arg4[%arg1, %dma_wait3A, %dma_wait3A_104] : memref<16x80x128xi32, #tpu.memory_space<hbm>> -> memref<1x40x128xi32, #tpu.memory_space<hbm>>
        %dma_wait3A_106 = tpu.memref_squeeze %dma_wait3A_105 : memref<1x40x128xi32, #tpu.memory_space<hbm>> -> memref<40x128xi32, #tpu.memory_space<hbm>>
        %dma_wait3A_107 = arith.constant 40 : i32
        %dma_wait3A_108 = arith.constant 0 : i32
        %dma_wait3A_109 = tpu.memref_slice %arg4[%arg1, %dma_wait3A_107, %dma_wait3A_108] : memref<16x80x128xi32, #tpu.memory_space<hbm>> -> memref<1x40x128xi32, #tpu.memory_space<hbm>>
        %dma_wait3A_110 = tpu.memref_squeeze %dma_wait3A_109 : memref<1x40x128xi32, #tpu.memory_space<hbm>> -> memref<40x128xi32, #tpu.memory_space<hbm>>
        tpu.wait_dma2 semaphore(%run_scoped3A : memref<!tpu.dma_semaphore, #tpu.memory_space<semaphore_mem>>) src(%dma_wait3A_110 : memref<40x128xi32, #tpu.memory_space<hbm>>) dst(%arg7 : memref<40x128xi32, #tpu.memory_space<vmem>>)
        tpu.yield
      }) : () -> ()
      "tpu.region"() ({
        %run_scoped3A = tpu.sem_alloc : memref<!tpu.dma_semaphore, #tpu.memory_space<semaphore_mem>>
        %dma_start3A_96 = arith.constant 40 : i32
        %dma_start3A_97 = arith.constant 0 : i32
        %dma_start3A_98 = tpu.memref_slice %arg5[%arg1, %dma_start3A_96, %dma_start3A_97] : memref<16x80x128xi32, #tpu.memory_space<hbm>> -> memref<1x40x128xi32, #tpu.memory_space<hbm>>
        %dma_start3A_99 = tpu.memref_squeeze %dma_start3A_98 : memref<1x40x128xi32, #tpu.memory_space<hbm>> -> memref<40x128xi32, #tpu.memory_space<hbm>>
        %dma_start3A_100 = arith.constant 40 : i32
        %dma_start3A_101 = arith.constant 0 : i32
        %dma_start3A_102 = tpu.memref_slice %arg5[%arg1, %dma_start3A_100, %dma_start3A_101] : memref<16x80x128xi32, #tpu.memory_space<hbm>> -> memref<1x40x128xi32, #tpu.memory_space<hbm>>
        %dma_start3A_103 = tpu.memref_squeeze %dma_start3A_102 : memref<1x40x128xi32, #tpu.memory_space<hbm>> -> memref<40x128xi32, #tpu.memory_space<hbm>>
        tpu.enqueue_dma source(%dma_start3A_103 : memref<40x128xi32, #tpu.memory_space<hbm>>) target(%arg8 : memref<40x128xi32, #tpu.memory_space<vmem>>) target_semaphore(%run_scoped3A : memref<!tpu.dma_semaphore, #tpu.memory_space<semaphore_mem>>)
        %dma_wait3A = arith.constant 40 : i32
        %dma_wait3A_104 = arith.constant 0 : i32
        %dma_wait3A_105 = tpu.memref_slice %arg5[%arg1, %dma_wait3A, %dma_wait3A_104] : memref<16x80x128xi32, #tpu.memory_space<hbm>> -> memref<1x40x128xi32, #tpu.memory_space<hbm>>
        %dma_wait3A_106 = tpu.memref_squeeze %dma_wait3A_105 : memref<1x40x128xi32, #tpu.memory_space<hbm>> -> memref<40x128xi32, #tpu.memory_space<hbm>>
        %dma_wait3A_107 = arith.constant 40 : i32
        %dma_wait3A_108 = arith.constant 0 : i32
        %dma_wait3A_109 = tpu.memref_slice %arg5[%arg1, %dma_wait3A_107, %dma_wait3A_108] : memref<16x80x128xi32, #tpu.memory_space<hbm>> -> memref<1x40x128xi32, #tpu.memory_space<hbm>>
        %dma_wait3A_110 = tpu.memref_squeeze %dma_wait3A_109 : memref<1x40x128xi32, #tpu.memory_space<hbm>> -> memref<40x128xi32, #tpu.memory_space<hbm>>
        tpu.wait_dma2 semaphore(%run_scoped3A : memref<!tpu.dma_semaphore, #tpu.memory_space<semaphore_mem>>) src(%dma_wait3A_110 : memref<40x128xi32, #tpu.memory_space<hbm>>) dst(%arg8 : memref<40x128xi32, #tpu.memory_space<vmem>>)
        tpu.yield
      }) : () -> ()
      %dma_start3A_83 = arith.constant 0 : i32
      %dma_start3A_84 = arith.constant 0 : i32
      %dma_start3A_85 = tpu.memref_slice %arg7[%dma_start3A_83, %dma_start3A_84] : memref<40x128xi32, #tpu.memory_space<vmem>> -> memref<1x128xi32, #tpu.memory_space<vmem>>
      %dma_start3A_86 = tpu.memref_squeeze %dma_start3A_85 : memref<1x128xi32, #tpu.memory_space<vmem>> -> memref<128xi32, #tpu.memory_space<vmem>>
      %dma_start3A_87 = arith.constant 0 : i32
      %dma_start3A_88 = arith.constant 0 : i32
      %dma_start3A_89 = tpu.memref_slice %arg3[%dma_start3A_87, %dma_start3A_88] : memref<10240x128xf32, #tpu.memory_space<hbm>> -> memref<10240x128xf32, #tpu.memory_space<hbm>>
      tpu.enqueue_indirect_dma source(%dma_start3A_89 : memref<10240x128xf32, #tpu.memory_space<hbm>>) target(%arg9 : memref<128x128xf32, #tpu.memory_space<vmem>>) offsets(%dma_start3A_86 : memref<128xi32, #tpu.memory_space<vmem>>) semaphore(%arg12 : memref<!tpu.dma_semaphore, #tpu.memory_space<semaphore_mem>>)
      %scan3A_90 = arith.constant 0 : i32
      %scan3A_91 = arith.constant 0 : i32
      %scan3A_92 = arith.constant 20 : i32
      %scan3A_93 = arith.addi %scan3A_91, %scan3A_92 : i32
      %scan3A_94 = arith.constant 1 : i32
      scf.for %scan3A_96 = %scan3A_91 to %scan3A_93 step %scan3A_94  : i32 {
        %mul3A_97 = arith.constant 2 : i32
        %mul3A_98 = arith.muli %mul3A_97, %scan3A_96 : i32
        %add3A_99 = arith.constant 1 : i32
        %add3A_100 = arith.addi %mul3A_98, %add3A_99 : i32
        %dma_start3A_101 = arith.constant 0 : i32
        %dma_start3A_102 = tpu.memref_slice %arg7[%add3A_100, %dma_start3A_101] : memref<40x128xi32, #tpu.memory_space<vmem>> -> memref<1x128xi32, #tpu.memory_space<vmem>>
        %dma_start3A_103 = tpu.memref_squeeze %dma_start3A_102 : memref<1x128xi32, #tpu.memory_space<vmem>> -> memref<128xi32, #tpu.memory_space<vmem>>
        %dma_start3A_104 = arith.constant 0 : i32
        %dma_start3A_105 = arith.constant 0 : i32
        %dma_start3A_106 = tpu.memref_slice %arg3[%dma_start3A_104, %dma_start3A_105] : memref<10240x128xf32, #tpu.memory_space<hbm>> -> memref<10240x128xf32, #tpu.memory_space<hbm>>
        tpu.enqueue_indirect_dma source(%dma_start3A_106 : memref<10240x128xf32, #tpu.memory_space<hbm>>) target(%arg10 : memref<128x128xf32, #tpu.memory_space<vmem>>) offsets(%dma_start3A_103 : memref<128xi32, #tpu.memory_space<vmem>>) semaphore(%arg13 : memref<!tpu.dma_semaphore, #tpu.memory_space<semaphore_mem>>)
        %dma_wait3A = arith.constant 0 : i32
        %dma_wait3A_107 = tpu.memref_slice %arg7[%mul3A_98, %dma_wait3A] : memref<40x128xi32, #tpu.memory_space<vmem>> -> memref<1x128xi32, #tpu.memory_space<vmem>>
        %dma_wait3A_108 = tpu.memref_squeeze %dma_wait3A_107 : memref<1x128xi32, #tpu.memory_space<vmem>> -> memref<128xi32, #tpu.memory_space<vmem>>
        %dma_wait3A_109 = arith.constant 0 : i32
        %dma_wait3A_110 = arith.constant 0 : i32
        %dma_wait3A_111 = tpu.memref_slice %arg3[%dma_wait3A_109, %dma_wait3A_110] : memref<10240x128xf32, #tpu.memory_space<hbm>> -> memref<10240x128xf32, #tpu.memory_space<hbm>>
        tpu.wait_indirect_dma semaphore(%arg12 : memref<!tpu.dma_semaphore, #tpu.memory_space<semaphore_mem>>) src(%dma_wait3A_111 : memref<10240x128xf32, #tpu.memory_space<hbm>>) dst(%arg9 : memref<128x128xf32, #tpu.memory_space<vmem>>)
        "tpu.region"() ({
          %run_scoped3A = tpu.sem_alloc : memref<!tpu.dma_semaphore, #tpu.memory_space<semaphore_mem>>
          %dma_start3A_126 = arith.constant 0 : i32
          %dma_start3A_127 = tpu.memref_slice %arg8[%mul3A_98, %dma_start3A_126] : memref<40x128xi32, #tpu.memory_space<vmem>> -> memref<1x128xi32, #tpu.memory_space<vmem>>
          %dma_start3A_128 = tpu.memref_squeeze %dma_start3A_127 : memref<1x128xi32, #tpu.memory_space<vmem>> -> memref<128xi32, #tpu.memory_space<vmem>>
          %dma_start3A_129 = arith.constant 0 : i32
          %dma_start3A_130 = arith.constant 0 : i32
          %dma_start3A_131 = tpu.memref_slice %arg11[%dma_start3A_129, %dma_start3A_130] : memref<10240x128xf32, #tpu.memory_space<vmem_shared>> -> memref<10240x128xf32, #tpu.memory_space<vmem_shared>>
          tpu.enqueue_indirect_dma source(%arg9 : memref<128x128xf32, #tpu.memory_space<vmem>>) target(%dma_start3A_131 : memref<10240x128xf32, #tpu.memory_space<vmem_shared>>) offsets(%dma_start3A_128 : memref<128xi32, #tpu.memory_space<vmem>>) semaphore(%run_scoped3A : memref<!tpu.dma_semaphore, #tpu.memory_space<semaphore_mem>>) {add = true}
          %dma_wait3A_132 = arith.constant 0 : i32
          %dma_wait3A_133 = tpu.memref_slice %arg8[%mul3A_98, %dma_wait3A_132] : memref<40x128xi32, #tpu.memory_space<vmem>> -> memref<1x128xi32, #tpu.memory_space<vmem>>
          %dma_wait3A_134 = tpu.memref_squeeze %dma_wait3A_133 : memref<1x128xi32, #tpu.memory_space<vmem>> -> memref<128xi32, #tpu.memory_space<vmem>>
          %dma_wait3A_135 = arith.constant 0 : i32
          %dma_wait3A_136 = arith.constant 0 : i32
          %dma_wait3A_137 = tpu.memref_slice %arg11[%dma_wait3A_135, %dma_wait3A_136] : memref<10240x128xf32, #tpu.memory_space<vmem_shared>> -> memref<10240x128xf32, #tpu.memory_space<vmem_shared>>
          tpu.wait_indirect_dma semaphore(%run_scoped3A : memref<!tpu.dma_semaphore, #tpu.memory_space<semaphore_mem>>) src(%arg9 : memref<128x128xf32, #tpu.memory_space<vmem>>) dst(%dma_wait3A_137 : memref<10240x128xf32, #tpu.memory_space<vmem_shared>>)
          tpu.yield
        }) : () -> ()
        %add3A_112 = arith.constant 2 : i32
        %add3A_113 = arith.addi %mul3A_98, %add3A_112 : i32
        %lt3A = arith.constant 40 : i32
        %lt3A_114 = arith.cmpi slt, %add3A_113, %lt3A : i32
        %convert_element_type3A_115 = arith.extui %lt3A_114 : i1 to i32
        %cond3A_116 = arith.constant 0 : i32
        %cond3A_117 = arith.cmpi ne, %convert_element_type3A_115, %cond3A_116 : i32
        scf.if %cond3A_117 {
          %add3A_126 = arith.constant 2 : i32
          %add3A_127 = arith.addi %mul3A_98, %add3A_126 : i32
          %dma_start3A_128 = arith.constant 0 : i32
          %dma_start3A_129 = tpu.memref_slice %arg7[%add3A_127, %dma_start3A_128] : memref<40x128xi32, #tpu.memory_space<vmem>> -> memref<1x128xi32, #tpu.memory_space<vmem>>
          %dma_start3A_130 = tpu.memref_squeeze %dma_start3A_129 : memref<1x128xi32, #tpu.memory_space<vmem>> -> memref<128xi32, #tpu.memory_space<vmem>>
          %dma_start3A_131 = arith.constant 0 : i32
          %dma_start3A_132 = arith.constant 0 : i32
          %dma_start3A_133 = tpu.memref_slice %arg3[%dma_start3A_131, %dma_start3A_132] : memref<10240x128xf32, #tpu.memory_space<hbm>> -> memref<10240x128xf32, #tpu.memory_space<hbm>>
          tpu.enqueue_indirect_dma source(%dma_start3A_133 : memref<10240x128xf32, #tpu.memory_space<hbm>>) target(%arg9 : memref<128x128xf32, #tpu.memory_space<vmem>>) offsets(%dma_start3A_130 : memref<128xi32, #tpu.memory_space<vmem>>) semaphore(%arg12 : memref<!tpu.dma_semaphore, #tpu.memory_space<semaphore_mem>>)
        } else {
        }
        %add3A_118 = arith.constant 1 : i32
        %add3A_119 = arith.addi %mul3A_98, %add3A_118 : i32
        %dma_wait3A_120 = arith.constant 0 : i32
        %dma_wait3A_121 = tpu.memref_slice %arg7[%add3A_119, %dma_wait3A_120] : memref<40x128xi32, #tpu.memory_space<vmem>> -> memref<1x128xi32, #tpu.memory_space<vmem>>
        %dma_wait3A_122 = tpu.memref_squeeze %dma_wait3A_121 : memref<1x128xi32, #tpu.memory_space<vmem>> -> memref<128xi32, #tpu.memory_space<vmem>>
        %dma_wait3A_123 = arith.constant 0 : i32
        %dma_wait3A_124 = arith.constant 0 : i32
        %dma_wait3A_125 = tpu.memref_slice %arg3[%dma_wait3A_123, %dma_wait3A_124] : memref<10240x128xf32, #tpu.memory_space<hbm>> -> memref<10240x128xf32, #tpu.memory_space<hbm>>
        tpu.wait_indirect_dma semaphore(%arg13 : memref<!tpu.dma_semaphore, #tpu.memory_space<semaphore_mem>>) src(%dma_wait3A_125 : memref<10240x128xf32, #tpu.memory_space<hbm>>) dst(%arg10 : memref<128x128xf32, #tpu.memory_space<vmem>>)
        "tpu.region"() ({
          %run_scoped3A = tpu.sem_alloc : memref<!tpu.dma_semaphore, #tpu.memory_space<semaphore_mem>>
          %dma_start3A_126 = arith.constant 0 : i32
          %dma_start3A_127 = tpu.memref_slice %arg8[%add3A_119, %dma_start3A_126] : memref<40x128xi32, #tpu.memory_space<vmem>> -> memref<1x128xi32, #tpu.memory_space<vmem>>
          %dma_start3A_128 = tpu.memref_squeeze %dma_start3A_127 : memref<1x128xi32, #tpu.memory_space<vmem>> -> memref<128xi32, #tpu.memory_space<vmem>>
          %dma_start3A_129 = arith.constant 0 : i32
          %dma_start3A_130 = arith.constant 0 : i32
          %dma_start3A_131 = tpu.memref_slice %arg11[%dma_start3A_129, %dma_start3A_130] : memref<10240x128xf32, #tpu.memory_space<vmem_shared>> -> memref<10240x128xf32, #tpu.memory_space<vmem_shared>>
          tpu.enqueue_indirect_dma source(%arg10 : memref<128x128xf32, #tpu.memory_space<vmem>>) target(%dma_start3A_131 : memref<10240x128xf32, #tpu.memory_space<vmem_shared>>) offsets(%dma_start3A_128 : memref<128xi32, #tpu.memory_space<vmem>>) semaphore(%run_scoped3A : memref<!tpu.dma_semaphore, #tpu.memory_space<semaphore_mem>>) {add = true}
          %dma_wait3A_132 = arith.constant 0 : i32
          %dma_wait3A_133 = tpu.memref_slice %arg8[%add3A_119, %dma_wait3A_132] : memref<40x128xi32, #tpu.memory_space<vmem>> -> memref<1x128xi32, #tpu.memory_space<vmem>>
          %dma_wait3A_134 = tpu.memref_squeeze %dma_wait3A_133 : memref<1x128xi32, #tpu.memory_space<vmem>> -> memref<128xi32, #tpu.memory_space<vmem>>
          %dma_wait3A_135 = arith.constant 0 : i32
          %dma_wait3A_136 = arith.constant 0 : i32
          %dma_wait3A_137 = tpu.memref_slice %arg11[%dma_wait3A_135, %dma_wait3A_136] : memref<10240x128xf32, #tpu.memory_space<vmem_shared>> -> memref<10240x128xf32, #tpu.memory_space<vmem_shared>>
          tpu.wait_indirect_dma semaphore(%run_scoped3A : memref<!tpu.dma_semaphore, #tpu.memory_space<semaphore_mem>>) src(%arg10 : memref<128x128xf32, #tpu.memory_space<vmem>>) dst(%dma_wait3A_137 : memref<10240x128xf32, #tpu.memory_space<vmem_shared>>)
          tpu.yield
        }) : () -> ()
      }
      %scan3A_95 = arith.constant 20 : i32
    } else {
    }
    %barrier3A_30 = arith.constant 0 : index
    tpu.barrier barrier_id(%barrier3A_30)
    %mul3A_31 = arith.constant 640 : i32
    %mul3A_32 = arith.muli %arg1, %mul3A_31 : i32
    %add3A_33 = arith.constant 0 : i32
    %add3A_34 = arith.addi %mul3A_32, %add3A_33 : i32
    "tpu.region"() ({
      %run_scoped3A = tpu.sem_alloc : memref<!tpu.dma_semaphore, #tpu.memory_space<semaphore_mem>>
      %dma_start3A = arith.constant 0 : i32
      %dma_start3A_71 = tpu.memref_slice %arg11[%add3A_34, %dma_start3A] : memref<10240x128xf32, #tpu.memory_space<vmem_shared>> -> memref<128x128xf32, #tpu.memory_space<vmem_shared>>
      %dma_start3A_72 = arith.constant 0 : i32
      %dma_start3A_73 = tpu.memref_slice %arg11[%add3A_34, %dma_start3A_72] : memref<10240x128xf32, #tpu.memory_space<vmem_shared>> -> memref<128x128xf32, #tpu.memory_space<vmem_shared>>
      tpu.enqueue_dma source(%dma_start3A_73 : memref<128x128xf32, #tpu.memory_space<vmem_shared>>) target(%arg9 : memref<128x128xf32, #tpu.memory_space<vmem>>) target_semaphore(%run_scoped3A : memref<!tpu.dma_semaphore, #tpu.memory_space<semaphore_mem>>)
      %dma_wait3A = arith.constant 0 : i32
      %dma_wait3A_74 = tpu.memref_slice %arg11[%add3A_34, %dma_wait3A] : memref<10240x128xf32, #tpu.memory_space<vmem_shared>> -> memref<128x128xf32, #tpu.memory_space<vmem_shared>>
      %dma_wait3A_75 = arith.constant 0 : i32
      %dma_wait3A_76 = tpu.memref_slice %arg11[%add3A_34, %dma_wait3A_75] : memref<10240x128xf32, #tpu.memory_space<vmem_shared>> -> memref<128x128xf32, #tpu.memory_space<vmem_shared>>
      tpu.wait_dma2 semaphore(%run_scoped3A : memref<!tpu.dma_semaphore, #tpu.memory_space<semaphore_mem>>) src(%dma_wait3A_76 : memref<128x128xf32, #tpu.memory_space<vmem_shared>>) dst(%arg9 : memref<128x128xf32, #tpu.memory_space<vmem>>)
      tpu.yield
    }) : () -> ()
    %mul3A_35 = arith.constant 640 : i32
    %mul3A_36 = arith.muli %arg1, %mul3A_35 : i32
    %add3A_37 = arith.constant 0 : i32
    %add3A_38 = arith.addi %mul3A_36, %add3A_37 : i32
    "tpu.region"() ({
      %run_scoped3A = tpu.sem_alloc : memref<!tpu.dma_semaphore, #tpu.memory_space<semaphore_mem>>
      %dma_start3A = arith.constant 0 : i32
      %dma_start3A_71 = tpu.memref_slice %arg6[%arg0, %add3A_38, %dma_start3A] : memref<2x10240x128xf32, #tpu.memory_space<hbm>> -> memref<1x128x128xf32, #tpu.memory_space<hbm>>
      %dma_start3A_72 = tpu.memref_squeeze %dma_start3A_71 : memref<1x128x128xf32, #tpu.memory_space<hbm>> -> memref<128x128xf32, #tpu.memory_space<hbm>>
      %dma_start3A_73 = arith.constant 0 : i32
      %dma_start3A_74 = tpu.memref_slice %arg6[%arg0, %add3A_38, %dma_start3A_73] : memref<2x10240x128xf32, #tpu.memory_space<hbm>> -> memref<1x128x128xf32, #tpu.memory_space<hbm>>
      %dma_start3A_75 = tpu.memref_squeeze %dma_start3A_74 : memref<1x128x128xf32, #tpu.memory_space<hbm>> -> memref<128x128xf32, #tpu.memory_space<hbm>>
      tpu.enqueue_dma source(%arg9 : memref<128x128xf32, #tpu.memory_space<vmem>>) target(%dma_start3A_75 : memref<128x128xf32, #tpu.memory_space<hbm>>) target_semaphore(%run_scoped3A : memref<!tpu.dma_semaphore, #tpu.memory_space<semaphore_mem>>)
      %dma_wait3A = arith.constant 0 : i32
      %dma_wait3A_76 = tpu.memref_slice %arg6[%arg0, %add3A_38, %dma_wait3A] : memref<2x10240x128xf32, #tpu.memory_space<hbm>> -> memref<1x128x128xf32, #tpu.memory_space<hbm>>
      %dma_wait3A_77 = tpu.memref_squeeze %dma_wait3A_76 : memref<1x128x128xf32, #tpu.memory_space<hbm>> -> memref<128x128xf32, #tpu.memory_space<hbm>>
      %dma_wait3A_78 = arith.constant 0 : i32
      %dma_wait3A_79 = tpu.memref_slice %arg6[%arg0, %add3A_38, %dma_wait3A_78] : memref<2x10240x128xf32, #tpu.memory_space<hbm>> -> memref<1x128x128xf32, #tpu.memory_space<hbm>>
      %dma_wait3A_80 = tpu.memref_squeeze %dma_wait3A_79 : memref<1x128x128xf32, #tpu.memory_space<hbm>> -> memref<128x128xf32, #tpu.memory_space<hbm>>
      tpu.wait_dma2 semaphore(%run_scoped3A : memref<!tpu.dma_semaphore, #tpu.memory_space<semaphore_mem>>) src(%arg9 : memref<128x128xf32, #tpu.memory_space<vmem>>) dst(%dma_wait3A_80 : memref<128x128xf32, #tpu.memory_space<hbm>>)
      tpu.yield
    }) : () -> ()
    %mul3A_39 = arith.constant 640 : i32
    %mul3A_40 = arith.muli %arg1, %mul3A_39 : i32
    %add3A_41 = arith.constant 128 : i32
    %add3A_42 = arith.addi %mul3A_40, %add3A_41 : i32
    "tpu.region"() ({
      %run_scoped3A = tpu.sem_alloc : memref<!tpu.dma_semaphore, #tpu.memory_space<semaphore_mem>>
      %dma_start3A = arith.constant 0 : i32
      %dma_start3A_71 = tpu.memref_slice %arg11[%add3A_42, %dma_start3A] : memref<10240x128xf32, #tpu.memory_space<vmem_shared>> -> memref<128x128xf32, #tpu.memory_space<vmem_shared>>
      %dma_start3A_72 = arith.constant 0 : i32
      %dma_start3A_73 = tpu.memref_slice %arg11[%add3A_42, %dma_start3A_72] : memref<10240x128xf32, #tpu.memory_space<vmem_shared>> -> memref<128x128xf32, #tpu.memory_space<vmem_shared>>
      tpu.enqueue_dma source(%dma_start3A_73 : memref<128x128xf32, #tpu.memory_space<vmem_shared>>) target(%arg9 : memref<128x128xf32, #tpu.memory_space<vmem>>) target_semaphore(%run_scoped3A : memref<!tpu.dma_semaphore, #tpu.memory_space<semaphore_mem>>)
      %dma_wait3A = arith.constant 0 : i32
      %dma_wait3A_74 = tpu.memref_slice %arg11[%add3A_42, %dma_wait3A] : memref<10240x128xf32, #tpu.memory_space<vmem_shared>> -> memref<128x128xf32, #tpu.memory_space<vmem_shared>>
      %dma_wait3A_75 = arith.constant 0 : i32
      %dma_wait3A_76 = tpu.memref_slice %arg11[%add3A_42, %dma_wait3A_75] : memref<10240x128xf32, #tpu.memory_space<vmem_shared>> -> memref<128x128xf32, #tpu.memory_space<vmem_shared>>
      tpu.wait_dma2 semaphore(%run_scoped3A : memref<!tpu.dma_semaphore, #tpu.memory_space<semaphore_mem>>) src(%dma_wait3A_76 : memref<128x128xf32, #tpu.memory_space<vmem_shared>>) dst(%arg9 : memref<128x128xf32, #tpu.memory_space<vmem>>)
      tpu.yield
    }) : () -> ()
    %mul3A_43 = arith.constant 640 : i32
    %mul3A_44 = arith.muli %arg1, %mul3A_43 : i32
    %add3A_45 = arith.constant 128 : i32
    %add3A_46 = arith.addi %mul3A_44, %add3A_45 : i32
    "tpu.region"() ({
      %run_scoped3A = tpu.sem_alloc : memref<!tpu.dma_semaphore, #tpu.memory_space<semaphore_mem>>
      %dma_start3A = arith.constant 0 : i32
      %dma_start3A_71 = tpu.memref_slice %arg6[%arg0, %add3A_46, %dma_start3A] : memref<2x10240x128xf32, #tpu.memory_space<hbm>> -> memref<1x128x128xf32, #tpu.memory_space<hbm>>
      %dma_start3A_72 = tpu.memref_squeeze %dma_start3A_71 : memref<1x128x128xf32, #tpu.memory_space<hbm>> -> memref<128x128xf32, #tpu.memory_space<hbm>>
      %dma_start3A_73 = arith.constant 0 : i32
      %dma_start3A_74 = tpu.memref_slice %arg6[%arg0, %add3A_46, %dma_start3A_73] : memref<2x10240x128xf32, #tpu.memory_space<hbm>> -> memref<1x128x128xf32, #tpu.memory_space<hbm>>
      %dma_start3A_75 = tpu.memref_squeeze %dma_start3A_74 : memref<1x128x128xf32, #tpu.memory_space<hbm>> -> memref<128x128xf32, #tpu.memory_space<hbm>>
      tpu.enqueue_dma source(%arg9 : memref<128x128xf32, #tpu.memory_space<vmem>>) target(%dma_start3A_75 : memref<128x128xf32, #tpu.memory_space<hbm>>) target_semaphore(%run_scoped3A : memref<!tpu.dma_semaphore, #tpu.memory_space<semaphore_mem>>)
      %dma_wait3A = arith.constant 0 : i32
      %dma_wait3A_76 = tpu.memref_slice %arg6[%arg0, %add3A_46, %dma_wait3A] : memref<2x10240x128xf32, #tpu.memory_space<hbm>> -> memref<1x128x128xf32, #tpu.memory_space<hbm>>
      %dma_wait3A_77 = tpu.memref_squeeze %dma_wait3A_76 : memref<1x128x128xf32, #tpu.memory_space<hbm>> -> memref<128x128xf32, #tpu.memory_space<hbm>>
      %dma_wait3A_78 = arith.constant 0 : i32
      %dma_wait3A_79 = tpu.memref_slice %arg6[%arg0, %add3A_46, %dma_wait3A_78] : memref<2x10240x128xf32, #tpu.memory_space<hbm>> -> memref<1x128x128xf32, #tpu.memory_space<hbm>>
      %dma_wait3A_80 = tpu.memref_squeeze %dma_wait3A_79 : memref<1x128x128xf32, #tpu.memory_space<hbm>> -> memref<128x128xf32, #tpu.memory_space<hbm>>
      tpu.wait_dma2 semaphore(%run_scoped3A : memref<!tpu.dma_semaphore, #tpu.memory_space<semaphore_mem>>) src(%arg9 : memref<128x128xf32, #tpu.memory_space<vmem>>) dst(%dma_wait3A_80 : memref<128x128xf32, #tpu.memory_space<hbm>>)
      tpu.yield
    }) : () -> ()
    %mul3A_47 = arith.constant 640 : i32
    %mul3A_48 = arith.muli %arg1, %mul3A_47 : i32
    %add3A_49 = arith.constant 256 : i32
    %add3A_50 = arith.addi %mul3A_48, %add3A_49 : i32
    "tpu.region"() ({
      %run_scoped3A = tpu.sem_alloc : memref<!tpu.dma_semaphore, #tpu.memory_space<semaphore_mem>>
      %dma_start3A = arith.constant 0 : i32
      %dma_start3A_71 = tpu.memref_slice %arg11[%add3A_50, %dma_start3A] : memref<10240x128xf32, #tpu.memory_space<vmem_shared>> -> memref<128x128xf32, #tpu.memory_space<vmem_shared>>
      %dma_start3A_72 = arith.constant 0 : i32
      %dma_start3A_73 = tpu.memref_slice %arg11[%add3A_50, %dma_start3A_72] : memref<10240x128xf32, #tpu.memory_space<vmem_shared>> -> memref<128x128xf32, #tpu.memory_space<vmem_shared>>
      tpu.enqueue_dma source(%dma_start3A_73 : memref<128x128xf32, #tpu.memory_space<vmem_shared>>) target(%arg9 : memref<128x128xf32, #tpu.memory_space<vmem>>) target_semaphore(%run_scoped3A : memref<!tpu.dma_semaphore, #tpu.memory_space<semaphore_mem>>)
      %dma_wait3A = arith.constant 0 : i32
      %dma_wait3A_74 = tpu.memref_slice %arg11[%add3A_50, %dma_wait3A] : memref<10240x128xf32, #tpu.memory_space<vmem_shared>> -> memref<128x128xf32, #tpu.memory_space<vmem_shared>>
      %dma_wait3A_75 = arith.constant 0 : i32
      %dma_wait3A_76 = tpu.memref_slice %arg11[%add3A_50, %dma_wait3A_75] : memref<10240x128xf32, #tpu.memory_space<vmem_shared>> -> memref<128x128xf32, #tpu.memory_space<vmem_shared>>
      tpu.wait_dma2 semaphore(%run_scoped3A : memref<!tpu.dma_semaphore, #tpu.memory_space<semaphore_mem>>) src(%dma_wait3A_76 : memref<128x128xf32, #tpu.memory_space<vmem_shared>>) dst(%arg9 : memref<128x128xf32, #tpu.memory_space<vmem>>)
      tpu.yield
    }) : () -> ()
    %mul3A_51 = arith.constant 640 : i32
    %mul3A_52 = arith.muli %arg1, %mul3A_51 : i32
    %add3A_53 = arith.constant 256 : i32
    %add3A_54 = arith.addi %mul3A_52, %add3A_53 : i32
    "tpu.region"() ({
      %run_scoped3A = tpu.sem_alloc : memref<!tpu.dma_semaphore, #tpu.memory_space<semaphore_mem>>
      %dma_start3A = arith.constant 0 : i32
      %dma_start3A_71 = tpu.memref_slice %arg6[%arg0, %add3A_54, %dma_start3A] : memref<2x10240x128xf32, #tpu.memory_space<hbm>> -> memref<1x128x128xf32, #tpu.memory_space<hbm>>
      %dma_start3A_72 = tpu.memref_squeeze %dma_start3A_71 : memref<1x128x128xf32, #tpu.memory_space<hbm>> -> memref<128x128xf32, #tpu.memory_space<hbm>>
      %dma_start3A_73 = arith.constant 0 : i32
      %dma_start3A_74 = tpu.memref_slice %arg6[%arg0, %add3A_54, %dma_start3A_73] : memref<2x10240x128xf32, #tpu.memory_space<hbm>> -> memref<1x128x128xf32, #tpu.memory_space<hbm>>
      %dma_start3A_75 = tpu.memref_squeeze %dma_start3A_74 : memref<1x128x128xf32, #tpu.memory_space<hbm>> -> memref<128x128xf32, #tpu.memory_space<hbm>>
      tpu.enqueue_dma source(%arg9 : memref<128x128xf32, #tpu.memory_space<vmem>>) target(%dma_start3A_75 : memref<128x128xf32, #tpu.memory_space<hbm>>) target_semaphore(%run_scoped3A : memref<!tpu.dma_semaphore, #tpu.memory_space<semaphore_mem>>)
      %dma_wait3A = arith.constant 0 : i32
      %dma_wait3A_76 = tpu.memref_slice %arg6[%arg0, %add3A_54, %dma_wait3A] : memref<2x10240x128xf32, #tpu.memory_space<hbm>> -> memref<1x128x128xf32, #tpu.memory_space<hbm>>
      %dma_wait3A_77 = tpu.memref_squeeze %dma_wait3A_76 : memref<1x128x128xf32, #tpu.memory_space<hbm>> -> memref<128x128xf32, #tpu.memory_space<hbm>>
      %dma_wait3A_78 = arith.constant 0 : i32
      %dma_wait3A_79 = tpu.memref_slice %arg6[%arg0, %add3A_54, %dma_wait3A_78] : memref<2x10240x128xf32, #tpu.memory_space<hbm>> -> memref<1x128x128xf32, #tpu.memory_space<hbm>>
      %dma_wait3A_80 = tpu.memref_squeeze %dma_wait3A_79 : memref<1x128x128xf32, #tpu.memory_space<hbm>> -> memref<128x128xf32, #tpu.memory_space<hbm>>
      tpu.wait_dma2 semaphore(%run_scoped3A : memref<!tpu.dma_semaphore, #tpu.memory_space<semaphore_mem>>) src(%arg9 : memref<128x128xf32, #tpu.memory_space<vmem>>) dst(%dma_wait3A_80 : memref<128x128xf32, #tpu.memory_space<hbm>>)
      tpu.yield
    }) : () -> ()
    %mul3A_55 = arith.constant 640 : i32
    %mul3A_56 = arith.muli %arg1, %mul3A_55 : i32
    %add3A_57 = arith.constant 384 : i32
    %add3A_58 = arith.addi %mul3A_56, %add3A_57 : i32
    "tpu.region"() ({
      %run_scoped3A = tpu.sem_alloc : memref<!tpu.dma_semaphore, #tpu.memory_space<semaphore_mem>>
      %dma_start3A = arith.constant 0 : i32
      %dma_start3A_71 = tpu.memref_slice %arg11[%add3A_58, %dma_start3A] : memref<10240x128xf32, #tpu.memory_space<vmem_shared>> -> memref<128x128xf32, #tpu.memory_space<vmem_shared>>
      %dma_start3A_72 = arith.constant 0 : i32
      %dma_start3A_73 = tpu.memref_slice %arg11[%add3A_58, %dma_start3A_72] : memref<10240x128xf32, #tpu.memory_space<vmem_shared>> -> memref<128x128xf32, #tpu.memory_space<vmem_shared>>
      tpu.enqueue_dma source(%dma_start3A_73 : memref<128x128xf32, #tpu.memory_space<vmem_shared>>) target(%arg9 : memref<128x128xf32, #tpu.memory_space<vmem>>) target_semaphore(%run_scoped3A : memref<!tpu.dma_semaphore, #tpu.memory_space<semaphore_mem>>)
      %dma_wait3A = arith.constant 0 : i32
      %dma_wait3A_74 = tpu.memref_slice %arg11[%add3A_58, %dma_wait3A] : memref<10240x128xf32, #tpu.memory_space<vmem_shared>> -> memref<128x128xf32, #tpu.memory_space<vmem_shared>>
      %dma_wait3A_75 = arith.constant 0 : i32
      %dma_wait3A_76 = tpu.memref_slice %arg11[%add3A_58, %dma_wait3A_75] : memref<10240x128xf32, #tpu.memory_space<vmem_shared>> -> memref<128x128xf32, #tpu.memory_space<vmem_shared>>
      tpu.wait_dma2 semaphore(%run_scoped3A : memref<!tpu.dma_semaphore, #tpu.memory_space<semaphore_mem>>) src(%dma_wait3A_76 : memref<128x128xf32, #tpu.memory_space<vmem_shared>>) dst(%arg9 : memref<128x128xf32, #tpu.memory_space<vmem>>)
      tpu.yield
    }) : () -> ()
    %mul3A_59 = arith.constant 640 : i32
    %mul3A_60 = arith.muli %arg1, %mul3A_59 : i32
    %add3A_61 = arith.constant 384 : i32
    %add3A_62 = arith.addi %mul3A_60, %add3A_61 : i32
    "tpu.region"() ({
      %run_scoped3A = tpu.sem_alloc : memref<!tpu.dma_semaphore, #tpu.memory_space<semaphore_mem>>
      %dma_start3A = arith.constant 0 : i32
      %dma_start3A_71 = tpu.memref_slice %arg6[%arg0, %add3A_62, %dma_start3A] : memref<2x10240x128xf32, #tpu.memory_space<hbm>> -> memref<1x128x128xf32, #tpu.memory_space<hbm>>
      %dma_start3A_72 = tpu.memref_squeeze %dma_start3A_71 : memref<1x128x128xf32, #tpu.memory_space<hbm>> -> memref<128x128xf32, #tpu.memory_space<hbm>>
      %dma_start3A_73 = arith.constant 0 : i32
      %dma_start3A_74 = tpu.memref_slice %arg6[%arg0, %add3A_62, %dma_start3A_73] : memref<2x10240x128xf32, #tpu.memory_space<hbm>> -> memref<1x128x128xf32, #tpu.memory_space<hbm>>
      %dma_start3A_75 = tpu.memref_squeeze %dma_start3A_74 : memref<1x128x128xf32, #tpu.memory_space<hbm>> -> memref<128x128xf32, #tpu.memory_space<hbm>>
      tpu.enqueue_dma source(%arg9 : memref<128x128xf32, #tpu.memory_space<vmem>>) target(%dma_start3A_75 : memref<128x128xf32, #tpu.memory_space<hbm>>) target_semaphore(%run_scoped3A : memref<!tpu.dma_semaphore, #tpu.memory_space<semaphore_mem>>)
      %dma_wait3A = arith.constant 0 : i32
      %dma_wait3A_76 = tpu.memref_slice %arg6[%arg0, %add3A_62, %dma_wait3A] : memref<2x10240x128xf32, #tpu.memory_space<hbm>> -> memref<1x128x128xf32, #tpu.memory_space<hbm>>
      %dma_wait3A_77 = tpu.memref_squeeze %dma_wait3A_76 : memref<1x128x128xf32, #tpu.memory_space<hbm>> -> memref<128x128xf32, #tpu.memory_space<hbm>>
      %dma_wait3A_78 = arith.constant 0 : i32
      %dma_wait3A_79 = tpu.memref_slice %arg6[%arg0, %add3A_62, %dma_wait3A_78] : memref<2x10240x128xf32, #tpu.memory_space<hbm>> -> memref<1x128x128xf32, #tpu.memory_space<hbm>>
      %dma_wait3A_80 = tpu.memref_squeeze %dma_wait3A_79 : memref<1x128x128xf32, #tpu.memory_space<hbm>> -> memref<128x128xf32, #tpu.memory_space<hbm>>
      tpu.wait_dma2 semaphore(%run_scoped3A : memref<!tpu.dma_semaphore, #tpu.memory_space<semaphore_mem>>) src(%arg9 : memref<128x128xf32, #tpu.memory_space<vmem>>) dst(%dma_wait3A_80 : memref<128x128xf32, #tpu.memory_space<hbm>>)
      tpu.yield
    }) : () -> ()
    %mul3A_63 = arith.constant 640 : i32
    %mul3A_64 = arith.muli %arg1, %mul3A_63 : i32
    %add3A_65 = arith.constant 512 : i32
    %add3A_66 = arith.addi %mul3A_64, %add3A_65 : i32
    "tpu.region"() ({
      %run_scoped3A = tpu.sem_alloc : memref<!tpu.dma_semaphore, #tpu.memory_space<semaphore_mem>>
      %dma_start3A = arith.constant 0 : i32
      %dma_start3A_71 = tpu.memref_slice %arg11[%add3A_66, %dma_start3A] : memref<10240x128xf32, #tpu.memory_space<vmem_shared>> -> memref<128x128xf32, #tpu.memory_space<vmem_shared>>
      %dma_start3A_72 = arith.constant 0 : i32
      %dma_start3A_73 = tpu.memref_slice %arg11[%add3A_66, %dma_start3A_72] : memref<10240x128xf32, #tpu.memory_space<vmem_shared>> -> memref<128x128xf32, #tpu.memory_space<vmem_shared>>
      tpu.enqueue_dma source(%dma_start3A_73 : memref<128x128xf32, #tpu.memory_space<vmem_shared>>) target(%arg9 : memref<128x128xf32, #tpu.memory_space<vmem>>) target_semaphore(%run_scoped3A : memref<!tpu.dma_semaphore, #tpu.memory_space<semaphore_mem>>)
      %dma_wait3A = arith.constant 0 : i32
      %dma_wait3A_74 = tpu.memref_slice %arg11[%add3A_66, %dma_wait3A] : memref<10240x128xf32, #tpu.memory_space<vmem_shared>> -> memref<128x128xf32, #tpu.memory_space<vmem_shared>>
      %dma_wait3A_75 = arith.constant 0 : i32
      %dma_wait3A_76 = tpu.memref_slice %arg11[%add3A_66, %dma_wait3A_75] : memref<10240x128xf32, #tpu.memory_space<vmem_shared>> -> memref<128x128xf32, #tpu.memory_space<vmem_shared>>
      tpu.wait_dma2 semaphore(%run_scoped3A : memref<!tpu.dma_semaphore, #tpu.memory_space<semaphore_mem>>) src(%dma_wait3A_76 : memref<128x128xf32, #tpu.memory_space<vmem_shared>>) dst(%arg9 : memref<128x128xf32, #tpu.memory_space<vmem>>)
      tpu.yield
    }) : () -> ()
    %mul3A_67 = arith.constant 640 : i32
    %mul3A_68 = arith.muli %arg1, %mul3A_67 : i32
    %add3A_69 = arith.constant 512 : i32
    %add3A_70 = arith.addi %mul3A_68, %add3A_69 : i32
    "tpu.region"() ({
      %run_scoped3A = tpu.sem_alloc : memref<!tpu.dma_semaphore, #tpu.memory_space<semaphore_mem>>
      %dma_start3A = arith.constant 0 : i32
      %dma_start3A_71 = tpu.memref_slice %arg6[%arg0, %add3A_70, %dma_start3A] : memref<2x10240x128xf32, #tpu.memory_space<hbm>> -> memref<1x128x128xf32, #tpu.memory_space<hbm>>
      %dma_start3A_72 = tpu.memref_squeeze %dma_start3A_71 : memref<1x128x128xf32, #tpu.memory_space<hbm>> -> memref<128x128xf32, #tpu.memory_space<hbm>>
      %dma_start3A_73 = arith.constant 0 : i32
      %dma_start3A_74 = tpu.memref_slice %arg6[%arg0, %add3A_70, %dma_start3A_73] : memref<2x10240x128xf32, #tpu.memory_space<hbm>> -> memref<1x128x128xf32, #tpu.memory_space<hbm>>
      %dma_start3A_75 = tpu.memref_squeeze %dma_start3A_74 : memref<1x128x128xf32, #tpu.memory_space<hbm>> -> memref<128x128xf32, #tpu.memory_space<hbm>>
      tpu.enqueue_dma source(%arg9 : memref<128x128xf32, #tpu.memory_space<vmem>>) target(%dma_start3A_75 : memref<128x128xf32, #tpu.memory_space<hbm>>) target_semaphore(%run_scoped3A : memref<!tpu.dma_semaphore, #tpu.memory_space<semaphore_mem>>)
      %dma_wait3A = arith.constant 0 : i32
      %dma_wait3A_76 = tpu.memref_slice %arg6[%arg0, %add3A_70, %dma_wait3A] : memref<2x10240x128xf32, #tpu.memory_space<hbm>> -> memref<1x128x128xf32, #tpu.memory_space<hbm>>
      %dma_wait3A_77 = tpu.memref_squeeze %dma_wait3A_76 : memref<1x128x128xf32, #tpu.memory_space<hbm>> -> memref<128x128xf32, #tpu.memory_space<hbm>>
      %dma_wait3A_78 = arith.constant 0 : i32
      %dma_wait3A_79 = tpu.memref_slice %arg6[%arg0, %add3A_70, %dma_wait3A_78] : memref<2x10240x128xf32, #tpu.memory_space<hbm>> -> memref<1x128x128xf32, #tpu.memory_space<hbm>>
      %dma_wait3A_80 = tpu.memref_squeeze %dma_wait3A_79 : memref<1x128x128xf32, #tpu.memory_space<hbm>> -> memref<128x128xf32, #tpu.memory_space<hbm>>
      tpu.wait_dma2 semaphore(%run_scoped3A : memref<!tpu.dma_semaphore, #tpu.memory_space<semaphore_mem>>) src(%arg9 : memref<128x128xf32, #tpu.memory_space<vmem>>) dst(%dma_wait3A_80 : memref<128x128xf32, #tpu.memory_space<hbm>>)
      tpu.yield
    }) : () -> ()
    return
  }
}

module attributes {stable_mosaic.version = 14 : i64} {
  func.func @_tc1_body(%arg0: i32, %arg1: memref<2x1024xf32, #tpu.memory_space<vmem>>, %arg2: memref<1024x256xf32, #tpu.memory_space<vmem>>, %arg3: memref<256x256xf32, #tpu.memory_space<vmem>>, %arg4: memref<1024x128xf32, #tpu.memory_space<vmem>>, %arg5: memref<1024x128xf32, #tpu.memory_space<vmem>>) attributes {dimension_semantics = [#tpu.dimension_semantics<arbitrary>], iteration_bounds = array<i64: 10>, scalar_prefetch = 0 : i64, scratch_operands = 0 : i64, tpu.core_type = #tpu.core_type<tc>, window_params = [{transform_indices = @transform_0, window_bounds = array<i64: 2, 1024>}, {transform_indices = @transform_1, window_bounds = array<i64: 1024, 256>}, {pipeline_mode = #tpu.pipeline_mode<synchronous>, transform_indices = @transform_2, window_bounds = array<i64: 256, 256>}, {transform_indices = @transform_3, window_bounds = array<i64: 1024, 128>}, {transform_indices = @transform_4, window_bounds = array<i64: 1024, 128>}]} {
    %get3A = arith.constant 0 : index
    %get3A_0 = arith.constant 0 : index
    %get3A_1 = vector.load %arg1[%get3A, %get3A_0] : memref<2x1024xf32, #tpu.memory_space<vmem>>, vector<1x1024xf32>
    %get3A_2 = vector.shape_cast %get3A_1 : vector<1x1024xf32> to vector<1024xf32>
    %get3A_3 = arith.constant 1 : index
    %get3A_4 = arith.constant 0 : index
    %get3A_5 = vector.load %arg1[%get3A_3, %get3A_4] : memref<2x1024xf32, #tpu.memory_space<vmem>>, vector<1x1024xf32>
    %get3A_6 = vector.shape_cast %get3A_5 : vector<1x1024xf32> to vector<1024xf32>
    %add3A = arith.addf %get3A_2, %get3A_6 : vector<1024xf32>
    %add3A_7 = arith.constant 1.000000e+00 : f32
    %add3A_8 = vector.broadcast %add3A_7 : f32 to vector<1024xf32>
    %add3A_9 = arith.addf %add3A, %add3A_8 : vector<1024xf32>
    %rsqrt3A = math.rsqrt %add3A_9 : vector<1024xf32>
    %broadcast_in_dim3A = vector.shape_cast %rsqrt3A : vector<1024xf32> to vector<1024x1xf32>
    %get3A_10 = arith.constant 0 : index
    %get3A_11 = arith.constant 0 : index
    %get3A_12 = vector.load %arg2[%get3A_10, %get3A_11] : memref<1024x256xf32, #tpu.memory_space<vmem>>, vector<1024x256xf32>
    %get3A_13 = arith.constant 0 : index
    %get3A_14 = arith.constant 0 : index
    %get3A_15 = vector.load %arg3[%get3A_13, %get3A_14] : memref<256x256xf32, #tpu.memory_space<vmem>>, vector<256x256xf32>
    %dot_general3A = arith.constant dense<0.000000e+00> : vector<1024x256xf32>
    %dot_general3A_16 = tpu.matmul %get3A_12, %get3A_15, %dot_general3A {dimension_numbers = #tpu.dot_dimension_numbers<[1], [0], [0], [1], [0, 0, 1, 1], [], []>, transpose_lhs_hint = false} : vector<1024x256xf32>, vector<256x256xf32>, vector<1024x256xf32> -> vector<1024x256xf32>
    %mul3A = vector.broadcast %broadcast_in_dim3A : vector<1024x1xf32> to vector<1024x256xf32>
    %mul3A_17 = arith.mulf %dot_general3A_16, %mul3A : vector<1024x256xf32>
    %slice3A = vector.extract_strided_slice %mul3A_17 {offsets = [0, 0], sizes = [1024, 128], strides = [1, 1]} : vector<1024x256xf32> to vector<1024x128xf32>
    %swap3A = arith.constant 0 : index
    %swap3A_18 = arith.constant 0 : index
    %swap3A_19 = vector.load %arg4[%swap3A, %swap3A_18] : memref<1024x128xf32, #tpu.memory_space<vmem>>, vector<1024x128xf32>
    tpu.vector_store %arg4[%swap3A, %swap3A_18], %slice3A {strides = array<i32>} : memref<1024x128xf32, #tpu.memory_space<vmem>>, vector<1024x128xf32>,
    %slice3A_20 = vector.extract_strided_slice %mul3A_17 {offsets = [0, 128], sizes = [1024, 128], strides = [1, 1]} : vector<1024x256xf32> to vector<1024x128xf32>
    %swap3A_21 = arith.constant 0 : index
    %swap3A_22 = arith.constant 0 : index
    %swap3A_23 = vector.load %arg5[%swap3A_21, %swap3A_22] : memref<1024x128xf32, #tpu.memory_space<vmem>>, vector<1024x128xf32>
    tpu.vector_store %arg5[%swap3A_21, %swap3A_22], %slice3A_20 {strides = array<i32>} : memref<1024x128xf32, #tpu.memory_space<vmem>>, vector<1024x128xf32>,
    return
  }
  func.func @transform_0(%arg0: i32) -> (i32, i32) {
    %c0_i32 = arith.constant 0 : i32
    %c0_i32_0 = arith.constant 0 : i32
    return %c0_i32, %arg0 : i32, i32
  }
  func.func @transform_1(%arg0: i32) -> (i32, i32) {
    %c0_i32 = arith.constant 0 : i32
    %c0_i32_0 = arith.constant 0 : i32
    return %arg0, %c0_i32 : i32, i32
  }
  func.func @transform_2(%arg0: i32) -> (i32, i32) {
    %c0_i32 = arith.constant 0 : i32
    %c0_i32_0 = arith.constant 0 : i32
    %c0_i32_1 = arith.constant 0 : i32
    return %c0_i32, %c0_i32_0 : i32, i32
  }
  func.func @transform_3(%arg0: i32) -> (i32, i32) {
    %c0_i32 = arith.constant 0 : i32
    %c0_i32_0 = arith.constant 0 : i32
    return %arg0, %c0_i32 : i32, i32
  }
  func.func @transform_4(%arg0: i32) -> (i32, i32) {
    %c0_i32 = arith.constant 0 : i32
    %c0_i32_0 = arith.constant 0 : i32
    return %arg0, %c0_i32 : i32, i32
  }
}

module attributes {stable_mosaic.version = 14 : i64} {
  func.func @_tc2_body(%arg0: i32, %arg1: memref<2x1024xf32, #tpu.memory_space<vmem>>, %arg2: memref<2x1024x128xf32, #tpu.memory_space<vmem>>, %arg3: memref<1024x128xf32, #tpu.memory_space<vmem>>, %arg4: memref<1024x128xf32, #tpu.memory_space<vmem>>, %arg5: memref<1x256xf32, #tpu.memory_space<vmem>>, %arg6: memref<256x256xf32, #tpu.memory_space<vmem>>, %arg7: memref<1024x128xf32, #tpu.memory_space<vmem>>, %arg8: memref<1024x128xf32, #tpu.memory_space<vmem>>) attributes {dimension_semantics = [#tpu.dimension_semantics<arbitrary>], iteration_bounds = array<i64: 10>, scalar_prefetch = 0 : i64, scratch_operands = 0 : i64, tpu.core_type = #tpu.core_type<tc>, window_params = [{transform_indices = @transform_0, window_bounds = array<i64: 2, 1024>}, {transform_indices = @transform_1, window_bounds = array<i64: 2, 1024, 128>}, {transform_indices = @transform_2, window_bounds = array<i64: 1024, 128>}, {transform_indices = @transform_3, window_bounds = array<i64: 1024, 128>}, {pipeline_mode = #tpu.pipeline_mode<synchronous>, transform_indices = @transform_4, window_bounds = array<i64: 1, 256>}, {pipeline_mode = #tpu.pipeline_mode<synchronous>, transform_indices = @transform_5, window_bounds = array<i64: 256, 256>}, {transform_indices = @transform_6, window_bounds = array<i64: 1024, 128>}, {transform_indices = @transform_7, window_bounds = array<i64: 1024, 128>}]} {
    %get3A = arith.constant 0 : index
    %get3A_0 = arith.constant 0 : index
    %get3A_1 = vector.load %arg1[%get3A, %get3A_0] : memref<2x1024xf32, #tpu.memory_space<vmem>>, vector<1x1024xf32>
    %get3A_2 = vector.shape_cast %get3A_1 : vector<1x1024xf32> to vector<1024xf32>
    %get3A_3 = arith.constant 1 : index
    %get3A_4 = arith.constant 0 : index
    %get3A_5 = vector.load %arg1[%get3A_3, %get3A_4] : memref<2x1024xf32, #tpu.memory_space<vmem>>, vector<1x1024xf32>
    %get3A_6 = vector.shape_cast %get3A_5 : vector<1x1024xf32> to vector<1024xf32>
    %add3A = arith.addf %get3A_2, %get3A_6 : vector<1024xf32>
    %add3A_7 = arith.constant 1.000000e+00 : f32
    %add3A_8 = vector.broadcast %add3A_7 : f32 to vector<1024xf32>
    %add3A_9 = arith.addf %add3A, %add3A_8 : vector<1024xf32>
    %rsqrt3A = math.rsqrt %add3A_9 : vector<1024xf32>
    %broadcast_in_dim3A = vector.shape_cast %rsqrt3A : vector<1024xf32> to vector<1024x1xf32>
    %get3A_10 = arith.constant 0 : index
    %get3A_11 = arith.constant 0 : index
    %get3A_12 = arith.constant 0 : index
    %get3A_13 = vector.load %arg2[%get3A_10, %get3A_11, %get3A_12] : memref<2x1024x128xf32, #tpu.memory_space<vmem>>, vector<1x1024x128xf32>
    %get3A_14 = vector.shape_cast %get3A_13 : vector<1x1024x128xf32> to vector<1024x128xf32>
    %get3A_15 = arith.constant 0 : index
    %get3A_16 = arith.constant 0 : index
    %get3A_17 = vector.load %arg3[%get3A_15, %get3A_16] : memref<1024x128xf32, #tpu.memory_space<vmem>>, vector<1024x128xf32>
    %add3A_18 = arith.addf %get3A_14, %get3A_17 : vector<1024x128xf32>
    %mul3A = vector.broadcast %broadcast_in_dim3A : vector<1024x1xf32> to vector<1024x128xf32>
    %mul3A_19 = arith.mulf %add3A_18, %mul3A : vector<1024x128xf32>
    %get3A_20 = arith.constant 0 : index
    %get3A_21 = arith.constant 0 : index
    %get3A_22 = vector.load %arg5[%get3A_20, %get3A_21] : memref<1x256xf32, #tpu.memory_space<vmem>>, vector<1x128xf32>
    %get3A_23 = vector.shape_cast %get3A_22 : vector<1x128xf32> to vector<128xf32>
    %broadcast_in_dim3A_24 = vector.shape_cast %get3A_23 : vector<128xf32> to vector<1x128xf32>
    %add3A_25 = vector.broadcast %broadcast_in_dim3A_24 : vector<1x128xf32> to vector<1024x128xf32>
    %add3A_26 = arith.addf %mul3A_19, %add3A_25 : vector<1024x128xf32>
    %max3A = arith.constant 0.000000e+00 : f32
    %max3A_27 = vector.broadcast %max3A : f32 to vector<1024x128xf32>
    %max3A_28 = arith.maximumf %add3A_26, %max3A_27 : vector<1024x128xf32>
    %get3A_29 = arith.constant 1 : index
    %get3A_30 = arith.constant 0 : index
    %get3A_31 = arith.constant 0 : index
    %get3A_32 = vector.load %arg2[%get3A_29, %get3A_30, %get3A_31] : memref<2x1024x128xf32, #tpu.memory_space<vmem>>, vector<1x1024x128xf32>
    %get3A_33 = vector.shape_cast %get3A_32 : vector<1x1024x128xf32> to vector<1024x128xf32>
    %get3A_34 = arith.constant 0 : index
    %get3A_35 = arith.constant 0 : index
    %get3A_36 = vector.load %arg4[%get3A_34, %get3A_35] : memref<1024x128xf32, #tpu.memory_space<vmem>>, vector<1024x128xf32>
    %add3A_37 = arith.addf %get3A_33, %get3A_36 : vector<1024x128xf32>
    %mul3A_38 = vector.broadcast %broadcast_in_dim3A : vector<1024x1xf32> to vector<1024x128xf32>
    %mul3A_39 = arith.mulf %add3A_37, %mul3A_38 : vector<1024x128xf32>
    %get3A_40 = arith.constant 0 : index
    %get3A_41 = arith.constant 128 : index
    %get3A_42 = vector.load %arg5[%get3A_40, %get3A_41] : memref<1x256xf32, #tpu.memory_space<vmem>>, vector<1x128xf32>
    %get3A_43 = vector.shape_cast %get3A_42 : vector<1x128xf32> to vector<128xf32>
    %broadcast_in_dim3A_44 = vector.shape_cast %get3A_43 : vector<128xf32> to vector<1x128xf32>
    %add3A_45 = vector.broadcast %broadcast_in_dim3A_44 : vector<1x128xf32> to vector<1024x128xf32>
    %add3A_46 = arith.addf %mul3A_39, %add3A_45 : vector<1024x128xf32>
    %max3A_47 = arith.constant 0.000000e+00 : f32
    %max3A_48 = vector.broadcast %max3A_47 : f32 to vector<1024x128xf32>
    %max3A_49 = arith.maximumf %add3A_46, %max3A_48 : vector<1024x128xf32>
    %get3A_50 = arith.constant 0 : index
    %get3A_51 = arith.constant 0 : index
    %get3A_52 = vector.load %arg6[%get3A_50, %get3A_51] : memref<256x256xf32, #tpu.memory_space<vmem>>, vector<128x256xf32>
    %dot_general3A = arith.constant dense<0.000000e+00> : vector<1024x256xf32>
    %dot_general3A_53 = tpu.matmul %max3A_28, %get3A_52, %dot_general3A {dimension_numbers = #tpu.dot_dimension_numbers<[1], [0], [0], [1], [0, 0, 1, 1], [], []>, transpose_lhs_hint = false} : vector<1024x128xf32>, vector<128x256xf32>, vector<1024x256xf32> -> vector<1024x256xf32>
    %get3A_54 = arith.constant 128 : index
    %get3A_55 = arith.constant 0 : index
    %get3A_56 = vector.load %arg6[%get3A_54, %get3A_55] : memref<256x256xf32, #tpu.memory_space<vmem>>, vector<128x256xf32>
    %dot_general3A_57 = arith.constant dense<0.000000e+00> : vector<1024x256xf32>
    %dot_general3A_58 = tpu.matmul %max3A_49, %get3A_56, %dot_general3A_57 {dimension_numbers = #tpu.dot_dimension_numbers<[1], [0], [0], [1], [0, 0, 1, 1], [], []>, transpose_lhs_hint = false} : vector<1024x128xf32>, vector<128x256xf32>, vector<1024x256xf32> -> vector<1024x256xf32>
    %add3A_59 = arith.addf %dot_general3A_53, %dot_general3A_58 : vector<1024x256xf32>
    %mul3A_60 = vector.broadcast %broadcast_in_dim3A : vector<1024x1xf32> to vector<1024x256xf32>
    %mul3A_61 = arith.mulf %add3A_59, %mul3A_60 : vector<1024x256xf32>
    %slice3A = vector.extract_strided_slice %mul3A_61 {offsets = [0, 0], sizes = [1024, 128], strides = [1, 1]} : vector<1024x256xf32> to vector<1024x128xf32>
    %swap3A = arith.constant 0 : index
    %swap3A_62 = arith.constant 0 : index
    %swap3A_63 = vector.load %arg7[%swap3A, %swap3A_62] : memref<1024x128xf32, #tpu.memory_space<vmem>>, vector<1024x128xf32>
    tpu.vector_store %arg7[%swap3A, %swap3A_62], %slice3A {strides = array<i32>} : memref<1024x128xf32, #tpu.memory_space<vmem>>, vector<1024x128xf32>,
    %slice3A_64 = vector.extract_strided_slice %mul3A_61 {offsets = [0, 128], sizes = [1024, 128], strides = [1, 1]} : vector<1024x256xf32> to vector<1024x128xf32>
    %swap3A_65 = arith.constant 0 : index
    %swap3A_66 = arith.constant 0 : index
    %swap3A_67 = vector.load %arg8[%swap3A_65, %swap3A_66] : memref<1024x128xf32, #tpu.memory_space<vmem>>, vector<1024x128xf32>
    tpu.vector_store %arg8[%swap3A_65, %swap3A_66], %slice3A_64 {strides = array<i32>} : memref<1024x128xf32, #tpu.memory_space<vmem>>, vector<1024x128xf32>,
    return
  }
  func.func @transform_0(%arg0: i32) -> (i32, i32) {
    %c0_i32 = arith.constant 0 : i32
    %c0_i32_0 = arith.constant 0 : i32
    return %c0_i32, %arg0 : i32, i32
  }
  func.func @transform_1(%arg0: i32) -> (i32, i32, i32) {
    %c0_i32 = arith.constant 0 : i32
    %c0_i32_0 = arith.constant 0 : i32
    %c0_i32_1 = arith.constant 0 : i32
    return %c0_i32, %arg0, %c0_i32_0 : i32, i32, i32
  }
  func.func @transform_2(%arg0: i32) -> (i32, i32) {
    %c0_i32 = arith.constant 0 : i32
    %c0_i32_0 = arith.constant 0 : i32
    return %arg0, %c0_i32 : i32, i32
  }
  func.func @transform_3(%arg0: i32) -> (i32, i32) {
    %c0_i32 = arith.constant 0 : i32
    %c0_i32_0 = arith.constant 0 : i32
    return %arg0, %c0_i32 : i32, i32
  }
  func.func @transform_4(%arg0: i32) -> (i32, i32) {
    %c0_i32 = arith.constant 0 : i32
    %c0_i32_0 = arith.constant 0 : i32
    %c0_i32_1 = arith.constant 0 : i32
    return %c0_i32, %c0_i32_0 : i32, i32
  }
  func.func @transform_5(%arg0: i32) -> (i32, i32) {
    %c0_i32 = arith.constant 0 : i32
    %c0_i32_0 = arith.constant 0 : i32
    %c0_i32_1 = arith.constant 0 : i32
    return %c0_i32, %c0_i32_0 : i32, i32
  }
  func.func @transform_6(%arg0: i32) -> (i32, i32) {
    %c0_i32 = arith.constant 0 : i32
    %c0_i32_0 = arith.constant 0 : i32
    return %arg0, %c0_i32 : i32, i32
  }
  func.func @transform_7(%arg0: i32) -> (i32, i32) {
    %c0_i32 = arith.constant 0 : i32
    %c0_i32_0 = arith.constant 0 : i32
    return %arg0, %c0_i32 : i32, i32
  }
}

module attributes {stable_mosaic.version = 14 : i64} {
  func.func @_tc3_body(%arg0: i32, %arg1: memref<2x1024xf32, #tpu.memory_space<vmem>>, %arg2: memref<2x1024x128xf32, #tpu.memory_space<vmem>>, %arg3: memref<1024x128xf32, #tpu.memory_space<vmem>>, %arg4: memref<1024x128xf32, #tpu.memory_space<vmem>>, %arg5: memref<1x256xf32, #tpu.memory_space<vmem>>, %arg6: memref<1024x256xf32, #tpu.memory_space<vmem>>) attributes {dimension_semantics = [#tpu.dimension_semantics<arbitrary>], iteration_bounds = array<i64: 10>, scalar_prefetch = 0 : i64, scratch_operands = 0 : i64, tpu.core_type = #tpu.core_type<tc>, window_params = [{transform_indices = @transform_0, window_bounds = array<i64: 2, 1024>}, {transform_indices = @transform_1, window_bounds = array<i64: 2, 1024, 128>}, {transform_indices = @transform_2, window_bounds = array<i64: 1024, 128>}, {transform_indices = @transform_3, window_bounds = array<i64: 1024, 128>}, {pipeline_mode = #tpu.pipeline_mode<synchronous>, transform_indices = @transform_4, window_bounds = array<i64: 1, 256>}, {transform_indices = @transform_5, window_bounds = array<i64: 1024, 256>}]} {
    %get3A = arith.constant 0 : index
    %get3A_0 = arith.constant 0 : index
    %get3A_1 = vector.load %arg1[%get3A, %get3A_0] : memref<2x1024xf32, #tpu.memory_space<vmem>>, vector<1x1024xf32>
    %get3A_2 = vector.shape_cast %get3A_1 : vector<1x1024xf32> to vector<1024xf32>
    %get3A_3 = arith.constant 1 : index
    %get3A_4 = arith.constant 0 : index
    %get3A_5 = vector.load %arg1[%get3A_3, %get3A_4] : memref<2x1024xf32, #tpu.memory_space<vmem>>, vector<1x1024xf32>
    %get3A_6 = vector.shape_cast %get3A_5 : vector<1x1024xf32> to vector<1024xf32>
    %add3A = arith.addf %get3A_2, %get3A_6 : vector<1024xf32>
    %add3A_7 = arith.constant 1.000000e+00 : f32
    %add3A_8 = vector.broadcast %add3A_7 : f32 to vector<1024xf32>
    %add3A_9 = arith.addf %add3A, %add3A_8 : vector<1024xf32>
    %rsqrt3A = math.rsqrt %add3A_9 : vector<1024xf32>
    %broadcast_in_dim3A = vector.shape_cast %rsqrt3A : vector<1024xf32> to vector<1024x1xf32>
    %get3A_10 = arith.constant 0 : index
    %get3A_11 = arith.constant 0 : index
    %get3A_12 = arith.constant 0 : index
    %get3A_13 = vector.load %arg2[%get3A_10, %get3A_11, %get3A_12] : memref<2x1024x128xf32, #tpu.memory_space<vmem>>, vector<1x1024x128xf32>
    %get3A_14 = vector.shape_cast %get3A_13 : vector<1x1024x128xf32> to vector<1024x128xf32>
    %get3A_15 = arith.constant 0 : index
    %get3A_16 = arith.constant 0 : index
    %get3A_17 = vector.load %arg3[%get3A_15, %get3A_16] : memref<1024x128xf32, #tpu.memory_space<vmem>>, vector<1024x128xf32>
    %add3A_18 = arith.addf %get3A_14, %get3A_17 : vector<1024x128xf32>
    %mul3A = vector.broadcast %broadcast_in_dim3A : vector<1024x1xf32> to vector<1024x128xf32>
    %mul3A_19 = arith.mulf %add3A_18, %mul3A : vector<1024x128xf32>
    %get3A_20 = arith.constant 0 : index
    %get3A_21 = arith.constant 0 : index
    %get3A_22 = vector.load %arg5[%get3A_20, %get3A_21] : memref<1x256xf32, #tpu.memory_space<vmem>>, vector<1x128xf32>
    %get3A_23 = vector.shape_cast %get3A_22 : vector<1x128xf32> to vector<128xf32>
    %broadcast_in_dim3A_24 = vector.shape_cast %get3A_23 : vector<128xf32> to vector<1x128xf32>
    %add3A_25 = vector.broadcast %broadcast_in_dim3A_24 : vector<1x128xf32> to vector<1024x128xf32>
    %add3A_26 = arith.addf %mul3A_19, %add3A_25 : vector<1024x128xf32>
    %swap3A = arith.constant 0 : index
    %swap3A_27 = arith.constant 0 : index
    %swap3A_28 = vector.load %arg6[%swap3A, %swap3A_27] : memref<1024x256xf32, #tpu.memory_space<vmem>>, vector<1024x128xf32>
    tpu.vector_store %arg6[%swap3A, %swap3A_27], %add3A_26 {strides = array<i32>} : memref<1024x256xf32, #tpu.memory_space<vmem>>, vector<1024x128xf32>,
    %get3A_29 = arith.constant 1 : index
    %get3A_30 = arith.constant 0 : index
    %get3A_31 = arith.constant 0 : index
    %get3A_32 = vector.load %arg2[%get3A_29, %get3A_30, %get3A_31] : memref<2x1024x128xf32, #tpu.memory_space<vmem>>, vector<1x1024x128xf32>
    %get3A_33 = vector.shape_cast %get3A_32 : vector<1x1024x128xf32> to vector<1024x128xf32>
    %get3A_34 = arith.constant 0 : index
    %get3A_35 = arith.constant 0 : index
    %get3A_36 = vector.load %arg4[%get3A_34, %get3A_35] : memref<1024x128xf32, #tpu.memory_space<vmem>>, vector<1024x128xf32>
    %add3A_37 = arith.addf %get3A_33, %get3A_36 : vector<1024x128xf32>
    %mul3A_38 = vector.broadcast %broadcast_in_dim3A : vector<1024x1xf32> to vector<1024x128xf32>
    %mul3A_39 = arith.mulf %add3A_37, %mul3A_38 : vector<1024x128xf32>
    %get3A_40 = arith.constant 0 : index
    %get3A_41 = arith.constant 128 : index
    %get3A_42 = vector.load %arg5[%get3A_40, %get3A_41] : memref<1x256xf32, #tpu.memory_space<vmem>>, vector<1x128xf32>
    %get3A_43 = vector.shape_cast %get3A_42 : vector<1x128xf32> to vector<128xf32>
    %broadcast_in_dim3A_44 = vector.shape_cast %get3A_43 : vector<128xf32> to vector<1x128xf32>
    %add3A_45 = vector.broadcast %broadcast_in_dim3A_44 : vector<1x128xf32> to vector<1024x128xf32>
    %add3A_46 = arith.addf %mul3A_39, %add3A_45 : vector<1024x128xf32>
    %swap3A_47 = arith.constant 0 : index
    %swap3A_48 = arith.constant 128 : index
    %swap3A_49 = vector.load %arg6[%swap3A_47, %swap3A_48] : memref<1024x256xf32, #tpu.memory_space<vmem>>, vector<1024x128xf32>
    tpu.vector_store %arg6[%swap3A_47, %swap3A_48], %add3A_46 {strides = array<i32>} : memref<1024x256xf32, #tpu.memory_space<vmem>>, vector<1024x128xf32>,
    return
  }
  func.func @transform_0(%arg0: i32) -> (i32, i32) {
    %c0_i32 = arith.constant 0 : i32
    %c0_i32_0 = arith.constant 0 : i32
    return %c0_i32, %arg0 : i32, i32
  }
  func.func @transform_1(%arg0: i32) -> (i32, i32, i32) {
    %c0_i32 = arith.constant 0 : i32
    %c0_i32_0 = arith.constant 0 : i32
    %c0_i32_1 = arith.constant 0 : i32
    return %c0_i32, %arg0, %c0_i32_0 : i32, i32, i32
  }
  func.func @transform_2(%arg0: i32) -> (i32, i32) {
    %c0_i32 = arith.constant 0 : i32
    %c0_i32_0 = arith.constant 0 : i32
    return %arg0, %c0_i32 : i32, i32
  }
  func.func @transform_3(%arg0: i32) -> (i32, i32) {
    %c0_i32 = arith.constant 0 : i32
    %c0_i32_0 = arith.constant 0 : i32
    return %arg0, %c0_i32 : i32, i32
  }
  func.func @transform_4(%arg0: i32) -> (i32, i32) {
    %c0_i32 = arith.constant 0 : i32
    %c0_i32_0 = arith.constant 0 : i32
    %c0_i32_1 = arith.constant 0 : i32
    return %c0_i32, %c0_i32_0 : i32, i32
  }
  func.func @transform_5(%arg0: i32) -> (i32, i32) {
    %c0_i32 = arith.constant 0 : i32
    %c0_i32_0 = arith.constant 0 : i32
    return %arg0, %c0_i32 : i32, i32
  }
}

</mosaic_0001>

<sc_bundles>
// kernel: kernel.11.cloned.1.call-start
scs
__scs_entry_jumppad:
0x0: {  	(pc) =	sbr.rel $0x88, $3  }
0x1: {  	(tag) =	ssettag $0x0;
	lr =	simm.s32 $0x1  }
0x2: {  	[smem:$0x3F9B] =	sst lr;
	_ =	strace $0xD0000000  }
0x3: {  	_ = 	snop  }
0x4: {  	_ = 	snop  }
0x5: {  	_ = 	snop  }
0x6: {  	_ = 	snop  }
0x7: {  	_ = 	snop  }
__scs_overlays_trampoline_lowered:
0x8: {  	[smem:$0x3FAA] =	sst s0  }
0x9: {  	[smem:$0x3FAB] =	sst s1  }
0xa: {  	[smem:$0x3FAC] =	sst s2  }
0xb: {  	[smem:$0x3FAD] =	sst s3  }
0xc: {  	[smem:$0x3FAE] =	sst s4  }
0xd: {  	[smem:$0x3FAF] =	sst s5  }
0xe: {  	[smem:$0x3FB0] =	sst s6  }
0xf: {  	[smem:$0x3FB1] =	sst s7  }
0x10: {  	[smem:$0x3FB2] =	sst s8  }
0x11: {  	[smem:$0x3FB3] =	sst s9;
	s0 =	simm.s32 @!p0 $0x0  }
0x12: {  	s1 =	sld [smem:$0x3F99];
	s0 =	simm.s32 @p0 $0x1  }
0x13: {  	[smem:$0x3FB4] =	sst s0;
	s0 =	simm.s32 @!p1 $0x0  }
0x14: {  	s2 =	sld [smem:$0x3F98];
	s0 =	simm.s32 @p1 $0x1  }
0x15: {  	[smem:$0x3FB5] =	sst s0;
	s0 =	simm.s32 @!p2 $0x0  }
0x16: {  	s3 =	sld [smem:$0x3FDB];
	s0 =	simm.s32 @p2 $0x1  }
0x17: {  	s4 =	simm.s32 $0x1BF5;
	[smem:$0x3FB7] =	sst s0  }
0x18: {  	s0 =	sld [smem:$0x3F9A];
	_ =	swait.ge [sflag:s4], $0x0  }
0x19: {  	s7 =	sld [smem:$0x3F9B]  }
0x1a: {  	s8 =	sadd.s32 $0xFFFFE003, lr  }
0x1b: {  	s9 =	sadd.s32 $0xFFFFFEF7, lr;
	s5 =	simm.s32 $0xFFFFFFFF;
	p2 =	slt.u32 s8, $0xFFFFF086  }
0x1c: {  	p1 =	slt.u32 s9, $0xF7A;
	s5 =	simm.s32 @!p2 $0x0  }
0x1d: {  	s5 =	simm.s32 @p1 $0x1;
	p0 =	seq.s32 s7, s2  }
0x1e: {  	s7 =	smul.u32 @!p0 $0xF7A, s2;
	p2 =	seq.s32 @!p0 s5, $0x0  }
0x1f: {  	s9 =	smul.u32 $0xF7A, s1;
	s8 =	simm.s32 @!p0 $0x1BF5;
	p2 =	por !p2, p0  }
0x20: {  	[sflag:s8] =	ssyncset.s32 @!p0 $0xFFFFF086;
	s6 =	sadd.s32 @!p0 s3, s7;
	s7 =	simm.s32 @!p0 $0x108  }
0x21: {  	s3 =	sadd.s32 s3, s9;
	s6 =	sadd.s32 @!p0 $0x88, s6;
	s7 =	simm.s32 @p2 $0x1082  }
0x22: {  	[simem:s7], [sflag:s8] =	dma.local @!p0 [hbm:s6], $0xF7A  }
0x23: {  	s9 =	sor.u32 $0xD0000000, s2;
	s6 =	simm.s32 $0x108;
	_ =	swait.ge @!p0 [sflag:s8], $0x0  }
0x24: {  	s3 =	sadd.s32 $0x88, s3;
	s6 =	simm.s32 @!p1 $0x1082;
	[sflag:s4] =	ssyncset.s32 $0xFFFFF086  }
0x25: {  	[simem:s6], [sflag:s4] =	dma.local [hbm:s3], $0xF7A  }
0x26: {  	[smem:$0x3F9B] =	sst s1;
	(tag) =	ssettag s2;
	_ =	strace s9  }
0x27: {  	s1 =	sld [smem:$0x3FAB]  }
0x28: {  	s2 =	sld [smem:$0x3FAC]  }
0x29: {  	s4 =	sld [smem:$0x3FAE]  }
0x2a: {  	p0 =	seq.s32 s5, $0x0;
	s5 =	sld [smem:$0x3FAF]  }
0x2b: {  	s6 =	sld [smem:$0x3FB0]  }
0x2c: {  	s7 =	sld [smem:$0x3FB1]  }
0x2d: {  	s3 =	simm.s32 $0x108;
	s8 =	sld [smem:$0x3FB2]  }
0x2e: {  	s3 =	simm.s32 @!p0 $0x1082;
	s9 =	sld [smem:$0x3FB3]  }
0x2f: {  	lr =	sadd.s32 s0, s3;
	s0 =	sld [smem:$0x3FAA]  }
0x30: {  	s3 =	sld [smem:$0x3FAD]  }
0x31: {  	[smem:$0x3FB6] =	sst s10  }
0x32: {  	s10 =	sld [smem:$0x3FB4];
	_ =	sdelay $0x3  }
0x33: {  	p0 =	seq.s32 s10, $0x1;
	s10 =	sld [smem:$0x3FB6];
	_ =	sdelay $0x3  }
0x34: {  	[smem:$0x3FB6] =	sst s10  }
0x35: {  	s10 =	sld [smem:$0x3FB5];
	_ =	sdelay $0x3  }
0x36: {  	p1 =	seq.s32 s10, $0x1;
	s10 =	sld [smem:$0x3FB6];
	_ =	sdelay $0x3  }
0x37: {  	[smem:$0x3FB6] =	sst s10  }
0x38: {  	s10 =	sld [smem:$0x3FB7]  }
0x39: {  	_ = 	snop;
	(pc) =	sbr.ind lr, $3  }
0x3a: {  	_ = 	snop  }
0x3b: {  	_ = 	snop  }
0x3c: {  	p2 =	seq.s32 s10, $0x1;
	s10 =	sld [smem:$0x3FB6]  }
0x3d: {  	_ =	shalt  }
0x3e: {  	_ =	shalt  }
0x3f: {  	_ =	shalt  }
0x40: {  	_ =	shalt  }
0x41: {  	_ =	shalt  }
0x42: {  	_ =	shalt  }
0x43: {  	_ =	shalt  }
0x44: {  	_ =	shalt  }
0x45: {  	_ =	shalt  }
0x46: {  	_ =	shalt  }
0x47: {  	_ =	shalt  }
0x48: {  	_ =	shalt  }
0x49: {  	_ =	shalt  }
0x4a: {  	_ =	shalt  }
0x4b: {  	_ =	shalt  }
0x4c: {  	_ =	shalt  }
0x4d: {  	_ =	shalt  }
0x4e: {  	_ =	shalt  }
0x4f: {  	_ =	shalt  }
0x50: {  	_ =	shalt  }
0x51: {  	_ =	shalt  }
0x52: {  	_ =	shalt  }
0x53: {  	_ =	shalt  }
0x54: {  	_ =	shalt  }
0x55: {  	_ =	shalt  }
0x56: {  	_ =	shalt  }
0x57: {  	_ =	shalt  }
0x58: {  	_ =	shalt  }
0x59: {  	_ =	shalt  }
0x5a: {  	_ =	shalt  }
0x5b: {  	_ =	shalt  }
0x5c: {  	_ =	shalt  }
0x5d: {  	_ =	shalt  }
0x5e: {  	_ =	shalt  }
0x5f: {  	_ =	shalt  }
0x60: {  	_ =	shalt  }
0x61: {  	_ =	shalt  }
0x62: {  	_ =	shalt  }
0x63: {  	_ =	shalt  }
0x64: {  	_ =	shalt  }
0x65: {  	_ =	shalt  }
0x66: {  	_ =	shalt  }
0x67: {  	_ =	shalt  }
0x68: {  	_ =	shalt  }
0x69: {  	_ =	shalt  }
0x6a: {  	_ =	shalt  }
0x6b: {  	_ =	shalt  }
0x6c: {  	_ =	shalt  }
0x6d: {  	_ =	shalt  }
0x6e: {  	_ =	shalt  }
0x6f: {  	_ =	shalt  }
0x70: {  	_ =	shalt  }
0x71: {  	_ =	shalt  }
0x72: {  	_ =	shalt  }
0x73: {  	_ =	shalt  }
0x74: {  	_ =	shalt  }
0x75: {  	_ =	shalt  }
0x76: {  	_ =	shalt  }
0x77: {  	_ =	shalt  }
0x78: {  	_ =	shalt  }
0x79: {  	_ =	shalt  }
0x7a: {  	_ =	shalt  }
0x7b: {  	_ =	shalt  }
0x7c: {  	_ =	shalt  }
0x7d: {  	_ =	shalt  }
0x7e: {  	_ =	shalt  }
0x7f: {  	_ =	shalt  }
0x80: {  	_ =	shalt  }
0x81: {  	_ =	shalt  }
0x82: {  	_ =	shalt  }
0x83: {  	_ =	shalt  }
0x84: {  	_ =	shalt  }
0x85: {  	_ =	shalt  }
0x86: {  	_ =	shalt  }
0x87: {  	_ =	shalt  }
.Lfunc_end0:
.L_simem_size_0:
called_computation.1_lowered:
.L_overlay_start_0:
0x88: {  	s2 =	sld [smem:$0x3FD9]  }
0x89: {  	s3 =	sld [smem:$0x3FFE];
	_ =	sdelay $0x1  }
0x8a: {  	s1 =	srdreg.scid  }
0x8b: {  	s0 =	sand.u32 $0x1, s1  }
0x8c: {  	s17 =	sshll.u32 s0, $0xA;
	s2 =	sadd.s32 s3, s2  }
0x8d: {  	s2 =	sadd.s32 s2, s17  }
0x8e: {  	[smem:$0x3FC2] =	sst s2  }
0x8f: {  	_ = 	snop  }
0x90: {  	s2 =	sld [smem:$0x3FD0];
	(tm) =	ssettm $0x1  }
0x91: {  	s18 =	sld [smem:$0x3FFB];
	_ =	sdelay $0x3  }
0x92: {  	_ =	strace s18  }
0x93: {  	s3 =	sld [smem:$0x3FFC];
	_ =	sdelay $0x3  }
0x94: {  	_ =	strace s3  }
0x95: {  	s3 =	sld [smem:$0x3FFD];
	_ =	sdelay $0x3  }
0x96: {  	_ =	strace s3  }
0x97: {  	_ =	strace $0x8FFFFFFF  }
0x98: {  	s19 =	sld [smem:$0x3FDB];
	_ =	sdelay $0x1  }
0x99: {  	s4 =	simm.s32 $_scs_section_size  }
0x9a: {  	s5 =	simm.s32 $_size__tile_overlayer_lowered;
	s6 =	simm.s32 $_tile_overlayer_lowered  }
0x9b: {  	s22 =	simm.s32 $0x1BFF;
	s21 =	sshll.u32 s6, $0x1;
	s3 =	sadd.s32 s4, s19  }
0x9c: {  	s7 =	simm.s32 $0x0;
	s20 =	sshll.u32 s5, $0x1;
	s5 =	sadd.s32 s21, s3  }
0x9d: {  	[timem:s7], [sflag:s22] =	dma.local [hbm:s5], s20  }
0x9e: {  	_ =	swait.ge [sflag:s22], s20  }
0x9f: {  	s4 =	ssub.s32 $0x0, s20;
	[sflag:s22] =	ssyncset.done $0x0  }
0xa0: {  	[sflag:s22] =	ssyncadd.s32 s4;
	_ =	sdelay $0x1  }
0xa1: {  	s23 =	simm.s32 $0x1B8B  }
0xa2: {  	_ =	swait.ge [sflag:s23], $0x1  }
0xa3: {  	[sflag:s23] =	ssyncset.done $0x0  }
0xa4: {  	s25 =	simm.s32 $0x1B8E;
	s24 =	sld [smem:$0x3FFE];
	[sflag:s23] =	ssyncadd.s32 $0xFFFFFFFF  }
0xa5: {  	s26 =	simm.s32 $execute0_lowered;
	[smem:$0x3FD2] =	sst s25  }
0xa6: {  	s5 =	sshll.u32 s26, $0x1;
	_ =	strace $0x80000049;
	[dreg:$0x1] =	wrdreg $0xFFFFFFFF  }
0xa7: {  	s28 =	simm.s32 $_size_execute0_lowered;
	s3 =	sadd.s32 s3, s5;
	[dreg:$0x0] =	wrdreg $0x0  }
0xa8: {  	s5 =	sshll.u32 s28, $0x1;
	[dreg:$0x2] =	wrdreg s3  }
0xa9: {  	[dreg:$0x3] =	wrdreg s5  }
0xaa: {  	[dreg:$0x4] =	wrdreg $0xC0  }
0xab: {  	_ =	task [dreg:s7], $0x5FFFF  }
0xac: {  	[dreg:$0x1] =	wrdreg $0xFFFFFFFF  }
0xad: {  	[dreg:$0x0] =	wrdreg $0x60  }
0xae: {  	[dreg:$0x2] =	wrdreg s2  }
0xaf: {  	[dreg:$0x3] =	wrdreg s24  }
0xb0: {  	[dreg:$0x4] =	wrdreg $0xA8000  }
0xb1: {  	[dreg:$0x5] =	wrdreg $0x9  }
0xb2: {  	_ =	task.clear_ibuf [dreg:s7], $0x6FFFF;
	_ =	strace $0x90000049  }
0xb3: {  	s29 =	simm.s32 $0x9;
	_ =	strace $0x8000004B  }
0xb4: {  	_ =	swait.ge [sflag:s29], $0x1  }
0xb5: {  	[sflag:s29] =	ssyncadd.s32 $0xFFFFFFFF  }
0xb6: {  	_ =	strace $0x9000004B  }
0xb7: {  	_ =	sfence  }
0xb8: {  	s30 =	sld [smem:$0x0];
	_ =	sdelay $0x2  }
0xb9: {  	s31 =	sshll.u32 s1, $0xD;
	s1 =	sshrl.u32 s1, $0x2  }
0xba: {  	s3 =	sand.u32 $0x4000, s31;
	s1 =	sadd.s32 s1, s30  }
0xbb: {  	s0 =	sor.u32 s3, s0;
	s1 =	sshll.u32 s1, $0x11  }
0xbc: {  	s0 =	sor.u32 s1, s0  }
0xbd: {  	s0 =	sadd.s32 $0x8F2B, s0  }
0xbe: {  	[sflag:s0] =	ssyncadd.remote.s32 $0x1  }
0xbf: {  	_ =	sfence.sel $0xFFFF  }
0xc0: {  	[dreg:$0x0] =	wrdreg $0xFFFFFFFF;
	(pc) =	sbr.abs _section_cstart, $3  }
0xc1: {  	[dreg:$0x1] =	wrdreg $0xFFFFFFFF  }
0xc2: {  	_ =	task.clear_ibuf [dreg:s7], $0x2FFFF;
	_ =	strace $0x9FFFFFFF  }
0xc3: {  	(tm) =	ssettm $0x7FFFFFFF  }
tec
execute0_lowered:
.L_overlay_start_1:
0x0: {  	(tag) =	ssettag $0x1  }
0x1: {  	s1 =	rddreg [dreg:$0x0]  }
0x2: {  	s0 =	rddreg [dreg:$0x1]  }
0x3: {  	s2 =	rddreg [dreg:$0x2]  }
0x4: {  	s4 =	simm.s32 $0x0;
	s9 =	stileid.u32;
	s3 =	srdreg.scid  }
0x5: {  	s28 =	simm.s32 $0x2;
	s29 =	simm.s32 $0x1380;
	s30 =	simm.s32 $0x2700  }
0x6: {  	s31 =	simm.s32 $0x2780;
	[smem:$0x7FF] =	sst s4;
	s5 =	sadd.s32 $0xC200, s0  }
0x7: {  	s6 =	smul.u32 $0x50000, s9;
	s11 =	sadd.s32 $0x7200, s0;
	s3 =	sand.u32 $0x1, s3  }
0x8: {  	s13 =	smul.u32 $0x14000, s9;
	s14 =	sadd.s32 $0x2200, s0;
	s0 =	sadd.s32 $0x34200, s0  }
0x9: {  	s12 =	smul.u32 $0x2800, s9;
	_ =	strace $0x8000004A;
	s7 =	ssub.s32 $0x2, s3  }
0xa: {  	s21 =	smul.u32 $0x140000, s3;
	p0 =	seq.s32 s3, $0x1;
	s8 =	sshrl.u32 s7, $0x1  }
0xb: {  	s6 =	sshrl.u32 s6, $0x2;
	s15 =	sadd.s32 $0x4000, s13;
	s17 =	sadd.s32 $0x8000, s13  }
0xc: {  	s18 =	sadd.s32 $0xC000, s13;
	s19 =	sadd.s32 $0x10000, s13;
	s16 =	sshrl.u32 s12, $0x3  }
0xd: {  	s20 =	ssub.s32 s7, s8;
	s6 =	sadd.s32 s6, s2;
	s7 =	sadd.s32 s15, s2  }
0xe: {  	s8 =	sadd.s32 s17, s2;
	s9 =	sadd.s32 s18, s2;
	s10 =	sadd.s32 s19, s2  }
0xf: {  	s25 =	sadd.s32 s11, s16;
	s26 =	sadd.s32 s14, s16;
	s12 =	sadd.s32 $0x280, s16  }
0x10: {  	s13 =	sadd.s32 s13, s21;
	s15 =	sadd.s32 s21, s15;
	[dreg:$0x4] =	wrdreg s25  }
0x11: {  	s24 =	sadd.s32 s21, s17;
	[dreg:$0x5] =	wrdreg s26;
	s11 =	sadd.s32 s11, s12  }
0x12: {  	s22 =	sshrl.u32 s13, $0x3;
	s23 =	sshrl.u32 s15, $0x3;
	s3 =	sadd.s32 s14, s12  }
0x13: {  	s25 =	sadd.s32 s21, s18;
	s26 =	sadd.s32 s21, s19;
	[dreg:$0x6] =	wrdreg s11  }
0x14: {  	s20 =	smax.u32 s20, $0x1;
	s21 =	simm.s32 $0x2800;
	[dreg:$0x7] =	wrdreg s3  }
.Ltmp0:
0x15: {  	s15 =	sadd.s32 s0, s22;
	s16 =	sadd.s32 s0, s23;
	(pc) =	sbr.rel .LBB2_1-.Ltmp0, $4  }
0x16: {  	s3 =	sshrl.u32 s24, $0x3;
	s11 =	sshrl.u32 s25, $0x3;
	s19 =	sshrl.u32 s26, $0x3  }
0x17: {  	s22 =	simm.s32 $0x3;
	s23 =	simm.s32 $0x1400;
	s24 =	simm.s32 $0x80  }
0x18: {  	s25 =	simm.s32 $0x6800;
	s26 =	simm.s32 $0x1;
	s17 =	sadd.s32 s0, s3  }
0x19: {  	v0 =	vimm.f32 $0.0e+00;
	s18 =	sadd.s32 s0, s11;
	s19 =	sadd.s32 s0, s19;
	s0 =	simm.s32 $0x0  }
.LBB2_8:
0x1a: {  	s11 =	sadd.s32 $0x80, s3;
	[sflag:s22] =	ssyncadd.s32 $0xFFFFC000  }
0x1b: {  	[tilespmem:s25], [sflag:$0x2] =	stream.indirect.gather [hbm4b:s1+s24], $0x80, s11, s24, $0xb8;
	[tilespmem:$0x1E800] =	vst v63  }
0x1c: {  	_ =	swait.ge [sflag:s26], $0x4000  }
0x1d: {  	[sflag:s26] =	ssyncset.done $0x0  }
0x1e: {  	s12 =	sadd.s32 $0x1400, s3;
	[sflag:s26] =	ssyncadd.s32 $0xFFFFC000  }
0x1f: {  	[spmem:s2] =	stream.indirect.scatter.add.f32 [tilespmem:s21], [sflag:$0x3], $0x80, s12, s24, $0xb8;
	[tilespmem:$0x1E800] =	vst v63  }
0x20: {  	_ =	swait.ge [sflag:s22], $0x4000  }
0x21: {  	[sflag:s22] =	ssyncset.done $0x0  }
0x22: {  	s13 =	sadd.s32 $0x100, s3;
	[sflag:s22] =	ssyncadd.s32 $0xFFFFC000  }
0x23: {  	[tilespmem:s21], [sflag:$0x1] =	stream.indirect.gather [hbm4b:s1+s24], $0x80, s13, s24, $0xb8;
	[tilespmem:$0x1E800] =	vst v63  }
0x24: {  	_ =	swait.ge [sflag:s28], $0x4000  }
0x25: {  	[sflag:s28] =	ssyncset.done $0x0  }
0x26: {  	s14 =	sadd.s32 $0x1480, s3;
	[sflag:s28] =	ssyncadd.s32 $0xFFFFC000  }
0x27: {  	[spmem:s2] =	stream.indirect.scatter.add.f32 [tilespmem:s25], [sflag:$0x3], $0x80, s14, s24, $0xb8;
	[tilespmem:$0x1E800] =	vst v63  }
0x28: {  	_ =	swait.ge [sflag:s22], $0x4000  }
0x29: {  	[sflag:s22] =	ssyncset.done $0x0  }
0x2a: {  	[sflag:s22] =	ssyncadd.s32 $0xFFFFC000  }
0x2b: {  	[tilespmem:s25], [sflag:$0x2] =	stream.indirect.gather [hbm4b:s1+s24], $0x80, s29, s24, $0xb8;
	[tilespmem:$0x1E800] =	vst v63  }
.LBB2_14:
0x2c: {  	_ =	swait.ge [sflag:s26], $0x4000  }
0x2d: {  	[sflag:s26] =	ssyncset.done $0x0  }
0x2e: {  	[sflag:s26] =	ssyncadd.s32 $0xFFFFC000  }
0x2f: {  	[spmem:s2] =	stream.indirect.scatter.add.f32 [tilespmem:s21], [sflag:$0x3], $0x80, s30, s24, $0xb8;
	[tilespmem:$0x1E800] =	vst v63  }
0x30: {  	_ =	swait.ge [sflag:s22], $0x4000  }
0x31: {  	[sflag:s22] =	ssyncset.done $0x0  }
0x32: {  	[sflag:s22] =	ssyncadd.s32 $0xFFFFC000  }
0x33: {  	_ =	swait.ge [sflag:s28], $0x4000  }
0x34: {  	[sflag:s28] =	ssyncset.done $0x0  }
0x35: {  	[sflag:s28] =	ssyncadd.s32 $0xFFFFC000  }
0x36: {  	[spmem:s2] =	stream.indirect.scatter.add.f32 [tilespmem:s25], [sflag:$0x3], $0x80, s31, s24, $0xb8;
	[tilespmem:$0x1E800] =	vst v63  }
0x37: {  	_ =	swait.ge [sflag:s22], $0x4000  }
0x38: {  	[sflag:s22] =	ssyncset.done $0x0  }
0x39: {  	[sflag:s22] =	ssyncadd.s32 $0xFFFFC000  }
0x3a: {  	[bflag:$0x0] =	sbarrier.arrive $0xFFFF  }
0x3b: {  	[tilespmem:s21], [sflag:$0x3] =	stream.linear.gather [spmem:s6], $0x4000, $0x38;
	[tilespmem:$0x1E800] =	vst v63  }
0x3c: {  	_ =	swait.ge [sflag:s22], $0x4000  }
0x3d: {  	[sflag:s22] =	ssyncset.done $0x0  }
0x3e: {  	[sflag:s22] =	ssyncadd.s32 $0xFFFFC000  }
0x3f: {  	[hbm4b:s15+s4] =	stream.linear.scatter [tilespmem:s21], [sflag:$0x3], $0x4000, $0x38;
	[tilespmem:$0x1E800] =	vst v63  }
0x40: {  	_ =	swait.ge [sflag:s22], $0x4000  }
0x41: {  	[sflag:s22] =	ssyncset.done $0x0  }
0x42: {  	[sflag:s22] =	ssyncadd.s32 $0xFFFFC000  }
0x43: {  	[tilespmem:s21], [sflag:$0x3] =	stream.linear.gather [spmem:s7], $0x4000, $0x38;
	[tilespmem:$0x1E800] =	vst v63  }
0x44: {  	_ =	swait.ge [sflag:s22], $0x4000  }
0x45: {  	[sflag:s22] =	ssyncset.done $0x0  }
0x46: {  	[sflag:s22] =	ssyncadd.s32 $0xFFFFC000  }
0x47: {  	[hbm4b:s16+s4] =	stream.linear.scatter [tilespmem:s21], [sflag:$0x3], $0x4000, $0x38;
	[tilespmem:$0x1E800] =	vst v63  }
0x48: {  	_ =	swait.ge [sflag:s22], $0x4000  }
0x49: {  	[sflag:s22] =	ssyncset.done $0x0  }
0x4a: {  	[sflag:s22] =	ssyncadd.s32 $0xFFFFC000  }
0x4b: {  	[tilespmem:s21], [sflag:$0x3] =	stream.linear.gather [spmem:s8], $0x4000, $0x38;
	[tilespmem:$0x1E800] =	vst v63  }
0x4c: {  	_ =	swait.ge [sflag:s22], $0x4000  }
0x4d: {  	[sflag:s22] =	ssyncset.done $0x0  }
0x4e: {  	[sflag:s22] =	ssyncadd.s32 $0xFFFFC000  }
0x4f: {  	[hbm4b:s17+s4] =	stream.linear.scatter [tilespmem:s21], [sflag:$0x3], $0x4000, $0x38;
	[tilespmem:$0x1E800] =	vst v63  }
0x50: {  	_ =	swait.ge [sflag:s22], $0x4000  }
0x51: {  	[sflag:s22] =	ssyncset.done $0x0  }
0x52: {  	[sflag:s22] =	ssyncadd.s32 $0xFFFFC000  }
0x53: {  	[tilespmem:s21], [sflag:$0x3] =	stream.linear.gather [spmem:s9], $0x4000, $0x38;
	[tilespmem:$0x1E800] =	vst v63  }
0x54: {  	_ =	swait.ge [sflag:s22], $0x4000  }
0x55: {  	[sflag:s22] =	ssyncset.done $0x0  }
0x56: {  	[sflag:s22] =	ssyncadd.s32 $0xFFFFC000  }
0x57: {  	[hbm4b:s18+s4] =	stream.linear.scatter [tilespmem:s21], [sflag:$0x3], $0x4000, $0x38;
	[tilespmem:$0x1E800] =	vst v63  }
0x58: {  	_ =	swait.ge [sflag:s22], $0x4000  }
0x59: {  	[sflag:s22] =	ssyncset.done $0x0  }
0x5a: {  	[sflag:s22] =	ssyncadd.s32 $0xFFFFC000  }
0x5b: {  	[tilespmem:s21], [sflag:$0x3] =	stream.linear.gather [spmem:s10], $0x4000, $0x38;
	[tilespmem:$0x1E800] =	vst v63  }
0x5c: {  	s0 =	sadd.s32 $0x1, s0;
	_ =	swait.ge [sflag:s22], $0x4000  }
0x5d: {  	p1 =	sne.s32 s0, s20;
	[sflag:s22] =	ssyncset.done $0x0  }
.Ltmp1:
0x5e: {  	[sflag:s22] =	ssyncadd.s32 $0xFFFFC000;
	(pc) =	sbr.rel @!p1 .LBB2_15-.Ltmp1, $4  }
0x5f: {  	[hbm4b:s19+s4] =	stream.linear.scatter [tilespmem:s21], [sflag:$0x3], $0x4000, $0x38;
	[tilespmem:$0x1E800] =	vst v63  }
0x60: {  	_ =	swait.ge [sflag:s22], $0x4000  }
0x61: {  	[sflag:s22] =	ssyncset.done $0x0  }
0x62: {  	[sflag:s22] =	ssyncadd.s32 $0xFFFFC000  }
.LBB2_1:
0x63: {  	s3 =	simm.s32 $0x0;
	s11 =	simm.s32 $0x200  }
.LBB2_2:
0x64: {  	p1 =	sne.s32 s11, $0xFE00;
	[tilespmem:s3+$0x2870] =	vst v0  }
0x65: {  	[tilespmem:s3+$0x2800] =	vst v0  }
0x66: {  	[tilespmem:s3+$0x2810] =	vst v0  }
.Ltmp2:
0x67: {  	[tilespmem:s3+$0x2820] =	vst v0;
	(pc) =	sbr.rel @p1 .LBB2_2-.Ltmp2, $4  }
0x68: {  	[tilespmem:s3+$0x2830] =	vst v0  }
0x69: {  	[tilespmem:s3+$0x2840] =	vst v0  }
0x6a: {  	[tilespmem:s3+$0x2850] =	vst v0  }
0x6b: {  	[tilespmem:s3+$0x2860] =	vst v0;
	s3 =	sshra.s32 s11, $0x2;
	s11 =	sadd.s32 $0x200, s11  }
0x6c: {  	[tilespmem:s3+$0x2870] =	vst v0  }
0x6d: {  	[tilespmem:s3+$0x2800] =	vst v0  }
0x6e: {  	[tilespmem:s3+$0x2810] =	vst v0  }
0x6f: {  	[tilespmem:s3+$0x2820] =	vst v0  }
0x70: {  	[tilespmem:s3+$0x2830] =	vst v0  }
0x71: {  	[tilespmem:s3+$0x2840] =	vst v0  }
0x72: {  	[tilespmem:s3+$0x2850] =	vst v0  }
0x73: {  	[tilespmem:s3+$0x2860] =	vst v0  }
0x74: {  	[spmem:s6] =	stream.linear.scatter [tilespmem:s21], [sflag:$0x3], $0x4000, $0x38;
	[tilespmem:$0x1E800] =	vst v63  }
0x75: {  	_ =	swait.ge [sflag:s22], $0x4000  }
0x76: {  	[sflag:s22] =	ssyncset.done $0x0  }
0x77: {  	[sflag:s22] =	ssyncadd.s32 $0xFFFFC000  }
0x78: {  	[spmem:s7] =	stream.linear.scatter [tilespmem:s21], [sflag:$0x3], $0x4000, $0x38;
	[tilespmem:$0x1E800] =	vst v63  }
0x79: {  	_ =	swait.ge [sflag:s22], $0x4000  }
0x7a: {  	[sflag:s22] =	ssyncset.done $0x0  }
0x7b: {  	[sflag:s22] =	ssyncadd.s32 $0xFFFFC000  }
0x7c: {  	[spmem:s8] =	stream.linear.scatter [tilespmem:s21], [sflag:$0x3], $0x4000, $0x38;
	[tilespmem:$0x1E800] =	vst v63  }
0x7d: {  	_ =	swait.ge [sflag:s22], $0x4000  }
0x7e: {  	[sflag:s22] =	ssyncset.done $0x0  }
0x7f: {  	[sflag:s22] =	ssyncadd.s32 $0xFFFFC000  }
0x80: {  	[spmem:s9] =	stream.linear.scatter [tilespmem:s21], [sflag:$0x3], $0x4000, $0x38;
	[tilespmem:$0x1E800] =	vst v63  }
0x81: {  	_ =	swait.ge [sflag:s22], $0x4000  }
0x82: {  	[sflag:s22] =	ssyncset.done $0x0  }
0x83: {  	[sflag:s22] =	ssyncadd.s32 $0xFFFFC000  }
0x84: {  	[spmem:s10] =	stream.linear.scatter [tilespmem:s21], [sflag:$0x3], $0x4000, $0x38;
	[tilespmem:$0x1E800] =	vst v63  }
0x85: {  	_ =	swait.ge [sflag:s22], $0x4000  }
0x86: {  	[sflag:s22] =	ssyncset.done $0x0  }
0x87: {  	[sflag:s22] =	ssyncadd.s32 $0xFFFFC000  }
0x88: {  	[bflag:$0x0] =	sbarrier.arrive $0xFFFF  }
0x89: {  	s13 =	rddreg [dreg:$0x4]  }
0x8a: {  	[tilespmem:s4], [sflag:$0x3] =	stream.linear.gather [hbm4b:s13+s4], $0x1400, $0x38;
	[tilespmem:$0x1E800] =	vst v63  }
0x8b: {  	_ =	swait.ge [sflag:s22], $0x1400  }
0x8c: {  	[sflag:s22] =	ssyncset.done $0x0  }
.Ltmp3:
0x8d: {  	s14 =	rddreg [dreg:$0x5];
	[sflag:s22] =	ssyncadd.s32 $0xFFFFEC00;
	(pc) =	sbr.rel @!p0 .LBB2_4-.Ltmp3, $4  }
0x8e: {  	[tilespmem:s23], [sflag:$0x3] =	stream.linear.gather [hbm4b:s14+s4], $0x1400, $0x38;
	[tilespmem:$0x1E800] =	vst v63  }
0x8f: {  	_ =	swait.ge [sflag:s22], $0x1400  }
0x90: {  	[sflag:s22] =	ssyncset.done $0x0  }
0x91: {  	s3 =	simm.s32 $0x0;
	[sflag:s22] =	ssyncadd.s32 $0xFFFFEC00  }
0x92: {  	[tilespmem:s21], [sflag:$0x1] =	stream.indirect.gather [hbm4b:s5+s24], $0x80, s3, s24, $0xb8;
	[tilespmem:$0x1E800] =	vst v63  }
0x93: {  	s11 =	simm.s32 $0x80  }
0x94: {  	[tilespmem:s25], [sflag:$0x2] =	stream.indirect.gather [hbm4b:s5+s24], $0x80, s11, s24, $0xb8;
	[tilespmem:$0x1E800] =	vst v63  }
0x95: {  	_ =	swait.ge [sflag:s26], $0x4000  }
0x96: {  	[sflag:s26] =	ssyncset.done $0x0  }
0x97: {  	s12 =	simm.s32 $0x1400;
	[sflag:s26] =	ssyncadd.s32 $0xFFFFC000  }
0x98: {  	[spmem:s2] =	stream.indirect.scatter.add.f32 [tilespmem:s21], [sflag:$0x3], $0x80, s12, s24, $0xb8;
	[tilespmem:$0x1E800] =	vst v63  }
0x99: {  	_ =	swait.ge [sflag:s22], $0x4000  }
0x9a: {  	[sflag:s22] =	ssyncset.done $0x0  }
0x9b: {  	s13 =	simm.s32 $0x100;
	[sflag:s22] =	ssyncadd.s32 $0xFFFFC000  }
0x9c: {  	[tilespmem:s21], [sflag:$0x1] =	stream.indirect.gather [hbm4b:s5+s24], $0x80, s13, s24, $0xb8;
	[tilespmem:$0x1E800] =	vst v63  }
0x9d: {  	_ =	swait.ge [sflag:s28], $0x4000  }
0x9e: {  	[sflag:s28] =	ssyncset.done $0x0  }
0x9f: {  	s14 =	simm.s32 $0x1480;
	[sflag:s28] =	ssyncadd.s32 $0xFFFFC000  }
0xa0: {  	[spmem:s2] =	stream.indirect.scatter.add.f32 [tilespmem:s25], [sflag:$0x3], $0x80, s14, s24, $0xb8;
	[tilespmem:$0x1E800] =	vst v63  }
0xa1: {  	_ =	swait.ge [sflag:s22], $0x4000  }
0xa2: {  	s3 =	simm.s32 $0x100;
	s11 =	simm.s32 $0x800;
	[sflag:s22] =	ssyncset.done $0x0  }
.LBB2_10:
0xa3: {  	s12 =	sadd.s32 $0x80, s3  }
0xa4: {  	[sflag:s22] =	ssyncadd.s32 $0xFFFFC000;
	s13 =	smov.u32 s11;
	s14 =	sadd.s32 $0x400, s11  }
0xa5: {  	[tilespmem:s25], [sflag:$0x2] =	stream.indirect.gather [hbm4b:s5+s24], $0x80, s12, s24, $0xb8;
	[tilespmem:$0x1E800] =	vst v63  }
0xa6: {  	p1 =	sne.s32 s11, $0x4800;
	_ =	swait.ge [sflag:s26], $0x4000  }
0xa7: {  	[sflag:s26] =	ssyncset.done $0x0  }
0xa8: {  	s11 =	sadd.s32 $0x1400, s3;
	[sflag:s26] =	ssyncadd.s32 $0xFFFFC000  }
0xa9: {  	[spmem:s2] =	stream.indirect.scatter.add.f32 [tilespmem:s21], [sflag:$0x3], $0x80, s11, s24, $0xb8;
	[tilespmem:$0x1E800] =	vst v63  }
0xaa: {  	_ =	swait.ge [sflag:s22], $0x4000  }
0xab: {  	[sflag:s22] =	ssyncset.done $0x0  }
0xac: {  	s11 =	sadd.s32 $0x100, s3;
	[sflag:s22] =	ssyncadd.s32 $0xFFFFC000  }
0xad: {  	[tilespmem:s21], [sflag:$0x1] =	stream.indirect.gather [hbm4b:s5+s24], $0x80, s11, s24, $0xb8;
	[tilespmem:$0x1E800] =	vst v63  }
0xae: {  	_ =	swait.ge [sflag:s28], $0x4000  }
.Ltmp4:
0xaf: {  	[sflag:s28] =	ssyncset.done $0x0;
	(pc) =	sbr.rel @p1 .LBB2_10-.Ltmp4, $4  }
0xb0: {  	s3 =	sadd.s32 $0x1480, s3;
	[sflag:s28] =	ssyncadd.s32 $0xFFFFC000  }
0xb1: {  	[spmem:s2] =	stream.indirect.scatter.add.f32 [tilespmem:s25], [sflag:$0x3], $0x80, s3, s24, $0xb8;
	[tilespmem:$0x1E800] =	vst v63  }
0xb2: {  	_ =	swait.ge [sflag:s22], $0x4000  }
0xb3: {  	s11 =	smov.u32 s14;
	s3 =	sshra.s32 s13, $0x2;
	[sflag:s22] =	ssyncset.done $0x0  }
0xb4: {  	s11 =	sadd.s32 $0x80, s3;
	[sflag:s22] =	ssyncadd.s32 $0xFFFFC000  }
0xb5: {  	[tilespmem:s25], [sflag:$0x2] =	stream.indirect.gather [hbm4b:s5+s24], $0x80, s11, s24, $0xb8;
	[tilespmem:$0x1E800] =	vst v63  }
0xb6: {  	_ =	swait.ge [sflag:s26], $0x4000  }
0xb7: {  	[sflag:s26] =	ssyncset.done $0x0  }
0xb8: {  	s13 =	sadd.s32 $0x1400, s3;
	[sflag:s26] =	ssyncadd.s32 $0xFFFFC000  }
0xb9: {  	[spmem:s2] =	stream.indirect.scatter.add.f32 [tilespmem:s21], [sflag:$0x3], $0x80, s13, s24, $0xb8;
	[tilespmem:$0x1E800] =	vst v63  }
0xba: {  	_ =	swait.ge [sflag:s22], $0x4000  }
0xbb: {  	[sflag:s22] =	ssyncset.done $0x0  }
0xbc: {  	s14 =	sadd.s32 $0x100, s3;
	[sflag:s22] =	ssyncadd.s32 $0xFFFFC000  }
0xbd: {  	[tilespmem:s21], [sflag:$0x1] =	stream.indirect.gather [hbm4b:s5+s24], $0x80, s14, s24, $0xb8;
	[tilespmem:$0x1E800] =	vst v63  }
0xbe: {  	_ =	swait.ge [sflag:s28], $0x4000  }
0xbf: {  	[sflag:s28] =	ssyncset.done $0x0  }
0xc0: {  	s11 =	sadd.s32 $0x1480, s3;
	[sflag:s28] =	ssyncadd.s32 $0xFFFFC000  }
0xc1: {  	[spmem:s2] =	stream.indirect.scatter.add.f32 [tilespmem:s25], [sflag:$0x3], $0x80, s11, s24, $0xb8;
	[tilespmem:$0x1E800] =	vst v63  }
0xc2: {  	_ =	swait.ge [sflag:s22], $0x4000  }
0xc3: {  	[sflag:s22] =	ssyncset.done $0x0  }
0xc4: {  	[sflag:s22] =	ssyncadd.s32 $0xFFFFC000  }
0xc5: {  	[tilespmem:s25], [sflag:$0x2] =	stream.indirect.gather [hbm4b:s5+s24], $0x80, s29, s24, $0xb8;
	[tilespmem:$0x1E800] =	vst v63  }
0xc6: {  	_ =	swait.ge [sflag:s26], $0x4000  }
0xc7: {  	[sflag:s26] =	ssyncset.done $0x0  }
0xc8: {  	[sflag:s26] =	ssyncadd.s32 $0xFFFFC000  }
0xc9: {  	[spmem:s2] =	stream.indirect.scatter.add.f32 [tilespmem:s21], [sflag:$0x3], $0x80, s30, s24, $0xb8;
	[tilespmem:$0x1E800] =	vst v63  }
0xca: {  	_ =	swait.ge [sflag:s22], $0x4000  }
0xcb: {  	[sflag:s22] =	ssyncset.done $0x0  }
0xcc: {  	[sflag:s22] =	ssyncadd.s32 $0xFFFFC000  }
0xcd: {  	_ =	swait.ge [sflag:s28], $0x4000  }
0xce: {  	[sflag:s28] =	ssyncset.done $0x0  }
0xcf: {  	[sflag:s28] =	ssyncadd.s32 $0xFFFFC000  }
0xd0: {  	[spmem:s2] =	stream.indirect.scatter.add.f32 [tilespmem:s25], [sflag:$0x3], $0x80, s31, s24, $0xb8;
	[tilespmem:$0x1E800] =	vst v63  }
0xd1: {  	_ =	swait.ge [sflag:s22], $0x4000  }
0xd2: {  	[sflag:s22] =	ssyncset.done $0x0  }
0xd3: {  	s12 =	simm.s32 $0x0;
	s13 =	rddreg [dreg:$0x6];
	[sflag:s22] =	ssyncadd.s32 $0xFFFFC000  }
0xd4: {  	[tilespmem:s12], [sflag:$0x3] =	stream.linear.gather [hbm4b:s13+s12], $0x1400, $0x38;
	[tilespmem:$0x1E800] =	vst v63  }
0xd5: {  	_ =	swait.ge [sflag:s22], $0x1400  }
0xd6: {  	[sflag:s22] =	ssyncset.done $0x0  }
0xd7: {  	s14 =	rddreg [dreg:$0x7];
	[sflag:s22] =	ssyncadd.s32 $0xFFFFEC00  }
0xd8: {  	[tilespmem:s23], [sflag:$0x3] =	stream.linear.gather [hbm4b:s14+s12], $0x1400, $0x38;
	[tilespmem:$0x1E800] =	vst v63  }
0xd9: {  	_ =	swait.ge [sflag:s22], $0x1400  }
0xda: {  	[sflag:s22] =	ssyncset.done $0x0  }
0xdb: {  	[sflag:s22] =	ssyncadd.s32 $0xFFFFEC00  }
0xdc: {  	[tilespmem:s21], [sflag:$0x1] =	stream.indirect.gather [hbm4b:s5+s24], $0x80, s12, s24, $0xb8;
	[tilespmem:$0x1E800] =	vst v63  }
0xdd: {  	s11 =	simm.s32 $0x80  }
0xde: {  	[tilespmem:s25], [sflag:$0x2] =	stream.indirect.gather [hbm4b:s5+s24], $0x80, s11, s24, $0xb8;
	[tilespmem:$0x1E800] =	vst v63  }
0xdf: {  	_ =	swait.ge [sflag:s26], $0x4000  }
0xe0: {  	[sflag:s26] =	ssyncset.done $0x0  }
0xe1: {  	s12 =	simm.s32 $0x1400;
	[sflag:s26] =	ssyncadd.s32 $0xFFFFC000  }
0xe2: {  	[spmem:s2] =	stream.indirect.scatter.add.f32 [tilespmem:s21], [sflag:$0x3], $0x80, s12, s24, $0xb8;
	[tilespmem:$0x1E800] =	vst v63  }
0xe3: {  	_ =	swait.ge [sflag:s22], $0x4000  }
0xe4: {  	[sflag:s22] =	ssyncset.done $0x0  }
0xe5: {  	s13 =	simm.s32 $0x100;
	[sflag:s22] =	ssyncadd.s32 $0xFFFFC000  }
0xe6: {  	[tilespmem:s21], [sflag:$0x1] =	stream.indirect.gather [hbm4b:s5+s24], $0x80, s13, s24, $0xb8;
	[tilespmem:$0x1E800] =	vst v63  }
0xe7: {  	_ =	swait.ge [sflag:s28], $0x4000  }
0xe8: {  	[sflag:s28] =	ssyncset.done $0x0  }
0xe9: {  	s14 =	simm.s32 $0x1480;
	[sflag:s28] =	ssyncadd.s32 $0xFFFFC000  }
0xea: {  	[spmem:s2] =	stream.indirect.scatter.add.f32 [tilespmem:s25], [sflag:$0x3], $0x80, s14, s24, $0xb8;
	[tilespmem:$0x1E800] =	vst v63  }
0xeb: {  	_ =	swait.ge [sflag:s22], $0x4000  }
0xec: {  	s3 =	simm.s32 $0x100;
	s11 =	simm.s32 $0x800;
	[sflag:s22] =	ssyncset.done $0x0  }
.LBB2_12:
0xed: {  	s12 =	sadd.s32 $0x80, s3  }
0xee: {  	[sflag:s22] =	ssyncadd.s32 $0xFFFFC000;
	s13 =	smov.u32 s11;
	s14 =	sadd.s32 $0x400, s11  }
0xef: {  	[tilespmem:s25], [sflag:$0x2] =	stream.indirect.gather [hbm4b:s5+s24], $0x80, s12, s24, $0xb8;
	[tilespmem:$0x1E800] =	vst v63  }
0xf0: {  	p1 =	sne.s32 s11, $0x4800;
	_ =	swait.ge [sflag:s26], $0x4000  }
0xf1: {  	[sflag:s26] =	ssyncset.done $0x0  }
0xf2: {  	s11 =	sadd.s32 $0x1400, s3;
	[sflag:s26] =	ssyncadd.s32 $0xFFFFC000  }
0xf3: {  	[spmem:s2] =	stream.indirect.scatter.add.f32 [tilespmem:s21], [sflag:$0x3], $0x80, s11, s24, $0xb8;
	[tilespmem:$0x1E800] =	vst v63  }
0xf4: {  	_ =	swait.ge [sflag:s22], $0x4000  }
0xf5: {  	[sflag:s22] =	ssyncset.done $0x0  }
0xf6: {  	s11 =	sadd.s32 $0x100, s3;
	[sflag:s22] =	ssyncadd.s32 $0xFFFFC000  }
0xf7: {  	[tilespmem:s21], [sflag:$0x1] =	stream.indirect.gather [hbm4b:s5+s24], $0x80, s11, s24, $0xb8;
	[tilespmem:$0x1E800] =	vst v63  }
0xf8: {  	_ =	swait.ge [sflag:s28], $0x4000  }
.Ltmp5:
0xf9: {  	[sflag:s28] =	ssyncset.done $0x0;
	(pc) =	sbr.rel @p1 .LBB2_12-.Ltmp5, $4  }
0xfa: {  	s3 =	sadd.s32 $0x1480, s3;
	[sflag:s28] =	ssyncadd.s32 $0xFFFFC000  }
0xfb: {  	[spmem:s2] =	stream.indirect.scatter.add.f32 [tilespmem:s25], [sflag:$0x3], $0x80, s3, s24, $0xb8;
	[tilespmem:$0x1E800] =	vst v63  }
0xfc: {  	_ =	swait.ge [sflag:s22], $0x4000  }
0xfd: {  	s11 =	smov.u32 s14;
	s3 =	sshra.s32 s13, $0x2;
	[sflag:s22] =	ssyncset.done $0x0  }
0xfe: {  	s11 =	sadd.s32 $0x80, s3;
	[sflag:s22] =	ssyncadd.s32 $0xFFFFC000  }
0xff: {  	[tilespmem:s25], [sflag:$0x2] =	stream.indirect.gather [hbm4b:s5+s24], $0x80, s11, s24, $0xb8;
	[tilespmem:$0x1E800] =	vst v63  }
0x100: {  	_ =	swait.ge [sflag:s26], $0x4000  }
0x101: {  	[sflag:s26] =	ssyncset.done $0x0  }
0x102: {  	s12 =	sadd.s32 $0x1400, s3;
	[sflag:s26] =	ssyncadd.s32 $0xFFFFC000  }
0x103: {  	[spmem:s2] =	stream.indirect.scatter.add.f32 [tilespmem:s21], [sflag:$0x3], $0x80, s12, s24, $0xb8;
	[tilespmem:$0x1E800] =	vst v63  }
0x104: {  	_ =	swait.ge [sflag:s22], $0x4000  }
0x105: {  	[sflag:s22] =	ssyncset.done $0x0  }
0x106: {  	s13 =	sadd.s32 $0x100, s3;
	[sflag:s22] =	ssyncadd.s32 $0xFFFFC000  }
0x107: {  	[tilespmem:s21], [sflag:$0x1] =	stream.indirect.gather [hbm4b:s5+s24], $0x80, s13, s24, $0xb8;
	[tilespmem:$0x1E800] =	vst v63  }
0x108: {  	_ =	swait.ge [sflag:s28], $0x4000  }
0x109: {  	[sflag:s28] =	ssyncset.done $0x0  }
0x10a: {  	s14 =	sadd.s32 $0x1480, s3;
	[sflag:s28] =	ssyncadd.s32 $0xFFFFC000  }
0x10b: {  	[spmem:s2] =	stream.indirect.scatter.add.f32 [tilespmem:s25], [sflag:$0x3], $0x80, s14, s24, $0xb8;
	[tilespmem:$0x1E800] =	vst v63  }
.Ltmp6:
0x10c: {  	_ = 	snop;
	(pc) =	sbr.rel .LBB2_14-.Ltmp6, $4  }
0x10d: {  	_ =	swait.ge [sflag:s22], $0x4000  }
0x10e: {  	[sflag:s22] =	ssyncset.done $0x0  }
0x10f: {  	[sflag:s22] =	ssyncadd.s32 $0xFFFFC000  }
0x110: {  	[tilespmem:s25], [sflag:$0x2] =	stream.indirect.gather [hbm4b:s5+s24], $0x80, s29, s24, $0xb8;
	[tilespmem:$0x1E800] =	vst v63  }
.LBB2_4:
0x111: {  	[tilespmem:s21], [sflag:$0x1] =	stream.indirect.gather [hbm4b:s1+s24], $0x80, s3, s24, $0xb8;
	[tilespmem:$0x1E800] =	vst v63  }
0x112: {  	s11 =	simm.s32 $0x80  }
0x113: {  	[tilespmem:s25], [sflag:$0x2] =	stream.indirect.gather [hbm4b:s1+s24], $0x80, s11, s24, $0xb8;
	[tilespmem:$0x1E800] =	vst v63  }
0x114: {  	_ =	swait.ge [sflag:s26], $0x4000  }
0x115: {  	[sflag:s26] =	ssyncset.done $0x0  }
0x116: {  	s12 =	simm.s32 $0x1400;
	[sflag:s26] =	ssyncadd.s32 $0xFFFFC000  }
0x117: {  	[spmem:s2] =	stream.indirect.scatter.add.f32 [tilespmem:s21], [sflag:$0x3], $0x80, s12, s24, $0xb8;
	[tilespmem:$0x1E800] =	vst v63  }
0x118: {  	_ =	swait.ge [sflag:s22], $0x4000  }
0x119: {  	[sflag:s22] =	ssyncset.done $0x0  }
0x11a: {  	s13 =	simm.s32 $0x100;
	[sflag:s22] =	ssyncadd.s32 $0xFFFFC000  }
0x11b: {  	[tilespmem:s21], [sflag:$0x1] =	stream.indirect.gather [hbm4b:s1+s24], $0x80, s13, s24, $0xb8;
	[tilespmem:$0x1E800] =	vst v63  }
0x11c: {  	_ =	swait.ge [sflag:s28], $0x4000  }
0x11d: {  	[sflag:s28] =	ssyncset.done $0x0  }
0x11e: {  	s14 =	simm.s32 $0x1480;
	[sflag:s28] =	ssyncadd.s32 $0xFFFFC000  }
0x11f: {  	[spmem:s2] =	stream.indirect.scatter.add.f32 [tilespmem:s25], [sflag:$0x3], $0x80, s14, s24, $0xb8;
	[tilespmem:$0x1E800] =	vst v63  }
0x120: {  	_ =	swait.ge [sflag:s22], $0x4000  }
0x121: {  	s3 =	simm.s32 $0x100;
	s11 =	simm.s32 $0x800;
	[sflag:s22] =	ssyncset.done $0x0  }
.LBB2_5:
0x122: {  	s12 =	sadd.s32 $0x80, s3  }
0x123: {  	[sflag:s22] =	ssyncadd.s32 $0xFFFFC000;
	s13 =	smov.u32 s11;
	s14 =	sadd.s32 $0x400, s11  }
0x124: {  	[tilespmem:s25], [sflag:$0x2] =	stream.indirect.gather [hbm4b:s1+s24], $0x80, s12, s24, $0xb8;
	[tilespmem:$0x1E800] =	vst v63  }
0x125: {  	p1 =	sne.s32 s11, $0x4800;
	_ =	swait.ge [sflag:s26], $0x4000  }
0x126: {  	[sflag:s26] =	ssyncset.done $0x0  }
0x127: {  	s11 =	sadd.s32 $0x1400, s3;
	[sflag:s26] =	ssyncadd.s32 $0xFFFFC000  }
0x128: {  	[spmem:s2] =	stream.indirect.scatter.add.f32 [tilespmem:s21], [sflag:$0x3], $0x80, s11, s24, $0xb8;
	[tilespmem:$0x1E800] =	vst v63  }
0x129: {  	_ =	swait.ge [sflag:s22], $0x4000  }
0x12a: {  	[sflag:s22] =	ssyncset.done $0x0  }
0x12b: {  	s11 =	sadd.s32 $0x100, s3;
	[sflag:s22] =	ssyncadd.s32 $0xFFFFC000  }
0x12c: {  	[tilespmem:s21], [sflag:$0x1] =	stream.indirect.gather [hbm4b:s1+s24], $0x80, s11, s24, $0xb8;
	[tilespmem:$0x1E800] =	vst v63  }
0x12d: {  	_ =	swait.ge [sflag:s28], $0x4000  }
.Ltmp7:
0x12e: {  	[sflag:s28] =	ssyncset.done $0x0;
	(pc) =	sbr.rel @p1 .LBB2_5-.Ltmp7, $4  }
0x12f: {  	s3 =	sadd.s32 $0x1480, s3;
	[sflag:s28] =	ssyncadd.s32 $0xFFFFC000  }
0x130: {  	[spmem:s2] =	stream.indirect.scatter.add.f32 [tilespmem:s25], [sflag:$0x3], $0x80, s3, s24, $0xb8;
	[tilespmem:$0x1E800] =	vst v63  }
0x131: {  	_ =	swait.ge [sflag:s22], $0x4000  }
0x132: {  	s11 =	smov.u32 s14;
	s3 =	sshra.s32 s13, $0x2;
	[sflag:s22] =	ssyncset.done $0x0  }
0x133: {  	s11 =	sadd.s32 $0x80, s3;
	[sflag:s22] =	ssyncadd.s32 $0xFFFFC000  }
0x134: {  	[tilespmem:s25], [sflag:$0x2] =	stream.indirect.gather [hbm4b:s1+s24], $0x80, s11, s24, $0xb8;
	[tilespmem:$0x1E800] =	vst v63  }
0x135: {  	_ =	swait.ge [sflag:s26], $0x4000  }
0x136: {  	[sflag:s26] =	ssyncset.done $0x0  }
0x137: {  	s13 =	sadd.s32 $0x1400, s3;
	[sflag:s26] =	ssyncadd.s32 $0xFFFFC000  }
0x138: {  	[spmem:s2] =	stream.indirect.scatter.add.f32 [tilespmem:s21], [sflag:$0x3], $0x80, s13, s24, $0xb8;
	[tilespmem:$0x1E800] =	vst v63  }
0x139: {  	_ =	swait.ge [sflag:s22], $0x4000  }
0x13a: {  	[sflag:s22] =	ssyncset.done $0x0  }
0x13b: {  	s14 =	sadd.s32 $0x100, s3;
	[sflag:s22] =	ssyncadd.s32 $0xFFFFC000  }
0x13c: {  	[tilespmem:s21], [sflag:$0x1] =	stream.indirect.gather [hbm4b:s1+s24], $0x80, s14, s24, $0xb8;
	[tilespmem:$0x1E800] =	vst v63  }
0x13d: {  	_ =	swait.ge [sflag:s28], $0x4000  }
0x13e: {  	[sflag:s28] =	ssyncset.done $0x0  }
0x13f: {  	s11 =	sadd.s32 $0x1480, s3;
	[sflag:s28] =	ssyncadd.s32 $0xFFFFC000  }
0x140: {  	[spmem:s2] =	stream.indirect.scatter.add.f32 [tilespmem:s25], [sflag:$0x3], $0x80, s11, s24, $0xb8;
	[tilespmem:$0x1E800] =	vst v63  }
0x141: {  	_ =	swait.ge [sflag:s22], $0x4000  }
0x142: {  	[sflag:s22] =	ssyncset.done $0x0  }
0x143: {  	[sflag:s22] =	ssyncadd.s32 $0xFFFFC000  }
0x144: {  	[tilespmem:s25], [sflag:$0x2] =	stream.indirect.gather [hbm4b:s1+s24], $0x80, s29, s24, $0xb8;
	[tilespmem:$0x1E800] =	vst v63  }
0x145: {  	_ =	swait.ge [sflag:s26], $0x4000  }
0x146: {  	[sflag:s26] =	ssyncset.done $0x0  }
0x147: {  	[sflag:s26] =	ssyncadd.s32 $0xFFFFC000  }
0x148: {  	[spmem:s2] =	stream.indirect.scatter.add.f32 [tilespmem:s21], [sflag:$0x3], $0x80, s30, s24, $0xb8;
	[tilespmem:$0x1E800] =	vst v63  }
0x149: {  	_ =	swait.ge [sflag:s22], $0x4000  }
0x14a: {  	[sflag:s22] =	ssyncset.done $0x0  }
0x14b: {  	[sflag:s22] =	ssyncadd.s32 $0xFFFFC000  }
0x14c: {  	_ =	swait.ge [sflag:s28], $0x4000  }
0x14d: {  	[sflag:s28] =	ssyncset.done $0x0  }
0x14e: {  	[sflag:s28] =	ssyncadd.s32 $0xFFFFC000  }
0x14f: {  	[spmem:s2] =	stream.indirect.scatter.add.f32 [tilespmem:s25], [sflag:$0x3], $0x80, s31, s24, $0xb8;
	[tilespmem:$0x1E800] =	vst v63  }
0x150: {  	_ =	swait.ge [sflag:s22], $0x4000  }
0x151: {  	[sflag:s22] =	ssyncset.done $0x0  }
0x152: {  	s12 =	simm.s32 $0x0;
	s13 =	rddreg [dreg:$0x6];
	[sflag:s22] =	ssyncadd.s32 $0xFFFFC000  }
0x153: {  	[tilespmem:s12], [sflag:$0x3] =	stream.linear.gather [hbm4b:s13+s12], $0x1400, $0x38;
	[tilespmem:$0x1E800] =	vst v63  }
0x154: {  	_ =	swait.ge [sflag:s22], $0x1400  }
0x155: {  	[sflag:s22] =	ssyncset.done $0x0  }
0x156: {  	s14 =	rddreg [dreg:$0x7];
	[sflag:s22] =	ssyncadd.s32 $0xFFFFEC00  }
0x157: {  	[tilespmem:s23], [sflag:$0x3] =	stream.linear.gather [hbm4b:s14+s12], $0x1400, $0x38;
	[tilespmem:$0x1E800] =	vst v63  }
0x158: {  	_ =	swait.ge [sflag:s22], $0x1400  }
0x159: {  	[sflag:s22] =	ssyncset.done $0x0  }
0x15a: {  	[sflag:s22] =	ssyncadd.s32 $0xFFFFEC00  }
0x15b: {  	[tilespmem:s21], [sflag:$0x1] =	stream.indirect.gather [hbm4b:s1+s24], $0x80, s12, s24, $0xb8;
	[tilespmem:$0x1E800] =	vst v63  }
0x15c: {  	s11 =	simm.s32 $0x80  }
0x15d: {  	[tilespmem:s25], [sflag:$0x2] =	stream.indirect.gather [hbm4b:s1+s24], $0x80, s11, s24, $0xb8;
	[tilespmem:$0x1E800] =	vst v63  }
0x15e: {  	_ =	swait.ge [sflag:s26], $0x4000  }
0x15f: {  	[sflag:s26] =	ssyncset.done $0x0  }
0x160: {  	s12 =	simm.s32 $0x1400;
	[sflag:s26] =	ssyncadd.s32 $0xFFFFC000  }
0x161: {  	[spmem:s2] =	stream.indirect.scatter.add.f32 [tilespmem:s21], [sflag:$0x3], $0x80, s12, s24, $0xb8;
	[tilespmem:$0x1E800] =	vst v63  }
0x162: {  	_ =	swait.ge [sflag:s22], $0x4000  }
0x163: {  	[sflag:s22] =	ssyncset.done $0x0  }
0x164: {  	s13 =	simm.s32 $0x100;
	[sflag:s22] =	ssyncadd.s32 $0xFFFFC000  }
0x165: {  	[tilespmem:s21], [sflag:$0x1] =	stream.indirect.gather [hbm4b:s1+s24], $0x80, s13, s24, $0xb8;
	[tilespmem:$0x1E800] =	vst v63  }
0x166: {  	_ =	swait.ge [sflag:s28], $0x4000  }
0x167: {  	[sflag:s28] =	ssyncset.done $0x0  }
0x168: {  	s14 =	simm.s32 $0x1480;
	[sflag:s28] =	ssyncadd.s32 $0xFFFFC000  }
0x169: {  	[spmem:s2] =	stream.indirect.scatter.add.f32 [tilespmem:s25], [sflag:$0x3], $0x80, s14, s24, $0xb8;
	[tilespmem:$0x1E800] =	vst v63  }
0x16a: {  	_ =	swait.ge [sflag:s22], $0x4000  }
0x16b: {  	s3 =	simm.s32 $0x100;
	s11 =	simm.s32 $0x800;
	[sflag:s22] =	ssyncset.done $0x0  }
.LBB2_7:
0x16c: {  	s12 =	sadd.s32 $0x80, s3  }
0x16d: {  	[sflag:s22] =	ssyncadd.s32 $0xFFFFC000;
	s13 =	smov.u32 s11;
	s14 =	sadd.s32 $0x400, s11  }
0x16e: {  	[tilespmem:s25], [sflag:$0x2] =	stream.indirect.gather [hbm4b:s1+s24], $0x80, s12, s24, $0xb8;
	[tilespmem:$0x1E800] =	vst v63  }
0x16f: {  	p1 =	seq.s32 s11, $0x4800;
	_ =	swait.ge [sflag:s26], $0x4000  }
0x170: {  	[sflag:s26] =	ssyncset.done $0x0  }
0x171: {  	s11 =	sadd.s32 $0x1400, s3;
	[sflag:s26] =	ssyncadd.s32 $0xFFFFC000  }
0x172: {  	[spmem:s2] =	stream.indirect.scatter.add.f32 [tilespmem:s21], [sflag:$0x3], $0x80, s11, s24, $0xb8;
	[tilespmem:$0x1E800] =	vst v63  }
0x173: {  	_ =	swait.ge [sflag:s22], $0x4000  }
0x174: {  	[sflag:s22] =	ssyncset.done $0x0  }
0x175: {  	s11 =	sadd.s32 $0x100, s3;
	[sflag:s22] =	ssyncadd.s32 $0xFFFFC000  }
0x176: {  	[tilespmem:s21], [sflag:$0x1] =	stream.indirect.gather [hbm4b:s1+s24], $0x80, s11, s24, $0xb8;
	[tilespmem:$0x1E800] =	vst v63  }
0x177: {  	_ =	swait.ge [sflag:s28], $0x4000  }
.Ltmp8:
0x178: {  	[sflag:s28] =	ssyncset.done $0x0;
	(pc) =	sbr.rel @!p1 .LBB2_7-.Ltmp8, $4  }
0x179: {  	s3 =	sadd.s32 $0x1480, s3;
	[sflag:s28] =	ssyncadd.s32 $0xFFFFC000  }
0x17a: {  	[spmem:s2] =	stream.indirect.scatter.add.f32 [tilespmem:s25], [sflag:$0x3], $0x80, s3, s24, $0xb8;
	[tilespmem:$0x1E800] =	vst v63  }
0x17b: {  	_ =	swait.ge [sflag:s22], $0x4000  }
0x17c: {  	s11 =	smov.u32 s14;
	s3 =	sshra.s32 s13, $0x2;
	[sflag:s22] =	ssyncset.done $0x0  }
.Ltmp9:
0x17d: {  	_ = 	snop;
	(pc) =	sbr.rel .LBB2_8-.Ltmp9, $1  }
0x17e: {  	_ =	sdelay $0x3  }
.LBB2_15:
0x17f: {  	_ =	sfence.sel $0x180000  }
0x180: {  	[bflag:$0x0] =	sbarrier.arrive $0xFFFF  }
0x181: {  	_ =	strace $0x9000004A  }
0x182: {  	s0 =	stileid.u32;
	[bflag:$0x2] =	sbarrier.arrive $0xFFFF  }
0x183: {  	p0 =	sne.s32 s0, $0x0;
	s0 =	rddreg [dreg:$0x3]  }
0x184: {  	s0 =	sadd.s32 @!p0 $0x100000, s0  }
0x185: {  	[sflag:s0] =	ssyncadd.tile.s32 @!p0 $0x1;
	_ =	shalt  }
.Lfunc_end2:
_tile_overlayer_lowered:
.L_overlay_start_2:
0x186: {  	(tag) =	ssettag $0x2  }
0x187: {  	s0 =	rddreg [dreg:$0x0];
	s2 =	stileid.u32  }
0x188: {  	s1 =	rddreg [dreg:$0x1];
	p0 =	sne.s32 s2, $0x0  }
0x189: {  	s3 =	rddreg [dreg:$0x2];
	[bflag:$0x3] =	sbarrier.arrive $0xFFFF;
	s2 =	simm.s32 @!p0 $0x1C03  }
0x18a: {  	[timem:s3], [sflag:s2] =	dma.local @!p0 [hbm:s0], s1  }
0x18b: {  	s0 =	simm.s32 @!p0 $0x3  }
0x18c: {  	_ =	swait.ge @!p0 [sflag:s0], s1  }
0x18d: {  	s1 =	ssub.s32 @!p0 $0x0, s1;
	[sflag:s0] =	ssyncset.done @!p0 $0x0  }
0x18e: {  	[sflag:s0] =	ssyncadd.s32 @!p0 s1  }
0x18f: {  	[bflag:$0x3] =	sbarrier.arrive $0xFFFF  }
0x190: {  	_ =	shalt  }

// kernel: kernel.14.cloned.1.call-start
scs
__scs_entry_jumppad:
0x0: {  	(pc) =	sbr.rel $0x88, $3  }
0x1: {  	(tag) =	ssettag $0x0;
	lr =	simm.s32 $0x1  }
0x2: {  	[smem:$0x3F9B] =	sst lr;
	_ =	strace $0xD0000000  }
0x3: {  	_ = 	snop  }
0x4: {  	_ = 	snop  }
0x5: {  	_ = 	snop  }
0x6: {  	_ = 	snop  }
0x7: {  	_ = 	snop  }
__scs_overlays_trampoline_lowered:
0x8: {  	[smem:$0x3FAA] =	sst s0  }
0x9: {  	[smem:$0x3FAB] =	sst s1  }
0xa: {  	[smem:$0x3FAC] =	sst s2  }
0xb: {  	[smem:$0x3FAD] =	sst s3  }
0xc: {  	[smem:$0x3FAE] =	sst s4  }
0xd: {  	[smem:$0x3FAF] =	sst s5  }
0xe: {  	[smem:$0x3FB0] =	sst s6  }
0xf: {  	[smem:$0x3FB1] =	sst s7  }
0x10: {  	[smem:$0x3FB2] =	sst s8  }
0x11: {  	[smem:$0x3FB3] =	sst s9;
	s0 =	simm.s32 @!p0 $0x0  }
0x12: {  	s1 =	sld [smem:$0x3F99];
	s0 =	simm.s32 @p0 $0x1  }
0x13: {  	[smem:$0x3FB4] =	sst s0;
	s0 =	simm.s32 @!p1 $0x0  }
0x14: {  	s2 =	sld [smem:$0x3F98];
	s0 =	simm.s32 @p1 $0x1  }
0x15: {  	[smem:$0x3FB5] =	sst s0;
	s0 =	simm.s32 @!p2 $0x0  }
0x16: {  	s3 =	sld [smem:$0x3FDB];
	s0 =	simm.s32 @p2 $0x1  }
0x17: {  	s4 =	simm.s32 $0x1BF5;
	[smem:$0x3FB7] =	sst s0  }
0x18: {  	s0 =	sld [smem:$0x3F9A];
	_ =	swait.ge [sflag:s4], $0x0  }
0x19: {  	s7 =	sld [smem:$0x3F9B]  }
0x1a: {  	s8 =	sadd.s32 $0xFFFFE003, lr  }
0x1b: {  	s9 =	sadd.s32 $0xFFFFFEF7, lr;
	s5 =	simm.s32 $0xFFFFFFFF;
	p2 =	slt.u32 s8, $0xFFFFF086  }
0x1c: {  	p1 =	slt.u32 s9, $0xF7A;
	s5 =	simm.s32 @!p2 $0x0  }
0x1d: {  	s5 =	simm.s32 @p1 $0x1;
	p0 =	seq.s32 s7, s2  }
0x1e: {  	s7 =	smul.u32 @!p0 $0xF7A, s2;
	p2 =	seq.s32 @!p0 s5, $0x0  }
0x1f: {  	s9 =	smul.u32 $0xF7A, s1;
	s8 =	simm.s32 @!p0 $0x1BF5;
	p2 =	por !p2, p0  }
0x20: {  	[sflag:s8] =	ssyncset.s32 @!p0 $0xFFFFF086;
	s6 =	sadd.s32 @!p0 s3, s7;
	s7 =	simm.s32 @!p0 $0x108  }
0x21: {  	s3 =	sadd.s32 s3, s9;
	s6 =	sadd.s32 @!p0 $0x88, s6;
	s7 =	simm.s32 @p2 $0x1082  }
0x22: {  	[simem:s7], [sflag:s8] =	dma.local @!p0 [hbm:s6], $0xF7A  }
0x23: {  	s9 =	sor.u32 $0xD0000000, s2;
	s6 =	simm.s32 $0x108;
	_ =	swait.ge @!p0 [sflag:s8], $0x0  }
0x24: {  	s3 =	sadd.s32 $0x88, s3;
	s6 =	simm.s32 @!p1 $0x1082;
	[sflag:s4] =	ssyncset.s32 $0xFFFFF086  }
0x25: {  	[simem:s6], [sflag:s4] =	dma.local [hbm:s3], $0xF7A  }
0x26: {  	[smem:$0x3F9B] =	sst s1;
	(tag) =	ssettag s2;
	_ =	strace s9  }
0x27: {  	s1 =	sld [smem:$0x3FAB]  }
0x28: {  	s2 =	sld [smem:$0x3FAC]  }
0x29: {  	s4 =	sld [smem:$0x3FAE]  }
0x2a: {  	p0 =	seq.s32 s5, $0x0;
	s5 =	sld [smem:$0x3FAF]  }
0x2b: {  	s6 =	sld [smem:$0x3FB0]  }
0x2c: {  	s7 =	sld [smem:$0x3FB1]  }
0x2d: {  	s3 =	simm.s32 $0x108;
	s8 =	sld [smem:$0x3FB2]  }
0x2e: {  	s3 =	simm.s32 @!p0 $0x1082;
	s9 =	sld [smem:$0x3FB3]  }
0x2f: {  	lr =	sadd.s32 s0, s3;
	s0 =	sld [smem:$0x3FAA]  }
0x30: {  	s3 =	sld [smem:$0x3FAD]  }
0x31: {  	[smem:$0x3FB6] =	sst s10  }
0x32: {  	s10 =	sld [smem:$0x3FB4];
	_ =	sdelay $0x3  }
0x33: {  	p0 =	seq.s32 s10, $0x1;
	s10 =	sld [smem:$0x3FB6];
	_ =	sdelay $0x3  }
0x34: {  	[smem:$0x3FB6] =	sst s10  }
0x35: {  	s10 =	sld [smem:$0x3FB5];
	_ =	sdelay $0x3  }
0x36: {  	p1 =	seq.s32 s10, $0x1;
	s10 =	sld [smem:$0x3FB6];
	_ =	sdelay $0x3  }
0x37: {  	[smem:$0x3FB6] =	sst s10  }
0x38: {  	s10 =	sld [smem:$0x3FB7]  }
0x39: {  	_ = 	snop;
	(pc) =	sbr.ind lr, $3  }
0x3a: {  	_ = 	snop  }
0x3b: {  	_ = 	snop  }
0x3c: {  	p2 =	seq.s32 s10, $0x1;
	s10 =	sld [smem:$0x3FB6]  }
0x3d: {  	_ =	shalt  }
0x3e: {  	_ =	shalt  }
0x3f: {  	_ =	shalt  }
0x40: {  	_ =	shalt  }
0x41: {  	_ =	shalt  }
0x42: {  	_ =	shalt  }
0x43: {  	_ =	shalt  }
0x44: {  	_ =	shalt  }
0x45: {  	_ =	shalt  }
0x46: {  	_ =	shalt  }
0x47: {  	_ =	shalt  }
0x48: {  	_ =	shalt  }
0x49: {  	_ =	shalt  }
0x4a: {  	_ =	shalt  }
0x4b: {  	_ =	shalt  }
0x4c: {  	_ =	shalt  }
0x4d: {  	_ =	shalt  }
0x4e: {  	_ =	shalt  }
0x4f: {  	_ =	shalt  }
0x50: {  	_ =	shalt  }
0x51: {  	_ =	shalt  }
0x52: {  	_ =	shalt  }
0x53: {  	_ =	shalt  }
0x54: {  	_ =	shalt  }
0x55: {  	_ =	shalt  }
0x56: {  	_ =	shalt  }
0x57: {  	_ =	shalt  }
0x58: {  	_ =	shalt  }
0x59: {  	_ =	shalt  }
0x5a: {  	_ =	shalt  }
0x5b: {  	_ =	shalt  }
0x5c: {  	_ =	shalt  }
0x5d: {  	_ =	shalt  }
0x5e: {  	_ =	shalt  }
0x5f: {  	_ =	shalt  }
0x60: {  	_ =	shalt  }
0x61: {  	_ =	shalt  }
0x62: {  	_ =	shalt  }
0x63: {  	_ =	shalt  }
0x64: {  	_ =	shalt  }
0x65: {  	_ =	shalt  }
0x66: {  	_ =	shalt  }
0x67: {  	_ =	shalt  }
0x68: {  	_ =	shalt  }
0x69: {  	_ =	shalt  }
0x6a: {  	_ =	shalt  }
0x6b: {  	_ =	shalt  }
0x6c: {  	_ =	shalt  }
0x6d: {  	_ =	shalt  }
0x6e: {  	_ =	shalt  }
0x6f: {  	_ =	shalt  }
0x70: {  	_ =	shalt  }
0x71: {  	_ =	shalt  }
0x72: {  	_ =	shalt  }
0x73: {  	_ =	shalt  }
0x74: {  	_ =	shalt  }
0x75: {  	_ =	shalt  }
0x76: {  	_ =	shalt  }
0x77: {  	_ =	shalt  }
0x78: {  	_ =	shalt  }
0x79: {  	_ =	shalt  }
0x7a: {  	_ =	shalt  }
0x7b: {  	_ =	shalt  }
0x7c: {  	_ =	shalt  }
0x7d: {  	_ =	shalt  }
0x7e: {  	_ =	shalt  }
0x7f: {  	_ =	shalt  }
0x80: {  	_ =	shalt  }
0x81: {  	_ =	shalt  }
0x82: {  	_ =	shalt  }
0x83: {  	_ =	shalt  }
0x84: {  	_ =	shalt  }
0x85: {  	_ =	shalt  }
0x86: {  	_ =	shalt  }
0x87: {  	_ =	shalt  }
.Lfunc_end0:
.L_simem_size_0:
called_computation.2_lowered:
.L_overlay_start_0:
0x88: {  	s2 =	sld [smem:$0x3FD9]  }
0x89: {  	s3 =	sld [smem:$0x3FFE];
	_ =	sdelay $0x1  }
0x8a: {  	s1 =	srdreg.scid  }
0x8b: {  	s0 =	sand.u32 $0x1, s1  }
0x8c: {  	s17 =	sshll.u32 s0, $0xA;
	s2 =	sadd.s32 s3, s2  }
0x8d: {  	s2 =	sadd.s32 s2, s17  }
0x8e: {  	[smem:$0x3FC2] =	sst s2  }
0x8f: {  	_ = 	snop  }
0x90: {  	s2 =	sld [smem:$0x3FD0];
	(tm) =	ssettm $0x1  }
0x91: {  	s18 =	sld [smem:$0x3FFB];
	_ =	sdelay $0x3  }
0x92: {  	_ =	strace s18  }
0x93: {  	s3 =	sld [smem:$0x3FFC];
	_ =	sdelay $0x3  }
0x94: {  	_ =	strace s3  }
0x95: {  	s3 =	sld [smem:$0x3FFD];
	_ =	sdelay $0x3  }
0x96: {  	_ =	strace s3  }
0x97: {  	_ =	strace $0x8FFFFFFF  }
0x98: {  	s19 =	sld [smem:$0x3FDB];
	_ =	sdelay $0x1  }
0x99: {  	s4 =	simm.s32 $_scs_section_size  }
0x9a: {  	s5 =	simm.s32 $_size__tile_overlayer_lowered;
	s6 =	simm.s32 $_tile_overlayer_lowered  }
0x9b: {  	s22 =	simm.s32 $0x1BFF;
	s21 =	sshll.u32 s6, $0x1;
	s3 =	sadd.s32 s4, s19  }
0x9c: {  	s7 =	simm.s32 $0x0;
	s20 =	sshll.u32 s5, $0x1;
	s5 =	sadd.s32 s21, s3  }
0x9d: {  	[timem:s7], [sflag:s22] =	dma.local [hbm:s5], s20  }
0x9e: {  	_ =	swait.ge [sflag:s22], s20  }
0x9f: {  	s4 =	ssub.s32 $0x0, s20;
	[sflag:s22] =	ssyncset.done $0x0  }
0xa0: {  	[sflag:s22] =	ssyncadd.s32 s4;
	_ =	sdelay $0x1  }
0xa1: {  	s23 =	simm.s32 $0x1B8B  }
0xa2: {  	_ =	swait.ge [sflag:s23], $0x1  }
0xa3: {  	[sflag:s23] =	ssyncset.done $0x0  }
0xa4: {  	s25 =	simm.s32 $0x1B8E;
	s24 =	sld [smem:$0x3FFE];
	[sflag:s23] =	ssyncadd.s32 $0xFFFFFFFF  }
0xa5: {  	s26 =	simm.s32 $execute0_lowered;
	[smem:$0x3FD2] =	sst s25  }
0xa6: {  	s5 =	sshll.u32 s26, $0x1;
	_ =	strace $0x8000004C;
	[dreg:$0x1] =	wrdreg $0xFFFFFFFF  }
0xa7: {  	s28 =	simm.s32 $_size_execute0_lowered;
	s3 =	sadd.s32 s3, s5;
	[dreg:$0x0] =	wrdreg $0x0  }
0xa8: {  	s5 =	sshll.u32 s28, $0x1;
	[dreg:$0x2] =	wrdreg s3  }
0xa9: {  	[dreg:$0x3] =	wrdreg s5  }
0xaa: {  	[dreg:$0x4] =	wrdreg $0xC0  }
0xab: {  	_ =	task [dreg:s7], $0x5FFFF  }
0xac: {  	[dreg:$0x1] =	wrdreg $0xFFFFFFFF  }
0xad: {  	[dreg:$0x0] =	wrdreg $0x60  }
0xae: {  	[dreg:$0x2] =	wrdreg s2  }
0xaf: {  	[dreg:$0x3] =	wrdreg s24  }
0xb0: {  	[dreg:$0x4] =	wrdreg $0xA8000  }
0xb1: {  	[dreg:$0x5] =	wrdreg $0x9  }
0xb2: {  	_ =	task.clear_ibuf [dreg:s7], $0x6FFFF;
	_ =	strace $0x9000004C  }
0xb3: {  	s29 =	simm.s32 $0x9;
	_ =	strace $0x8000004E  }
0xb4: {  	_ =	swait.ge [sflag:s29], $0x1  }
0xb5: {  	[sflag:s29] =	ssyncadd.s32 $0xFFFFFFFF  }
0xb6: {  	_ =	strace $0x9000004E  }
0xb7: {  	_ =	sfence  }
0xb8: {  	s30 =	sld [smem:$0x0];
	_ =	sdelay $0x2  }
0xb9: {  	s31 =	sshll.u32 s1, $0xD;
	s1 =	sshrl.u32 s1, $0x2  }
0xba: {  	s3 =	sand.u32 $0x4000, s31;
	s1 =	sadd.s32 s1, s30  }
0xbb: {  	s0 =	sor.u32 s3, s0;
	s1 =	sshll.u32 s1, $0x11  }
0xbc: {  	s0 =	sor.u32 s1, s0  }
0xbd: {  	s0 =	sadd.s32 $0x8F2B, s0  }
0xbe: {  	[sflag:s0] =	ssyncadd.remote.s32 $0x1  }
0xbf: {  	_ =	sfence.sel $0xFFFF  }
0xc0: {  	[dreg:$0x0] =	wrdreg $0xFFFFFFFF;
	(pc) =	sbr.abs _section_cstart, $3  }
0xc1: {  	[dreg:$0x1] =	wrdreg $0xFFFFFFFF  }
0xc2: {  	_ =	task.clear_ibuf [dreg:s7], $0x2FFFF;
	_ =	strace $0x9FFFFFFF  }
0xc3: {  	(tm) =	ssettm $0x7FFFFFFF  }
tec
execute0_lowered:
.L_overlay_start_1:
0x0: {  	(tag) =	ssettag $0x1  }
0x1: {  	s1 =	rddreg [dreg:$0x0]  }
0x2: {  	s0 =	rddreg [dreg:$0x1]  }
0x3: {  	s2 =	rddreg [dreg:$0x2]  }
0x4: {  	s4 =	simm.s32 $0x0;
	s9 =	stileid.u32;
	s3 =	srdreg.scid  }
0x5: {  	s28 =	simm.s32 $0x2;
	s29 =	simm.s32 $0x1380;
	s30 =	simm.s32 $0x2700  }
0x6: {  	s31 =	simm.s32 $0x2780;
	[smem:$0x7FF] =	sst s4;
	s5 =	sadd.s32 $0xC200, s0  }
0x7: {  	s6 =	smul.u32 $0x50000, s9;
	s11 =	sadd.s32 $0x7200, s0;
	s3 =	sand.u32 $0x1, s3  }
0x8: {  	s13 =	smul.u32 $0x14000, s9;
	s14 =	sadd.s32 $0x2200, s0;
	s0 =	sadd.s32 $0x34200, s0  }
0x9: {  	s12 =	smul.u32 $0x2800, s9;
	_ =	strace $0x8000004D;
	s7 =	ssub.s32 $0x2, s3  }
0xa: {  	s21 =	smul.u32 $0x140000, s3;
	p0 =	seq.s32 s3, $0x1;
	s8 =	sshrl.u32 s7, $0x1  }
0xb: {  	s6 =	sshrl.u32 s6, $0x2;
	s15 =	sadd.s32 $0x4000, s13;
	s17 =	sadd.s32 $0x8000, s13  }
0xc: {  	s18 =	sadd.s32 $0xC000, s13;
	s19 =	sadd.s32 $0x10000, s13;
	s16 =	sshrl.u32 s12, $0x3  }
0xd: {  	s20 =	ssub.s32 s7, s8;
	s6 =	sadd.s32 s6, s2;
	s7 =	sadd.s32 s15, s2  }
0xe: {  	s8 =	sadd.s32 s17, s2;
	s9 =	sadd.s32 s18, s2;
	s10 =	sadd.s32 s19, s2  }
0xf: {  	s25 =	sadd.s32 s11, s16;
	s26 =	sadd.s32 s14, s16;
	s12 =	sadd.s32 $0x280, s16  }
0x10: {  	s13 =	sadd.s32 s13, s21;
	s15 =	sadd.s32 s21, s15;
	[dreg:$0x4] =	wrdreg s25  }
0x11: {  	s24 =	sadd.s32 s21, s17;
	[dreg:$0x5] =	wrdreg s26;
	s11 =	sadd.s32 s11, s12  }
0x12: {  	s22 =	sshrl.u32 s13, $0x3;
	s23 =	sshrl.u32 s15, $0x3;
	s3 =	sadd.s32 s14, s12  }
0x13: {  	s25 =	sadd.s32 s21, s18;
	s26 =	sadd.s32 s21, s19;
	[dreg:$0x6] =	wrdreg s11  }
0x14: {  	s20 =	smax.u32 s20, $0x1;
	s21 =	simm.s32 $0x2800;
	[dreg:$0x7] =	wrdreg s3  }
.Ltmp0:
0x15: {  	s15 =	sadd.s32 s0, s22;
	s16 =	sadd.s32 s0, s23;
	(pc) =	sbr.rel .LBB2_1-.Ltmp0, $4  }
0x16: {  	s3 =	sshrl.u32 s24, $0x3;
	s11 =	sshrl.u32 s25, $0x3;
	s19 =	sshrl.u32 s26, $0x3  }
0x17: {  	s22 =	simm.s32 $0x3;
	s23 =	simm.s32 $0x1400;
	s24 =	simm.s32 $0x80  }
0x18: {  	s25 =	simm.s32 $0x6800;
	s26 =	simm.s32 $0x1;
	s17 =	sadd.s32 s0, s3  }
0x19: {  	v0 =	vimm.f32 $0.0e+00;
	s18 =	sadd.s32 s0, s11;
	s19 =	sadd.s32 s0, s19;
	s0 =	simm.s32 $0x0  }
.LBB2_8:
0x1a: {  	s11 =	sadd.s32 $0x80, s3;
	[sflag:s22] =	ssyncadd.s32 $0xFFFFC000  }
0x1b: {  	[tilespmem:s25], [sflag:$0x2] =	stream.indirect.gather [hbm4b:s1+s24], $0x80, s11, s24, $0xb8;
	[tilespmem:$0x1E800] =	vst v63  }
0x1c: {  	_ =	swait.ge [sflag:s26], $0x4000  }
0x1d: {  	[sflag:s26] =	ssyncset.done $0x0  }
0x1e: {  	s12 =	sadd.s32 $0x1400, s3;
	[sflag:s26] =	ssyncadd.s32 $0xFFFFC000  }
0x1f: {  	[spmem:s2] =	stream.indirect.scatter.add.f32 [tilespmem:s21], [sflag:$0x3], $0x80, s12, s24, $0xb8;
	[tilespmem:$0x1E800] =	vst v63  }
0x20: {  	_ =	swait.ge [sflag:s22], $0x4000  }
0x21: {  	[sflag:s22] =	ssyncset.done $0x0  }
0x22: {  	s13 =	sadd.s32 $0x100, s3;
	[sflag:s22] =	ssyncadd.s32 $0xFFFFC000  }
0x23: {  	[tilespmem:s21], [sflag:$0x1] =	stream.indirect.gather [hbm4b:s1+s24], $0x80, s13, s24, $0xb8;
	[tilespmem:$0x1E800] =	vst v63  }
0x24: {  	_ =	swait.ge [sflag:s28], $0x4000  }
0x25: {  	[sflag:s28] =	ssyncset.done $0x0  }
0x26: {  	s14 =	sadd.s32 $0x1480, s3;
	[sflag:s28] =	ssyncadd.s32 $0xFFFFC000  }
0x27: {  	[spmem:s2] =	stream.indirect.scatter.add.f32 [tilespmem:s25], [sflag:$0x3], $0x80, s14, s24, $0xb8;
	[tilespmem:$0x1E800] =	vst v63  }
0x28: {  	_ =	swait.ge [sflag:s22], $0x4000  }
0x29: {  	[sflag:s22] =	ssyncset.done $0x0  }
0x2a: {  	[sflag:s22] =	ssyncadd.s32 $0xFFFFC000  }
0x2b: {  	[tilespmem:s25], [sflag:$0x2] =	stream.indirect.gather [hbm4b:s1+s24], $0x80, s29, s24, $0xb8;
	[tilespmem:$0x1E800] =	vst v63  }
.LBB2_14:
0x2c: {  	_ =	swait.ge [sflag:s26], $0x4000  }
0x2d: {  	[sflag:s26] =	ssyncset.done $0x0  }
0x2e: {  	[sflag:s26] =	ssyncadd.s32 $0xFFFFC000  }
0x2f: {  	[spmem:s2] =	stream.indirect.scatter.add.f32 [tilespmem:s21], [sflag:$0x3], $0x80, s30, s24, $0xb8;
	[tilespmem:$0x1E800] =	vst v63  }
0x30: {  	_ =	swait.ge [sflag:s22], $0x4000  }
0x31: {  	[sflag:s22] =	ssyncset.done $0x0  }
0x32: {  	[sflag:s22] =	ssyncadd.s32 $0xFFFFC000  }
0x33: {  	_ =	swait.ge [sflag:s28], $0x4000  }
0x34: {  	[sflag:s28] =	ssyncset.done $0x0  }
0x35: {  	[sflag:s28] =	ssyncadd.s32 $0xFFFFC000  }
0x36: {  	[spmem:s2] =	stream.indirect.scatter.add.f32 [tilespmem:s25], [sflag:$0x3], $0x80, s31, s24, $0xb8;
	[tilespmem:$0x1E800] =	vst v63  }
0x37: {  	_ =	swait.ge [sflag:s22], $0x4000  }
0x38: {  	[sflag:s22] =	ssyncset.done $0x0  }
0x39: {  	[sflag:s22] =	ssyncadd.s32 $0xFFFFC000  }
0x3a: {  	[bflag:$0x0] =	sbarrier.arrive $0xFFFF  }
0x3b: {  	[tilespmem:s21], [sflag:$0x3] =	stream.linear.gather [spmem:s6], $0x4000, $0x38;
	[tilespmem:$0x1E800] =	vst v63  }
0x3c: {  	_ =	swait.ge [sflag:s22], $0x4000  }
0x3d: {  	[sflag:s22] =	ssyncset.done $0x0  }
0x3e: {  	[sflag:s22] =	ssyncadd.s32 $0xFFFFC000  }
0x3f: {  	[hbm4b:s15+s4] =	stream.linear.scatter [tilespmem:s21], [sflag:$0x3], $0x4000, $0x38;
	[tilespmem:$0x1E800] =	vst v63  }
0x40: {  	_ =	swait.ge [sflag:s22], $0x4000  }
0x41: {  	[sflag:s22] =	ssyncset.done $0x0  }
0x42: {  	[sflag:s22] =	ssyncadd.s32 $0xFFFFC000  }
0x43: {  	[tilespmem:s21], [sflag:$0x3] =	stream.linear.gather [spmem:s7], $0x4000, $0x38;
	[tilespmem:$0x1E800] =	vst v63  }
0x44: {  	_ =	swait.ge [sflag:s22], $0x4000  }
0x45: {  	[sflag:s22] =	ssyncset.done $0x0  }
0x46: {  	[sflag:s22] =	ssyncadd.s32 $0xFFFFC000  }
0x47: {  	[hbm4b:s16+s4] =	stream.linear.scatter [tilespmem:s21], [sflag:$0x3], $0x4000, $0x38;
	[tilespmem:$0x1E800] =	vst v63  }
0x48: {  	_ =	swait.ge [sflag:s22], $0x4000  }
0x49: {  	[sflag:s22] =	ssyncset.done $0x0  }
0x4a: {  	[sflag:s22] =	ssyncadd.s32 $0xFFFFC000  }
0x4b: {  	[tilespmem:s21], [sflag:$0x3] =	stream.linear.gather [spmem:s8], $0x4000, $0x38;
	[tilespmem:$0x1E800] =	vst v63  }
0x4c: {  	_ =	swait.ge [sflag:s22], $0x4000  }
0x4d: {  	[sflag:s22] =	ssyncset.done $0x0  }
0x4e: {  	[sflag:s22] =	ssyncadd.s32 $0xFFFFC000  }
0x4f: {  	[hbm4b:s17+s4] =	stream.linear.scatter [tilespmem:s21], [sflag:$0x3], $0x4000, $0x38;
	[tilespmem:$0x1E800] =	vst v63  }
0x50: {  	_ =	swait.ge [sflag:s22], $0x4000  }
0x51: {  	[sflag:s22] =	ssyncset.done $0x0  }
0x52: {  	[sflag:s22] =	ssyncadd.s32 $0xFFFFC000  }
0x53: {  	[tilespmem:s21], [sflag:$0x3] =	stream.linear.gather [spmem:s9], $0x4000, $0x38;
	[tilespmem:$0x1E800] =	vst v63  }
0x54: {  	_ =	swait.ge [sflag:s22], $0x4000  }
0x55: {  	[sflag:s22] =	ssyncset.done $0x0  }
0x56: {  	[sflag:s22] =	ssyncadd.s32 $0xFFFFC000  }
0x57: {  	[hbm4b:s18+s4] =	stream.linear.scatter [tilespmem:s21], [sflag:$0x3], $0x4000, $0x38;
	[tilespmem:$0x1E800] =	vst v63  }
0x58: {  	_ =	swait.ge [sflag:s22], $0x4000  }
0x59: {  	[sflag:s22] =	ssyncset.done $0x0  }
0x5a: {  	[sflag:s22] =	ssyncadd.s32 $0xFFFFC000  }
0x5b: {  	[tilespmem:s21], [sflag:$0x3] =	stream.linear.gather [spmem:s10], $0x4000, $0x38;
	[tilespmem:$0x1E800] =	vst v63  }
0x5c: {  	s0 =	sadd.s32 $0x1, s0;
	_ =	swait.ge [sflag:s22], $0x4000  }
0x5d: {  	p1 =	sne.s32 s0, s20;
	[sflag:s22] =	ssyncset.done $0x0  }
.Ltmp1:
0x5e: {  	[sflag:s22] =	ssyncadd.s32 $0xFFFFC000;
	(pc) =	sbr.rel @!p1 .LBB2_15-.Ltmp1, $4  }
0x5f: {  	[hbm4b:s19+s4] =	stream.linear.scatter [tilespmem:s21], [sflag:$0x3], $0x4000, $0x38;
	[tilespmem:$0x1E800] =	vst v63  }
0x60: {  	_ =	swait.ge [sflag:s22], $0x4000  }
0x61: {  	[sflag:s22] =	ssyncset.done $0x0  }
0x62: {  	[sflag:s22] =	ssyncadd.s32 $0xFFFFC000  }
.LBB2_1:
0x63: {  	s3 =	simm.s32 $0x0;
	s11 =	simm.s32 $0x200  }
.LBB2_2:
0x64: {  	p1 =	sne.s32 s11, $0xFE00;
	[tilespmem:s3+$0x2870] =	vst v0  }
0x65: {  	[tilespmem:s3+$0x2800] =	vst v0  }
0x66: {  	[tilespmem:s3+$0x2810] =	vst v0  }
.Ltmp2:
0x67: {  	[tilespmem:s3+$0x2820] =	vst v0;
	(pc) =	sbr.rel @p1 .LBB2_2-.Ltmp2, $4  }
0x68: {  	[tilespmem:s3+$0x2830] =	vst v0  }
0x69: {  	[tilespmem:s3+$0x2840] =	vst v0  }
0x6a: {  	[tilespmem:s3+$0x2850] =	vst v0  }
0x6b: {  	[tilespmem:s3+$0x2860] =	vst v0;
	s3 =	sshra.s32 s11, $0x2;
	s11 =	sadd.s32 $0x200, s11  }
0x6c: {  	[tilespmem:s3+$0x2870] =	vst v0  }
0x6d: {  	[tilespmem:s3+$0x2800] =	vst v0  }
0x6e: {  	[tilespmem:s3+$0x2810] =	vst v0  }
0x6f: {  	[tilespmem:s3+$0x2820] =	vst v0  }
0x70: {  	[tilespmem:s3+$0x2830] =	vst v0  }
0x71: {  	[tilespmem:s3+$0x2840] =	vst v0  }
0x72: {  	[tilespmem:s3+$0x2850] =	vst v0  }
0x73: {  	[tilespmem:s3+$0x2860] =	vst v0  }
0x74: {  	[spmem:s6] =	stream.linear.scatter [tilespmem:s21], [sflag:$0x3], $0x4000, $0x38;
	[tilespmem:$0x1E800] =	vst v63  }
0x75: {  	_ =	swait.ge [sflag:s22], $0x4000  }
0x76: {  	[sflag:s22] =	ssyncset.done $0x0  }
0x77: {  	[sflag:s22] =	ssyncadd.s32 $0xFFFFC000  }
0x78: {  	[spmem:s7] =	stream.linear.scatter [tilespmem:s21], [sflag:$0x3], $0x4000, $0x38;
	[tilespmem:$0x1E800] =	vst v63  }
0x79: {  	_ =	swait.ge [sflag:s22], $0x4000  }
0x7a: {  	[sflag:s22] =	ssyncset.done $0x0  }
0x7b: {  	[sflag:s22] =	ssyncadd.s32 $0xFFFFC000  }
0x7c: {  	[spmem:s8] =	stream.linear.scatter [tilespmem:s21], [sflag:$0x3], $0x4000, $0x38;
	[tilespmem:$0x1E800] =	vst v63  }
0x7d: {  	_ =	swait.ge [sflag:s22], $0x4000  }
0x7e: {  	[sflag:s22] =	ssyncset.done $0x0  }
0x7f: {  	[sflag:s22] =	ssyncadd.s32 $0xFFFFC000  }
0x80: {  	[spmem:s9] =	stream.linear.scatter [tilespmem:s21], [sflag:$0x3], $0x4000, $0x38;
	[tilespmem:$0x1E800] =	vst v63  }
0x81: {  	_ =	swait.ge [sflag:s22], $0x4000  }
0x82: {  	[sflag:s22] =	ssyncset.done $0x0  }
0x83: {  	[sflag:s22] =	ssyncadd.s32 $0xFFFFC000  }
0x84: {  	[spmem:s10] =	stream.linear.scatter [tilespmem:s21], [sflag:$0x3], $0x4000, $0x38;
	[tilespmem:$0x1E800] =	vst v63  }
0x85: {  	_ =	swait.ge [sflag:s22], $0x4000  }
0x86: {  	[sflag:s22] =	ssyncset.done $0x0  }
0x87: {  	[sflag:s22] =	ssyncadd.s32 $0xFFFFC000  }
0x88: {  	[bflag:$0x0] =	sbarrier.arrive $0xFFFF  }
0x89: {  	s13 =	rddreg [dreg:$0x4]  }
0x8a: {  	[tilespmem:s4], [sflag:$0x3] =	stream.linear.gather [hbm4b:s13+s4], $0x1400, $0x38;
	[tilespmem:$0x1E800] =	vst v63  }
0x8b: {  	_ =	swait.ge [sflag:s22], $0x1400  }
0x8c: {  	[sflag:s22] =	ssyncset.done $0x0  }
.Ltmp3:
0x8d: {  	s14 =	rddreg [dreg:$0x5];
	[sflag:s22] =	ssyncadd.s32 $0xFFFFEC00;
	(pc) =	sbr.rel @!p0 .LBB2_4-.Ltmp3, $4  }
0x8e: {  	[tilespmem:s23], [sflag:$0x3] =	stream.linear.gather [hbm4b:s14+s4], $0x1400, $0x38;
	[tilespmem:$0x1E800] =	vst v63  }
0x8f: {  	_ =	swait.ge [sflag:s22], $0x1400  }
0x90: {  	[sflag:s22] =	ssyncset.done $0x0  }
0x91: {  	s3 =	simm.s32 $0x0;
	[sflag:s22] =	ssyncadd.s32 $0xFFFFEC00  }
0x92: {  	[tilespmem:s21], [sflag:$0x1] =	stream.indirect.gather [hbm4b:s5+s24], $0x80, s3, s24, $0xb8;
	[tilespmem:$0x1E800] =	vst v63  }
0x93: {  	s11 =	simm.s32 $0x80  }
0x94: {  	[tilespmem:s25], [sflag:$0x2] =	stream.indirect.gather [hbm4b:s5+s24], $0x80, s11, s24, $0xb8;
	[tilespmem:$0x1E800] =	vst v63  }
0x95: {  	_ =	swait.ge [sflag:s26], $0x4000  }
0x96: {  	[sflag:s26] =	ssyncset.done $0x0  }
0x97: {  	s12 =	simm.s32 $0x1400;
	[sflag:s26] =	ssyncadd.s32 $0xFFFFC000  }
0x98: {  	[spmem:s2] =	stream.indirect.scatter.add.f32 [tilespmem:s21], [sflag:$0x3], $0x80, s12, s24, $0xb8;
	[tilespmem:$0x1E800] =	vst v63  }
0x99: {  	_ =	swait.ge [sflag:s22], $0x4000  }
0x9a: {  	[sflag:s22] =	ssyncset.done $0x0  }
0x9b: {  	s13 =	simm.s32 $0x100;
	[sflag:s22] =	ssyncadd.s32 $0xFFFFC000  }
0x9c: {  	[tilespmem:s21], [sflag:$0x1] =	stream.indirect.gather [hbm4b:s5+s24], $0x80, s13, s24, $0xb8;
	[tilespmem:$0x1E800] =	vst v63  }
0x9d: {  	_ =	swait.ge [sflag:s28], $0x4000  }
0x9e: {  	[sflag:s28] =	ssyncset.done $0x0  }
0x9f: {  	s14 =	simm.s32 $0x1480;
	[sflag:s28] =	ssyncadd.s32 $0xFFFFC000  }
0xa0: {  	[spmem:s2] =	stream.indirect.scatter.add.f32 [tilespmem:s25], [sflag:$0x3], $0x80, s14, s24, $0xb8;
	[tilespmem:$0x1E800] =	vst v63  }
0xa1: {  	_ =	swait.ge [sflag:s22], $0x4000  }
0xa2: {  	s3 =	simm.s32 $0x100;
	s11 =	simm.s32 $0x800;
	[sflag:s22] =	ssyncset.done $0x0  }
.LBB2_10:
0xa3: {  	s12 =	sadd.s32 $0x80, s3  }
0xa4: {  	[sflag:s22] =	ssyncadd.s32 $0xFFFFC000;
	s13 =	smov.u32 s11;
	s14 =	sadd.s32 $0x400, s11  }
0xa5: {  	[tilespmem:s25], [sflag:$0x2] =	stream.indirect.gather [hbm4b:s5+s24], $0x80, s12, s24, $0xb8;
	[tilespmem:$0x1E800] =	vst v63  }
0xa6: {  	p1 =	sne.s32 s11, $0x4800;
	_ =	swait.ge [sflag:s26], $0x4000  }
0xa7: {  	[sflag:s26] =	ssyncset.done $0x0  }
0xa8: {  	s11 =	sadd.s32 $0x1400, s3;
	[sflag:s26] =	ssyncadd.s32 $0xFFFFC000  }
0xa9: {  	[spmem:s2] =	stream.indirect.scatter.add.f32 [tilespmem:s21], [sflag:$0x3], $0x80, s11, s24, $0xb8;
	[tilespmem:$0x1E800] =	vst v63  }
0xaa: {  	_ =	swait.ge [sflag:s22], $0x4000  }
0xab: {  	[sflag:s22] =	ssyncset.done $0x0  }
0xac: {  	s11 =	sadd.s32 $0x100, s3;
	[sflag:s22] =	ssyncadd.s32 $0xFFFFC000  }
0xad: {  	[tilespmem:s21], [sflag:$0x1] =	stream.indirect.gather [hbm4b:s5+s24], $0x80, s11, s24, $0xb8;
	[tilespmem:$0x1E800] =	vst v63  }
0xae: {  	_ =	swait.ge [sflag:s28], $0x4000  }
.Ltmp4:
0xaf: {  	[sflag:s28] =	ssyncset.done $0x0;
	(pc) =	sbr.rel @p1 .LBB2_10-.Ltmp4, $4  }
0xb0: {  	s3 =	sadd.s32 $0x1480, s3;
	[sflag:s28] =	ssyncadd.s32 $0xFFFFC000  }
0xb1: {  	[spmem:s2] =	stream.indirect.scatter.add.f32 [tilespmem:s25], [sflag:$0x3], $0x80, s3, s24, $0xb8;
	[tilespmem:$0x1E800] =	vst v63  }
0xb2: {  	_ =	swait.ge [sflag:s22], $0x4000  }
0xb3: {  	s11 =	smov.u32 s14;
	s3 =	sshra.s32 s13, $0x2;
	[sflag:s22] =	ssyncset.done $0x0  }
0xb4: {  	s11 =	sadd.s32 $0x80, s3;
	[sflag:s22] =	ssyncadd.s32 $0xFFFFC000  }
0xb5: {  	[tilespmem:s25], [sflag:$0x2] =	stream.indirect.gather [hbm4b:s5+s24], $0x80, s11, s24, $0xb8;
	[tilespmem:$0x1E800] =	vst v63  }
0xb6: {  	_ =	swait.ge [sflag:s26], $0x4000  }
0xb7: {  	[sflag:s26] =	ssyncset.done $0x0  }
0xb8: {  	s13 =	sadd.s32 $0x1400, s3;
	[sflag:s26] =	ssyncadd.s32 $0xFFFFC000  }
0xb9: {  	[spmem:s2] =	stream.indirect.scatter.add.f32 [tilespmem:s21], [sflag:$0x3], $0x80, s13, s24, $0xb8;
	[tilespmem:$0x1E800] =	vst v63  }
0xba: {  	_ =	swait.ge [sflag:s22], $0x4000  }
0xbb: {  	[sflag:s22] =	ssyncset.done $0x0  }
0xbc: {  	s14 =	sadd.s32 $0x100, s3;
	[sflag:s22] =	ssyncadd.s32 $0xFFFFC000  }
0xbd: {  	[tilespmem:s21], [sflag:$0x1] =	stream.indirect.gather [hbm4b:s5+s24], $0x80, s14, s24, $0xb8;
	[tilespmem:$0x1E800] =	vst v63  }
0xbe: {  	_ =	swait.ge [sflag:s28], $0x4000  }
0xbf: {  	[sflag:s28] =	ssyncset.done $0x0  }
0xc0: {  	s11 =	sadd.s32 $0x1480, s3;
	[sflag:s28] =	ssyncadd.s32 $0xFFFFC000  }
0xc1: {  	[spmem:s2] =	stream.indirect.scatter.add.f32 [tilespmem:s25], [sflag:$0x3], $0x80, s11, s24, $0xb8;
	[tilespmem:$0x1E800] =	vst v63  }
0xc2: {  	_ =	swait.ge [sflag:s22], $0x4000  }
0xc3: {  	[sflag:s22] =	ssyncset.done $0x0  }
0xc4: {  	[sflag:s22] =	ssyncadd.s32 $0xFFFFC000  }
0xc5: {  	[tilespmem:s25], [sflag:$0x2] =	stream.indirect.gather [hbm4b:s5+s24], $0x80, s29, s24, $0xb8;
	[tilespmem:$0x1E800] =	vst v63  }
0xc6: {  	_ =	swait.ge [sflag:s26], $0x4000  }
0xc7: {  	[sflag:s26] =	ssyncset.done $0x0  }
0xc8: {  	[sflag:s26] =	ssyncadd.s32 $0xFFFFC000  }
0xc9: {  	[spmem:s2] =	stream.indirect.scatter.add.f32 [tilespmem:s21], [sflag:$0x3], $0x80, s30, s24, $0xb8;
	[tilespmem:$0x1E800] =	vst v63  }
0xca: {  	_ =	swait.ge [sflag:s22], $0x4000  }
0xcb: {  	[sflag:s22] =	ssyncset.done $0x0  }
0xcc: {  	[sflag:s22] =	ssyncadd.s32 $0xFFFFC000  }
0xcd: {  	_ =	swait.ge [sflag:s28], $0x4000  }
0xce: {  	[sflag:s28] =	ssyncset.done $0x0  }
0xcf: {  	[sflag:s28] =	ssyncadd.s32 $0xFFFFC000  }
0xd0: {  	[spmem:s2] =	stream.indirect.scatter.add.f32 [tilespmem:s25], [sflag:$0x3], $0x80, s31, s24, $0xb8;
	[tilespmem:$0x1E800] =	vst v63  }
0xd1: {  	_ =	swait.ge [sflag:s22], $0x4000  }
0xd2: {  	[sflag:s22] =	ssyncset.done $0x0  }
0xd3: {  	s12 =	simm.s32 $0x0;
	s13 =	rddreg [dreg:$0x6];
	[sflag:s22] =	ssyncadd.s32 $0xFFFFC000  }
0xd4: {  	[tilespmem:s12], [sflag:$0x3] =	stream.linear.gather [hbm4b:s13+s12], $0x1400, $0x38;
	[tilespmem:$0x1E800] =	vst v63  }
0xd5: {  	_ =	swait.ge [sflag:s22], $0x1400  }
0xd6: {  	[sflag:s22] =	ssyncset.done $0x0  }
0xd7: {  	s14 =	rddreg [dreg:$0x7];
	[sflag:s22] =	ssyncadd.s32 $0xFFFFEC00  }
0xd8: {  	[tilespmem:s23], [sflag:$0x3] =	stream.linear.gather [hbm4b:s14+s12], $0x1400, $0x38;
	[tilespmem:$0x1E800] =	vst v63  }
0xd9: {  	_ =	swait.ge [sflag:s22], $0x1400  }
0xda: {  	[sflag:s22] =	ssyncset.done $0x0  }
0xdb: {  	[sflag:s22] =	ssyncadd.s32 $0xFFFFEC00  }
0xdc: {  	[tilespmem:s21], [sflag:$0x1] =	stream.indirect.gather [hbm4b:s5+s24], $0x80, s12, s24, $0xb8;
	[tilespmem:$0x1E800] =	vst v63  }
0xdd: {  	s11 =	simm.s32 $0x80  }
0xde: {  	[tilespmem:s25], [sflag:$0x2] =	stream.indirect.gather [hbm4b:s5+s24], $0x80, s11, s24, $0xb8;
	[tilespmem:$0x1E800] =	vst v63  }
0xdf: {  	_ =	swait.ge [sflag:s26], $0x4000  }
0xe0: {  	[sflag:s26] =	ssyncset.done $0x0  }
0xe1: {  	s12 =	simm.s32 $0x1400;
	[sflag:s26] =	ssyncadd.s32 $0xFFFFC000  }
0xe2: {  	[spmem:s2] =	stream.indirect.scatter.add.f32 [tilespmem:s21], [sflag:$0x3], $0x80, s12, s24, $0xb8;
	[tilespmem:$0x1E800] =	vst v63  }
0xe3: {  	_ =	swait.ge [sflag:s22], $0x4000  }
0xe4: {  	[sflag:s22] =	ssyncset.done $0x0  }
0xe5: {  	s13 =	simm.s32 $0x100;
	[sflag:s22] =	ssyncadd.s32 $0xFFFFC000  }
0xe6: {  	[tilespmem:s21], [sflag:$0x1] =	stream.indirect.gather [hbm4b:s5+s24], $0x80, s13, s24, $0xb8;
	[tilespmem:$0x1E800] =	vst v63  }
0xe7: {  	_ =	swait.ge [sflag:s28], $0x4000  }
0xe8: {  	[sflag:s28] =	ssyncset.done $0x0  }
0xe9: {  	s14 =	simm.s32 $0x1480;
	[sflag:s28] =	ssyncadd.s32 $0xFFFFC000  }
0xea: {  	[spmem:s2] =	stream.indirect.scatter.add.f32 [tilespmem:s25], [sflag:$0x3], $0x80, s14, s24, $0xb8;
	[tilespmem:$0x1E800] =	vst v63  }
0xeb: {  	_ =	swait.ge [sflag:s22], $0x4000  }
0xec: {  	s3 =	simm.s32 $0x100;
	s11 =	simm.s32 $0x800;
	[sflag:s22] =	ssyncset.done $0x0  }
.LBB2_12:
0xed: {  	s12 =	sadd.s32 $0x80, s3  }
0xee: {  	[sflag:s22] =	ssyncadd.s32 $0xFFFFC000;
	s13 =	smov.u32 s11;
	s14 =	sadd.s32 $0x400, s11  }
0xef: {  	[tilespmem:s25], [sflag:$0x2] =	stream.indirect.gather [hbm4b:s5+s24], $0x80, s12, s24, $0xb8;
	[tilespmem:$0x1E800] =	vst v63  }
0xf0: {  	p1 =	sne.s32 s11, $0x4800;
	_ =	swait.ge [sflag:s26], $0x4000  }
0xf1: {  	[sflag:s26] =	ssyncset.done $0x0  }
0xf2: {  	s11 =	sadd.s32 $0x1400, s3;
	[sflag:s26] =	ssyncadd.s32 $0xFFFFC000  }
0xf3: {  	[spmem:s2] =	stream.indirect.scatter.add.f32 [tilespmem:s21], [sflag:$0x3], $0x80, s11, s24, $0xb8;
	[tilespmem:$0x1E800] =	vst v63  }
0xf4: {  	_ =	swait.ge [sflag:s22], $0x4000  }
0xf5: {  	[sflag:s22] =	ssyncset.done $0x0  }
0xf6: {  	s11 =	sadd.s32 $0x100, s3;
	[sflag:s22] =	ssyncadd.s32 $0xFFFFC000  }
0xf7: {  	[tilespmem:s21], [sflag:$0x1] =	stream.indirect.gather [hbm4b:s5+s24], $0x80, s11, s24, $0xb8;
	[tilespmem:$0x1E800] =	vst v63  }
0xf8: {  	_ =	swait.ge [sflag:s28], $0x4000  }
.Ltmp5:
0xf9: {  	[sflag:s28] =	ssyncset.done $0x0;
	(pc) =	sbr.rel @p1 .LBB2_12-.Ltmp5, $4  }
0xfa: {  	s3 =	sadd.s32 $0x1480, s3;
	[sflag:s28] =	ssyncadd.s32 $0xFFFFC000  }
0xfb: {  	[spmem:s2] =	stream.indirect.scatter.add.f32 [tilespmem:s25], [sflag:$0x3], $0x80, s3, s24, $0xb8;
	[tilespmem:$0x1E800] =	vst v63  }
0xfc: {  	_ =	swait.ge [sflag:s22], $0x4000  }
0xfd: {  	s11 =	smov.u32 s14;
	s3 =	sshra.s32 s13, $0x2;
	[sflag:s22] =	ssyncset.done $0x0  }
0xfe: {  	s11 =	sadd.s32 $0x80, s3;
	[sflag:s22] =	ssyncadd.s32 $0xFFFFC000  }
0xff: {  	[tilespmem:s25], [sflag:$0x2] =	stream.indirect.gather [hbm4b:s5+s24], $0x80, s11, s24, $0xb8;
	[tilespmem:$0x1E800] =	vst v63  }
0x100: {  	_ =	swait.ge [sflag:s26], $0x4000  }
0x101: {  	[sflag:s26] =	ssyncset.done $0x0  }
0x102: {  	s12 =	sadd.s32 $0x1400, s3;
	[sflag:s26] =	ssyncadd.s32 $0xFFFFC000  }
0x103: {  	[spmem:s2] =	stream.indirect.scatter.add.f32 [tilespmem:s21], [sflag:$0x3], $0x80, s12, s24, $0xb8;
	[tilespmem:$0x1E800] =	vst v63  }
0x104: {  	_ =	swait.ge [sflag:s22], $0x4000  }
0x105: {  	[sflag:s22] =	ssyncset.done $0x0  }
0x106: {  	s13 =	sadd.s32 $0x100, s3;
	[sflag:s22] =	ssyncadd.s32 $0xFFFFC000  }
0x107: {  	[tilespmem:s21], [sflag:$0x1] =	stream.indirect.gather [hbm4b:s5+s24], $0x80, s13, s24, $0xb8;
	[tilespmem:$0x1E800] =	vst v63  }
0x108: {  	_ =	swait.ge [sflag:s28], $0x4000  }
0x109: {  	[sflag:s28] =	ssyncset.done $0x0  }
0x10a: {  	s14 =	sadd.s32 $0x1480, s3;
	[sflag:s28] =	ssyncadd.s32 $0xFFFFC000  }
0x10b: {  	[spmem:s2] =	stream.indirect.scatter.add.f32 [tilespmem:s25], [sflag:$0x3], $0x80, s14, s24, $0xb8;
	[tilespmem:$0x1E800] =	vst v63  }
.Ltmp6:
0x10c: {  	_ = 	snop;
	(pc) =	sbr.rel .LBB2_14-.Ltmp6, $4  }
0x10d: {  	_ =	swait.ge [sflag:s22], $0x4000  }
0x10e: {  	[sflag:s22] =	ssyncset.done $0x0  }
0x10f: {  	[sflag:s22] =	ssyncadd.s32 $0xFFFFC000  }
0x110: {  	[tilespmem:s25], [sflag:$0x2] =	stream.indirect.gather [hbm4b:s5+s24], $0x80, s29, s24, $0xb8;
	[tilespmem:$0x1E800] =	vst v63  }
.LBB2_4:
0x111: {  	[tilespmem:s21], [sflag:$0x1] =	stream.indirect.gather [hbm4b:s1+s24], $0x80, s3, s24, $0xb8;
	[tilespmem:$0x1E800] =	vst v63  }
0x112: {  	s11 =	simm.s32 $0x80  }
0x113: {  	[tilespmem:s25], [sflag:$0x2] =	stream.indirect.gather [hbm4b:s1+s24], $0x80, s11, s24, $0xb8;
	[tilespmem:$0x1E800] =	vst v63  }
0x114: {  	_ =	swait.ge [sflag:s26], $0x4000  }
0x115: {  	[sflag:s26] =	ssyncset.done $0x0  }
0x116: {  	s12 =	simm.s32 $0x1400;
	[sflag:s26] =	ssyncadd.s32 $0xFFFFC000  }
0x117: {  	[spmem:s2] =	stream.indirect.scatter.add.f32 [tilespmem:s21], [sflag:$0x3], $0x80, s12, s24, $0xb8;
	[tilespmem:$0x1E800] =	vst v63  }
0x118: {  	_ =	swait.ge [sflag:s22], $0x4000  }
0x119: {  	[sflag:s22] =	ssyncset.done $0x0  }
0x11a: {  	s13 =	simm.s32 $0x100;
	[sflag:s22] =	ssyncadd.s32 $0xFFFFC000  }
0x11b: {  	[tilespmem:s21], [sflag:$0x1] =	stream.indirect.gather [hbm4b:s1+s24], $0x80, s13, s24, $0xb8;
	[tilespmem:$0x1E800] =	vst v63  }
0x11c: {  	_ =	swait.ge [sflag:s28], $0x4000  }
0x11d: {  	[sflag:s28] =	ssyncset.done $0x0  }
0x11e: {  	s14 =	simm.s32 $0x1480;
	[sflag:s28] =	ssyncadd.s32 $0xFFFFC000  }
0x11f: {  	[spmem:s2] =	stream.indirect.scatter.add.f32 [tilespmem:s25], [sflag:$0x3], $0x80, s14, s24, $0xb8;
	[tilespmem:$0x1E800] =	vst v63  }
0x120: {  	_ =	swait.ge [sflag:s22], $0x4000  }
0x121: {  	s3 =	simm.s32 $0x100;
	s11 =	simm.s32 $0x800;
	[sflag:s22] =	ssyncset.done $0x0  }
.LBB2_5:
0x122: {  	s12 =	sadd.s32 $0x80, s3  }
0x123: {  	[sflag:s22] =	ssyncadd.s32 $0xFFFFC000;
	s13 =	smov.u32 s11;
	s14 =	sadd.s32 $0x400, s11  }
0x124: {  	[tilespmem:s25], [sflag:$0x2] =	stream.indirect.gather [hbm4b:s1+s24], $0x80, s12, s24, $0xb8;
	[tilespmem:$0x1E800] =	vst v63  }
0x125: {  	p1 =	sne.s32 s11, $0x4800;
	_ =	swait.ge [sflag:s26], $0x4000  }
0x126: {  	[sflag:s26] =	ssyncset.done $0x0  }
0x127: {  	s11 =	sadd.s32 $0x1400, s3;
	[sflag:s26] =	ssyncadd.s32 $0xFFFFC000  }
0x128: {  	[spmem:s2] =	stream.indirect.scatter.add.f32 [tilespmem:s21], [sflag:$0x3], $0x80, s11, s24, $0xb8;
	[tilespmem:$0x1E800] =	vst v63  }
0x129: {  	_ =	swait.ge [sflag:s22], $0x4000  }
0x12a: {  	[sflag:s22] =	ssyncset.done $0x0  }
0x12b: {  	s11 =	sadd.s32 $0x100, s3;
	[sflag:s22] =	ssyncadd.s32 $0xFFFFC000  }
0x12c: {  	[tilespmem:s21], [sflag:$0x1] =	stream.indirect.gather [hbm4b:s1+s24], $0x80, s11, s24, $0xb8;
	[tilespmem:$0x1E800] =	vst v63  }
0x12d: {  	_ =	swait.ge [sflag:s28], $0x4000  }
.Ltmp7:
0x12e: {  	[sflag:s28] =	ssyncset.done $0x0;
	(pc) =	sbr.rel @p1 .LBB2_5-.Ltmp7, $4  }
0x12f: {  	s3 =	sadd.s32 $0x1480, s3;
	[sflag:s28] =	ssyncadd.s32 $0xFFFFC000  }
0x130: {  	[spmem:s2] =	stream.indirect.scatter.add.f32 [tilespmem:s25], [sflag:$0x3], $0x80, s3, s24, $0xb8;
	[tilespmem:$0x1E800] =	vst v63  }
0x131: {  	_ =	swait.ge [sflag:s22], $0x4000  }
0x132: {  	s11 =	smov.u32 s14;
	s3 =	sshra.s32 s13, $0x2;
	[sflag:s22] =	ssyncset.done $0x0  }
0x133: {  	s11 =	sadd.s32 $0x80, s3;
	[sflag:s22] =	ssyncadd.s32 $0xFFFFC000  }
0x134: {  	[tilespmem:s25], [sflag:$0x2] =	stream.indirect.gather [hbm4b:s1+s24], $0x80, s11, s24, $0xb8;
	[tilespmem:$0x1E800] =	vst v63  }
0x135: {  	_ =	swait.ge [sflag:s26], $0x4000  }
0x136: {  	[sflag:s26] =	ssyncset.done $0x0  }
0x137: {  	s13 =	sadd.s32 $0x1400, s3;
	[sflag:s26] =	ssyncadd.s32 $0xFFFFC000  }
0x138: {  	[spmem:s2] =	stream.indirect.scatter.add.f32 [tilespmem:s21], [sflag:$0x3], $0x80, s13, s24, $0xb8;
	[tilespmem:$0x1E800] =	vst v63  }
0x139: {  	_ =	swait.ge [sflag:s22], $0x4000  }
0x13a: {  	[sflag:s22] =	ssyncset.done $0x0  }
0x13b: {  	s14 =	sadd.s32 $0x100, s3;
	[sflag:s22] =	ssyncadd.s32 $0xFFFFC000  }
0x13c: {  	[tilespmem:s21], [sflag:$0x1] =	stream.indirect.gather [hbm4b:s1+s24], $0x80, s14, s24, $0xb8;
	[tilespmem:$0x1E800] =	vst v63  }
0x13d: {  	_ =	swait.ge [sflag:s28], $0x4000  }
0x13e: {  	[sflag:s28] =	ssyncset.done $0x0  }
0x13f: {  	s11 =	sadd.s32 $0x1480, s3;
	[sflag:s28] =	ssyncadd.s32 $0xFFFFC000  }
0x140: {  	[spmem:s2] =	stream.indirect.scatter.add.f32 [tilespmem:s25], [sflag:$0x3], $0x80, s11, s24, $0xb8;
	[tilespmem:$0x1E800] =	vst v63  }
0x141: {  	_ =	swait.ge [sflag:s22], $0x4000  }
0x142: {  	[sflag:s22] =	ssyncset.done $0x0  }
0x143: {  	[sflag:s22] =	ssyncadd.s32 $0xFFFFC000  }
0x144: {  	[tilespmem:s25], [sflag:$0x2] =	stream.indirect.gather [hbm4b:s1+s24], $0x80, s29, s24, $0xb8;
	[tilespmem:$0x1E800] =	vst v63  }
0x145: {  	_ =	swait.ge [sflag:s26], $0x4000  }
0x146: {  	[sflag:s26] =	ssyncset.done $0x0  }
0x147: {  	[sflag:s26] =	ssyncadd.s32 $0xFFFFC000  }
0x148: {  	[spmem:s2] =	stream.indirect.scatter.add.f32 [tilespmem:s21], [sflag:$0x3], $0x80, s30, s24, $0xb8;
	[tilespmem:$0x1E800] =	vst v63  }
0x149: {  	_ =	swait.ge [sflag:s22], $0x4000  }
0x14a: {  	[sflag:s22] =	ssyncset.done $0x0  }
0x14b: {  	[sflag:s22] =	ssyncadd.s32 $0xFFFFC000  }
0x14c: {  	_ =	swait.ge [sflag:s28], $0x4000  }
0x14d: {  	[sflag:s28] =	ssyncset.done $0x0  }
0x14e: {  	[sflag:s28] =	ssyncadd.s32 $0xFFFFC000  }
0x14f: {  	[spmem:s2] =	stream.indirect.scatter.add.f32 [tilespmem:s25], [sflag:$0x3], $0x80, s31, s24, $0xb8;
	[tilespmem:$0x1E800] =	vst v63  }
0x150: {  	_ =	swait.ge [sflag:s22], $0x4000  }
0x151: {  	[sflag:s22] =	ssyncset.done $0x0  }
0x152: {  	s12 =	simm.s32 $0x0;
	s13 =	rddreg [dreg:$0x6];
	[sflag:s22] =	ssyncadd.s32 $0xFFFFC000  }
0x153: {  	[tilespmem:s12], [sflag:$0x3] =	stream.linear.gather [hbm4b:s13+s12], $0x1400, $0x38;
	[tilespmem:$0x1E800] =	vst v63  }
0x154: {  	_ =	swait.ge [sflag:s22], $0x1400  }
0x155: {  	[sflag:s22] =	ssyncset.done $0x0  }
0x156: {  	s14 =	rddreg [dreg:$0x7];
	[sflag:s22] =	ssyncadd.s32 $0xFFFFEC00  }
0x157: {  	[tilespmem:s23], [sflag:$0x3] =	stream.linear.gather [hbm4b:s14+s12], $0x1400, $0x38;
	[tilespmem:$0x1E800] =	vst v63  }
0x158: {  	_ =	swait.ge [sflag:s22], $0x1400  }
0x159: {  	[sflag:s22] =	ssyncset.done $0x0  }
0x15a: {  	[sflag:s22] =	ssyncadd.s32 $0xFFFFEC00  }
0x15b: {  	[tilespmem:s21], [sflag:$0x1] =	stream.indirect.gather [hbm4b:s1+s24], $0x80, s12, s24, $0xb8;
	[tilespmem:$0x1E800] =	vst v63  }
0x15c: {  	s11 =	simm.s32 $0x80  }
0x15d: {  	[tilespmem:s25], [sflag:$0x2] =	stream.indirect.gather [hbm4b:s1+s24], $0x80, s11, s24, $0xb8;
	[tilespmem:$0x1E800] =	vst v63  }
0x15e: {  	_ =	swait.ge [sflag:s26], $0x4000  }
0x15f: {  	[sflag:s26] =	ssyncset.done $0x0  }
0x160: {  	s12 =	simm.s32 $0x1400;
	[sflag:s26] =	ssyncadd.s32 $0xFFFFC000  }
0x161: {  	[spmem:s2] =	stream.indirect.scatter.add.f32 [tilespmem:s21], [sflag:$0x3], $0x80, s12, s24, $0xb8;
	[tilespmem:$0x1E800] =	vst v63  }
0x162: {  	_ =	swait.ge [sflag:s22], $0x4000  }
0x163: {  	[sflag:s22] =	ssyncset.done $0x0  }
0x164: {  	s13 =	simm.s32 $0x100;
	[sflag:s22] =	ssyncadd.s32 $0xFFFFC000  }
0x165: {  	[tilespmem:s21], [sflag:$0x1] =	stream.indirect.gather [hbm4b:s1+s24], $0x80, s13, s24, $0xb8;
	[tilespmem:$0x1E800] =	vst v63  }
0x166: {  	_ =	swait.ge [sflag:s28], $0x4000  }
0x167: {  	[sflag:s28] =	ssyncset.done $0x0  }
0x168: {  	s14 =	simm.s32 $0x1480;
	[sflag:s28] =	ssyncadd.s32 $0xFFFFC000  }
0x169: {  	[spmem:s2] =	stream.indirect.scatter.add.f32 [tilespmem:s25], [sflag:$0x3], $0x80, s14, s24, $0xb8;
	[tilespmem:$0x1E800] =	vst v63  }
0x16a: {  	_ =	swait.ge [sflag:s22], $0x4000  }
0x16b: {  	s3 =	simm.s32 $0x100;
	s11 =	simm.s32 $0x800;
	[sflag:s22] =	ssyncset.done $0x0  }
.LBB2_7:
0x16c: {  	s12 =	sadd.s32 $0x80, s3  }
0x16d: {  	[sflag:s22] =	ssyncadd.s32 $0xFFFFC000;
	s13 =	smov.u32 s11;
	s14 =	sadd.s32 $0x400, s11  }
0x16e: {  	[tilespmem:s25], [sflag:$0x2] =	stream.indirect.gather [hbm4b:s1+s24], $0x80, s12, s24, $0xb8;
	[tilespmem:$0x1E800] =	vst v63  }
0x16f: {  	p1 =	seq.s32 s11, $0x4800;
	_ =	swait.ge [sflag:s26], $0x4000  }
0x170: {  	[sflag:s26] =	ssyncset.done $0x0  }
0x171: {  	s11 =	sadd.s32 $0x1400, s3;
	[sflag:s26] =	ssyncadd.s32 $0xFFFFC000  }
0x172: {  	[spmem:s2] =	stream.indirect.scatter.add.f32 [tilespmem:s21], [sflag:$0x3], $0x80, s11, s24, $0xb8;
	[tilespmem:$0x1E800] =	vst v63  }
0x173: {  	_ =	swait.ge [sflag:s22], $0x4000  }
0x174: {  	[sflag:s22] =	ssyncset.done $0x0  }
0x175: {  	s11 =	sadd.s32 $0x100, s3;
	[sflag:s22] =	ssyncadd.s32 $0xFFFFC000  }
0x176: {  	[tilespmem:s21], [sflag:$0x1] =	stream.indirect.gather [hbm4b:s1+s24], $0x80, s11, s24, $0xb8;
	[tilespmem:$0x1E800] =	vst v63  }
0x177: {  	_ =	swait.ge [sflag:s28], $0x4000  }
.Ltmp8:
0x178: {  	[sflag:s28] =	ssyncset.done $0x0;
	(pc) =	sbr.rel @!p1 .LBB2_7-.Ltmp8, $4  }
0x179: {  	s3 =	sadd.s32 $0x1480, s3;
	[sflag:s28] =	ssyncadd.s32 $0xFFFFC000  }
0x17a: {  	[spmem:s2] =	stream.indirect.scatter.add.f32 [tilespmem:s25], [sflag:$0x3], $0x80, s3, s24, $0xb8;
	[tilespmem:$0x1E800] =	vst v63  }
0x17b: {  	_ =	swait.ge [sflag:s22], $0x4000  }
0x17c: {  	s11 =	smov.u32 s14;
	s3 =	sshra.s32 s13, $0x2;
	[sflag:s22] =	ssyncset.done $0x0  }
.Ltmp9:
0x17d: {  	_ = 	snop;
	(pc) =	sbr.rel .LBB2_8-.Ltmp9, $1  }
0x17e: {  	_ =	sdelay $0x3  }
.LBB2_15:
0x17f: {  	_ =	sfence.sel $0x180000  }
0x180: {  	[bflag:$0x0] =	sbarrier.arrive $0xFFFF  }
0x181: {  	_ =	strace $0x9000004D  }
0x182: {  	s0 =	stileid.u32;
	[bflag:$0x2] =	sbarrier.arrive $0xFFFF  }
0x183: {  	p0 =	sne.s32 s0, $0x0;
	s0 =	rddreg [dreg:$0x3]  }
0x184: {  	s0 =	sadd.s32 @!p0 $0x100000, s0  }
0x185: {  	[sflag:s0] =	ssyncadd.tile.s32 @!p0 $0x1;
	_ =	shalt  }
.Lfunc_end2:
_tile_overlayer_lowered:
.L_overlay_start_2:
0x186: {  	(tag) =	ssettag $0x2  }
0x187: {  	s0 =	rddreg [dreg:$0x0];
	s2 =	stileid.u32  }
0x188: {  	s1 =	rddreg [dreg:$0x1];
	p0 =	sne.s32 s2, $0x0  }
0x189: {  	s3 =	rddreg [dreg:$0x2];
	[bflag:$0x3] =	sbarrier.arrive $0xFFFF;
	s2 =	simm.s32 @!p0 $0x1C03  }
0x18a: {  	[timem:s3], [sflag:s2] =	dma.local @!p0 [hbm:s0], s1  }
0x18b: {  	s0 =	simm.s32 @!p0 $0x3  }
0x18c: {  	_ =	swait.ge @!p0 [sflag:s0], s1  }
0x18d: {  	s1 =	ssub.s32 @!p0 $0x0, s1;
	[sflag:s0] =	ssyncset.done @!p0 $0x0  }
0x18e: {  	[sflag:s0] =	ssyncadd.s32 @!p0 s1  }
0x18f: {  	[bflag:$0x3] =	sbarrier.arrive $0xFFFF  }
0x190: {  	_ =	shalt  }

// kernel: kernel.8.cloned.1.call-start
scs
__scs_entry_jumppad:
0x0: {  	(pc) =	sbr.rel $0x88, $3  }
0x1: {  	(tag) =	ssettag $0x0;
	lr =	simm.s32 $0x1  }
0x2: {  	[smem:$0x3F9B] =	sst lr;
	_ =	strace $0xD0000000  }
0x3: {  	_ = 	snop  }
0x4: {  	_ = 	snop  }
0x5: {  	_ = 	snop  }
0x6: {  	_ = 	snop  }
0x7: {  	_ = 	snop  }
__scs_overlays_trampoline_lowered:
0x8: {  	[smem:$0x3FAA] =	sst s0  }
0x9: {  	[smem:$0x3FAB] =	sst s1  }
0xa: {  	[smem:$0x3FAC] =	sst s2  }
0xb: {  	[smem:$0x3FAD] =	sst s3  }
0xc: {  	[smem:$0x3FAE] =	sst s4  }
0xd: {  	[smem:$0x3FAF] =	sst s5  }
0xe: {  	[smem:$0x3FB0] =	sst s6  }
0xf: {  	[smem:$0x3FB1] =	sst s7  }
0x10: {  	[smem:$0x3FB2] =	sst s8  }
0x11: {  	[smem:$0x3FB3] =	sst s9;
	s0 =	simm.s32 @!p0 $0x0  }
0x12: {  	s1 =	sld [smem:$0x3F99];
	s0 =	simm.s32 @p0 $0x1  }
0x13: {  	[smem:$0x3FB4] =	sst s0;
	s0 =	simm.s32 @!p1 $0x0  }
0x14: {  	s2 =	sld [smem:$0x3F98];
	s0 =	simm.s32 @p1 $0x1  }
0x15: {  	[smem:$0x3FB5] =	sst s0;
	s0 =	simm.s32 @!p2 $0x0  }
0x16: {  	s3 =	sld [smem:$0x3FDB];
	s0 =	simm.s32 @p2 $0x1  }
0x17: {  	s4 =	simm.s32 $0x1BF5;
	[smem:$0x3FB7] =	sst s0  }
0x18: {  	s0 =	sld [smem:$0x3F9A];
	_ =	swait.ge [sflag:s4], $0x0  }
0x19: {  	s7 =	sld [smem:$0x3F9B]  }
0x1a: {  	s8 =	sadd.s32 $0xFFFFE003, lr  }
0x1b: {  	s9 =	sadd.s32 $0xFFFFFEF7, lr;
	s5 =	simm.s32 $0xFFFFFFFF;
	p2 =	slt.u32 s8, $0xFFFFF086  }
0x1c: {  	p1 =	slt.u32 s9, $0xF7A;
	s5 =	simm.s32 @!p2 $0x0  }
0x1d: {  	s5 =	simm.s32 @p1 $0x1;
	p0 =	seq.s32 s7, s2  }
0x1e: {  	s7 =	smul.u32 @!p0 $0xF7A, s2;
	p2 =	seq.s32 @!p0 s5, $0x0  }
0x1f: {  	s9 =	smul.u32 $0xF7A, s1;
	s8 =	simm.s32 @!p0 $0x1BF5;
	p2 =	por !p2, p0  }
0x20: {  	[sflag:s8] =	ssyncset.s32 @!p0 $0xFFFFF086;
	s6 =	sadd.s32 @!p0 s3, s7;
	s7 =	simm.s32 @!p0 $0x108  }
0x21: {  	s3 =	sadd.s32 s3, s9;
	s6 =	sadd.s32 @!p0 $0x88, s6;
	s7 =	simm.s32 @p2 $0x1082  }
0x22: {  	[simem:s7], [sflag:s8] =	dma.local @!p0 [hbm:s6], $0xF7A  }
0x23: {  	s9 =	sor.u32 $0xD0000000, s2;
	s6 =	simm.s32 $0x108;
	_ =	swait.ge @!p0 [sflag:s8], $0x0  }
0x24: {  	s3 =	sadd.s32 $0x88, s3;
	s6 =	simm.s32 @!p1 $0x1082;
	[sflag:s4] =	ssyncset.s32 $0xFFFFF086  }
0x25: {  	[simem:s6], [sflag:s4] =	dma.local [hbm:s3], $0xF7A  }
0x26: {  	[smem:$0x3F9B] =	sst s1;
	(tag) =	ssettag s2;
	_ =	strace s9  }
0x27: {  	s1 =	sld [smem:$0x3FAB]  }
0x28: {  	s2 =	sld [smem:$0x3FAC]  }
0x29: {  	s4 =	sld [smem:$0x3FAE]  }
0x2a: {  	p0 =	seq.s32 s5, $0x0;
	s5 =	sld [smem:$0x3FAF]  }
0x2b: {  	s6 =	sld [smem:$0x3FB0]  }
0x2c: {  	s7 =	sld [smem:$0x3FB1]  }
0x2d: {  	s3 =	simm.s32 $0x108;
	s8 =	sld [smem:$0x3FB2]  }
0x2e: {  	s3 =	simm.s32 @!p0 $0x1082;
	s9 =	sld [smem:$0x3FB3]  }
0x2f: {  	lr =	sadd.s32 s0, s3;
	s0 =	sld [smem:$0x3FAA]  }
0x30: {  	s3 =	sld [smem:$0x3FAD]  }
0x31: {  	[smem:$0x3FB6] =	sst s10  }
0x32: {  	s10 =	sld [smem:$0x3FB4];
	_ =	sdelay $0x3  }
0x33: {  	p0 =	seq.s32 s10, $0x1;
	s10 =	sld [smem:$0x3FB6];
	_ =	sdelay $0x3  }
0x34: {  	[smem:$0x3FB6] =	sst s10  }
0x35: {  	s10 =	sld [smem:$0x3FB5];
	_ =	sdelay $0x3  }
0x36: {  	p1 =	seq.s32 s10, $0x1;
	s10 =	sld [smem:$0x3FB6];
	_ =	sdelay $0x3  }
0x37: {  	[smem:$0x3FB6] =	sst s10  }
0x38: {  	s10 =	sld [smem:$0x3FB7]  }
0x39: {  	_ = 	snop;
	(pc) =	sbr.ind lr, $3  }
0x3a: {  	_ = 	snop  }
0x3b: {  	_ = 	snop  }
0x3c: {  	p2 =	seq.s32 s10, $0x1;
	s10 =	sld [smem:$0x3FB6]  }
0x3d: {  	_ =	shalt  }
0x3e: {  	_ =	shalt  }
0x3f: {  	_ =	shalt  }
0x40: {  	_ =	shalt  }
0x41: {  	_ =	shalt  }
0x42: {  	_ =	shalt  }
0x43: {  	_ =	shalt  }
0x44: {  	_ =	shalt  }
0x45: {  	_ =	shalt  }
0x46: {  	_ =	shalt  }
0x47: {  	_ =	shalt  }
0x48: {  	_ =	shalt  }
0x49: {  	_ =	shalt  }
0x4a: {  	_ =	shalt  }
0x4b: {  	_ =	shalt  }
0x4c: {  	_ =	shalt  }
0x4d: {  	_ =	shalt  }
0x4e: {  	_ =	shalt  }
0x4f: {  	_ =	shalt  }
0x50: {  	_ =	shalt  }
0x51: {  	_ =	shalt  }
0x52: {  	_ =	shalt  }
0x53: {  	_ =	shalt  }
0x54: {  	_ =	shalt  }
0x55: {  	_ =	shalt  }
0x56: {  	_ =	shalt  }
0x57: {  	_ =	shalt  }
0x58: {  	_ =	shalt  }
0x59: {  	_ =	shalt  }
0x5a: {  	_ =	shalt  }
0x5b: {  	_ =	shalt  }
0x5c: {  	_ =	shalt  }
0x5d: {  	_ =	shalt  }
0x5e: {  	_ =	shalt  }
0x5f: {  	_ =	shalt  }
0x60: {  	_ =	shalt  }
0x61: {  	_ =	shalt  }
0x62: {  	_ =	shalt  }
0x63: {  	_ =	shalt  }
0x64: {  	_ =	shalt  }
0x65: {  	_ =	shalt  }
0x66: {  	_ =	shalt  }
0x67: {  	_ =	shalt  }
0x68: {  	_ =	shalt  }
0x69: {  	_ =	shalt  }
0x6a: {  	_ =	shalt  }
0x6b: {  	_ =	shalt  }
0x6c: {  	_ =	shalt  }
0x6d: {  	_ =	shalt  }
0x6e: {  	_ =	shalt  }
0x6f: {  	_ =	shalt  }
0x70: {  	_ =	shalt  }
0x71: {  	_ =	shalt  }
0x72: {  	_ =	shalt  }
0x73: {  	_ =	shalt  }
0x74: {  	_ =	shalt  }
0x75: {  	_ =	shalt  }
0x76: {  	_ =	shalt  }
0x77: {  	_ =	shalt  }
0x78: {  	_ =	shalt  }
0x79: {  	_ =	shalt  }
0x7a: {  	_ =	shalt  }
0x7b: {  	_ =	shalt  }
0x7c: {  	_ =	shalt  }
0x7d: {  	_ =	shalt  }
0x7e: {  	_ =	shalt  }
0x7f: {  	_ =	shalt  }
0x80: {  	_ =	shalt  }
0x81: {  	_ =	shalt  }
0x82: {  	_ =	shalt  }
0x83: {  	_ =	shalt  }
0x84: {  	_ =	shalt  }
0x85: {  	_ =	shalt  }
0x86: {  	_ =	shalt  }
0x87: {  	_ =	shalt  }
.Lfunc_end0:
.L_simem_size_0:
called_computation_lowered:
.L_overlay_start_0:
0x88: {  	s2 =	sld [smem:$0x3FD9]  }
0x89: {  	s3 =	sld [smem:$0x3FFE];
	_ =	sdelay $0x1  }
0x8a: {  	s1 =	srdreg.scid  }
0x8b: {  	s0 =	sand.u32 $0x1, s1  }
0x8c: {  	s17 =	sshll.u32 s0, $0xA;
	s2 =	sadd.s32 s3, s2  }
0x8d: {  	s2 =	sadd.s32 s2, s17  }
0x8e: {  	[smem:$0x3FC2] =	sst s2  }
0x8f: {  	_ = 	snop  }
0x90: {  	s2 =	sld [smem:$0x3FD0];
	(tm) =	ssettm $0x1  }
0x91: {  	s18 =	sld [smem:$0x3FFB];
	_ =	sdelay $0x3  }
0x92: {  	_ =	strace s18  }
0x93: {  	s3 =	sld [smem:$0x3FFC];
	_ =	sdelay $0x3  }
0x94: {  	_ =	strace s3  }
0x95: {  	s3 =	sld [smem:$0x3FFD];
	_ =	sdelay $0x3  }
0x96: {  	_ =	strace s3  }
0x97: {  	_ =	strace $0x8FFFFFFF  }
0x98: {  	s19 =	sld [smem:$0x3FDB];
	_ =	sdelay $0x1  }
0x99: {  	s4 =	simm.s32 $_scs_section_size  }
0x9a: {  	s5 =	simm.s32 $_size__tile_overlayer_lowered;
	s6 =	simm.s32 $_tile_overlayer_lowered  }
0x9b: {  	s22 =	simm.s32 $0x1BFF;
	s21 =	sshll.u32 s6, $0x1;
	s3 =	sadd.s32 s4, s19  }
0x9c: {  	s7 =	simm.s32 $0x0;
	s20 =	sshll.u32 s5, $0x1;
	s5 =	sadd.s32 s21, s3  }
0x9d: {  	[timem:s7], [sflag:s22] =	dma.local [hbm:s5], s20  }
0x9e: {  	_ =	swait.ge [sflag:s22], s20  }
0x9f: {  	s4 =	ssub.s32 $0x0, s20;
	[sflag:s22] =	ssyncset.done $0x0  }
0xa0: {  	[sflag:s22] =	ssyncadd.s32 s4;
	_ =	sdelay $0x1  }
0xa1: {  	s23 =	simm.s32 $0x1B8B  }
0xa2: {  	_ =	swait.ge [sflag:s23], $0x1  }
0xa3: {  	[sflag:s23] =	ssyncset.done $0x0  }
0xa4: {  	s25 =	simm.s32 $0x1B8E;
	s24 =	sld [smem:$0x3FFE];
	[sflag:s23] =	ssyncadd.s32 $0xFFFFFFFF  }
0xa5: {  	s26 =	simm.s32 $execute0_lowered;
	[smem:$0x3FD2] =	sst s25  }
0xa6: {  	s5 =	sshll.u32 s26, $0x1;
	_ =	strace $0x80000046;
	[dreg:$0x1] =	wrdreg $0xFFFFFFFF  }
0xa7: {  	s28 =	simm.s32 $_size_execute0_lowered;
	s3 =	sadd.s32 s3, s5;
	[dreg:$0x0] =	wrdreg $0x0  }
0xa8: {  	s5 =	sshll.u32 s28, $0x1;
	[dreg:$0x2] =	wrdreg s3  }
0xa9: {  	[dreg:$0x3] =	wrdreg s5  }
0xaa: {  	[dreg:$0x4] =	wrdreg $0xC0  }
0xab: {  	_ =	task [dreg:s7], $0x5FFFF  }
0xac: {  	[dreg:$0x1] =	wrdreg $0xFFFFFFFF  }
0xad: {  	[dreg:$0x0] =	wrdreg $0x60  }
0xae: {  	[dreg:$0x2] =	wrdreg s24  }
0xaf: {  	[dreg:$0x3] =	wrdreg s2  }
0xb0: {  	[dreg:$0x4] =	wrdreg $0x17000  }
0xb1: {  	[dreg:$0x5] =	wrdreg $0x9  }
0xb2: {  	_ =	task.clear_ibuf [dreg:s7], $0x6FFFF;
	_ =	strace $0x90000046  }
0xb3: {  	s29 =	simm.s32 $0x9;
	_ =	strace $0x80000048  }
0xb4: {  	_ =	swait.ge [sflag:s29], $0x1  }
0xb5: {  	[sflag:s29] =	ssyncadd.s32 $0xFFFFFFFF  }
0xb6: {  	_ =	strace $0x90000048  }
0xb7: {  	_ =	sfence  }
0xb8: {  	s30 =	sld [smem:$0x0];
	_ =	sdelay $0x2  }
0xb9: {  	s31 =	sshll.u32 s1, $0xD;
	s1 =	sshrl.u32 s1, $0x2  }
0xba: {  	s3 =	sand.u32 $0x4000, s31;
	s1 =	sadd.s32 s1, s30  }
0xbb: {  	s0 =	sor.u32 s3, s0;
	s1 =	sshll.u32 s1, $0x11  }
0xbc: {  	s0 =	sor.u32 s1, s0  }
0xbd: {  	s0 =	sadd.s32 $0x8F2B, s0  }
0xbe: {  	[sflag:s0] =	ssyncadd.remote.s32 $0x1  }
0xbf: {  	_ =	sfence.sel $0xFFFF  }
0xc0: {  	[dreg:$0x0] =	wrdreg $0xFFFFFFFF;
	(pc) =	sbr.abs _section_cstart, $3  }
0xc1: {  	[dreg:$0x1] =	wrdreg $0xFFFFFFFF  }
0xc2: {  	_ =	task.clear_ibuf [dreg:s7], $0x2FFFF;
	_ =	strace $0x9FFFFFFF  }
0xc3: {  	(tm) =	ssettm $0x7FFFFFFF  }
tec
execute0_lowered:
.L_overlay_start_1:
0x0: {  	(tag) =	ssettag $0x1  }
0x1: {  	s4 =	rddreg [dreg:$0x0]  }
0x2: {  	s1 =	srdreg.scid;
	s6 =	rddreg [dreg:$0x1]  }
0x3: {  	s0 =	stileid.u32;
	s2 =	rddreg [dreg:$0x2];
	s3 =	simm.s32 $0x0  }
0x4: {  	s11 =	simm.s32 $0x1400;
	s12 =	simm.s32 $0x100;
	s13 =	simm.s32 $0x0  }
0x5: {  	s5 =	sand.u32 $0x1, s1;
	s1 =	rddreg [dreg:$0x3];
	s8 =	smul.u32 $0xA00, s0  }
0x6: {  	s28 =	sshll.u32 s0, $0x1;
	[smem:$0x7FF] =	sst s3;
	s9 =	smul.u32 $0x500, s0  }
0x7: {  	s7 =	sor.u32 s5, s28;
	_ =	strace $0x80000047;
	s29 =	ssub.s32 $0x2, s5  }
0x8: {  	s5 =	sshll.u32 s5, $0x7;
	s7 =	smul.u32 $0x280, s7;
	s10 =	sshrl.u32 s29, $0x1  }
0x9: {  	s8 =	sshrl.u32 s8, $0x2;
	s5 =	sor.u32 s5, s9;
	s9 =	simm.s32 $0x1  }
0xa: {  	s30 =	ssub.s32 s29, s10;
	s31 =	sshrl.u32 s5, $0x3;
	s10 =	simm.s32 $0x80  }
0xb: {  	s7 =	sadd.s32 s7, s4;
	s4 =	sadd.s32 s8, s2;
	s6 =	sadd.s32 s6, s31  }
0xc: {  	v0 =	vimm.f32 $1.000000000e+00;
	v1 =	vimm.f32 $0.0e+00;
	s8 =	simm.s32 $0x1480;
	s5 =	sadd.s32 $0x2200, s7;
	s7 =	smax.u32 s30, $0x1  }
.LBB2_1:
0xd: {  	[tilespmem:$0x1400] =	vst v0  }
0xe: {  	[tilespmem:$0x1410] =	vst v0  }
0xf: {  	[tilespmem:$0x1420] =	vst v0  }
0x10: {  	[tilespmem:$0x1430] =	vst v0  }
0x11: {  	[tilespmem:$0x1440] =	vst v0  }
0x12: {  	[tilespmem:$0x1450] =	vst v0  }
0x13: {  	[tilespmem:$0x1460] =	vst v0  }
0x14: {  	[tilespmem:$0x1470] =	vst v0  }
0x15: {  	[tilespmem:$0x1480] =	vst v1  }
0x16: {  	[tilespmem:$0x1490] =	vst v1  }
0x17: {  	[tilespmem:$0x14A0] =	vst v1  }
0x18: {  	[tilespmem:$0x14B0] =	vst v1  }
0x19: {  	[tilespmem:$0x14C0] =	vst v1  }
0x1a: {  	[tilespmem:$0x14D0] =	vst v1  }
0x1b: {  	[tilespmem:$0x14E0] =	vst v1  }
0x1c: {  	[tilespmem:$0x14F0] =	vst v1  }
0x1d: {  	[tilespmem:$0x1500] =	vst v1  }
0x1e: {  	[tilespmem:$0x1510] =	vst v1  }
0x1f: {  	[tilespmem:$0x1520] =	vst v1  }
0x20: {  	[tilespmem:$0x1530] =	vst v1  }
0x21: {  	[tilespmem:$0x1540] =	vst v1  }
0x22: {  	[tilespmem:$0x1550] =	vst v1  }
0x23: {  	[tilespmem:$0x1560] =	vst v1  }
0x24: {  	[tilespmem:$0x1570] =	vst v1  }
0x25: {  	[tilespmem:$0x1580] =	vst v1  }
0x26: {  	[tilespmem:$0x1590] =	vst v1  }
0x27: {  	[tilespmem:$0x15A0] =	vst v1  }
0x28: {  	[tilespmem:$0x15B0] =	vst v1  }
0x29: {  	[tilespmem:$0x15C0] =	vst v1  }
0x2a: {  	[tilespmem:$0x15D0] =	vst v1  }
0x2b: {  	[tilespmem:$0x15E0] =	vst v1  }
0x2c: {  	[tilespmem:$0x15F0] =	vst v1  }
0x2d: {  	[tilespmem:$0x1600] =	vst v1  }
0x2e: {  	[tilespmem:$0x1610] =	vst v1  }
0x2f: {  	[tilespmem:$0x1620] =	vst v1  }
0x30: {  	[tilespmem:$0x1630] =	vst v1  }
0x31: {  	[tilespmem:$0x1640] =	vst v1  }
0x32: {  	[tilespmem:$0x1650] =	vst v1  }
0x33: {  	[tilespmem:$0x1660] =	vst v1  }
0x34: {  	[tilespmem:$0x1670] =	vst v1  }
0x35: {  	[tilespmem:$0x1680] =	vst v1  }
0x36: {  	[tilespmem:$0x1690] =	vst v1  }
0x37: {  	[tilespmem:$0x16A0] =	vst v1  }
0x38: {  	[tilespmem:$0x16B0] =	vst v1  }
0x39: {  	[tilespmem:$0x16C0] =	vst v1  }
0x3a: {  	[tilespmem:$0x16D0] =	vst v1  }
0x3b: {  	[tilespmem:$0x16E0] =	vst v1  }
0x3c: {  	[tilespmem:$0x16F0] =	vst v1  }
0x3d: {  	[spmem:s4] =	stream.linear.scatter [tilespmem:s8], [sflag:$0x1], $0x280, $0x38;
	[tilespmem:$0x1980] =	vst v63  }
0x3e: {  	_ =	swait.ge [sflag:s9], $0x280  }
0x3f: {  	[sflag:s9] =	ssyncset.done $0x0  }
0x40: {  	[sflag:s9] =	ssyncadd.s32 $0xFFFFFD80  }
0x41: {  	[bflag:$0x0] =	sbarrier.arrive $0xFFFF  }
0x42: {  	[tilespmem:s3], [sflag:$0x1] =	stream.linear.gather [hbm4b:s5+s3], $0x1400, $0x38;
	[tilespmem:$0x1980] =	vst v63  }
0x43: {  	_ =	swait.ge [sflag:s9], $0x1400  }
0x44: {  	[sflag:s9] =	ssyncset.done $0x0  }
0x45: {  	s14 =	simm.s32 $0x0;
	[sflag:s9] =	ssyncadd.s32 $0xFFFFEC00  }
0x46: {  	[spmem:s2] =	stream.indirect.scatter.add.f32 [tilespmem:s11], [sflag:$0x1], $0x1, s14, s10, $0xb8;
	[tilespmem:$0x1980] =	vst v63  }
0x47: {  	_ =	swait.ge [sflag:s9], $0x80  }
0x48: {  	s14 =	simm.s32 $0x200;
	[sflag:s9] =	ssyncset.done $0x0  }
.LBB2_2:
0x49: {  	s15 =	sshra.s32 s14, $0x2;
	[sflag:s9] =	ssyncadd.s32 $0xFFFFFF80;
	p0 =	sne.s32 s14, $0x4E00  }
0x4a: {  	[spmem:s2] =	stream.indirect.scatter.add.f32 [tilespmem:s11], [sflag:$0x1], $0x1, s15, s10, $0xb8;
	[tilespmem:$0x1980] =	vst v63  }
.Ltmp0:
0x4b: {  	_ = 	snop;
	(pc) =	sbr.rel @p0 .LBB2_2-.Ltmp0, $4  }
0x4c: {  	_ = 	snop  }
0x4d: {  	s14 =	sadd.s32 $0x200, s14  }
0x4e: {  	_ =	swait.ge [sflag:s9], $0x80  }
0x4f: {  	[sflag:s9] =	ssyncset.done $0x0  }
0x50: {  	[sflag:s9] =	ssyncadd.s32 $0xFFFFFF80  }
0x51: {  	[bflag:$0x0] =	sbarrier.arrive $0xFFFF  }
0x52: {  	[tilespmem:s8], [sflag:$0x1] =	stream.linear.gather [spmem:s4], $0x280, $0x38;
	[tilespmem:$0x1980] =	vst v63  }
0x53: {  	s13 =	sadd.s32 $0x1, s13;
	_ =	swait.ge [sflag:s9], $0x280  }
0x54: {  	p0 =	sne.s32 s13, s7;
	[sflag:s9] =	ssyncset.done $0x0  }
.Ltmp1:
0x55: {  	[sflag:s9] =	ssyncadd.s32 $0xFFFFFD80;
	(pc) =	sbr.rel @p0 .LBB2_1-.Ltmp1, $4  }
0x56: {  	[hbm4b:s6+s10] =	stream.strided.scatter [tilespmem:s8], [sflag:$0x1], $0x280, s12, s10, $0x38;
	[tilespmem:$0x1980] =	vst v63  }
0x57: {  	_ =	swait.ge [sflag:s9], $0x280  }
0x58: {  	[sflag:s9] =	ssyncset.done $0x0  }
0x59: {  	[sflag:s9] =	ssyncadd.s32 $0xFFFFFD80  }
0x5a: {  	_ =	sfence.sel $0x180000  }
0x5b: {  	[bflag:$0x0] =	sbarrier.arrive $0xFFFF  }
0x5c: {  	p0 =	sne.s32 s0, $0x0;
	_ =	strace $0x90000047  }
0x5d: {  	s0 =	sadd.s32 @!p0 $0x100000, s1;
	[bflag:$0x2] =	sbarrier.arrive $0xFFFF  }
0x5e: {  	[sflag:s0] =	ssyncadd.tile.s32 @!p0 $0x1;
	_ =	shalt  }
.Lfunc_end2:
_tile_overlayer_lowered:
.L_overlay_start_2:
0x5f: {  	(tag) =	ssettag $0x2  }
0x60: {  	s0 =	rddreg [dreg:$0x0];
	s2 =	stileid.u32  }
0x61: {  	s1 =	rddreg [dreg:$0x1];
	p0 =	sne.s32 s2, $0x0  }
0x62: {  	s3 =	rddreg [dreg:$0x2];
	[bflag:$0x3] =	sbarrier.arrive $0xFFFF;
	s2 =	simm.s32 @!p0 $0x1C01  }
0x63: {  	[timem:s3], [sflag:s2] =	dma.local @!p0 [hbm:s0], s1  }
0x64: {  	s0 =	simm.s32 @!p0 $0x1  }
0x65: {  	_ =	swait.ge @!p0 [sflag:s0], s1  }
0x66: {  	s1 =	ssub.s32 @!p0 $0x0, s1;
	[sflag:s0] =	ssyncset.done @!p0 $0x0  }
0x67: {  	[sflag:s0] =	ssyncadd.s32 @!p0 s1  }
0x68: {  	[bflag:$0x3] =	sbarrier.arrive $0xFFFF  }
0x69: {  	_ =	shalt  }

</sc_bundles>
